<compile_context>
chip_gen: v7x
topology: tpu7x:2x2x1
jax: 0.10.2.dev20260603
libtpu: 0.0.44.dev20260713+nightly
codegen_flags: <defaults>
</compile_context>

<pallas_src>
import jax
import jax.numpy as jnp
from jax import lax
from jax.experimental import pallas as pl
from jax.experimental.pallas import tpu as pltpu
from jax.experimental.pallas import tpu_sc as plsc

N_NODES = 10000
FEAT = 128
N_CLS = 47
CP = 48
N_PAD = 10240
N_EDGES = 320000
NUM_SC = 2
NSUB = 16
KCH = 128
GRP = 8
NGRP = 10
NBUF = 2
E_PAD = NUM_SC * NSUB * NGRP * GRP * KCH
ROWS_PER_TILE = N_PAD // NSUB
BM = 1024


def _sc_aggregate(table, srcr, dstr, width=FEAT):

    def body(table_h, src_h, dst_h, out_h, *rest):
        src_v0, src_v1, dst_v0, dst_v1 = rest[0:4]
        bufs = rest[4:4 + NBUF]
        acc_sh = rest[4 + NBUF]
        gsems = rest[5 + NBUF:5 + 2 * NBUF]
        ssems = rest[5 + 2 * NBUF:5 + 3 * NBUF]
        isem0, isem1 = rest[5 + 3 * NBUF:7 + 3 * NBUF]
        gbuf0 = bufs[0]
        cid = lax.axis_index("c")
        sid = lax.axis_index("s")
        wid = cid * NSUB + sid

        zv = jnp.zeros((16,), jnp.float32)

        @pl.loop(0, KCH)
        def _(r):
            for c2 in range(width // 16):
                gbuf0[r, pl.ds(c2 * 16, 16)] = zv

        base = sid * ROWS_PER_TILE
        for j in range(ROWS_PER_TILE // KCH):
            pltpu.sync_copy(gbuf0, acc_sh.at[pl.ds(base + j * KCH, KCH)])
        plsc.subcore_barrier()

        isems = (isem0, isem1)

        srcs = (src_v0, src_v1)
        dsts = (dst_v0, dst_v1)
        pltpu.async_copy(src_h.at[wid, 0], src_v0, isem0)
        pltpu.async_copy(dst_h.at[wid, 0], dst_v0, isem0)
        pltpu.async_copy(src_h.at[wid, 1], src_v1, isem1)
        pltpu.async_copy(dst_h.at[wid, 1], dst_v1, isem1)

        @pl.loop(0, NGRP, step=2)
        def _(g):
            for gb in range(2):
                sv = srcs[gb]
                dv = dsts[gb]
                pltpu.make_async_copy(src_h.at[wid, 0], sv, isems[gb]).wait()
                pltpu.make_async_copy(dst_h.at[wid, 0], dv, isems[gb]).wait()
                dg = [None] * NBUF
                ds = [None] * NBUF
                for c in range(NBUF - 1):
                    dg[c] = pltpu.async_copy(table_h.at[sv.at[c]], bufs[c],
                                             gsems[c])
                for j in range(GRP):
                    p = j % NBUF
                    dg[p].wait()
                    ds[p] = pltpu.async_copy(bufs[p], acc_sh.at[dv.at[j]],
                                             ssems[p], add=True)
                    nj = j + NBUF - 1
                    if nj < GRP:
                        q = nj % NBUF
                        if ds[q] is not None:
                            ds[q].wait()
                        dg[q] = pltpu.async_copy(table_h.at[sv.at[nj]],
                                                 bufs[q], gsems[q])
                for j in range(GRP - NBUF, GRP):
                    ds[j % NBUF].wait()
                gn = g + gb + 2

                @pl.when(gn < NGRP)
                def _():
                    pltpu.async_copy(src_h.at[wid, gn], sv, isems[gb])
                    pltpu.async_copy(dst_h.at[wid, gn], dv, isems[gb])

        plsc.subcore_barrier()

        for j in range(ROWS_PER_TILE // KCH):
            r0 = base + j * KCH
            pltpu.sync_copy(acc_sh.at[pl.ds(r0, KCH)], out_h.at[cid, pl.ds(r0, KCH)])

    mesh = plsc.VectorSubcoreMesh(core_axis_name="c", subcore_axis_name="s")
    params = None
    if width % 128 != 0:
        params = pltpu.CompilerParams(use_tc_tiling_on_sc=False)
    k = pl.kernel(
        body,
        out_type=jax.ShapeDtypeStruct((NUM_SC, N_PAD, width), jnp.float32),
        mesh=mesh,
        scratch_types=[
            pltpu.VMEM((GRP, KCH), jnp.int32),
            pltpu.VMEM((GRP, KCH), jnp.int32),
            pltpu.VMEM((GRP, KCH), jnp.int32),
            pltpu.VMEM((GRP, KCH), jnp.int32),
        ] + [pltpu.VMEM((KCH, width), jnp.float32)] * NBUF + [
            pltpu.VMEM_SHARED((N_PAD, width), jnp.float32),
        ] + [pltpu.SemaphoreType.DMA] * (2 * NBUF + 2),
        compiler_params=params)
    return k(table, srcr, dstr)


def _sc_degree(dstr):

    def body(dst_h, deg_h, dst_v0, dst_v1, ones_v, deg_sh, ssem, isem0, isem1):
        cid = lax.axis_index("c")
        sid = lax.axis_index("s")
        wid = cid * NSUB + sid
        zv = jnp.zeros((16,), jnp.float32)

        @pl.loop(0, KCH)
        def _(r):
            ones_v[r, :] = zv

        base = sid * ROWS_PER_TILE
        for j in range(ROWS_PER_TILE // KCH):
            pltpu.sync_copy(ones_v, deg_sh.at[pl.ds(base + j * KCH, KCH)])
        ov = jnp.ones((16,), jnp.float32)

        @pl.loop(0, KCH)
        def _(r):
            ones_v[r, :] = ov

        plsc.subcore_barrier()
        isems = (isem0, isem1)
        dsts = (dst_v0, dst_v1)
        pltpu.async_copy(dst_h.at[wid, 0], dst_v0, isem0)
        pltpu.async_copy(dst_h.at[wid, 1], dst_v1, isem1)

        @pl.loop(0, NGRP, step=2)
        def _(g):
            for gb in range(2):
                dv = dsts[gb]
                pltpu.make_async_copy(dst_h.at[wid, 0], dv, isems[gb]).wait()
                descs = [
                    pltpu.async_copy(ones_v, deg_sh.at[dv.at[j]], ssem, add=True)
                    for j in range(GRP)
                ]
                for d in descs:
                    d.wait()
                gn = g + gb + 2

                @pl.when(gn < NGRP)
                def _():
                    pltpu.async_copy(dst_h.at[wid, gn], dv, isems[gb])

        plsc.subcore_barrier()
        for j in range(ROWS_PER_TILE // KCH):
            r0 = base + j * KCH
            pltpu.sync_copy(deg_sh.at[pl.ds(r0, KCH)], deg_h.at[cid, pl.ds(r0, KCH)])

    mesh = plsc.VectorSubcoreMesh(core_axis_name="c", subcore_axis_name="s")
    k = pl.kernel(
        body,
        out_type=jax.ShapeDtypeStruct((NUM_SC, N_PAD, 16), jnp.float32),
        mesh=mesh,
        scratch_types=[
            pltpu.VMEM((GRP, KCH), jnp.int32),
            pltpu.VMEM((GRP, KCH), jnp.int32),
            pltpu.VMEM((KCH, 16), jnp.float32),
            pltpu.VMEM_SHARED((N_PAD, 16), jnp.float32),
            pltpu.SemaphoreType.DMA,
            pltpu.SemaphoreType.DMA,
            pltpu.SemaphoreType.DMA,
        ],
        compiler_params=pltpu.CompilerParams(use_tc_tiling_on_sc=False))
    return k(dstr)


def _dense(x, Ws, Wn, b):

    def body(x_ref, ws_ref, wn_ref, b_ref, hs_ref, hn_ref):
        xb = x_ref[...]
        hs_ref[...] = jnp.dot(xb, ws_ref[...], preferred_element_type=jnp.float32) + b_ref[...]
        hn_ref[...] = jnp.dot(xb, wn_ref[...], preferred_element_type=jnp.float32)

    return pl.pallas_call(
        body,
        grid=(N_PAD // BM,),
        in_specs=[
            pl.BlockSpec((BM, FEAT), lambda i: (i, 0)),
            pl.BlockSpec((FEAT, FEAT), lambda i: (0, 0)),
            pl.BlockSpec((FEAT, FEAT), lambda i: (0, 0)),
            pl.BlockSpec((1, FEAT), lambda i: (0, 0)),
        ],
        out_specs=[pl.BlockSpec((BM, FEAT), lambda i: (i, 0))] * 2,
        out_shape=[jax.ShapeDtypeStruct((N_PAD, FEAT), jnp.float32)] * 2,
    )(x, Ws, Wn, b.reshape(1, FEAT))


def _combine_dense(hs_prev, aggp, degp, Ws, Wn, b):

    def body(hs_ref, ag_ref, dg_ref, ws_ref, wn_ref, b_ref, hs2_ref, hn2_ref):
        agg = ag_ref[0] + ag_ref[1]
        deg = dg_ref[0, :, 0:1] + dg_ref[1, :, 0:1]
        invd = 1.0 / jnp.maximum(deg, 1.0)
        h = jnp.maximum(hs_ref[...] + agg * invd, 0.0)
        hs2_ref[...] = jnp.dot(h, ws_ref[...], preferred_element_type=jnp.float32) + b_ref[...]
        hn2_ref[...] = jnp.dot(h, wn_ref[...], preferred_element_type=jnp.float32)

    ws_w = Ws.shape[1]
    wn_w = Wn.shape[1]
    return pl.pallas_call(
        body,
        grid=(N_PAD // BM,),
        in_specs=[
            pl.BlockSpec((BM, FEAT), lambda i: (i, 0)),
            pl.BlockSpec((NUM_SC, BM, FEAT), lambda i: (0, i, 0)),
            pl.BlockSpec((NUM_SC, BM, 16), lambda i: (0, i, 0)),
            pl.BlockSpec((FEAT, ws_w), lambda i: (0, 0)),
            pl.BlockSpec((FEAT, wn_w), lambda i: (0, 0)),
            pl.BlockSpec((1, ws_w), lambda i: (0, 0)),
        ],
        out_specs=[
            pl.BlockSpec((BM, ws_w), lambda i: (i, 0)),
            pl.BlockSpec((BM, wn_w), lambda i: (i, 0)),
        ],
        out_shape=[
            jax.ShapeDtypeStruct((N_PAD, ws_w), jnp.float32),
            jax.ShapeDtypeStruct((N_PAD, wn_w), jnp.float32),
        ],
    )(hs_prev, aggp, degp, Ws, Wn, b.reshape(1, ws_w))


def _final_combine(hs3, aggp, degp):

    def body(hs_ref, ag_ref, dg_ref, o_ref):
        agg = ag_ref[0] + ag_ref[1]
        deg = dg_ref[0, :, 0:1] + dg_ref[1, :, 0:1]
        invd = 1.0 / jnp.maximum(deg, 1.0)
        o_ref[...] = hs_ref[...] + agg * invd

    return pl.pallas_call(
        body,
        grid=(N_PAD // BM,),
        in_specs=[
            pl.BlockSpec((BM, CP), lambda i: (i, 0)),
            pl.BlockSpec((NUM_SC, BM, CP), lambda i: (0, i, 0)),
            pl.BlockSpec((NUM_SC, BM, 16), lambda i: (0, i, 0)),
        ],
        out_specs=pl.BlockSpec((BM, CP), lambda i: (i, 0)),
        out_shape=jax.ShapeDtypeStruct((N_PAD, CP), jnp.float32),
    )(hs3, aggp, degp)


def kernel(x, edge_index, Ws1, Wn1, b1, Ws2, Wn2, b2, Ws3, Wn3, b3):
    src = edge_index[0].astype(jnp.int32)
    dst = edge_index[1].astype(jnp.int32)
    pad = E_PAD - N_EDGES
    pad_ids = jnp.arange(pad, dtype=jnp.int32)
    srcr = jnp.concatenate([src, pad_ids % N_NODES]).reshape(
        NUM_SC * NSUB, NGRP, GRP, KCH)
    dstr = jnp.concatenate([dst, N_NODES + pad_ids % (N_PAD - N_NODES)]).reshape(
        NUM_SC * NSUB, NGRP, GRP, KCH)
    xp = jnp.pad(x, ((0, N_PAD - N_NODES), (0, 0)))
    Ws3p = jnp.pad(Ws3, ((0, 0), (0, CP - N_CLS)))
    Wn3p = jnp.pad(Wn3, ((0, 0), (0, CP - N_CLS)))
    b3p = jnp.pad(b3, (0, CP - N_CLS))

    degp = _sc_degree(dstr)
    hs1, hn1 = _dense(xp, Ws1, Wn1, b1)
    agg1 = _sc_aggregate(hn1, srcr, dstr)
    hs2, hn2 = _combine_dense(hs1, agg1, degp, Ws2, Wn2, b2)
    agg2 = _sc_aggregate(hn2, srcr, dstr)
    hs3, hn3 = _combine_dense(hs2, agg2, degp, Ws3p, Wn3p, b3p)
    agg3 = _sc_aggregate(hn3, srcr, dstr, width=CP)
    out = _final_combine(hs3, agg3, degp)
    return out[:N_NODES, :N_CLS]

# --- scband reference (transcript-rebuilt; emitter-appended) ---
"""Pipeline reference for scband-sage-23175643530075 (READ-ONLY COPY).

The authoritative reference and input builder live on the scoring server;
editing this copy changes nothing except your own understanding.
"""

import jax, jax.numpy as jnp
import numpy as np

N = 10000
E = 320000
D = 128
H = 128
C = 47


def setup_inputs(seed: int = 0) -> dict:
    key = jax.random.key(seed)
    ks = jax.random.split(key, 12)
    x = jax.random.normal(ks[0], (N, D), dtype=jnp.float32)
    edge_index = jax.random.randint(ks[1], (2, E), 0, N).astype(jnp.int64)
    # layer 1: in_feats -> n_hidden
    Ws1 = jax.random.normal(ks[2], (D, H), dtype=jnp.float32) / np.sqrt(D)
    Wn1 = jax.random.normal(ks[3], (D, H), dtype=jnp.float32) / np.sqrt(D)
    b1 = jnp.zeros((H,), dtype=jnp.float32)
    # layer 2: n_hidden -> n_hidden
    Ws2 = jax.random.normal(ks[4], (H, H), dtype=jnp.float32) / np.sqrt(H)
    Wn2 = jax.random.normal(ks[5], (H, H), dtype=jnp.float32) / np.sqrt(H)
    b2 = jnp.zeros((H,), dtype=jnp.float32)
    # layer 3: n_hidden -> n_classes
    Ws3 = jax.random.normal(ks[6], (H, C), dtype=jnp.float32) / np.sqrt(H)
    Wn3 = jax.random.normal(ks[7], (H, C), dtype=jnp.float32) / np.sqrt(H)
    b3 = jnp.zeros((C,), dtype=jnp.float32)
    return {"x": x, "edge_index": edge_index,
            "Ws1": Ws1, "Wn1": Wn1, "b1": b1,
            "Ws2": Ws2, "Wn2": Wn2, "b2": b2,
            "Ws3": Ws3, "Wn3": Wn3, "b3": b3}


def _sage_conv_mean(h, src, dst, Ws, Wn, b):
    # DGL SAGEConv with 'mean' aggregator:
    # rst = fc_self(h_dst) + fc_neigh(mean_{u in N(v)} h_u) + bias
    msg = jnp.take(h, src, axis=0)
    agg = jax.ops.segment_sum(msg, dst, num_segments=N)
    deg = jax.ops.segment_sum(jnp.ones((src.shape[0],), dtype=h.dtype), dst, num_segments=N)
    deg = jnp.maximum(deg, 1.0)
    h_neigh = agg / deg[:, None]
    return h @ Ws + h_neigh @ Wn + b


def reference(x, edge_index, Ws1, Wn1, b1, Ws2, Wn2, b2, Ws3, Wn3, b3):
    src = edge_index[0]
    dst = edge_index[1]
    h = x
    # layer 1
    h = _sage_conv_mean(h, src, dst, Ws1, Wn1, b1)
    h = jax.nn.relu(h)  # dropout is identity in eval mode
    # layer 2
    h = _sage_conv_mean(h, src, dst, Ws2, Wn2, b2)
    h = jax.nn.relu(h)
    # layer 3 (no activation)
    h = _sage_conv_mean(h, src, dst, Ws3, Wn3, b3)
    return h

if __name__ == "__main__":
    import jax
    _d = setup_inputs()
    print(jax.jit(kernel)(*tuple(_d.values())))

</pallas_src>

<mosaic_0001>
#map = affine_map<(d0, d1) -> (0, 0)>
#map1 = affine_map<(d0, d1) -> (0, 0, 0, 0)>
#map2 = affine_map<(d0, d1) -> (0, 0, 0)>
module attributes {stable_mosaic.version = 14 : i64} {
  func.func @body(%arg0: i32, %arg1: i32, %arg2: memref<10240x128xf32, #tpu.memory_space<hbm>>, %arg3: memref<32x10x8x128xi32, #tpu.memory_space<hbm>>, %arg4: memref<32x10x8x128xi32, #tpu.memory_space<hbm>>, %arg5: memref<2x10240x128xf32, #tpu.memory_space<hbm>>, %arg6: memref<8x128xi32, #tpu.memory_space<vmem>>, %arg7: memref<8x128xi32, #tpu.memory_space<vmem>>, %arg8: memref<8x128xi32, #tpu.memory_space<vmem>>, %arg9: memref<8x128xi32, #tpu.memory_space<vmem>>, %arg10: memref<128x128xf32, #tpu.memory_space<vmem>>, %arg11: memref<128x128xf32, #tpu.memory_space<vmem>>, %arg12: memref<10240x128xf32, #tpu.memory_space<vmem_shared>>, %arg13: memref<!tpu.dma_semaphore, #tpu.memory_space<semaphore_mem>>, %arg14: memref<!tpu.dma_semaphore, #tpu.memory_space<semaphore_mem>>, %arg15: memref<!tpu.dma_semaphore, #tpu.memory_space<semaphore_mem>>, %arg16: memref<!tpu.dma_semaphore, #tpu.memory_space<semaphore_mem>>, %arg17: memref<!tpu.dma_semaphore, #tpu.memory_space<semaphore_mem>>, %arg18: memref<!tpu.dma_semaphore, #tpu.memory_space<semaphore_mem>>) attributes {dimension_semantics = [#tpu.dimension_semantics<core_parallel>, #tpu.dimension_semantics<subcore_parallel>], iteration_bounds = array<i64: 2, 16>, scalar_prefetch = 0 : i64, scratch_operands = 13 : i64, tpu.core_type = #tpu.core_type<sc_vector_subcore>, window_params = [{transform_indices = #map}, {transform_indices = #map1}, {transform_indices = #map1}, {transform_indices = #map2}]} {
    %mul3A = arith.constant 16 : i32
    %mul3A_0 = arith.muli %arg0, %mul3A : i32
    %add3A = arith.addi %mul3A_0, %arg1 : i32
    %broadcast_in_dim3A = arith.constant 0.000000e+00 : f32
    %broadcast_in_dim3A_1 = vector.broadcast %broadcast_in_dim3A : f32 to vector<16xf32>
    %scan3A = arith.constant 0 : i32
    %scan3A_2 = arith.constant 128 : i32
    %scan3A_3 = arith.addi %scan3A, %scan3A_2 : i32
    %scan3A_4 = arith.constant 1 : i32
    scf.for %scan3A_69 = %scan3A to %scan3A_3 step %scan3A_4  : i32 {
      %mul3A_70 = arith.constant 1 : i32
      %mul3A_71 = arith.muli %scan3A_69, %mul3A_70 : i32
      %add3A_72 = arith.constant 0 : i32
      %add3A_73 = arith.addi %add3A_72, %mul3A_71 : i32
      %swap3A = arith.index_cast %add3A_73 : i32 to index
      %swap3A_74 = arith.constant 0 : index
      %swap3A_75 = tpu.vector_load %arg10[%swap3A, %swap3A_74] {strides = array<i32>} : memref<128x128xf32, #tpu.memory_space<vmem>>, vector<1x16xf32>,
      %swap3A_76 = vector.shape_cast %swap3A_75 : vector<1x16xf32> to vector<16xf32>
      %swap3A_77 = vector.shape_cast %broadcast_in_dim3A_1 : vector<16xf32> to vector<1x16xf32>
      tpu.vector_store %arg10[%swap3A, %swap3A_74], %swap3A_77 {strides = array<i32>} : memref<128x128xf32, #tpu.memory_space<vmem>>, vector<1x16xf32>,
      %swap3A_78 = arith.index_cast %add3A_73 : i32 to index
      %swap3A_79 = arith.constant 16 : index
      %swap3A_80 = tpu.vector_load %arg10[%swap3A_78, %swap3A_79] {strides = array<i32>} : memref<128x128xf32, #tpu.memory_space<vmem>>, vector<1x16xf32>,
      %swap3A_81 = vector.shape_cast %swap3A_80 : vector<1x16xf32> to vector<16xf32>
      %swap3A_82 = vector.shape_cast %broadcast_in_dim3A_1 : vector<16xf32> to vector<1x16xf32>
      tpu.vector_store %arg10[%swap3A_78, %swap3A_79], %swap3A_82 {strides = array<i32>} : memref<128x128xf32, #tpu.memory_space<vmem>>, vector<1x16xf32>,
      %swap3A_83 = arith.index_cast %add3A_73 : i32 to index
      %swap3A_84 = arith.constant 32 : index
      %swap3A_85 = tpu.vector_load %arg10[%swap3A_83, %swap3A_84] {strides = array<i32>} : memref<128x128xf32, #tpu.memory_space<vmem>>, vector<1x16xf32>,
      %swap3A_86 = vector.shape_cast %swap3A_85 : vector<1x16xf32> to vector<16xf32>
      %swap3A_87 = vector.shape_cast %broadcast_in_dim3A_1 : vector<16xf32> to vector<1x16xf32>
      tpu.vector_store %arg10[%swap3A_83, %swap3A_84], %swap3A_87 {strides = array<i32>} : memref<128x128xf32, #tpu.memory_space<vmem>>, vector<1x16xf32>,
      %swap3A_88 = arith.index_cast %add3A_73 : i32 to index
      %swap3A_89 = arith.constant 48 : index
      %swap3A_90 = tpu.vector_load %arg10[%swap3A_88, %swap3A_89] {strides = array<i32>} : memref<128x128xf32, #tpu.memory_space<vmem>>, vector<1x16xf32>,
      %swap3A_91 = vector.shape_cast %swap3A_90 : vector<1x16xf32> to vector<16xf32>
      %swap3A_92 = vector.shape_cast %broadcast_in_dim3A_1 : vector<16xf32> to vector<1x16xf32>
      tpu.vector_store %arg10[%swap3A_88, %swap3A_89], %swap3A_92 {strides = array<i32>} : memref<128x128xf32, #tpu.memory_space<vmem>>, vector<1x16xf32>,
      %swap3A_93 = arith.index_cast %add3A_73 : i32 to index
      %swap3A_94 = arith.constant 64 : index
      %swap3A_95 = tpu.vector_load %arg10[%swap3A_93, %swap3A_94] {strides = array<i32>} : memref<128x128xf32, #tpu.memory_space<vmem>>, vector<1x16xf32>,
      %swap3A_96 = vector.shape_cast %swap3A_95 : vector<1x16xf32> to vector<16xf32>
      %swap3A_97 = vector.shape_cast %broadcast_in_dim3A_1 : vector<16xf32> to vector<1x16xf32>
      tpu.vector_store %arg10[%swap3A_93, %swap3A_94], %swap3A_97 {strides = array<i32>} : memref<128x128xf32, #tpu.memory_space<vmem>>, vector<1x16xf32>,
      %swap3A_98 = arith.index_cast %add3A_73 : i32 to index
      %swap3A_99 = arith.constant 80 : index
      %swap3A_100 = tpu.vector_load %arg10[%swap3A_98, %swap3A_99] {strides = array<i32>} : memref<128x128xf32, #tpu.memory_space<vmem>>, vector<1x16xf32>,
      %swap3A_101 = vector.shape_cast %swap3A_100 : vector<1x16xf32> to vector<16xf32>
      %swap3A_102 = vector.shape_cast %broadcast_in_dim3A_1 : vector<16xf32> to vector<1x16xf32>
      tpu.vector_store %arg10[%swap3A_98, %swap3A_99], %swap3A_102 {strides = array<i32>} : memref<128x128xf32, #tpu.memory_space<vmem>>, vector<1x16xf32>,
      %swap3A_103 = arith.index_cast %add3A_73 : i32 to index
      %swap3A_104 = arith.constant 96 : index
      %swap3A_105 = tpu.vector_load %arg10[%swap3A_103, %swap3A_104] {strides = array<i32>} : memref<128x128xf32, #tpu.memory_space<vmem>>, vector<1x16xf32>,
      %swap3A_106 = vector.shape_cast %swap3A_105 : vector<1x16xf32> to vector<16xf32>
      %swap3A_107 = vector.shape_cast %broadcast_in_dim3A_1 : vector<16xf32> to vector<1x16xf32>
      tpu.vector_store %arg10[%swap3A_103, %swap3A_104], %swap3A_107 {strides = array<i32>} : memref<128x128xf32, #tpu.memory_space<vmem>>, vector<1x16xf32>,
      %swap3A_108 = arith.index_cast %add3A_73 : i32 to index
      %swap3A_109 = arith.constant 112 : index
      %swap3A_110 = tpu.vector_load %arg10[%swap3A_108, %swap3A_109] {strides = array<i32>} : memref<128x128xf32, #tpu.memory_space<vmem>>, vector<1x16xf32>,
      %swap3A_111 = vector.shape_cast %swap3A_110 : vector<1x16xf32> to vector<16xf32>
      %swap3A_112 = vector.shape_cast %broadcast_in_dim3A_1 : vector<16xf32> to vector<1x16xf32>
      tpu.vector_store %arg10[%swap3A_108, %swap3A_109], %swap3A_112 {strides = array<i32>} : memref<128x128xf32, #tpu.memory_space<vmem>>, vector<1x16xf32>,
    }
    %scan3A_5 = arith.constant 128 : i32
    %mul3A_6 = arith.constant 640 : i32
    %mul3A_7 = arith.muli %arg1, %mul3A_6 : i32
    %add3A_8 = arith.constant 0 : i32
    %add3A_9 = arith.addi %mul3A_7, %add3A_8 : i32
    "tpu.region"() ({
      %run_scoped3A = tpu.sem_alloc : memref<!tpu.dma_semaphore, #tpu.memory_space<semaphore_mem>>
      %dma_start3A_69 = arith.constant 0 : i32
      %dma_start3A_70 = tpu.memref_slice %arg12[%add3A_9, %dma_start3A_69] : memref<10240x128xf32, #tpu.memory_space<vmem_shared>> -> memref<128x128xf32, #tpu.memory_space<vmem_shared>>
      %dma_start3A_71 = arith.constant 0 : i32
      %dma_start3A_72 = tpu.memref_slice %arg12[%add3A_9, %dma_start3A_71] : memref<10240x128xf32, #tpu.memory_space<vmem_shared>> -> memref<128x128xf32, #tpu.memory_space<vmem_shared>>
      tpu.enqueue_dma source(%arg10 : memref<128x128xf32, #tpu.memory_space<vmem>>) target(%dma_start3A_72 : memref<128x128xf32, #tpu.memory_space<vmem_shared>>) target_semaphore(%run_scoped3A : memref<!tpu.dma_semaphore, #tpu.memory_space<semaphore_mem>>)
      %dma_wait3A = arith.constant 0 : i32
      %dma_wait3A_73 = tpu.memref_slice %arg12[%add3A_9, %dma_wait3A] : memref<10240x128xf32, #tpu.memory_space<vmem_shared>> -> memref<128x128xf32, #tpu.memory_space<vmem_shared>>
      %dma_wait3A_74 = arith.constant 0 : i32
      %dma_wait3A_75 = tpu.memref_slice %arg12[%add3A_9, %dma_wait3A_74] : memref<10240x128xf32, #tpu.memory_space<vmem_shared>> -> memref<128x128xf32, #tpu.memory_space<vmem_shared>>
      tpu.wait_dma2 semaphore(%run_scoped3A : memref<!tpu.dma_semaphore, #tpu.memory_space<semaphore_mem>>) src(%arg10 : memref<128x128xf32, #tpu.memory_space<vmem>>) dst(%dma_wait3A_75 : memref<128x128xf32, #tpu.memory_space<vmem_shared>>)
      tpu.yield
    }) : () -> ()
    %add3A_10 = arith.constant 128 : i32
    %add3A_11 = arith.addi %mul3A_7, %add3A_10 : i32
    "tpu.region"() ({
      %run_scoped3A = tpu.sem_alloc : memref<!tpu.dma_semaphore, #tpu.memory_space<semaphore_mem>>
      %dma_start3A_69 = arith.constant 0 : i32
      %dma_start3A_70 = tpu.memref_slice %arg12[%add3A_11, %dma_start3A_69] : memref<10240x128xf32, #tpu.memory_space<vmem_shared>> -> memref<128x128xf32, #tpu.memory_space<vmem_shared>>
      %dma_start3A_71 = arith.constant 0 : i32
      %dma_start3A_72 = tpu.memref_slice %arg12[%add3A_11, %dma_start3A_71] : memref<10240x128xf32, #tpu.memory_space<vmem_shared>> -> memref<128x128xf32, #tpu.memory_space<vmem_shared>>
      tpu.enqueue_dma source(%arg10 : memref<128x128xf32, #tpu.memory_space<vmem>>) target(%dma_start3A_72 : memref<128x128xf32, #tpu.memory_space<vmem_shared>>) target_semaphore(%run_scoped3A : memref<!tpu.dma_semaphore, #tpu.memory_space<semaphore_mem>>)
      %dma_wait3A = arith.constant 0 : i32
      %dma_wait3A_73 = tpu.memref_slice %arg12[%add3A_11, %dma_wait3A] : memref<10240x128xf32, #tpu.memory_space<vmem_shared>> -> memref<128x128xf32, #tpu.memory_space<vmem_shared>>
      %dma_wait3A_74 = arith.constant 0 : i32
      %dma_wait3A_75 = tpu.memref_slice %arg12[%add3A_11, %dma_wait3A_74] : memref<10240x128xf32, #tpu.memory_space<vmem_shared>> -> memref<128x128xf32, #tpu.memory_space<vmem_shared>>
      tpu.wait_dma2 semaphore(%run_scoped3A : memref<!tpu.dma_semaphore, #tpu.memory_space<semaphore_mem>>) src(%arg10 : memref<128x128xf32, #tpu.memory_space<vmem>>) dst(%dma_wait3A_75 : memref<128x128xf32, #tpu.memory_space<vmem_shared>>)
      tpu.yield
    }) : () -> ()
    %add3A_12 = arith.constant 256 : i32
    %add3A_13 = arith.addi %mul3A_7, %add3A_12 : i32
    "tpu.region"() ({
      %run_scoped3A = tpu.sem_alloc : memref<!tpu.dma_semaphore, #tpu.memory_space<semaphore_mem>>
      %dma_start3A_69 = arith.constant 0 : i32
      %dma_start3A_70 = tpu.memref_slice %arg12[%add3A_13, %dma_start3A_69] : memref<10240x128xf32, #tpu.memory_space<vmem_shared>> -> memref<128x128xf32, #tpu.memory_space<vmem_shared>>
      %dma_start3A_71 = arith.constant 0 : i32
      %dma_start3A_72 = tpu.memref_slice %arg12[%add3A_13, %dma_start3A_71] : memref<10240x128xf32, #tpu.memory_space<vmem_shared>> -> memref<128x128xf32, #tpu.memory_space<vmem_shared>>
      tpu.enqueue_dma source(%arg10 : memref<128x128xf32, #tpu.memory_space<vmem>>) target(%dma_start3A_72 : memref<128x128xf32, #tpu.memory_space<vmem_shared>>) target_semaphore(%run_scoped3A : memref<!tpu.dma_semaphore, #tpu.memory_space<semaphore_mem>>)
      %dma_wait3A = arith.constant 0 : i32
      %dma_wait3A_73 = tpu.memref_slice %arg12[%add3A_13, %dma_wait3A] : memref<10240x128xf32, #tpu.memory_space<vmem_shared>> -> memref<128x128xf32, #tpu.memory_space<vmem_shared>>
      %dma_wait3A_74 = arith.constant 0 : i32
      %dma_wait3A_75 = tpu.memref_slice %arg12[%add3A_13, %dma_wait3A_74] : memref<10240x128xf32, #tpu.memory_space<vmem_shared>> -> memref<128x128xf32, #tpu.memory_space<vmem_shared>>
      tpu.wait_dma2 semaphore(%run_scoped3A : memref<!tpu.dma_semaphore, #tpu.memory_space<semaphore_mem>>) src(%arg10 : memref<128x128xf32, #tpu.memory_space<vmem>>) dst(%dma_wait3A_75 : memref<128x128xf32, #tpu.memory_space<vmem_shared>>)
      tpu.yield
    }) : () -> ()
    %add3A_14 = arith.constant 384 : i32
    %add3A_15 = arith.addi %mul3A_7, %add3A_14 : i32
    "tpu.region"() ({
      %run_scoped3A = tpu.sem_alloc : memref<!tpu.dma_semaphore, #tpu.memory_space<semaphore_mem>>
      %dma_start3A_69 = arith.constant 0 : i32
      %dma_start3A_70 = tpu.memref_slice %arg12[%add3A_15, %dma_start3A_69] : memref<10240x128xf32, #tpu.memory_space<vmem_shared>> -> memref<128x128xf32, #tpu.memory_space<vmem_shared>>
      %dma_start3A_71 = arith.constant 0 : i32
      %dma_start3A_72 = tpu.memref_slice %arg12[%add3A_15, %dma_start3A_71] : memref<10240x128xf32, #tpu.memory_space<vmem_shared>> -> memref<128x128xf32, #tpu.memory_space<vmem_shared>>
      tpu.enqueue_dma source(%arg10 : memref<128x128xf32, #tpu.memory_space<vmem>>) target(%dma_start3A_72 : memref<128x128xf32, #tpu.memory_space<vmem_shared>>) target_semaphore(%run_scoped3A : memref<!tpu.dma_semaphore, #tpu.memory_space<semaphore_mem>>)
      %dma_wait3A = arith.constant 0 : i32
      %dma_wait3A_73 = tpu.memref_slice %arg12[%add3A_15, %dma_wait3A] : memref<10240x128xf32, #tpu.memory_space<vmem_shared>> -> memref<128x128xf32, #tpu.memory_space<vmem_shared>>
      %dma_wait3A_74 = arith.constant 0 : i32
      %dma_wait3A_75 = tpu.memref_slice %arg12[%add3A_15, %dma_wait3A_74] : memref<10240x128xf32, #tpu.memory_space<vmem_shared>> -> memref<128x128xf32, #tpu.memory_space<vmem_shared>>
      tpu.wait_dma2 semaphore(%run_scoped3A : memref<!tpu.dma_semaphore, #tpu.memory_space<semaphore_mem>>) src(%arg10 : memref<128x128xf32, #tpu.memory_space<vmem>>) dst(%dma_wait3A_75 : memref<128x128xf32, #tpu.memory_space<vmem_shared>>)
      tpu.yield
    }) : () -> ()
    %add3A_16 = arith.constant 512 : i32
    %add3A_17 = arith.addi %mul3A_7, %add3A_16 : i32
    "tpu.region"() ({
      %run_scoped3A = tpu.sem_alloc : memref<!tpu.dma_semaphore, #tpu.memory_space<semaphore_mem>>
      %dma_start3A_69 = arith.constant 0 : i32
      %dma_start3A_70 = tpu.memref_slice %arg12[%add3A_17, %dma_start3A_69] : memref<10240x128xf32, #tpu.memory_space<vmem_shared>> -> memref<128x128xf32, #tpu.memory_space<vmem_shared>>
      %dma_start3A_71 = arith.constant 0 : i32
      %dma_start3A_72 = tpu.memref_slice %arg12[%add3A_17, %dma_start3A_71] : memref<10240x128xf32, #tpu.memory_space<vmem_shared>> -> memref<128x128xf32, #tpu.memory_space<vmem_shared>>
      tpu.enqueue_dma source(%arg10 : memref<128x128xf32, #tpu.memory_space<vmem>>) target(%dma_start3A_72 : memref<128x128xf32, #tpu.memory_space<vmem_shared>>) target_semaphore(%run_scoped3A : memref<!tpu.dma_semaphore, #tpu.memory_space<semaphore_mem>>)
      %dma_wait3A = arith.constant 0 : i32
      %dma_wait3A_73 = tpu.memref_slice %arg12[%add3A_17, %dma_wait3A] : memref<10240x128xf32, #tpu.memory_space<vmem_shared>> -> memref<128x128xf32, #tpu.memory_space<vmem_shared>>
      %dma_wait3A_74 = arith.constant 0 : i32
      %dma_wait3A_75 = tpu.memref_slice %arg12[%add3A_17, %dma_wait3A_74] : memref<10240x128xf32, #tpu.memory_space<vmem_shared>> -> memref<128x128xf32, #tpu.memory_space<vmem_shared>>
      tpu.wait_dma2 semaphore(%run_scoped3A : memref<!tpu.dma_semaphore, #tpu.memory_space<semaphore_mem>>) src(%arg10 : memref<128x128xf32, #tpu.memory_space<vmem>>) dst(%dma_wait3A_75 : memref<128x128xf32, #tpu.memory_space<vmem_shared>>)
      tpu.yield
    }) : () -> ()
    %barrier3A = arith.constant 0 : index
    tpu.barrier barrier_id(%barrier3A)
    %dma_start3A = arith.constant 0 : i32
    %dma_start3A_18 = arith.constant 0 : i32
    %dma_start3A_19 = arith.constant 0 : i32
    %dma_start3A_20 = tpu.memref_slice %arg3[%add3A, %dma_start3A, %dma_start3A_18, %dma_start3A_19] : memref<32x10x8x128xi32, #tpu.memory_space<hbm>> -> memref<1x1x8x128xi32, #tpu.memory_space<hbm>>
    %dma_start3A_21 = tpu.memref_squeeze %dma_start3A_20 : memref<1x1x8x128xi32, #tpu.memory_space<hbm>> -> memref<8x128xi32, #tpu.memory_space<hbm>>
    %dma_start3A_22 = arith.constant 0 : i32
    %dma_start3A_23 = arith.constant 0 : i32
    %dma_start3A_24 = tpu.memref_slice %arg3[%add3A, %dma_start3A, %dma_start3A_22, %dma_start3A_23] : memref<32x10x8x128xi32, #tpu.memory_space<hbm>> -> memref<1x1x8x128xi32, #tpu.memory_space<hbm>>
    %dma_start3A_25 = tpu.memref_squeeze %dma_start3A_24 : memref<1x1x8x128xi32, #tpu.memory_space<hbm>> -> memref<8x128xi32, #tpu.memory_space<hbm>>
    tpu.enqueue_dma source(%dma_start3A_25 : memref<8x128xi32, #tpu.memory_space<hbm>>) target(%arg6 : memref<8x128xi32, #tpu.memory_space<vmem>>) target_semaphore(%arg17 : memref<!tpu.dma_semaphore, #tpu.memory_space<semaphore_mem>>)
    %dma_start3A_26 = arith.constant 0 : i32
    %dma_start3A_27 = arith.constant 0 : i32
    %dma_start3A_28 = arith.constant 0 : i32
    %dma_start3A_29 = tpu.memref_slice %arg4[%add3A, %dma_start3A_26, %dma_start3A_27, %dma_start3A_28] : memref<32x10x8x128xi32, #tpu.memory_space<hbm>> -> memref<1x1x8x128xi32, #tpu.memory_space<hbm>>
    %dma_start3A_30 = tpu.memref_squeeze %dma_start3A_29 : memref<1x1x8x128xi32, #tpu.memory_space<hbm>> -> memref<8x128xi32, #tpu.memory_space<hbm>>
    %dma_start3A_31 = arith.constant 0 : i32
    %dma_start3A_32 = arith.constant 0 : i32
    %dma_start3A_33 = tpu.memref_slice %arg4[%add3A, %dma_start3A_26, %dma_start3A_31, %dma_start3A_32] : memref<32x10x8x128xi32, #tpu.memory_space<hbm>> -> memref<1x1x8x128xi32, #tpu.memory_space<hbm>>
    %dma_start3A_34 = tpu.memref_squeeze %dma_start3A_33 : memref<1x1x8x128xi32, #tpu.memory_space<hbm>> -> memref<8x128xi32, #tpu.memory_space<hbm>>
    tpu.enqueue_dma source(%dma_start3A_34 : memref<8x128xi32, #tpu.memory_space<hbm>>) target(%arg8 : memref<8x128xi32, #tpu.memory_space<vmem>>) target_semaphore(%arg17 : memref<!tpu.dma_semaphore, #tpu.memory_space<semaphore_mem>>)
    %dma_start3A_35 = arith.constant 1 : i32
    %dma_start3A_36 = arith.constant 0 : i32
    %dma_start3A_37 = arith.constant 0 : i32
    %dma_start3A_38 = tpu.memref_slice %arg3[%add3A, %dma_start3A_35, %dma_start3A_36, %dma_start3A_37] : memref<32x10x8x128xi32, #tpu.memory_space<hbm>> -> memref<1x1x8x128xi32, #tpu.memory_space<hbm>>
    %dma_start3A_39 = tpu.memref_squeeze %dma_start3A_38 : memref<1x1x8x128xi32, #tpu.memory_space<hbm>> -> memref<8x128xi32, #tpu.memory_space<hbm>>
    %dma_start3A_40 = arith.constant 0 : i32
    %dma_start3A_41 = arith.constant 0 : i32
    %dma_start3A_42 = tpu.memref_slice %arg3[%add3A, %dma_start3A_35, %dma_start3A_40, %dma_start3A_41] : memref<32x10x8x128xi32, #tpu.memory_space<hbm>> -> memref<1x1x8x128xi32, #tpu.memory_space<hbm>>
    %dma_start3A_43 = tpu.memref_squeeze %dma_start3A_42 : memref<1x1x8x128xi32, #tpu.memory_space<hbm>> -> memref<8x128xi32, #tpu.memory_space<hbm>>
    tpu.enqueue_dma source(%dma_start3A_43 : memref<8x128xi32, #tpu.memory_space<hbm>>) target(%arg7 : memref<8x128xi32, #tpu.memory_space<vmem>>) target_semaphore(%arg18 : memref<!tpu.dma_semaphore, #tpu.memory_space<semaphore_mem>>)
    %dma_start3A_44 = arith.constant 1 : i32
    %dma_start3A_45 = arith.constant 0 : i32
    %dma_start3A_46 = arith.constant 0 : i32
    %dma_start3A_47 = tpu.memref_slice %arg4[%add3A, %dma_start3A_44, %dma_start3A_45, %dma_start3A_46] : memref<32x10x8x128xi32, #tpu.memory_space<hbm>> -> memref<1x1x8x128xi32, #tpu.memory_space<hbm>>
    %dma_start3A_48 = tpu.memref_squeeze %dma_start3A_47 : memref<1x1x8x128xi32, #tpu.memory_space<hbm>> -> memref<8x128xi32, #tpu.memory_space<hbm>>
    %dma_start3A_49 = arith.constant 0 : i32
    %dma_start3A_50 = arith.constant 0 : i32
    %dma_start3A_51 = tpu.memref_slice %arg4[%add3A, %dma_start3A_44, %dma_start3A_49, %dma_start3A_50] : memref<32x10x8x128xi32, #tpu.memory_space<hbm>> -> memref<1x1x8x128xi32, #tpu.memory_space<hbm>>
    %dma_start3A_52 = tpu.memref_squeeze %dma_start3A_51 : memref<1x1x8x128xi32, #tpu.memory_space<hbm>> -> memref<8x128xi32, #tpu.memory_space<hbm>>
    tpu.enqueue_dma source(%dma_start3A_52 : memref<8x128xi32, #tpu.memory_space<hbm>>) target(%arg9 : memref<8x128xi32, #tpu.memory_space<vmem>>) target_semaphore(%arg18 : memref<!tpu.dma_semaphore, #tpu.memory_space<semaphore_mem>>)
    %scan3A_53 = arith.constant 0 : i32
    %scan3A_54 = arith.constant 5 : i32
    %scan3A_55 = arith.addi %scan3A_53, %scan3A_54 : i32
    %scan3A_56 = arith.constant 1 : i32
    scf.for %scan3A_69 = %scan3A_53 to %scan3A_55 step %scan3A_56  : i32 {
      %mul3A_70 = arith.constant 2 : i32
      %mul3A_71 = arith.muli %scan3A_69, %mul3A_70 : i32
      %add3A_72 = arith.constant 0 : i32
      %add3A_73 = arith.addi %add3A_72, %mul3A_71 : i32
      %dma_wait3A = arith.constant 0 : i32
      %dma_wait3A_74 = arith.constant 0 : i32
      %dma_wait3A_75 = arith.constant 0 : i32
      %dma_wait3A_76 = tpu.memref_slice %arg3[%add3A, %dma_wait3A, %dma_wait3A_74, %dma_wait3A_75] : memref<32x10x8x128xi32, #tpu.memory_space<hbm>> -> memref<1x1x8x128xi32, #tpu.memory_space<hbm>>
      %dma_wait3A_77 = tpu.memref_squeeze %dma_wait3A_76 : memref<1x1x8x128xi32, #tpu.memory_space<hbm>> -> memref<8x128xi32, #tpu.memory_space<hbm>>
      %dma_wait3A_78 = arith.constant 0 : i32
      %dma_wait3A_79 = arith.constant 0 : i32
      %dma_wait3A_80 = tpu.memref_slice %arg3[%add3A, %dma_wait3A, %dma_wait3A_78, %dma_wait3A_79] : memref<32x10x8x128xi32, #tpu.memory_space<hbm>> -> memref<1x1x8x128xi32, #tpu.memory_space<hbm>>
      %dma_wait3A_81 = tpu.memref_squeeze %dma_wait3A_80 : memref<1x1x8x128xi32, #tpu.memory_space<hbm>> -> memref<8x128xi32, #tpu.memory_space<hbm>>
      tpu.wait_dma2 semaphore(%arg17 : memref<!tpu.dma_semaphore, #tpu.memory_space<semaphore_mem>>) src(%dma_wait3A_81 : memref<8x128xi32, #tpu.memory_space<hbm>>) dst(%arg6 : memref<8x128xi32, #tpu.memory_space<vmem>>)
      %dma_wait3A_82 = arith.constant 0 : i32
      %dma_wait3A_83 = arith.constant 0 : i32
      %dma_wait3A_84 = arith.constant 0 : i32
      %dma_wait3A_85 = tpu.memref_slice %arg4[%add3A, %dma_wait3A_82, %dma_wait3A_83, %dma_wait3A_84] : memref<32x10x8x128xi32, #tpu.memory_space<hbm>> -> memref<1x1x8x128xi32, #tpu.memory_space<hbm>>
      %dma_wait3A_86 = tpu.memref_squeeze %dma_wait3A_85 : memref<1x1x8x128xi32, #tpu.memory_space<hbm>> -> memref<8x128xi32, #tpu.memory_space<hbm>>
      %dma_wait3A_87 = arith.constant 0 : i32
      %dma_wait3A_88 = arith.constant 0 : i32
      %dma_wait3A_89 = tpu.memref_slice %arg4[%add3A, %dma_wait3A_82, %dma_wait3A_87, %dma_wait3A_88] : memref<32x10x8x128xi32, #tpu.memory_space<hbm>> -> memref<1x1x8x128xi32, #tpu.memory_space<hbm>>
      %dma_wait3A_90 = tpu.memref_squeeze %dma_wait3A_89 : memref<1x1x8x128xi32, #tpu.memory_space<hbm>> -> memref<8x128xi32, #tpu.memory_space<hbm>>
      tpu.wait_dma2 semaphore(%arg17 : memref<!tpu.dma_semaphore, #tpu.memory_space<semaphore_mem>>) src(%dma_wait3A_90 : memref<8x128xi32, #tpu.memory_space<hbm>>) dst(%arg8 : memref<8x128xi32, #tpu.memory_space<vmem>>)
      %dma_start3A_91 = arith.constant 0 : i32
      %dma_start3A_92 = arith.constant 0 : i32
      %dma_start3A_93 = tpu.memref_slice %arg6[%dma_start3A_91, %dma_start3A_92] : memref<8x128xi32, #tpu.memory_space<vmem>> -> memref<1x128xi32, #tpu.memory_space<vmem>>
      %dma_start3A_94 = tpu.memref_squeeze %dma_start3A_93 : memref<1x128xi32, #tpu.memory_space<vmem>> -> memref<128xi32, #tpu.memory_space<vmem>>
      %dma_start3A_95 = arith.constant 0 : i32
      %dma_start3A_96 = arith.constant 0 : i32
      %dma_start3A_97 = tpu.memref_slice %arg2[%dma_start3A_95, %dma_start3A_96] : memref<10240x128xf32, #tpu.memory_space<hbm>> -> memref<10240x128xf32, #tpu.memory_space<hbm>>
      tpu.enqueue_indirect_dma source(%dma_start3A_97 : memref<10240x128xf32, #tpu.memory_space<hbm>>) target(%arg10 : memref<128x128xf32, #tpu.memory_space<vmem>>) offsets(%dma_start3A_94 : memref<128xi32, #tpu.memory_space<vmem>>) semaphore(%arg13 : memref<!tpu.dma_semaphore, #tpu.memory_space<semaphore_mem>>)
      %dma_wait3A_98 = arith.constant 0 : i32
      %dma_wait3A_99 = arith.constant 0 : i32
      %dma_wait3A_100 = tpu.memref_slice %arg6[%dma_wait3A_98, %dma_wait3A_99] : memref<8x128xi32, #tpu.memory_space<vmem>> -> memref<1x128xi32, #tpu.memory_space<vmem>>
      %dma_wait3A_101 = tpu.memref_squeeze %dma_wait3A_100 : memref<1x128xi32, #tpu.memory_space<vmem>> -> memref<128xi32, #tpu.memory_space<vmem>>
      %dma_wait3A_102 = arith.constant 0 : i32
      %dma_wait3A_103 = arith.constant 0 : i32
      %dma_wait3A_104 = tpu.memref_slice %arg2[%dma_wait3A_102, %dma_wait3A_103] : memref<10240x128xf32, #tpu.memory_space<hbm>> -> memref<10240x128xf32, #tpu.memory_space<hbm>>
      tpu.wait_indirect_dma semaphore(%arg13 : memref<!tpu.dma_semaphore, #tpu.memory_space<semaphore_mem>>) src(%dma_wait3A_104 : memref<10240x128xf32, #tpu.memory_space<hbm>>) dst(%arg10 : memref<128x128xf32, #tpu.memory_space<vmem>>)
      %dma_start3A_105 = arith.constant 0 : i32
      %dma_start3A_106 = arith.constant 0 : i32
      %dma_start3A_107 = tpu.memref_slice %arg8[%dma_start3A_105, %dma_start3A_106] : memref<8x128xi32, #tpu.memory_space<vmem>> -> memref<1x128xi32, #tpu.memory_space<vmem>>
      %dma_start3A_108 = tpu.memref_squeeze %dma_start3A_107 : memref<1x128xi32, #tpu.memory_space<vmem>> -> memref<128xi32, #tpu.memory_space<vmem>>
      %dma_start3A_109 = arith.constant 0 : i32
      %dma_start3A_110 = arith.constant 0 : i32
      %dma_start3A_111 = tpu.memref_slice %arg12[%dma_start3A_109, %dma_start3A_110] : memref<10240x128xf32, #tpu.memory_space<vmem_shared>> -> memref<10240x128xf32, #tpu.memory_space<vmem_shared>>
      tpu.enqueue_indirect_dma source(%arg10 : memref<128x128xf32, #tpu.memory_space<vmem>>) target(%dma_start3A_111 : memref<10240x128xf32, #tpu.memory_space<vmem_shared>>) offsets(%dma_start3A_108 : memref<128xi32, #tpu.memory_space<vmem>>) semaphore(%arg15 : memref<!tpu.dma_semaphore, #tpu.memory_space<semaphore_mem>>) {add = true}
      %dma_start3A_112 = arith.constant 1 : i32
      %dma_start3A_113 = arith.constant 0 : i32
      %dma_start3A_114 = tpu.memref_slice %arg6[%dma_start3A_112, %dma_start3A_113] : memref<8x128xi32, #tpu.memory_space<vmem>> -> memref<1x128xi32, #tpu.memory_space<vmem>>
      %dma_start3A_115 = tpu.memref_squeeze %dma_start3A_114 : memref<1x128xi32, #tpu.memory_space<vmem>> -> memref<128xi32, #tpu.memory_space<vmem>>
      %dma_start3A_116 = arith.constant 0 : i32
      %dma_start3A_117 = arith.constant 0 : i32
      %dma_start3A_118 = tpu.memref_slice %arg2[%dma_start3A_116, %dma_start3A_117] : memref<10240x128xf32, #tpu.memory_space<hbm>> -> memref<10240x128xf32, #tpu.memory_space<hbm>>
      tpu.enqueue_indirect_dma source(%dma_start3A_118 : memref<10240x128xf32, #tpu.memory_space<hbm>>) target(%arg11 : memref<128x128xf32, #tpu.memory_space<vmem>>) offsets(%dma_start3A_115 : memref<128xi32, #tpu.memory_space<vmem>>) semaphore(%arg14 : memref<!tpu.dma_semaphore, #tpu.memory_space<semaphore_mem>>)
      %dma_wait3A_119 = arith.constant 1 : i32
      %dma_wait3A_120 = arith.constant 0 : i32
      %dma_wait3A_121 = tpu.memref_slice %arg6[%dma_wait3A_119, %dma_wait3A_120] : memref<8x128xi32, #tpu.memory_space<vmem>> -> memref<1x128xi32, #tpu.memory_space<vmem>>
      %dma_wait3A_122 = tpu.memref_squeeze %dma_wait3A_121 : memref<1x128xi32, #tpu.memory_space<vmem>> -> memref<128xi32, #tpu.memory_space<vmem>>
      %dma_wait3A_123 = arith.constant 0 : i32
      %dma_wait3A_124 = arith.constant 0 : i32
      %dma_wait3A_125 = tpu.memref_slice %arg2[%dma_wait3A_123, %dma_wait3A_124] : memref<10240x128xf32, #tpu.memory_space<hbm>> -> memref<10240x128xf32, #tpu.memory_space<hbm>>
      tpu.wait_indirect_dma semaphore(%arg14 : memref<!tpu.dma_semaphore, #tpu.memory_space<semaphore_mem>>) src(%dma_wait3A_125 : memref<10240x128xf32, #tpu.memory_space<hbm>>) dst(%arg11 : memref<128x128xf32, #tpu.memory_space<vmem>>)
      %dma_start3A_126 = arith.constant 1 : i32
      %dma_start3A_127 = arith.constant 0 : i32
      %dma_start3A_128 = tpu.memref_slice %arg8[%dma_start3A_126, %dma_start3A_127] : memref<8x128xi32, #tpu.memory_space<vmem>> -> memref<1x128xi32, #tpu.memory_space<vmem>>
      %dma_start3A_129 = tpu.memref_squeeze %dma_start3A_128 : memref<1x128xi32, #tpu.memory_space<vmem>> -> memref<128xi32, #tpu.memory_space<vmem>>
      %dma_start3A_130 = arith.constant 0 : i32
      %dma_start3A_131 = arith.constant 0 : i32
      %dma_start3A_132 = tpu.memref_slice %arg12[%dma_start3A_130, %dma_start3A_131] : memref<10240x128xf32, #tpu.memory_space<vmem_shared>> -> memref<10240x128xf32, #tpu.memory_space<vmem_shared>>
      tpu.enqueue_indirect_dma source(%arg11 : memref<128x128xf32, #tpu.memory_space<vmem>>) target(%dma_start3A_132 : memref<10240x128xf32, #tpu.memory_space<vmem_shared>>) offsets(%dma_start3A_129 : memref<128xi32, #tpu.memory_space<vmem>>) semaphore(%arg16 : memref<!tpu.dma_semaphore, #tpu.memory_space<semaphore_mem>>) {add = true}
      %dma_wait3A_133 = arith.constant 0 : i32
      %dma_wait3A_134 = arith.constant 0 : i32
      %dma_wait3A_135 = tpu.memref_slice %arg8[%dma_wait3A_133, %dma_wait3A_134] : memref<8x128xi32, #tpu.memory_space<vmem>> -> memref<1x128xi32, #tpu.memory_space<vmem>>
      %dma_wait3A_136 = tpu.memref_squeeze %dma_wait3A_135 : memref<1x128xi32, #tpu.memory_space<vmem>> -> memref<128xi32, #tpu.memory_space<vmem>>
      %dma_wait3A_137 = arith.constant 0 : i32
      %dma_wait3A_138 = arith.constant 0 : i32
      %dma_wait3A_139 = tpu.memref_slice %arg12[%dma_wait3A_137, %dma_wait3A_138] : memref<10240x128xf32, #tpu.memory_space<vmem_shared>> -> memref<10240x128xf32, #tpu.memory_space<vmem_shared>>
      tpu.wait_indirect_dma semaphore(%arg15 : memref<!tpu.dma_semaphore, #tpu.memory_space<semaphore_mem>>) src(%arg10 : memref<128x128xf32, #tpu.memory_space<vmem>>) dst(%dma_wait3A_139 : memref<10240x128xf32, #tpu.memory_space<vmem_shared>>)
      %dma_start3A_140 = arith.constant 2 : i32
      %dma_start3A_141 = arith.constant 0 : i32
      %dma_start3A_142 = tpu.memref_slice %arg6[%dma_start3A_140, %dma_start3A_141] : memref<8x128xi32, #tpu.memory_space<vmem>> -> memref<1x128xi32, #tpu.memory_space<vmem>>
      %dma_start3A_143 = tpu.memref_squeeze %dma_start3A_142 : memref<1x128xi32, #tpu.memory_space<vmem>> -> memref<128xi32, #tpu.memory_space<vmem>>
      %dma_start3A_144 = arith.constant 0 : i32
      %dma_start3A_145 = arith.constant 0 : i32
      %dma_start3A_146 = tpu.memref_slice %arg2[%dma_start3A_144, %dma_start3A_145] : memref<10240x128xf32, #tpu.memory_space<hbm>> -> memref<10240x128xf32, #tpu.memory_space<hbm>>
      tpu.enqueue_indirect_dma source(%dma_start3A_146 : memref<10240x128xf32, #tpu.memory_space<hbm>>) target(%arg10 : memref<128x128xf32, #tpu.memory_space<vmem>>) offsets(%dma_start3A_143 : memref<128xi32, #tpu.memory_space<vmem>>) semaphore(%arg13 : memref<!tpu.dma_semaphore, #tpu.memory_space<semaphore_mem>>)
      %dma_wait3A_147 = arith.constant 2 : i32
      %dma_wait3A_148 = arith.constant 0 : i32
      %dma_wait3A_149 = tpu.memref_slice %arg6[%dma_wait3A_147, %dma_wait3A_148] : memref<8x128xi32, #tpu.memory_space<vmem>> -> memref<1x128xi32, #tpu.memory_space<vmem>>
      %dma_wait3A_150 = tpu.memref_squeeze %dma_wait3A_149 : memref<1x128xi32, #tpu.memory_space<vmem>> -> memref<128xi32, #tpu.memory_space<vmem>>
      %dma_wait3A_151 = arith.constant 0 : i32
      %dma_wait3A_152 = arith.constant 0 : i32
      %dma_wait3A_153 = tpu.memref_slice %arg2[%dma_wait3A_151, %dma_wait3A_152] : memref<10240x128xf32, #tpu.memory_space<hbm>> -> memref<10240x128xf32, #tpu.memory_space<hbm>>
      tpu.wait_indirect_dma semaphore(%arg13 : memref<!tpu.dma_semaphore, #tpu.memory_space<semaphore_mem>>) src(%dma_wait3A_153 : memref<10240x128xf32, #tpu.memory_space<hbm>>) dst(%arg10 : memref<128x128xf32, #tpu.memory_space<vmem>>)
      %dma_start3A_154 = arith.constant 2 : i32
      %dma_start3A_155 = arith.constant 0 : i32
      %dma_start3A_156 = tpu.memref_slice %arg8[%dma_start3A_154, %dma_start3A_155] : memref<8x128xi32, #tpu.memory_space<vmem>> -> memref<1x128xi32, #tpu.memory_space<vmem>>
      %dma_start3A_157 = tpu.memref_squeeze %dma_start3A_156 : memref<1x128xi32, #tpu.memory_space<vmem>> -> memref<128xi32, #tpu.memory_space<vmem>>
      %dma_start3A_158 = arith.constant 0 : i32
      %dma_start3A_159 = arith.constant 0 : i32
      %dma_start3A_160 = tpu.memref_slice %arg12[%dma_start3A_158, %dma_start3A_159] : memref<10240x128xf32, #tpu.memory_space<vmem_shared>> -> memref<10240x128xf32, #tpu.memory_space<vmem_shared>>
      tpu.enqueue_indirect_dma source(%arg10 : memref<128x128xf32, #tpu.memory_space<vmem>>) target(%dma_start3A_160 : memref<10240x128xf32, #tpu.memory_space<vmem_shared>>) offsets(%dma_start3A_157 : memref<128xi32, #tpu.memory_space<vmem>>) semaphore(%arg15 : memref<!tpu.dma_semaphore, #tpu.memory_space<semaphore_mem>>) {add = true}
      %dma_wait3A_161 = arith.constant 1 : i32
      %dma_wait3A_162 = arith.constant 0 : i32
      %dma_wait3A_163 = tpu.memref_slice %arg8[%dma_wait3A_161, %dma_wait3A_162] : memref<8x128xi32, #tpu.memory_space<vmem>> -> memref<1x128xi32, #tpu.memory_space<vmem>>
      %dma_wait3A_164 = tpu.memref_squeeze %dma_wait3A_163 : memref<1x128xi32, #tpu.memory_space<vmem>> -> memref<128xi32, #tpu.memory_space<vmem>>
      %dma_wait3A_165 = arith.constant 0 : i32
      %dma_wait3A_166 = arith.constant 0 : i32
      %dma_wait3A_167 = tpu.memref_slice %arg12[%dma_wait3A_165, %dma_wait3A_166] : memref<10240x128xf32, #tpu.memory_space<vmem_shared>> -> memref<10240x128xf32, #tpu.memory_space<vmem_shared>>
      tpu.wait_indirect_dma semaphore(%arg16 : memref<!tpu.dma_semaphore, #tpu.memory_space<semaphore_mem>>) src(%arg11 : memref<128x128xf32, #tpu.memory_space<vmem>>) dst(%dma_wait3A_167 : memref<10240x128xf32, #tpu.memory_space<vmem_shared>>)
      %dma_start3A_168 = arith.constant 3 : i32
      %dma_start3A_169 = arith.constant 0 : i32
      %dma_start3A_170 = tpu.memref_slice %arg6[%dma_start3A_168, %dma_start3A_169] : memref<8x128xi32, #tpu.memory_space<vmem>> -> memref<1x128xi32, #tpu.memory_space<vmem>>
      %dma_start3A_171 = tpu.memref_squeeze %dma_start3A_170 : memref<1x128xi32, #tpu.memory_space<vmem>> -> memref<128xi32, #tpu.memory_space<vmem>>
      %dma_start3A_172 = arith.constant 0 : i32
      %dma_start3A_173 = arith.constant 0 : i32
      %dma_start3A_174 = tpu.memref_slice %arg2[%dma_start3A_172, %dma_start3A_173] : memref<10240x128xf32, #tpu.memory_space<hbm>> -> memref<10240x128xf32, #tpu.memory_space<hbm>>
      tpu.enqueue_indirect_dma source(%dma_start3A_174 : memref<10240x128xf32, #tpu.memory_space<hbm>>) target(%arg11 : memref<128x128xf32, #tpu.memory_space<vmem>>) offsets(%dma_start3A_171 : memref<128xi32, #tpu.memory_space<vmem>>) semaphore(%arg14 : memref<!tpu.dma_semaphore, #tpu.memory_space<semaphore_mem>>)
      %dma_wait3A_175 = arith.constant 3 : i32
      %dma_wait3A_176 = arith.constant 0 : i32
      %dma_wait3A_177 = tpu.memref_slice %arg6[%dma_wait3A_175, %dma_wait3A_176] : memref<8x128xi32, #tpu.memory_space<vmem>> -> memref<1x128xi32, #tpu.memory_space<vmem>>
      %dma_wait3A_178 = tpu.memref_squeeze %dma_wait3A_177 : memref<1x128xi32, #tpu.memory_space<vmem>> -> memref<128xi32, #tpu.memory_space<vmem>>
      %dma_wait3A_179 = arith.constant 0 : i32
      %dma_wait3A_180 = arith.constant 0 : i32
      %dma_wait3A_181 = tpu.memref_slice %arg2[%dma_wait3A_179, %dma_wait3A_180] : memref<10240x128xf32, #tpu.memory_space<hbm>> -> memref<10240x128xf32, #tpu.memory_space<hbm>>
      tpu.wait_indirect_dma semaphore(%arg14 : memref<!tpu.dma_semaphore, #tpu.memory_space<semaphore_mem>>) src(%dma_wait3A_181 : memref<10240x128xf32, #tpu.memory_space<hbm>>) dst(%arg11 : memref<128x128xf32, #tpu.memory_space<vmem>>)
      %dma_start3A_182 = arith.constant 3 : i32
      %dma_start3A_183 = arith.constant 0 : i32
      %dma_start3A_184 = tpu.memref_slice %arg8[%dma_start3A_182, %dma_start3A_183] : memref<8x128xi32, #tpu.memory_space<vmem>> -> memref<1x128xi32, #tpu.memory_space<vmem>>
      %dma_start3A_185 = tpu.memref_squeeze %dma_start3A_184 : memref<1x128xi32, #tpu.memory_space<vmem>> -> memref<128xi32, #tpu.memory_space<vmem>>
      %dma_start3A_186 = arith.constant 0 : i32
      %dma_start3A_187 = arith.constant 0 : i32
      %dma_start3A_188 = tpu.memref_slice %arg12[%dma_start3A_186, %dma_start3A_187] : memref<10240x128xf32, #tpu.memory_space<vmem_shared>> -> memref<10240x128xf32, #tpu.memory_space<vmem_shared>>
      tpu.enqueue_indirect_dma source(%arg11 : memref<128x128xf32, #tpu.memory_space<vmem>>) target(%dma_start3A_188 : memref<10240x128xf32, #tpu.memory_space<vmem_shared>>) offsets(%dma_start3A_185 : memref<128xi32, #tpu.memory_space<vmem>>) semaphore(%arg16 : memref<!tpu.dma_semaphore, #tpu.memory_space<semaphore_mem>>) {add = true}
      %dma_wait3A_189 = arith.constant 2 : i32
      %dma_wait3A_190 = arith.constant 0 : i32
      %dma_wait3A_191 = tpu.memref_slice %arg8[%dma_wait3A_189, %dma_wait3A_190] : memref<8x128xi32, #tpu.memory_space<vmem>> -> memref<1x128xi32, #tpu.memory_space<vmem>>
      %dma_wait3A_192 = tpu.memref_squeeze %dma_wait3A_191 : memref<1x128xi32, #tpu.memory_space<vmem>> -> memref<128xi32, #tpu.memory_space<vmem>>
      %dma_wait3A_193 = arith.constant 0 : i32
      %dma_wait3A_194 = arith.constant 0 : i32
      %dma_wait3A_195 = tpu.memref_slice %arg12[%dma_wait3A_193, %dma_wait3A_194] : memref<10240x128xf32, #tpu.memory_space<vmem_shared>> -> memref<10240x128xf32, #tpu.memory_space<vmem_shared>>
      tpu.wait_indirect_dma semaphore(%arg15 : memref<!tpu.dma_semaphore, #tpu.memory_space<semaphore_mem>>) src(%arg10 : memref<128x128xf32, #tpu.memory_space<vmem>>) dst(%dma_wait3A_195 : memref<10240x128xf32, #tpu.memory_space<vmem_shared>>)
      %dma_start3A_196 = arith.constant 4 : i32
      %dma_start3A_197 = arith.constant 0 : i32
      %dma_start3A_198 = tpu.memref_slice %arg6[%dma_start3A_196, %dma_start3A_197] : memref<8x128xi32, #tpu.memory_space<vmem>> -> memref<1x128xi32, #tpu.memory_space<vmem>>
      %dma_start3A_199 = tpu.memref_squeeze %dma_start3A_198 : memref<1x128xi32, #tpu.memory_space<vmem>> -> memref<128xi32, #tpu.memory_space<vmem>>
      %dma_start3A_200 = arith.constant 0 : i32
      %dma_start3A_201 = arith.constant 0 : i32
      %dma_start3A_202 = tpu.memref_slice %arg2[%dma_start3A_200, %dma_start3A_201] : memref<10240x128xf32, #tpu.memory_space<hbm>> -> memref<10240x128xf32, #tpu.memory_space<hbm>>
      tpu.enqueue_indirect_dma source(%dma_start3A_202 : memref<10240x128xf32, #tpu.memory_space<hbm>>) target(%arg10 : memref<128x128xf32, #tpu.memory_space<vmem>>) offsets(%dma_start3A_199 : memref<128xi32, #tpu.memory_space<vmem>>) semaphore(%arg13 : memref<!tpu.dma_semaphore, #tpu.memory_space<semaphore_mem>>)
      %dma_wait3A_203 = arith.constant 4 : i32
      %dma_wait3A_204 = arith.constant 0 : i32
      %dma_wait3A_205 = tpu.memref_slice %arg6[%dma_wait3A_203, %dma_wait3A_204] : memref<8x128xi32, #tpu.memory_space<vmem>> -> memref<1x128xi32, #tpu.memory_space<vmem>>
      %dma_wait3A_206 = tpu.memref_squeeze %dma_wait3A_205 : memref<1x128xi32, #tpu.memory_space<vmem>> -> memref<128xi32, #tpu.memory_space<vmem>>
      %dma_wait3A_207 = arith.constant 0 : i32
      %dma_wait3A_208 = arith.constant 0 : i32
      %dma_wait3A_209 = tpu.memref_slice %arg2[%dma_wait3A_207, %dma_wait3A_208] : memref<10240x128xf32, #tpu.memory_space<hbm>> -> memref<10240x128xf32, #tpu.memory_space<hbm>>
      tpu.wait_indirect_dma semaphore(%arg13 : memref<!tpu.dma_semaphore, #tpu.memory_space<semaphore_mem>>) src(%dma_wait3A_209 : memref<10240x128xf32, #tpu.memory_space<hbm>>) dst(%arg10 : memref<128x128xf32, #tpu.memory_space<vmem>>)
      %dma_start3A_210 = arith.constant 4 : i32
      %dma_start3A_211 = arith.constant 0 : i32
      %dma_start3A_212 = tpu.memref_slice %arg8[%dma_start3A_210, %dma_start3A_211] : memref<8x128xi32, #tpu.memory_space<vmem>> -> memref<1x128xi32, #tpu.memory_space<vmem>>
      %dma_start3A_213 = tpu.memref_squeeze %dma_start3A_212 : memref<1x128xi32, #tpu.memory_space<vmem>> -> memref<128xi32, #tpu.memory_space<vmem>>
      %dma_start3A_214 = arith.constant 0 : i32
      %dma_start3A_215 = arith.constant 0 : i32
      %dma_start3A_216 = tpu.memref_slice %arg12[%dma_start3A_214, %dma_start3A_215] : memref<10240x128xf32, #tpu.memory_space<vmem_shared>> -> memref<10240x128xf32, #tpu.memory_space<vmem_shared>>
      tpu.enqueue_indirect_dma source(%arg10 : memref<128x128xf32, #tpu.memory_space<vmem>>) target(%dma_start3A_216 : memref<10240x128xf32, #tpu.memory_space<vmem_shared>>) offsets(%dma_start3A_213 : memref<128xi32, #tpu.memory_space<vmem>>) semaphore(%arg15 : memref<!tpu.dma_semaphore, #tpu.memory_space<semaphore_mem>>) {add = true}
      %dma_wait3A_217 = arith.constant 3 : i32
      %dma_wait3A_218 = arith.constant 0 : i32
      %dma_wait3A_219 = tpu.memref_slice %arg8[%dma_wait3A_217, %dma_wait3A_218] : memref<8x128xi32, #tpu.memory_space<vmem>> -> memref<1x128xi32, #tpu.memory_space<vmem>>
      %dma_wait3A_220 = tpu.memref_squeeze %dma_wait3A_219 : memref<1x128xi32, #tpu.memory_space<vmem>> -> memref<128xi32, #tpu.memory_space<vmem>>
      %dma_wait3A_221 = arith.constant 0 : i32
      %dma_wait3A_222 = arith.constant 0 : i32
      %dma_wait3A_223 = tpu.memref_slice %arg12[%dma_wait3A_221, %dma_wait3A_222] : memref<10240x128xf32, #tpu.memory_space<vmem_shared>> -> memref<10240x128xf32, #tpu.memory_space<vmem_shared>>
      tpu.wait_indirect_dma semaphore(%arg16 : memref<!tpu.dma_semaphore, #tpu.memory_space<semaphore_mem>>) src(%arg11 : memref<128x128xf32, #tpu.memory_space<vmem>>) dst(%dma_wait3A_223 : memref<10240x128xf32, #tpu.memory_space<vmem_shared>>)
      %dma_start3A_224 = arith.constant 5 : i32
      %dma_start3A_225 = arith.constant 0 : i32
      %dma_start3A_226 = tpu.memref_slice %arg6[%dma_start3A_224, %dma_start3A_225] : memref<8x128xi32, #tpu.memory_space<vmem>> -> memref<1x128xi32, #tpu.memory_space<vmem>>
      %dma_start3A_227 = tpu.memref_squeeze %dma_start3A_226 : memref<1x128xi32, #tpu.memory_space<vmem>> -> memref<128xi32, #tpu.memory_space<vmem>>
      %dma_start3A_228 = arith.constant 0 : i32
      %dma_start3A_229 = arith.constant 0 : i32
      %dma_start3A_230 = tpu.memref_slice %arg2[%dma_start3A_228, %dma_start3A_229] : memref<10240x128xf32, #tpu.memory_space<hbm>> -> memref<10240x128xf32, #tpu.memory_space<hbm>>
      tpu.enqueue_indirect_dma source(%dma_start3A_230 : memref<10240x128xf32, #tpu.memory_space<hbm>>) target(%arg11 : memref<128x128xf32, #tpu.memory_space<vmem>>) offsets(%dma_start3A_227 : memref<128xi32, #tpu.memory_space<vmem>>) semaphore(%arg14 : memref<!tpu.dma_semaphore, #tpu.memory_space<semaphore_mem>>)
      %dma_wait3A_231 = arith.constant 5 : i32
      %dma_wait3A_232 = arith.constant 0 : i32
      %dma_wait3A_233 = tpu.memref_slice %arg6[%dma_wait3A_231, %dma_wait3A_232] : memref<8x128xi32, #tpu.memory_space<vmem>> -> memref<1x128xi32, #tpu.memory_space<vmem>>
      %dma_wait3A_234 = tpu.memref_squeeze %dma_wait3A_233 : memref<1x128xi32, #tpu.memory_space<vmem>> -> memref<128xi32, #tpu.memory_space<vmem>>
      %dma_wait3A_235 = arith.constant 0 : i32
      %dma_wait3A_236 = arith.constant 0 : i32
      %dma_wait3A_237 = tpu.memref_slice %arg2[%dma_wait3A_235, %dma_wait3A_236] : memref<10240x128xf32, #tpu.memory_space<hbm>> -> memref<10240x128xf32, #tpu.memory_space<hbm>>
      tpu.wait_indirect_dma semaphore(%arg14 : memref<!tpu.dma_semaphore, #tpu.memory_space<semaphore_mem>>) src(%dma_wait3A_237 : memref<10240x128xf32, #tpu.memory_space<hbm>>) dst(%arg11 : memref<128x128xf32, #tpu.memory_space<vmem>>)
      %dma_start3A_238 = arith.constant 5 : i32
      %dma_start3A_239 = arith.constant 0 : i32
      %dma_start3A_240 = tpu.memref_slice %arg8[%dma_start3A_238, %dma_start3A_239] : memref<8x128xi32, #tpu.memory_space<vmem>> -> memref<1x128xi32, #tpu.memory_space<vmem>>
      %dma_start3A_241 = tpu.memref_squeeze %dma_start3A_240 : memref<1x128xi32, #tpu.memory_space<vmem>> -> memref<128xi32, #tpu.memory_space<vmem>>
      %dma_start3A_242 = arith.constant 0 : i32
      %dma_start3A_243 = arith.constant 0 : i32
      %dma_start3A_244 = tpu.memref_slice %arg12[%dma_start3A_242, %dma_start3A_243] : memref<10240x128xf32, #tpu.memory_space<vmem_shared>> -> memref<10240x128xf32, #tpu.memory_space<vmem_shared>>
      tpu.enqueue_indirect_dma source(%arg11 : memref<128x128xf32, #tpu.memory_space<vmem>>) target(%dma_start3A_244 : memref<10240x128xf32, #tpu.memory_space<vmem_shared>>) offsets(%dma_start3A_241 : memref<128xi32, #tpu.memory_space<vmem>>) semaphore(%arg16 : memref<!tpu.dma_semaphore, #tpu.memory_space<semaphore_mem>>) {add = true}
      %dma_wait3A_245 = arith.constant 4 : i32
      %dma_wait3A_246 = arith.constant 0 : i32
      %dma_wait3A_247 = tpu.memref_slice %arg8[%dma_wait3A_245, %dma_wait3A_246] : memref<8x128xi32, #tpu.memory_space<vmem>> -> memref<1x128xi32, #tpu.memory_space<vmem>>
      %dma_wait3A_248 = tpu.memref_squeeze %dma_wait3A_247 : memref<1x128xi32, #tpu.memory_space<vmem>> -> memref<128xi32, #tpu.memory_space<vmem>>
      %dma_wait3A_249 = arith.constant 0 : i32
      %dma_wait3A_250 = arith.constant 0 : i32
      %dma_wait3A_251 = tpu.memref_slice %arg12[%dma_wait3A_249, %dma_wait3A_250] : memref<10240x128xf32, #tpu.memory_space<vmem_shared>> -> memref<10240x128xf32, #tpu.memory_space<vmem_shared>>
      tpu.wait_indirect_dma semaphore(%arg15 : memref<!tpu.dma_semaphore, #tpu.memory_space<semaphore_mem>>) src(%arg10 : memref<128x128xf32, #tpu.memory_space<vmem>>) dst(%dma_wait3A_251 : memref<10240x128xf32, #tpu.memory_space<vmem_shared>>)
      %dma_start3A_252 = arith.constant 6 : i32
      %dma_start3A_253 = arith.constant 0 : i32
      %dma_start3A_254 = tpu.memref_slice %arg6[%dma_start3A_252, %dma_start3A_253] : memref<8x128xi32, #tpu.memory_space<vmem>> -> memref<1x128xi32, #tpu.memory_space<vmem>>
      %dma_start3A_255 = tpu.memref_squeeze %dma_start3A_254 : memref<1x128xi32, #tpu.memory_space<vmem>> -> memref<128xi32, #tpu.memory_space<vmem>>
      %dma_start3A_256 = arith.constant 0 : i32
      %dma_start3A_257 = arith.constant 0 : i32
      %dma_start3A_258 = tpu.memref_slice %arg2[%dma_start3A_256, %dma_start3A_257] : memref<10240x128xf32, #tpu.memory_space<hbm>> -> memref<10240x128xf32, #tpu.memory_space<hbm>>
      tpu.enqueue_indirect_dma source(%dma_start3A_258 : memref<10240x128xf32, #tpu.memory_space<hbm>>) target(%arg10 : memref<128x128xf32, #tpu.memory_space<vmem>>) offsets(%dma_start3A_255 : memref<128xi32, #tpu.memory_space<vmem>>) semaphore(%arg13 : memref<!tpu.dma_semaphore, #tpu.memory_space<semaphore_mem>>)
      %dma_wait3A_259 = arith.constant 6 : i32
      %dma_wait3A_260 = arith.constant 0 : i32
      %dma_wait3A_261 = tpu.memref_slice %arg6[%dma_wait3A_259, %dma_wait3A_260] : memref<8x128xi32, #tpu.memory_space<vmem>> -> memref<1x128xi32, #tpu.memory_space<vmem>>
      %dma_wait3A_262 = tpu.memref_squeeze %dma_wait3A_261 : memref<1x128xi32, #tpu.memory_space<vmem>> -> memref<128xi32, #tpu.memory_space<vmem>>
      %dma_wait3A_263 = arith.constant 0 : i32
      %dma_wait3A_264 = arith.constant 0 : i32
      %dma_wait3A_265 = tpu.memref_slice %arg2[%dma_wait3A_263, %dma_wait3A_264] : memref<10240x128xf32, #tpu.memory_space<hbm>> -> memref<10240x128xf32, #tpu.memory_space<hbm>>
      tpu.wait_indirect_dma semaphore(%arg13 : memref<!tpu.dma_semaphore, #tpu.memory_space<semaphore_mem>>) src(%dma_wait3A_265 : memref<10240x128xf32, #tpu.memory_space<hbm>>) dst(%arg10 : memref<128x128xf32, #tpu.memory_space<vmem>>)
      %dma_start3A_266 = arith.constant 6 : i32
      %dma_start3A_267 = arith.constant 0 : i32
      %dma_start3A_268 = tpu.memref_slice %arg8[%dma_start3A_266, %dma_start3A_267] : memref<8x128xi32, #tpu.memory_space<vmem>> -> memref<1x128xi32, #tpu.memory_space<vmem>>
      %dma_start3A_269 = tpu.memref_squeeze %dma_start3A_268 : memref<1x128xi32, #tpu.memory_space<vmem>> -> memref<128xi32, #tpu.memory_space<vmem>>
      %dma_start3A_270 = arith.constant 0 : i32
      %dma_start3A_271 = arith.constant 0 : i32
      %dma_start3A_272 = tpu.memref_slice %arg12[%dma_start3A_270, %dma_start3A_271] : memref<10240x128xf32, #tpu.memory_space<vmem_shared>> -> memref<10240x128xf32, #tpu.memory_space<vmem_shared>>
      tpu.enqueue_indirect_dma source(%arg10 : memref<128x128xf32, #tpu.memory_space<vmem>>) target(%dma_start3A_272 : memref<10240x128xf32, #tpu.memory_space<vmem_shared>>) offsets(%dma_start3A_269 : memref<128xi32, #tpu.memory_space<vmem>>) semaphore(%arg15 : memref<!tpu.dma_semaphore, #tpu.memory_space<semaphore_mem>>) {add = true}
      %dma_wait3A_273 = arith.constant 5 : i32
      %dma_wait3A_274 = arith.constant 0 : i32
      %dma_wait3A_275 = tpu.memref_slice %arg8[%dma_wait3A_273, %dma_wait3A_274] : memref<8x128xi32, #tpu.memory_space<vmem>> -> memref<1x128xi32, #tpu.memory_space<vmem>>
      %dma_wait3A_276 = tpu.memref_squeeze %dma_wait3A_275 : memref<1x128xi32, #tpu.memory_space<vmem>> -> memref<128xi32, #tpu.memory_space<vmem>>
      %dma_wait3A_277 = arith.constant 0 : i32
      %dma_wait3A_278 = arith.constant 0 : i32
      %dma_wait3A_279 = tpu.memref_slice %arg12[%dma_wait3A_277, %dma_wait3A_278] : memref<10240x128xf32, #tpu.memory_space<vmem_shared>> -> memref<10240x128xf32, #tpu.memory_space<vmem_shared>>
      tpu.wait_indirect_dma semaphore(%arg16 : memref<!tpu.dma_semaphore, #tpu.memory_space<semaphore_mem>>) src(%arg11 : memref<128x128xf32, #tpu.memory_space<vmem>>) dst(%dma_wait3A_279 : memref<10240x128xf32, #tpu.memory_space<vmem_shared>>)
      %dma_start3A_280 = arith.constant 7 : i32
      %dma_start3A_281 = arith.constant 0 : i32
      %dma_start3A_282 = tpu.memref_slice %arg6[%dma_start3A_280, %dma_start3A_281] : memref<8x128xi32, #tpu.memory_space<vmem>> -> memref<1x128xi32, #tpu.memory_space<vmem>>
      %dma_start3A_283 = tpu.memref_squeeze %dma_start3A_282 : memref<1x128xi32, #tpu.memory_space<vmem>> -> memref<128xi32, #tpu.memory_space<vmem>>
      %dma_start3A_284 = arith.constant 0 : i32
      %dma_start3A_285 = arith.constant 0 : i32
      %dma_start3A_286 = tpu.memref_slice %arg2[%dma_start3A_284, %dma_start3A_285] : memref<10240x128xf32, #tpu.memory_space<hbm>> -> memref<10240x128xf32, #tpu.memory_space<hbm>>
      tpu.enqueue_indirect_dma source(%dma_start3A_286 : memref<10240x128xf32, #tpu.memory_space<hbm>>) target(%arg11 : memref<128x128xf32, #tpu.memory_space<vmem>>) offsets(%dma_start3A_283 : memref<128xi32, #tpu.memory_space<vmem>>) semaphore(%arg14 : memref<!tpu.dma_semaphore, #tpu.memory_space<semaphore_mem>>)
      %dma_wait3A_287 = arith.constant 7 : i32
      %dma_wait3A_288 = arith.constant 0 : i32
      %dma_wait3A_289 = tpu.memref_slice %arg6[%dma_wait3A_287, %dma_wait3A_288] : memref<8x128xi32, #tpu.memory_space<vmem>> -> memref<1x128xi32, #tpu.memory_space<vmem>>
      %dma_wait3A_290 = tpu.memref_squeeze %dma_wait3A_289 : memref<1x128xi32, #tpu.memory_space<vmem>> -> memref<128xi32, #tpu.memory_space<vmem>>
      %dma_wait3A_291 = arith.constant 0 : i32
      %dma_wait3A_292 = arith.constant 0 : i32
      %dma_wait3A_293 = tpu.memref_slice %arg2[%dma_wait3A_291, %dma_wait3A_292] : memref<10240x128xf32, #tpu.memory_space<hbm>> -> memref<10240x128xf32, #tpu.memory_space<hbm>>
      tpu.wait_indirect_dma semaphore(%arg14 : memref<!tpu.dma_semaphore, #tpu.memory_space<semaphore_mem>>) src(%dma_wait3A_293 : memref<10240x128xf32, #tpu.memory_space<hbm>>) dst(%arg11 : memref<128x128xf32, #tpu.memory_space<vmem>>)
      %dma_start3A_294 = arith.constant 7 : i32
      %dma_start3A_295 = arith.constant 0 : i32
      %dma_start3A_296 = tpu.memref_slice %arg8[%dma_start3A_294, %dma_start3A_295] : memref<8x128xi32, #tpu.memory_space<vmem>> -> memref<1x128xi32, #tpu.memory_space<vmem>>
      %dma_start3A_297 = tpu.memref_squeeze %dma_start3A_296 : memref<1x128xi32, #tpu.memory_space<vmem>> -> memref<128xi32, #tpu.memory_space<vmem>>
      %dma_start3A_298 = arith.constant 0 : i32
      %dma_start3A_299 = arith.constant 0 : i32
      %dma_start3A_300 = tpu.memref_slice %arg12[%dma_start3A_298, %dma_start3A_299] : memref<10240x128xf32, #tpu.memory_space<vmem_shared>> -> memref<10240x128xf32, #tpu.memory_space<vmem_shared>>
      tpu.enqueue_indirect_dma source(%arg11 : memref<128x128xf32, #tpu.memory_space<vmem>>) target(%dma_start3A_300 : memref<10240x128xf32, #tpu.memory_space<vmem_shared>>) offsets(%dma_start3A_297 : memref<128xi32, #tpu.memory_space<vmem>>) semaphore(%arg16 : memref<!tpu.dma_semaphore, #tpu.memory_space<semaphore_mem>>) {add = true}
      %dma_wait3A_301 = arith.constant 6 : i32
      %dma_wait3A_302 = arith.constant 0 : i32
      %dma_wait3A_303 = tpu.memref_slice %arg8[%dma_wait3A_301, %dma_wait3A_302] : memref<8x128xi32, #tpu.memory_space<vmem>> -> memref<1x128xi32, #tpu.memory_space<vmem>>
      %dma_wait3A_304 = tpu.memref_squeeze %dma_wait3A_303 : memref<1x128xi32, #tpu.memory_space<vmem>> -> memref<128xi32, #tpu.memory_space<vmem>>
      %dma_wait3A_305 = arith.constant 0 : i32
      %dma_wait3A_306 = arith.constant 0 : i32
      %dma_wait3A_307 = tpu.memref_slice %arg12[%dma_wait3A_305, %dma_wait3A_306] : memref<10240x128xf32, #tpu.memory_space<vmem_shared>> -> memref<10240x128xf32, #tpu.memory_space<vmem_shared>>
      tpu.wait_indirect_dma semaphore(%arg15 : memref<!tpu.dma_semaphore, #tpu.memory_space<semaphore_mem>>) src(%arg10 : memref<128x128xf32, #tpu.memory_space<vmem>>) dst(%dma_wait3A_307 : memref<10240x128xf32, #tpu.memory_space<vmem_shared>>)
      %dma_wait3A_308 = arith.constant 7 : i32
      %dma_wait3A_309 = arith.constant 0 : i32
      %dma_wait3A_310 = tpu.memref_slice %arg8[%dma_wait3A_308, %dma_wait3A_309] : memref<8x128xi32, #tpu.memory_space<vmem>> -> memref<1x128xi32, #tpu.memory_space<vmem>>
      %dma_wait3A_311 = tpu.memref_squeeze %dma_wait3A_310 : memref<1x128xi32, #tpu.memory_space<vmem>> -> memref<128xi32, #tpu.memory_space<vmem>>
      %dma_wait3A_312 = arith.constant 0 : i32
      %dma_wait3A_313 = arith.constant 0 : i32
      %dma_wait3A_314 = tpu.memref_slice %arg12[%dma_wait3A_312, %dma_wait3A_313] : memref<10240x128xf32, #tpu.memory_space<vmem_shared>> -> memref<10240x128xf32, #tpu.memory_space<vmem_shared>>
      tpu.wait_indirect_dma semaphore(%arg16 : memref<!tpu.dma_semaphore, #tpu.memory_space<semaphore_mem>>) src(%arg11 : memref<128x128xf32, #tpu.memory_space<vmem>>) dst(%dma_wait3A_314 : memref<10240x128xf32, #tpu.memory_space<vmem_shared>>)
      %add3A_315 = arith.constant 0 : i32
      %add3A_316 = arith.addi %add3A_73, %add3A_315 : i32
      %add3A_317 = arith.constant 2 : i32
      %add3A_318 = arith.addi %add3A_316, %add3A_317 : i32
      %lt3A = arith.constant 10 : i32
      %lt3A_319 = arith.cmpi slt, %add3A_318, %lt3A : i32
      %convert_element_type3A = arith.extui %lt3A_319 : i1 to i32
      %cond3A = arith.constant 0 : i32
      %cond3A_320 = arith.cmpi ne, %convert_element_type3A, %cond3A : i32
      scf.if %cond3A_320 {
        %dma_start3A_572 = arith.constant 0 : i32
        %dma_start3A_573 = arith.constant 0 : i32
        %dma_start3A_574 = tpu.memref_slice %arg3[%add3A, %add3A_318, %dma_start3A_572, %dma_start3A_573] : memref<32x10x8x128xi32, #tpu.memory_space<hbm>> -> memref<1x1x8x128xi32, #tpu.memory_space<hbm>>
        %dma_start3A_575 = tpu.memref_squeeze %dma_start3A_574 : memref<1x1x8x128xi32, #tpu.memory_space<hbm>> -> memref<8x128xi32, #tpu.memory_space<hbm>>
        %dma_start3A_576 = arith.constant 0 : i32
        %dma_start3A_577 = arith.constant 0 : i32
        %dma_start3A_578 = tpu.memref_slice %arg3[%add3A, %add3A_318, %dma_start3A_576, %dma_start3A_577] : memref<32x10x8x128xi32, #tpu.memory_space<hbm>> -> memref<1x1x8x128xi32, #tpu.memory_space<hbm>>
        %dma_start3A_579 = tpu.memref_squeeze %dma_start3A_578 : memref<1x1x8x128xi32, #tpu.memory_space<hbm>> -> memref<8x128xi32, #tpu.memory_space<hbm>>
        tpu.enqueue_dma source(%dma_start3A_579 : memref<8x128xi32, #tpu.memory_space<hbm>>) target(%arg6 : memref<8x128xi32, #tpu.memory_space<vmem>>) target_semaphore(%arg17 : memref<!tpu.dma_semaphore, #tpu.memory_space<semaphore_mem>>)
        %dma_start3A_580 = arith.constant 0 : i32
        %dma_start3A_581 = arith.constant 0 : i32
        %dma_start3A_582 = tpu.memref_slice %arg4[%add3A, %add3A_318, %dma_start3A_580, %dma_start3A_581] : memref<32x10x8x128xi32, #tpu.memory_space<hbm>> -> memref<1x1x8x128xi32, #tpu.memory_space<hbm>>
        %dma_start3A_583 = tpu.memref_squeeze %dma_start3A_582 : memref<1x1x8x128xi32, #tpu.memory_space<hbm>> -> memref<8x128xi32, #tpu.memory_space<hbm>>
        %dma_start3A_584 = arith.constant 0 : i32
        %dma_start3A_585 = arith.constant 0 : i32
        %dma_start3A_586 = tpu.memref_slice %arg4[%add3A, %add3A_318, %dma_start3A_584, %dma_start3A_585] : memref<32x10x8x128xi32, #tpu.memory_space<hbm>> -> memref<1x1x8x128xi32, #tpu.memory_space<hbm>>
        %dma_start3A_587 = tpu.memref_squeeze %dma_start3A_586 : memref<1x1x8x128xi32, #tpu.memory_space<hbm>> -> memref<8x128xi32, #tpu.memory_space<hbm>>
        tpu.enqueue_dma source(%dma_start3A_587 : memref<8x128xi32, #tpu.memory_space<hbm>>) target(%arg8 : memref<8x128xi32, #tpu.memory_space<vmem>>) target_semaphore(%arg17 : memref<!tpu.dma_semaphore, #tpu.memory_space<semaphore_mem>>)
      } else {
      }
      %dma_wait3A_321 = arith.constant 0 : i32
      %dma_wait3A_322 = arith.constant 0 : i32
      %dma_wait3A_323 = arith.constant 0 : i32
      %dma_wait3A_324 = tpu.memref_slice %arg3[%add3A, %dma_wait3A_321, %dma_wait3A_322, %dma_wait3A_323] : memref<32x10x8x128xi32, #tpu.memory_space<hbm>> -> memref<1x1x8x128xi32, #tpu.memory_space<hbm>>
      %dma_wait3A_325 = tpu.memref_squeeze %dma_wait3A_324 : memref<1x1x8x128xi32, #tpu.memory_space<hbm>> -> memref<8x128xi32, #tpu.memory_space<hbm>>
      %dma_wait3A_326 = arith.constant 0 : i32
      %dma_wait3A_327 = arith.constant 0 : i32
      %dma_wait3A_328 = tpu.memref_slice %arg3[%add3A, %dma_wait3A_321, %dma_wait3A_326, %dma_wait3A_327] : memref<32x10x8x128xi32, #tpu.memory_space<hbm>> -> memref<1x1x8x128xi32, #tpu.memory_space<hbm>>
      %dma_wait3A_329 = tpu.memref_squeeze %dma_wait3A_328 : memref<1x1x8x128xi32, #tpu.memory_space<hbm>> -> memref<8x128xi32, #tpu.memory_space<hbm>>
      tpu.wait_dma2 semaphore(%arg18 : memref<!tpu.dma_semaphore, #tpu.memory_space<semaphore_mem>>) src(%dma_wait3A_329 : memref<8x128xi32, #tpu.memory_space<hbm>>) dst(%arg7 : memref<8x128xi32, #tpu.memory_space<vmem>>)
      %dma_wait3A_330 = arith.constant 0 : i32
      %dma_wait3A_331 = arith.constant 0 : i32
      %dma_wait3A_332 = arith.constant 0 : i32
      %dma_wait3A_333 = tpu.memref_slice %arg4[%add3A, %dma_wait3A_330, %dma_wait3A_331, %dma_wait3A_332] : memref<32x10x8x128xi32, #tpu.memory_space<hbm>> -> memref<1x1x8x128xi32, #tpu.memory_space<hbm>>
      %dma_wait3A_334 = tpu.memref_squeeze %dma_wait3A_333 : memref<1x1x8x128xi32, #tpu.memory_space<hbm>> -> memref<8x128xi32, #tpu.memory_space<hbm>>
      %dma_wait3A_335 = arith.constant 0 : i32
      %dma_wait3A_336 = arith.constant 0 : i32
      %dma_wait3A_337 = tpu.memref_slice %arg4[%add3A, %dma_wait3A_330, %dma_wait3A_335, %dma_wait3A_336] : memref<32x10x8x128xi32, #tpu.memory_space<hbm>> -> memref<1x1x8x128xi32, #tpu.memory_space<hbm>>
      %dma_wait3A_338 = tpu.memref_squeeze %dma_wait3A_337 : memref<1x1x8x128xi32, #tpu.memory_space<hbm>> -> memref<8x128xi32, #tpu.memory_space<hbm>>
      tpu.wait_dma2 semaphore(%arg18 : memref<!tpu.dma_semaphore, #tpu.memory_space<semaphore_mem>>) src(%dma_wait3A_338 : memref<8x128xi32, #tpu.memory_space<hbm>>) dst(%arg9 : memref<8x128xi32, #tpu.memory_space<vmem>>)
      %dma_start3A_339 = arith.constant 0 : i32
      %dma_start3A_340 = arith.constant 0 : i32
      %dma_start3A_341 = tpu.memref_slice %arg7[%dma_start3A_339, %dma_start3A_340] : memref<8x128xi32, #tpu.memory_space<vmem>> -> memref<1x128xi32, #tpu.memory_space<vmem>>
      %dma_start3A_342 = tpu.memref_squeeze %dma_start3A_341 : memref<1x128xi32, #tpu.memory_space<vmem>> -> memref<128xi32, #tpu.memory_space<vmem>>
      %dma_start3A_343 = arith.constant 0 : i32
      %dma_start3A_344 = arith.constant 0 : i32
      %dma_start3A_345 = tpu.memref_slice %arg2[%dma_start3A_343, %dma_start3A_344] : memref<10240x128xf32, #tpu.memory_space<hbm>> -> memref<10240x128xf32, #tpu.memory_space<hbm>>
      tpu.enqueue_indirect_dma source(%dma_start3A_345 : memref<10240x128xf32, #tpu.memory_space<hbm>>) target(%arg10 : memref<128x128xf32, #tpu.memory_space<vmem>>) offsets(%dma_start3A_342 : memref<128xi32, #tpu.memory_space<vmem>>) semaphore(%arg13 : memref<!tpu.dma_semaphore, #tpu.memory_space<semaphore_mem>>)
      %dma_wait3A_346 = arith.constant 0 : i32
      %dma_wait3A_347 = arith.constant 0 : i32
      %dma_wait3A_348 = tpu.memref_slice %arg7[%dma_wait3A_346, %dma_wait3A_347] : memref<8x128xi32, #tpu.memory_space<vmem>> -> memref<1x128xi32, #tpu.memory_space<vmem>>
      %dma_wait3A_349 = tpu.memref_squeeze %dma_wait3A_348 : memref<1x128xi32, #tpu.memory_space<vmem>> -> memref<128xi32, #tpu.memory_space<vmem>>
      %dma_wait3A_350 = arith.constant 0 : i32
      %dma_wait3A_351 = arith.constant 0 : i32
      %dma_wait3A_352 = tpu.memref_slice %arg2[%dma_wait3A_350, %dma_wait3A_351] : memref<10240x128xf32, #tpu.memory_space<hbm>> -> memref<10240x128xf32, #tpu.memory_space<hbm>>
      tpu.wait_indirect_dma semaphore(%arg13 : memref<!tpu.dma_semaphore, #tpu.memory_space<semaphore_mem>>) src(%dma_wait3A_352 : memref<10240x128xf32, #tpu.memory_space<hbm>>) dst(%arg10 : memref<128x128xf32, #tpu.memory_space<vmem>>)
      %dma_start3A_353 = arith.constant 0 : i32
      %dma_start3A_354 = arith.constant 0 : i32
      %dma_start3A_355 = tpu.memref_slice %arg9[%dma_start3A_353, %dma_start3A_354] : memref<8x128xi32, #tpu.memory_space<vmem>> -> memref<1x128xi32, #tpu.memory_space<vmem>>
      %dma_start3A_356 = tpu.memref_squeeze %dma_start3A_355 : memref<1x128xi32, #tpu.memory_space<vmem>> -> memref<128xi32, #tpu.memory_space<vmem>>
      %dma_start3A_357 = arith.constant 0 : i32
      %dma_start3A_358 = arith.constant 0 : i32
      %dma_start3A_359 = tpu.memref_slice %arg12[%dma_start3A_357, %dma_start3A_358] : memref<10240x128xf32, #tpu.memory_space<vmem_shared>> -> memref<10240x128xf32, #tpu.memory_space<vmem_shared>>
      tpu.enqueue_indirect_dma source(%arg10 : memref<128x128xf32, #tpu.memory_space<vmem>>) target(%dma_start3A_359 : memref<10240x128xf32, #tpu.memory_space<vmem_shared>>) offsets(%dma_start3A_356 : memref<128xi32, #tpu.memory_space<vmem>>) semaphore(%arg15 : memref<!tpu.dma_semaphore, #tpu.memory_space<semaphore_mem>>) {add = true}
      %dma_start3A_360 = arith.constant 1 : i32
      %dma_start3A_361 = arith.constant 0 : i32
      %dma_start3A_362 = tpu.memref_slice %arg7[%dma_start3A_360, %dma_start3A_361] : memref<8x128xi32, #tpu.memory_space<vmem>> -> memref<1x128xi32, #tpu.memory_space<vmem>>
      %dma_start3A_363 = tpu.memref_squeeze %dma_start3A_362 : memref<1x128xi32, #tpu.memory_space<vmem>> -> memref<128xi32, #tpu.memory_space<vmem>>
      %dma_start3A_364 = arith.constant 0 : i32
      %dma_start3A_365 = arith.constant 0 : i32
      %dma_start3A_366 = tpu.memref_slice %arg2[%dma_start3A_364, %dma_start3A_365] : memref<10240x128xf32, #tpu.memory_space<hbm>> -> memref<10240x128xf32, #tpu.memory_space<hbm>>
      tpu.enqueue_indirect_dma source(%dma_start3A_366 : memref<10240x128xf32, #tpu.memory_space<hbm>>) target(%arg11 : memref<128x128xf32, #tpu.memory_space<vmem>>) offsets(%dma_start3A_363 : memref<128xi32, #tpu.memory_space<vmem>>) semaphore(%arg14 : memref<!tpu.dma_semaphore, #tpu.memory_space<semaphore_mem>>)
      %dma_wait3A_367 = arith.constant 1 : i32
      %dma_wait3A_368 = arith.constant 0 : i32
      %dma_wait3A_369 = tpu.memref_slice %arg7[%dma_wait3A_367, %dma_wait3A_368] : memref<8x128xi32, #tpu.memory_space<vmem>> -> memref<1x128xi32, #tpu.memory_space<vmem>>
      %dma_wait3A_370 = tpu.memref_squeeze %dma_wait3A_369 : memref<1x128xi32, #tpu.memory_space<vmem>> -> memref<128xi32, #tpu.memory_space<vmem>>
      %dma_wait3A_371 = arith.constant 0 : i32
      %dma_wait3A_372 = arith.constant 0 : i32
      %dma_wait3A_373 = tpu.memref_slice %arg2[%dma_wait3A_371, %dma_wait3A_372] : memref<10240x128xf32, #tpu.memory_space<hbm>> -> memref<10240x128xf32, #tpu.memory_space<hbm>>
      tpu.wait_indirect_dma semaphore(%arg14 : memref<!tpu.dma_semaphore, #tpu.memory_space<semaphore_mem>>) src(%dma_wait3A_373 : memref<10240x128xf32, #tpu.memory_space<hbm>>) dst(%arg11 : memref<128x128xf32, #tpu.memory_space<vmem>>)
      %dma_start3A_374 = arith.constant 1 : i32
      %dma_start3A_375 = arith.constant 0 : i32
      %dma_start3A_376 = tpu.memref_slice %arg9[%dma_start3A_374, %dma_start3A_375] : memref<8x128xi32, #tpu.memory_space<vmem>> -> memref<1x128xi32, #tpu.memory_space<vmem>>
      %dma_start3A_377 = tpu.memref_squeeze %dma_start3A_376 : memref<1x128xi32, #tpu.memory_space<vmem>> -> memref<128xi32, #tpu.memory_space<vmem>>
      %dma_start3A_378 = arith.constant 0 : i32
      %dma_start3A_379 = arith.constant 0 : i32
      %dma_start3A_380 = tpu.memref_slice %arg12[%dma_start3A_378, %dma_start3A_379] : memref<10240x128xf32, #tpu.memory_space<vmem_shared>> -> memref<10240x128xf32, #tpu.memory_space<vmem_shared>>
      tpu.enqueue_indirect_dma source(%arg11 : memref<128x128xf32, #tpu.memory_space<vmem>>) target(%dma_start3A_380 : memref<10240x128xf32, #tpu.memory_space<vmem_shared>>) offsets(%dma_start3A_377 : memref<128xi32, #tpu.memory_space<vmem>>) semaphore(%arg16 : memref<!tpu.dma_semaphore, #tpu.memory_space<semaphore_mem>>) {add = true}
      %dma_wait3A_381 = arith.constant 0 : i32
      %dma_wait3A_382 = arith.constant 0 : i32
      %dma_wait3A_383 = tpu.memref_slice %arg9[%dma_wait3A_381, %dma_wait3A_382] : memref<8x128xi32, #tpu.memory_space<vmem>> -> memref<1x128xi32, #tpu.memory_space<vmem>>
      %dma_wait3A_384 = tpu.memref_squeeze %dma_wait3A_383 : memref<1x128xi32, #tpu.memory_space<vmem>> -> memref<128xi32, #tpu.memory_space<vmem>>
      %dma_wait3A_385 = arith.constant 0 : i32
      %dma_wait3A_386 = arith.constant 0 : i32
      %dma_wait3A_387 = tpu.memref_slice %arg12[%dma_wait3A_385, %dma_wait3A_386] : memref<10240x128xf32, #tpu.memory_space<vmem_shared>> -> memref<10240x128xf32, #tpu.memory_space<vmem_shared>>
      tpu.wait_indirect_dma semaphore(%arg15 : memref<!tpu.dma_semaphore, #tpu.memory_space<semaphore_mem>>) src(%arg10 : memref<128x128xf32, #tpu.memory_space<vmem>>) dst(%dma_wait3A_387 : memref<10240x128xf32, #tpu.memory_space<vmem_shared>>)
      %dma_start3A_388 = arith.constant 2 : i32
      %dma_start3A_389 = arith.constant 0 : i32
      %dma_start3A_390 = tpu.memref_slice %arg7[%dma_start3A_388, %dma_start3A_389] : memref<8x128xi32, #tpu.memory_space<vmem>> -> memref<1x128xi32, #tpu.memory_space<vmem>>
      %dma_start3A_391 = tpu.memref_squeeze %dma_start3A_390 : memref<1x128xi32, #tpu.memory_space<vmem>> -> memref<128xi32, #tpu.memory_space<vmem>>
      %dma_start3A_392 = arith.constant 0 : i32
      %dma_start3A_393 = arith.constant 0 : i32
      %dma_start3A_394 = tpu.memref_slice %arg2[%dma_start3A_392, %dma_start3A_393] : memref<10240x128xf32, #tpu.memory_space<hbm>> -> memref<10240x128xf32, #tpu.memory_space<hbm>>
      tpu.enqueue_indirect_dma source(%dma_start3A_394 : memref<10240x128xf32, #tpu.memory_space<hbm>>) target(%arg10 : memref<128x128xf32, #tpu.memory_space<vmem>>) offsets(%dma_start3A_391 : memref<128xi32, #tpu.memory_space<vmem>>) semaphore(%arg13 : memref<!tpu.dma_semaphore, #tpu.memory_space<semaphore_mem>>)
      %dma_wait3A_395 = arith.constant 2 : i32
      %dma_wait3A_396 = arith.constant 0 : i32
      %dma_wait3A_397 = tpu.memref_slice %arg7[%dma_wait3A_395, %dma_wait3A_396] : memref<8x128xi32, #tpu.memory_space<vmem>> -> memref<1x128xi32, #tpu.memory_space<vmem>>
      %dma_wait3A_398 = tpu.memref_squeeze %dma_wait3A_397 : memref<1x128xi32, #tpu.memory_space<vmem>> -> memref<128xi32, #tpu.memory_space<vmem>>
      %dma_wait3A_399 = arith.constant 0 : i32
      %dma_wait3A_400 = arith.constant 0 : i32
      %dma_wait3A_401 = tpu.memref_slice %arg2[%dma_wait3A_399, %dma_wait3A_400] : memref<10240x128xf32, #tpu.memory_space<hbm>> -> memref<10240x128xf32, #tpu.memory_space<hbm>>
      tpu.wait_indirect_dma semaphore(%arg13 : memref<!tpu.dma_semaphore, #tpu.memory_space<semaphore_mem>>) src(%dma_wait3A_401 : memref<10240x128xf32, #tpu.memory_space<hbm>>) dst(%arg10 : memref<128x128xf32, #tpu.memory_space<vmem>>)
      %dma_start3A_402 = arith.constant 2 : i32
      %dma_start3A_403 = arith.constant 0 : i32
      %dma_start3A_404 = tpu.memref_slice %arg9[%dma_start3A_402, %dma_start3A_403] : memref<8x128xi32, #tpu.memory_space<vmem>> -> memref<1x128xi32, #tpu.memory_space<vmem>>
      %dma_start3A_405 = tpu.memref_squeeze %dma_start3A_404 : memref<1x128xi32, #tpu.memory_space<vmem>> -> memref<128xi32, #tpu.memory_space<vmem>>
      %dma_start3A_406 = arith.constant 0 : i32
      %dma_start3A_407 = arith.constant 0 : i32
      %dma_start3A_408 = tpu.memref_slice %arg12[%dma_start3A_406, %dma_start3A_407] : memref<10240x128xf32, #tpu.memory_space<vmem_shared>> -> memref<10240x128xf32, #tpu.memory_space<vmem_shared>>
      tpu.enqueue_indirect_dma source(%arg10 : memref<128x128xf32, #tpu.memory_space<vmem>>) target(%dma_start3A_408 : memref<10240x128xf32, #tpu.memory_space<vmem_shared>>) offsets(%dma_start3A_405 : memref<128xi32, #tpu.memory_space<vmem>>) semaphore(%arg15 : memref<!tpu.dma_semaphore, #tpu.memory_space<semaphore_mem>>) {add = true}
      %dma_wait3A_409 = arith.constant 1 : i32
      %dma_wait3A_410 = arith.constant 0 : i32
      %dma_wait3A_411 = tpu.memref_slice %arg9[%dma_wait3A_409, %dma_wait3A_410] : memref<8x128xi32, #tpu.memory_space<vmem>> -> memref<1x128xi32, #tpu.memory_space<vmem>>
      %dma_wait3A_412 = tpu.memref_squeeze %dma_wait3A_411 : memref<1x128xi32, #tpu.memory_space<vmem>> -> memref<128xi32, #tpu.memory_space<vmem>>
      %dma_wait3A_413 = arith.constant 0 : i32
      %dma_wait3A_414 = arith.constant 0 : i32
      %dma_wait3A_415 = tpu.memref_slice %arg12[%dma_wait3A_413, %dma_wait3A_414] : memref<10240x128xf32, #tpu.memory_space<vmem_shared>> -> memref<10240x128xf32, #tpu.memory_space<vmem_shared>>
      tpu.wait_indirect_dma semaphore(%arg16 : memref<!tpu.dma_semaphore, #tpu.memory_space<semaphore_mem>>) src(%arg11 : memref<128x128xf32, #tpu.memory_space<vmem>>) dst(%dma_wait3A_415 : memref<10240x128xf32, #tpu.memory_space<vmem_shared>>)
      %dma_start3A_416 = arith.constant 3 : i32
      %dma_start3A_417 = arith.constant 0 : i32
      %dma_start3A_418 = tpu.memref_slice %arg7[%dma_start3A_416, %dma_start3A_417] : memref<8x128xi32, #tpu.memory_space<vmem>> -> memref<1x128xi32, #tpu.memory_space<vmem>>
      %dma_start3A_419 = tpu.memref_squeeze %dma_start3A_418 : memref<1x128xi32, #tpu.memory_space<vmem>> -> memref<128xi32, #tpu.memory_space<vmem>>
      %dma_start3A_420 = arith.constant 0 : i32
      %dma_start3A_421 = arith.constant 0 : i32
      %dma_start3A_422 = tpu.memref_slice %arg2[%dma_start3A_420, %dma_start3A_421] : memref<10240x128xf32, #tpu.memory_space<hbm>> -> memref<10240x128xf32, #tpu.memory_space<hbm>>
      tpu.enqueue_indirect_dma source(%dma_start3A_422 : memref<10240x128xf32, #tpu.memory_space<hbm>>) target(%arg11 : memref<128x128xf32, #tpu.memory_space<vmem>>) offsets(%dma_start3A_419 : memref<128xi32, #tpu.memory_space<vmem>>) semaphore(%arg14 : memref<!tpu.dma_semaphore, #tpu.memory_space<semaphore_mem>>)
      %dma_wait3A_423 = arith.constant 3 : i32
      %dma_wait3A_424 = arith.constant 0 : i32
      %dma_wait3A_425 = tpu.memref_slice %arg7[%dma_wait3A_423, %dma_wait3A_424] : memref<8x128xi32, #tpu.memory_space<vmem>> -> memref<1x128xi32, #tpu.memory_space<vmem>>
      %dma_wait3A_426 = tpu.memref_squeeze %dma_wait3A_425 : memref<1x128xi32, #tpu.memory_space<vmem>> -> memref<128xi32, #tpu.memory_space<vmem>>
      %dma_wait3A_427 = arith.constant 0 : i32
      %dma_wait3A_428 = arith.constant 0 : i32
      %dma_wait3A_429 = tpu.memref_slice %arg2[%dma_wait3A_427, %dma_wait3A_428] : memref<10240x128xf32, #tpu.memory_space<hbm>> -> memref<10240x128xf32, #tpu.memory_space<hbm>>
      tpu.wait_indirect_dma semaphore(%arg14 : memref<!tpu.dma_semaphore, #tpu.memory_space<semaphore_mem>>) src(%dma_wait3A_429 : memref<10240x128xf32, #tpu.memory_space<hbm>>) dst(%arg11 : memref<128x128xf32, #tpu.memory_space<vmem>>)
      %dma_start3A_430 = arith.constant 3 : i32
      %dma_start3A_431 = arith.constant 0 : i32
      %dma_start3A_432 = tpu.memref_slice %arg9[%dma_start3A_430, %dma_start3A_431] : memref<8x128xi32, #tpu.memory_space<vmem>> -> memref<1x128xi32, #tpu.memory_space<vmem>>
      %dma_start3A_433 = tpu.memref_squeeze %dma_start3A_432 : memref<1x128xi32, #tpu.memory_space<vmem>> -> memref<128xi32, #tpu.memory_space<vmem>>
      %dma_start3A_434 = arith.constant 0 : i32
      %dma_start3A_435 = arith.constant 0 : i32
      %dma_start3A_436 = tpu.memref_slice %arg12[%dma_start3A_434, %dma_start3A_435] : memref<10240x128xf32, #tpu.memory_space<vmem_shared>> -> memref<10240x128xf32, #tpu.memory_space<vmem_shared>>
      tpu.enqueue_indirect_dma source(%arg11 : memref<128x128xf32, #tpu.memory_space<vmem>>) target(%dma_start3A_436 : memref<10240x128xf32, #tpu.memory_space<vmem_shared>>) offsets(%dma_start3A_433 : memref<128xi32, #tpu.memory_space<vmem>>) semaphore(%arg16 : memref<!tpu.dma_semaphore, #tpu.memory_space<semaphore_mem>>) {add = true}
      %dma_wait3A_437 = arith.constant 2 : i32
      %dma_wait3A_438 = arith.constant 0 : i32
      %dma_wait3A_439 = tpu.memref_slice %arg9[%dma_wait3A_437, %dma_wait3A_438] : memref<8x128xi32, #tpu.memory_space<vmem>> -> memref<1x128xi32, #tpu.memory_space<vmem>>
      %dma_wait3A_440 = tpu.memref_squeeze %dma_wait3A_439 : memref<1x128xi32, #tpu.memory_space<vmem>> -> memref<128xi32, #tpu.memory_space<vmem>>
      %dma_wait3A_441 = arith.constant 0 : i32
      %dma_wait3A_442 = arith.constant 0 : i32
      %dma_wait3A_443 = tpu.memref_slice %arg12[%dma_wait3A_441, %dma_wait3A_442] : memref<10240x128xf32, #tpu.memory_space<vmem_shared>> -> memref<10240x128xf32, #tpu.memory_space<vmem_shared>>
      tpu.wait_indirect_dma semaphore(%arg15 : memref<!tpu.dma_semaphore, #tpu.memory_space<semaphore_mem>>) src(%arg10 : memref<128x128xf32, #tpu.memory_space<vmem>>) dst(%dma_wait3A_443 : memref<10240x128xf32, #tpu.memory_space<vmem_shared>>)
      %dma_start3A_444 = arith.constant 4 : i32
      %dma_start3A_445 = arith.constant 0 : i32
      %dma_start3A_446 = tpu.memref_slice %arg7[%dma_start3A_444, %dma_start3A_445] : memref<8x128xi32, #tpu.memory_space<vmem>> -> memref<1x128xi32, #tpu.memory_space<vmem>>
      %dma_start3A_447 = tpu.memref_squeeze %dma_start3A_446 : memref<1x128xi32, #tpu.memory_space<vmem>> -> memref<128xi32, #tpu.memory_space<vmem>>
      %dma_start3A_448 = arith.constant 0 : i32
      %dma_start3A_449 = arith.constant 0 : i32
      %dma_start3A_450 = tpu.memref_slice %arg2[%dma_start3A_448, %dma_start3A_449] : memref<10240x128xf32, #tpu.memory_space<hbm>> -> memref<10240x128xf32, #tpu.memory_space<hbm>>
      tpu.enqueue_indirect_dma source(%dma_start3A_450 : memref<10240x128xf32, #tpu.memory_space<hbm>>) target(%arg10 : memref<128x128xf32, #tpu.memory_space<vmem>>) offsets(%dma_start3A_447 : memref<128xi32, #tpu.memory_space<vmem>>) semaphore(%arg13 : memref<!tpu.dma_semaphore, #tpu.memory_space<semaphore_mem>>)
      %dma_wait3A_451 = arith.constant 4 : i32
      %dma_wait3A_452 = arith.constant 0 : i32
      %dma_wait3A_453 = tpu.memref_slice %arg7[%dma_wait3A_451, %dma_wait3A_452] : memref<8x128xi32, #tpu.memory_space<vmem>> -> memref<1x128xi32, #tpu.memory_space<vmem>>
      %dma_wait3A_454 = tpu.memref_squeeze %dma_wait3A_453 : memref<1x128xi32, #tpu.memory_space<vmem>> -> memref<128xi32, #tpu.memory_space<vmem>>
      %dma_wait3A_455 = arith.constant 0 : i32
      %dma_wait3A_456 = arith.constant 0 : i32
      %dma_wait3A_457 = tpu.memref_slice %arg2[%dma_wait3A_455, %dma_wait3A_456] : memref<10240x128xf32, #tpu.memory_space<hbm>> -> memref<10240x128xf32, #tpu.memory_space<hbm>>
      tpu.wait_indirect_dma semaphore(%arg13 : memref<!tpu.dma_semaphore, #tpu.memory_space<semaphore_mem>>) src(%dma_wait3A_457 : memref<10240x128xf32, #tpu.memory_space<hbm>>) dst(%arg10 : memref<128x128xf32, #tpu.memory_space<vmem>>)
      %dma_start3A_458 = arith.constant 4 : i32
      %dma_start3A_459 = arith.constant 0 : i32
      %dma_start3A_460 = tpu.memref_slice %arg9[%dma_start3A_458, %dma_start3A_459] : memref<8x128xi32, #tpu.memory_space<vmem>> -> memref<1x128xi32, #tpu.memory_space<vmem>>
      %dma_start3A_461 = tpu.memref_squeeze %dma_start3A_460 : memref<1x128xi32, #tpu.memory_space<vmem>> -> memref<128xi32, #tpu.memory_space<vmem>>
      %dma_start3A_462 = arith.constant 0 : i32
      %dma_start3A_463 = arith.constant 0 : i32
      %dma_start3A_464 = tpu.memref_slice %arg12[%dma_start3A_462, %dma_start3A_463] : memref<10240x128xf32, #tpu.memory_space<vmem_shared>> -> memref<10240x128xf32, #tpu.memory_space<vmem_shared>>
      tpu.enqueue_indirect_dma source(%arg10 : memref<128x128xf32, #tpu.memory_space<vmem>>) target(%dma_start3A_464 : memref<10240x128xf32, #tpu.memory_space<vmem_shared>>) offsets(%dma_start3A_461 : memref<128xi32, #tpu.memory_space<vmem>>) semaphore(%arg15 : memref<!tpu.dma_semaphore, #tpu.memory_space<semaphore_mem>>) {add = true}
      %dma_wait3A_465 = arith.constant 3 : i32
      %dma_wait3A_466 = arith.constant 0 : i32
      %dma_wait3A_467 = tpu.memref_slice %arg9[%dma_wait3A_465, %dma_wait3A_466] : memref<8x128xi32, #tpu.memory_space<vmem>> -> memref<1x128xi32, #tpu.memory_space<vmem>>
      %dma_wait3A_468 = tpu.memref_squeeze %dma_wait3A_467 : memref<1x128xi32, #tpu.memory_space<vmem>> -> memref<128xi32, #tpu.memory_space<vmem>>
      %dma_wait3A_469 = arith.constant 0 : i32
      %dma_wait3A_470 = arith.constant 0 : i32
      %dma_wait3A_471 = tpu.memref_slice %arg12[%dma_wait3A_469, %dma_wait3A_470] : memref<10240x128xf32, #tpu.memory_space<vmem_shared>> -> memref<10240x128xf32, #tpu.memory_space<vmem_shared>>
      tpu.wait_indirect_dma semaphore(%arg16 : memref<!tpu.dma_semaphore, #tpu.memory_space<semaphore_mem>>) src(%arg11 : memref<128x128xf32, #tpu.memory_space<vmem>>) dst(%dma_wait3A_471 : memref<10240x128xf32, #tpu.memory_space<vmem_shared>>)
      %dma_start3A_472 = arith.constant 5 : i32
      %dma_start3A_473 = arith.constant 0 : i32
      %dma_start3A_474 = tpu.memref_slice %arg7[%dma_start3A_472, %dma_start3A_473] : memref<8x128xi32, #tpu.memory_space<vmem>> -> memref<1x128xi32, #tpu.memory_space<vmem>>
      %dma_start3A_475 = tpu.memref_squeeze %dma_start3A_474 : memref<1x128xi32, #tpu.memory_space<vmem>> -> memref<128xi32, #tpu.memory_space<vmem>>
      %dma_start3A_476 = arith.constant 0 : i32
      %dma_start3A_477 = arith.constant 0 : i32
      %dma_start3A_478 = tpu.memref_slice %arg2[%dma_start3A_476, %dma_start3A_477] : memref<10240x128xf32, #tpu.memory_space<hbm>> -> memref<10240x128xf32, #tpu.memory_space<hbm>>
      tpu.enqueue_indirect_dma source(%dma_start3A_478 : memref<10240x128xf32, #tpu.memory_space<hbm>>) target(%arg11 : memref<128x128xf32, #tpu.memory_space<vmem>>) offsets(%dma_start3A_475 : memref<128xi32, #tpu.memory_space<vmem>>) semaphore(%arg14 : memref<!tpu.dma_semaphore, #tpu.memory_space<semaphore_mem>>)
      %dma_wait3A_479 = arith.constant 5 : i32
      %dma_wait3A_480 = arith.constant 0 : i32
      %dma_wait3A_481 = tpu.memref_slice %arg7[%dma_wait3A_479, %dma_wait3A_480] : memref<8x128xi32, #tpu.memory_space<vmem>> -> memref<1x128xi32, #tpu.memory_space<vmem>>
      %dma_wait3A_482 = tpu.memref_squeeze %dma_wait3A_481 : memref<1x128xi32, #tpu.memory_space<vmem>> -> memref<128xi32, #tpu.memory_space<vmem>>
      %dma_wait3A_483 = arith.constant 0 : i32
      %dma_wait3A_484 = arith.constant 0 : i32
      %dma_wait3A_485 = tpu.memref_slice %arg2[%dma_wait3A_483, %dma_wait3A_484] : memref<10240x128xf32, #tpu.memory_space<hbm>> -> memref<10240x128xf32, #tpu.memory_space<hbm>>
      tpu.wait_indirect_dma semaphore(%arg14 : memref<!tpu.dma_semaphore, #tpu.memory_space<semaphore_mem>>) src(%dma_wait3A_485 : memref<10240x128xf32, #tpu.memory_space<hbm>>) dst(%arg11 : memref<128x128xf32, #tpu.memory_space<vmem>>)
      %dma_start3A_486 = arith.constant 5 : i32
      %dma_start3A_487 = arith.constant 0 : i32
      %dma_start3A_488 = tpu.memref_slice %arg9[%dma_start3A_486, %dma_start3A_487] : memref<8x128xi32, #tpu.memory_space<vmem>> -> memref<1x128xi32, #tpu.memory_space<vmem>>
      %dma_start3A_489 = tpu.memref_squeeze %dma_start3A_488 : memref<1x128xi32, #tpu.memory_space<vmem>> -> memref<128xi32, #tpu.memory_space<vmem>>
      %dma_start3A_490 = arith.constant 0 : i32
      %dma_start3A_491 = arith.constant 0 : i32
      %dma_start3A_492 = tpu.memref_slice %arg12[%dma_start3A_490, %dma_start3A_491] : memref<10240x128xf32, #tpu.memory_space<vmem_shared>> -> memref<10240x128xf32, #tpu.memory_space<vmem_shared>>
      tpu.enqueue_indirect_dma source(%arg11 : memref<128x128xf32, #tpu.memory_space<vmem>>) target(%dma_start3A_492 : memref<10240x128xf32, #tpu.memory_space<vmem_shared>>) offsets(%dma_start3A_489 : memref<128xi32, #tpu.memory_space<vmem>>) semaphore(%arg16 : memref<!tpu.dma_semaphore, #tpu.memory_space<semaphore_mem>>) {add = true}
      %dma_wait3A_493 = arith.constant 4 : i32
      %dma_wait3A_494 = arith.constant 0 : i32
      %dma_wait3A_495 = tpu.memref_slice %arg9[%dma_wait3A_493, %dma_wait3A_494] : memref<8x128xi32, #tpu.memory_space<vmem>> -> memref<1x128xi32, #tpu.memory_space<vmem>>
      %dma_wait3A_496 = tpu.memref_squeeze %dma_wait3A_495 : memref<1x128xi32, #tpu.memory_space<vmem>> -> memref<128xi32, #tpu.memory_space<vmem>>
      %dma_wait3A_497 = arith.constant 0 : i32
      %dma_wait3A_498 = arith.constant 0 : i32
      %dma_wait3A_499 = tpu.memref_slice %arg12[%dma_wait3A_497, %dma_wait3A_498] : memref<10240x128xf32, #tpu.memory_space<vmem_shared>> -> memref<10240x128xf32, #tpu.memory_space<vmem_shared>>
      tpu.wait_indirect_dma semaphore(%arg15 : memref<!tpu.dma_semaphore, #tpu.memory_space<semaphore_mem>>) src(%arg10 : memref<128x128xf32, #tpu.memory_space<vmem>>) dst(%dma_wait3A_499 : memref<10240x128xf32, #tpu.memory_space<vmem_shared>>)
      %dma_start3A_500 = arith.constant 6 : i32
      %dma_start3A_501 = arith.constant 0 : i32
      %dma_start3A_502 = tpu.memref_slice %arg7[%dma_start3A_500, %dma_start3A_501] : memref<8x128xi32, #tpu.memory_space<vmem>> -> memref<1x128xi32, #tpu.memory_space<vmem>>
      %dma_start3A_503 = tpu.memref_squeeze %dma_start3A_502 : memref<1x128xi32, #tpu.memory_space<vmem>> -> memref<128xi32, #tpu.memory_space<vmem>>
      %dma_start3A_504 = arith.constant 0 : i32
      %dma_start3A_505 = arith.constant 0 : i32
      %dma_start3A_506 = tpu.memref_slice %arg2[%dma_start3A_504, %dma_start3A_505] : memref<10240x128xf32, #tpu.memory_space<hbm>> -> memref<10240x128xf32, #tpu.memory_space<hbm>>
      tpu.enqueue_indirect_dma source(%dma_start3A_506 : memref<10240x128xf32, #tpu.memory_space<hbm>>) target(%arg10 : memref<128x128xf32, #tpu.memory_space<vmem>>) offsets(%dma_start3A_503 : memref<128xi32, #tpu.memory_space<vmem>>) semaphore(%arg13 : memref<!tpu.dma_semaphore, #tpu.memory_space<semaphore_mem>>)
      %dma_wait3A_507 = arith.constant 6 : i32
      %dma_wait3A_508 = arith.constant 0 : i32
      %dma_wait3A_509 = tpu.memref_slice %arg7[%dma_wait3A_507, %dma_wait3A_508] : memref<8x128xi32, #tpu.memory_space<vmem>> -> memref<1x128xi32, #tpu.memory_space<vmem>>
      %dma_wait3A_510 = tpu.memref_squeeze %dma_wait3A_509 : memref<1x128xi32, #tpu.memory_space<vmem>> -> memref<128xi32, #tpu.memory_space<vmem>>
      %dma_wait3A_511 = arith.constant 0 : i32
      %dma_wait3A_512 = arith.constant 0 : i32
      %dma_wait3A_513 = tpu.memref_slice %arg2[%dma_wait3A_511, %dma_wait3A_512] : memref<10240x128xf32, #tpu.memory_space<hbm>> -> memref<10240x128xf32, #tpu.memory_space<hbm>>
      tpu.wait_indirect_dma semaphore(%arg13 : memref<!tpu.dma_semaphore, #tpu.memory_space<semaphore_mem>>) src(%dma_wait3A_513 : memref<10240x128xf32, #tpu.memory_space<hbm>>) dst(%arg10 : memref<128x128xf32, #tpu.memory_space<vmem>>)
      %dma_start3A_514 = arith.constant 6 : i32
      %dma_start3A_515 = arith.constant 0 : i32
      %dma_start3A_516 = tpu.memref_slice %arg9[%dma_start3A_514, %dma_start3A_515] : memref<8x128xi32, #tpu.memory_space<vmem>> -> memref<1x128xi32, #tpu.memory_space<vmem>>
      %dma_start3A_517 = tpu.memref_squeeze %dma_start3A_516 : memref<1x128xi32, #tpu.memory_space<vmem>> -> memref<128xi32, #tpu.memory_space<vmem>>
      %dma_start3A_518 = arith.constant 0 : i32
      %dma_start3A_519 = arith.constant 0 : i32
      %dma_start3A_520 = tpu.memref_slice %arg12[%dma_start3A_518, %dma_start3A_519] : memref<10240x128xf32, #tpu.memory_space<vmem_shared>> -> memref<10240x128xf32, #tpu.memory_space<vmem_shared>>
      tpu.enqueue_indirect_dma source(%arg10 : memref<128x128xf32, #tpu.memory_space<vmem>>) target(%dma_start3A_520 : memref<10240x128xf32, #tpu.memory_space<vmem_shared>>) offsets(%dma_start3A_517 : memref<128xi32, #tpu.memory_space<vmem>>) semaphore(%arg15 : memref<!tpu.dma_semaphore, #tpu.memory_space<semaphore_mem>>) {add = true}
      %dma_wait3A_521 = arith.constant 5 : i32
      %dma_wait3A_522 = arith.constant 0 : i32
      %dma_wait3A_523 = tpu.memref_slice %arg9[%dma_wait3A_521, %dma_wait3A_522] : memref<8x128xi32, #tpu.memory_space<vmem>> -> memref<1x128xi32, #tpu.memory_space<vmem>>
      %dma_wait3A_524 = tpu.memref_squeeze %dma_wait3A_523 : memref<1x128xi32, #tpu.memory_space<vmem>> -> memref<128xi32, #tpu.memory_space<vmem>>
      %dma_wait3A_525 = arith.constant 0 : i32
      %dma_wait3A_526 = arith.constant 0 : i32
      %dma_wait3A_527 = tpu.memref_slice %arg12[%dma_wait3A_525, %dma_wait3A_526] : memref<10240x128xf32, #tpu.memory_space<vmem_shared>> -> memref<10240x128xf32, #tpu.memory_space<vmem_shared>>
      tpu.wait_indirect_dma semaphore(%arg16 : memref<!tpu.dma_semaphore, #tpu.memory_space<semaphore_mem>>) src(%arg11 : memref<128x128xf32, #tpu.memory_space<vmem>>) dst(%dma_wait3A_527 : memref<10240x128xf32, #tpu.memory_space<vmem_shared>>)
      %dma_start3A_528 = arith.constant 7 : i32
      %dma_start3A_529 = arith.constant 0 : i32
      %dma_start3A_530 = tpu.memref_slice %arg7[%dma_start3A_528, %dma_start3A_529] : memref<8x128xi32, #tpu.memory_space<vmem>> -> memref<1x128xi32, #tpu.memory_space<vmem>>
      %dma_start3A_531 = tpu.memref_squeeze %dma_start3A_530 : memref<1x128xi32, #tpu.memory_space<vmem>> -> memref<128xi32, #tpu.memory_space<vmem>>
      %dma_start3A_532 = arith.constant 0 : i32
      %dma_start3A_533 = arith.constant 0 : i32
      %dma_start3A_534 = tpu.memref_slice %arg2[%dma_start3A_532, %dma_start3A_533] : memref<10240x128xf32, #tpu.memory_space<hbm>> -> memref<10240x128xf32, #tpu.memory_space<hbm>>
      tpu.enqueue_indirect_dma source(%dma_start3A_534 : memref<10240x128xf32, #tpu.memory_space<hbm>>) target(%arg11 : memref<128x128xf32, #tpu.memory_space<vmem>>) offsets(%dma_start3A_531 : memref<128xi32, #tpu.memory_space<vmem>>) semaphore(%arg14 : memref<!tpu.dma_semaphore, #tpu.memory_space<semaphore_mem>>)
      %dma_wait3A_535 = arith.constant 7 : i32
      %dma_wait3A_536 = arith.constant 0 : i32
      %dma_wait3A_537 = tpu.memref_slice %arg7[%dma_wait3A_535, %dma_wait3A_536] : memref<8x128xi32, #tpu.memory_space<vmem>> -> memref<1x128xi32, #tpu.memory_space<vmem>>
      %dma_wait3A_538 = tpu.memref_squeeze %dma_wait3A_537 : memref<1x128xi32, #tpu.memory_space<vmem>> -> memref<128xi32, #tpu.memory_space<vmem>>
      %dma_wait3A_539 = arith.constant 0 : i32
      %dma_wait3A_540 = arith.constant 0 : i32
      %dma_wait3A_541 = tpu.memref_slice %arg2[%dma_wait3A_539, %dma_wait3A_540] : memref<10240x128xf32, #tpu.memory_space<hbm>> -> memref<10240x128xf32, #tpu.memory_space<hbm>>
      tpu.wait_indirect_dma semaphore(%arg14 : memref<!tpu.dma_semaphore, #tpu.memory_space<semaphore_mem>>) src(%dma_wait3A_541 : memref<10240x128xf32, #tpu.memory_space<hbm>>) dst(%arg11 : memref<128x128xf32, #tpu.memory_space<vmem>>)
      %dma_start3A_542 = arith.constant 7 : i32
      %dma_start3A_543 = arith.constant 0 : i32
      %dma_start3A_544 = tpu.memref_slice %arg9[%dma_start3A_542, %dma_start3A_543] : memref<8x128xi32, #tpu.memory_space<vmem>> -> memref<1x128xi32, #tpu.memory_space<vmem>>
      %dma_start3A_545 = tpu.memref_squeeze %dma_start3A_544 : memref<1x128xi32, #tpu.memory_space<vmem>> -> memref<128xi32, #tpu.memory_space<vmem>>
      %dma_start3A_546 = arith.constant 0 : i32
      %dma_start3A_547 = arith.constant 0 : i32
      %dma_start3A_548 = tpu.memref_slice %arg12[%dma_start3A_546, %dma_start3A_547] : memref<10240x128xf32, #tpu.memory_space<vmem_shared>> -> memref<10240x128xf32, #tpu.memory_space<vmem_shared>>
      tpu.enqueue_indirect_dma source(%arg11 : memref<128x128xf32, #tpu.memory_space<vmem>>) target(%dma_start3A_548 : memref<10240x128xf32, #tpu.memory_space<vmem_shared>>) offsets(%dma_start3A_545 : memref<128xi32, #tpu.memory_space<vmem>>) semaphore(%arg16 : memref<!tpu.dma_semaphore, #tpu.memory_space<semaphore_mem>>) {add = true}
      %dma_wait3A_549 = arith.constant 6 : i32
      %dma_wait3A_550 = arith.constant 0 : i32
      %dma_wait3A_551 = tpu.memref_slice %arg9[%dma_wait3A_549, %dma_wait3A_550] : memref<8x128xi32, #tpu.memory_space<vmem>> -> memref<1x128xi32, #tpu.memory_space<vmem>>
      %dma_wait3A_552 = tpu.memref_squeeze %dma_wait3A_551 : memref<1x128xi32, #tpu.memory_space<vmem>> -> memref<128xi32, #tpu.memory_space<vmem>>
      %dma_wait3A_553 = arith.constant 0 : i32
      %dma_wait3A_554 = arith.constant 0 : i32
      %dma_wait3A_555 = tpu.memref_slice %arg12[%dma_wait3A_553, %dma_wait3A_554] : memref<10240x128xf32, #tpu.memory_space<vmem_shared>> -> memref<10240x128xf32, #tpu.memory_space<vmem_shared>>
      tpu.wait_indirect_dma semaphore(%arg15 : memref<!tpu.dma_semaphore, #tpu.memory_space<semaphore_mem>>) src(%arg10 : memref<128x128xf32, #tpu.memory_space<vmem>>) dst(%dma_wait3A_555 : memref<10240x128xf32, #tpu.memory_space<vmem_shared>>)
      %dma_wait3A_556 = arith.constant 7 : i32
      %dma_wait3A_557 = arith.constant 0 : i32
      %dma_wait3A_558 = tpu.memref_slice %arg9[%dma_wait3A_556, %dma_wait3A_557] : memref<8x128xi32, #tpu.memory_space<vmem>> -> memref<1x128xi32, #tpu.memory_space<vmem>>
      %dma_wait3A_559 = tpu.memref_squeeze %dma_wait3A_558 : memref<1x128xi32, #tpu.memory_space<vmem>> -> memref<128xi32, #tpu.memory_space<vmem>>
      %dma_wait3A_560 = arith.constant 0 : i32
      %dma_wait3A_561 = arith.constant 0 : i32
      %dma_wait3A_562 = tpu.memref_slice %arg12[%dma_wait3A_560, %dma_wait3A_561] : memref<10240x128xf32, #tpu.memory_space<vmem_shared>> -> memref<10240x128xf32, #tpu.memory_space<vmem_shared>>
      tpu.wait_indirect_dma semaphore(%arg16 : memref<!tpu.dma_semaphore, #tpu.memory_space<semaphore_mem>>) src(%arg11 : memref<128x128xf32, #tpu.memory_space<vmem>>) dst(%dma_wait3A_562 : memref<10240x128xf32, #tpu.memory_space<vmem_shared>>)
      %add3A_563 = arith.constant 1 : i32
      %add3A_564 = arith.addi %add3A_73, %add3A_563 : i32
      %add3A_565 = arith.constant 2 : i32
      %add3A_566 = arith.addi %add3A_564, %add3A_565 : i32
      %lt3A_567 = arith.constant 10 : i32
      %lt3A_568 = arith.cmpi slt, %add3A_566, %lt3A_567 : i32
      %convert_element_type3A_569 = arith.extui %lt3A_568 : i1 to i32
      %cond3A_570 = arith.constant 0 : i32
      %cond3A_571 = arith.cmpi ne, %convert_element_type3A_569, %cond3A_570 : i32
      scf.if %cond3A_571 {
        %dma_start3A_572 = arith.constant 0 : i32
        %dma_start3A_573 = arith.constant 0 : i32
        %dma_start3A_574 = tpu.memref_slice %arg3[%add3A, %add3A_566, %dma_start3A_572, %dma_start3A_573] : memref<32x10x8x128xi32, #tpu.memory_space<hbm>> -> memref<1x1x8x128xi32, #tpu.memory_space<hbm>>
        %dma_start3A_575 = tpu.memref_squeeze %dma_start3A_574 : memref<1x1x8x128xi32, #tpu.memory_space<hbm>> -> memref<8x128xi32, #tpu.memory_space<hbm>>
        %dma_start3A_576 = arith.constant 0 : i32
        %dma_start3A_577 = arith.constant 0 : i32
        %dma_start3A_578 = tpu.memref_slice %arg3[%add3A, %add3A_566, %dma_start3A_576, %dma_start3A_577] : memref<32x10x8x128xi32, #tpu.memory_space<hbm>> -> memref<1x1x8x128xi32, #tpu.memory_space<hbm>>
        %dma_start3A_579 = tpu.memref_squeeze %dma_start3A_578 : memref<1x1x8x128xi32, #tpu.memory_space<hbm>> -> memref<8x128xi32, #tpu.memory_space<hbm>>
        tpu.enqueue_dma source(%dma_start3A_579 : memref<8x128xi32, #tpu.memory_space<hbm>>) target(%arg7 : memref<8x128xi32, #tpu.memory_space<vmem>>) target_semaphore(%arg18 : memref<!tpu.dma_semaphore, #tpu.memory_space<semaphore_mem>>)
        %dma_start3A_580 = arith.constant 0 : i32
        %dma_start3A_581 = arith.constant 0 : i32
        %dma_start3A_582 = tpu.memref_slice %arg4[%add3A, %add3A_566, %dma_start3A_580, %dma_start3A_581] : memref<32x10x8x128xi32, #tpu.memory_space<hbm>> -> memref<1x1x8x128xi32, #tpu.memory_space<hbm>>
        %dma_start3A_583 = tpu.memref_squeeze %dma_start3A_582 : memref<1x1x8x128xi32, #tpu.memory_space<hbm>> -> memref<8x128xi32, #tpu.memory_space<hbm>>
        %dma_start3A_584 = arith.constant 0 : i32
        %dma_start3A_585 = arith.constant 0 : i32
        %dma_start3A_586 = tpu.memref_slice %arg4[%add3A, %add3A_566, %dma_start3A_584, %dma_start3A_585] : memref<32x10x8x128xi32, #tpu.memory_space<hbm>> -> memref<1x1x8x128xi32, #tpu.memory_space<hbm>>
        %dma_start3A_587 = tpu.memref_squeeze %dma_start3A_586 : memref<1x1x8x128xi32, #tpu.memory_space<hbm>> -> memref<8x128xi32, #tpu.memory_space<hbm>>
        tpu.enqueue_dma source(%dma_start3A_587 : memref<8x128xi32, #tpu.memory_space<hbm>>) target(%arg9 : memref<8x128xi32, #tpu.memory_space<vmem>>) target_semaphore(%arg18 : memref<!tpu.dma_semaphore, #tpu.memory_space<semaphore_mem>>)
      } else {
      }
    }
    %scan3A_57 = arith.constant 5 : i32
    %barrier3A_58 = arith.constant 0 : index
    tpu.barrier barrier_id(%barrier3A_58)
    %add3A_59 = arith.constant 0 : i32
    %add3A_60 = arith.addi %mul3A_7, %add3A_59 : i32
    "tpu.region"() ({
      %run_scoped3A = tpu.sem_alloc : memref<!tpu.dma_semaphore, #tpu.memory_space<semaphore_mem>>
      %dma_start3A_69 = arith.constant 0 : i32
      %dma_start3A_70 = tpu.memref_slice %arg5[%arg0, %add3A_60, %dma_start3A_69] : memref<2x10240x128xf32, #tpu.memory_space<hbm>> -> memref<1x128x128xf32, #tpu.memory_space<hbm>>
      %dma_start3A_71 = tpu.memref_squeeze %dma_start3A_70 : memref<1x128x128xf32, #tpu.memory_space<hbm>> -> memref<128x128xf32, #tpu.memory_space<hbm>>
      %dma_start3A_72 = arith.constant 0 : i32
      %dma_start3A_73 = tpu.memref_slice %arg12[%add3A_60, %dma_start3A_72] : memref<10240x128xf32, #tpu.memory_space<vmem_shared>> -> memref<128x128xf32, #tpu.memory_space<vmem_shared>>
      tpu.enqueue_dma source(%dma_start3A_73 : memref<128x128xf32, #tpu.memory_space<vmem_shared>>) target(%dma_start3A_71 : memref<128x128xf32, #tpu.memory_space<hbm>>) target_semaphore(%run_scoped3A : memref<!tpu.dma_semaphore, #tpu.memory_space<semaphore_mem>>)
      %dma_wait3A = arith.constant 0 : i32
      %dma_wait3A_74 = tpu.memref_slice %arg5[%arg0, %add3A_60, %dma_wait3A] : memref<2x10240x128xf32, #tpu.memory_space<hbm>> -> memref<1x128x128xf32, #tpu.memory_space<hbm>>
      %dma_wait3A_75 = tpu.memref_squeeze %dma_wait3A_74 : memref<1x128x128xf32, #tpu.memory_space<hbm>> -> memref<128x128xf32, #tpu.memory_space<hbm>>
      %dma_wait3A_76 = arith.constant 0 : i32
      %dma_wait3A_77 = tpu.memref_slice %arg12[%add3A_60, %dma_wait3A_76] : memref<10240x128xf32, #tpu.memory_space<vmem_shared>> -> memref<128x128xf32, #tpu.memory_space<vmem_shared>>
      tpu.wait_dma2 semaphore(%run_scoped3A : memref<!tpu.dma_semaphore, #tpu.memory_space<semaphore_mem>>) src(%dma_wait3A_77 : memref<128x128xf32, #tpu.memory_space<vmem_shared>>) dst(%dma_wait3A_75 : memref<128x128xf32, #tpu.memory_space<hbm>>)
      tpu.yield
    }) : () -> ()
    %add3A_61 = arith.constant 128 : i32
    %add3A_62 = arith.addi %mul3A_7, %add3A_61 : i32
    "tpu.region"() ({
      %run_scoped3A = tpu.sem_alloc : memref<!tpu.dma_semaphore, #tpu.memory_space<semaphore_mem>>
      %dma_start3A_69 = arith.constant 0 : i32
      %dma_start3A_70 = tpu.memref_slice %arg5[%arg0, %add3A_62, %dma_start3A_69] : memref<2x10240x128xf32, #tpu.memory_space<hbm>> -> memref<1x128x128xf32, #tpu.memory_space<hbm>>
      %dma_start3A_71 = tpu.memref_squeeze %dma_start3A_70 : memref<1x128x128xf32, #tpu.memory_space<hbm>> -> memref<128x128xf32, #tpu.memory_space<hbm>>
      %dma_start3A_72 = arith.constant 0 : i32
      %dma_start3A_73 = tpu.memref_slice %arg12[%add3A_62, %dma_start3A_72] : memref<10240x128xf32, #tpu.memory_space<vmem_shared>> -> memref<128x128xf32, #tpu.memory_space<vmem_shared>>
      tpu.enqueue_dma source(%dma_start3A_73 : memref<128x128xf32, #tpu.memory_space<vmem_shared>>) target(%dma_start3A_71 : memref<128x128xf32, #tpu.memory_space<hbm>>) target_semaphore(%run_scoped3A : memref<!tpu.dma_semaphore, #tpu.memory_space<semaphore_mem>>)
      %dma_wait3A = arith.constant 0 : i32
      %dma_wait3A_74 = tpu.memref_slice %arg5[%arg0, %add3A_62, %dma_wait3A] : memref<2x10240x128xf32, #tpu.memory_space<hbm>> -> memref<1x128x128xf32, #tpu.memory_space<hbm>>
      %dma_wait3A_75 = tpu.memref_squeeze %dma_wait3A_74 : memref<1x128x128xf32, #tpu.memory_space<hbm>> -> memref<128x128xf32, #tpu.memory_space<hbm>>
      %dma_wait3A_76 = arith.constant 0 : i32
      %dma_wait3A_77 = tpu.memref_slice %arg12[%add3A_62, %dma_wait3A_76] : memref<10240x128xf32, #tpu.memory_space<vmem_shared>> -> memref<128x128xf32, #tpu.memory_space<vmem_shared>>
      tpu.wait_dma2 semaphore(%run_scoped3A : memref<!tpu.dma_semaphore, #tpu.memory_space<semaphore_mem>>) src(%dma_wait3A_77 : memref<128x128xf32, #tpu.memory_space<vmem_shared>>) dst(%dma_wait3A_75 : memref<128x128xf32, #tpu.memory_space<hbm>>)
      tpu.yield
    }) : () -> ()
    %add3A_63 = arith.constant 256 : i32
    %add3A_64 = arith.addi %mul3A_7, %add3A_63 : i32
    "tpu.region"() ({
      %run_scoped3A = tpu.sem_alloc : memref<!tpu.dma_semaphore, #tpu.memory_space<semaphore_mem>>
      %dma_start3A_69 = arith.constant 0 : i32
      %dma_start3A_70 = tpu.memref_slice %arg5[%arg0, %add3A_64, %dma_start3A_69] : memref<2x10240x128xf32, #tpu.memory_space<hbm>> -> memref<1x128x128xf32, #tpu.memory_space<hbm>>
      %dma_start3A_71 = tpu.memref_squeeze %dma_start3A_70 : memref<1x128x128xf32, #tpu.memory_space<hbm>> -> memref<128x128xf32, #tpu.memory_space<hbm>>
      %dma_start3A_72 = arith.constant 0 : i32
      %dma_start3A_73 = tpu.memref_slice %arg12[%add3A_64, %dma_start3A_72] : memref<10240x128xf32, #tpu.memory_space<vmem_shared>> -> memref<128x128xf32, #tpu.memory_space<vmem_shared>>
      tpu.enqueue_dma source(%dma_start3A_73 : memref<128x128xf32, #tpu.memory_space<vmem_shared>>) target(%dma_start3A_71 : memref<128x128xf32, #tpu.memory_space<hbm>>) target_semaphore(%run_scoped3A : memref<!tpu.dma_semaphore, #tpu.memory_space<semaphore_mem>>)
      %dma_wait3A = arith.constant 0 : i32
      %dma_wait3A_74 = tpu.memref_slice %arg5[%arg0, %add3A_64, %dma_wait3A] : memref<2x10240x128xf32, #tpu.memory_space<hbm>> -> memref<1x128x128xf32, #tpu.memory_space<hbm>>
      %dma_wait3A_75 = tpu.memref_squeeze %dma_wait3A_74 : memref<1x128x128xf32, #tpu.memory_space<hbm>> -> memref<128x128xf32, #tpu.memory_space<hbm>>
      %dma_wait3A_76 = arith.constant 0 : i32
      %dma_wait3A_77 = tpu.memref_slice %arg12[%add3A_64, %dma_wait3A_76] : memref<10240x128xf32, #tpu.memory_space<vmem_shared>> -> memref<128x128xf32, #tpu.memory_space<vmem_shared>>
      tpu.wait_dma2 semaphore(%run_scoped3A : memref<!tpu.dma_semaphore, #tpu.memory_space<semaphore_mem>>) src(%dma_wait3A_77 : memref<128x128xf32, #tpu.memory_space<vmem_shared>>) dst(%dma_wait3A_75 : memref<128x128xf32, #tpu.memory_space<hbm>>)
      tpu.yield
    }) : () -> ()
    %add3A_65 = arith.constant 384 : i32
    %add3A_66 = arith.addi %mul3A_7, %add3A_65 : i32
    "tpu.region"() ({
      %run_scoped3A = tpu.sem_alloc : memref<!tpu.dma_semaphore, #tpu.memory_space<semaphore_mem>>
      %dma_start3A_69 = arith.constant 0 : i32
      %dma_start3A_70 = tpu.memref_slice %arg5[%arg0, %add3A_66, %dma_start3A_69] : memref<2x10240x128xf32, #tpu.memory_space<hbm>> -> memref<1x128x128xf32, #tpu.memory_space<hbm>>
      %dma_start3A_71 = tpu.memref_squeeze %dma_start3A_70 : memref<1x128x128xf32, #tpu.memory_space<hbm>> -> memref<128x128xf32, #tpu.memory_space<hbm>>
      %dma_start3A_72 = arith.constant 0 : i32
      %dma_start3A_73 = tpu.memref_slice %arg12[%add3A_66, %dma_start3A_72] : memref<10240x128xf32, #tpu.memory_space<vmem_shared>> -> memref<128x128xf32, #tpu.memory_space<vmem_shared>>
      tpu.enqueue_dma source(%dma_start3A_73 : memref<128x128xf32, #tpu.memory_space<vmem_shared>>) target(%dma_start3A_71 : memref<128x128xf32, #tpu.memory_space<hbm>>) target_semaphore(%run_scoped3A : memref<!tpu.dma_semaphore, #tpu.memory_space<semaphore_mem>>)
      %dma_wait3A = arith.constant 0 : i32
      %dma_wait3A_74 = tpu.memref_slice %arg5[%arg0, %add3A_66, %dma_wait3A] : memref<2x10240x128xf32, #tpu.memory_space<hbm>> -> memref<1x128x128xf32, #tpu.memory_space<hbm>>
      %dma_wait3A_75 = tpu.memref_squeeze %dma_wait3A_74 : memref<1x128x128xf32, #tpu.memory_space<hbm>> -> memref<128x128xf32, #tpu.memory_space<hbm>>
      %dma_wait3A_76 = arith.constant 0 : i32
      %dma_wait3A_77 = tpu.memref_slice %arg12[%add3A_66, %dma_wait3A_76] : memref<10240x128xf32, #tpu.memory_space<vmem_shared>> -> memref<128x128xf32, #tpu.memory_space<vmem_shared>>
      tpu.wait_dma2 semaphore(%run_scoped3A : memref<!tpu.dma_semaphore, #tpu.memory_space<semaphore_mem>>) src(%dma_wait3A_77 : memref<128x128xf32, #tpu.memory_space<vmem_shared>>) dst(%dma_wait3A_75 : memref<128x128xf32, #tpu.memory_space<hbm>>)
      tpu.yield
    }) : () -> ()
    %add3A_67 = arith.constant 512 : i32
    %add3A_68 = arith.addi %mul3A_7, %add3A_67 : i32
    "tpu.region"() ({
      %run_scoped3A = tpu.sem_alloc : memref<!tpu.dma_semaphore, #tpu.memory_space<semaphore_mem>>
      %dma_start3A_69 = arith.constant 0 : i32
      %dma_start3A_70 = tpu.memref_slice %arg5[%arg0, %add3A_68, %dma_start3A_69] : memref<2x10240x128xf32, #tpu.memory_space<hbm>> -> memref<1x128x128xf32, #tpu.memory_space<hbm>>
      %dma_start3A_71 = tpu.memref_squeeze %dma_start3A_70 : memref<1x128x128xf32, #tpu.memory_space<hbm>> -> memref<128x128xf32, #tpu.memory_space<hbm>>
      %dma_start3A_72 = arith.constant 0 : i32
      %dma_start3A_73 = tpu.memref_slice %arg12[%add3A_68, %dma_start3A_72] : memref<10240x128xf32, #tpu.memory_space<vmem_shared>> -> memref<128x128xf32, #tpu.memory_space<vmem_shared>>
      tpu.enqueue_dma source(%dma_start3A_73 : memref<128x128xf32, #tpu.memory_space<vmem_shared>>) target(%dma_start3A_71 : memref<128x128xf32, #tpu.memory_space<hbm>>) target_semaphore(%run_scoped3A : memref<!tpu.dma_semaphore, #tpu.memory_space<semaphore_mem>>)
      %dma_wait3A = arith.constant 0 : i32
      %dma_wait3A_74 = tpu.memref_slice %arg5[%arg0, %add3A_68, %dma_wait3A] : memref<2x10240x128xf32, #tpu.memory_space<hbm>> -> memref<1x128x128xf32, #tpu.memory_space<hbm>>
      %dma_wait3A_75 = tpu.memref_squeeze %dma_wait3A_74 : memref<1x128x128xf32, #tpu.memory_space<hbm>> -> memref<128x128xf32, #tpu.memory_space<hbm>>
      %dma_wait3A_76 = arith.constant 0 : i32
      %dma_wait3A_77 = tpu.memref_slice %arg12[%add3A_68, %dma_wait3A_76] : memref<10240x128xf32, #tpu.memory_space<vmem_shared>> -> memref<128x128xf32, #tpu.memory_space<vmem_shared>>
      tpu.wait_dma2 semaphore(%run_scoped3A : memref<!tpu.dma_semaphore, #tpu.memory_space<semaphore_mem>>) src(%dma_wait3A_77 : memref<128x128xf32, #tpu.memory_space<vmem_shared>>) dst(%dma_wait3A_75 : memref<128x128xf32, #tpu.memory_space<hbm>>)
      tpu.yield
    }) : () -> ()
    return
  }
}

#map = affine_map<(d0, d1) -> (0, 0, 0, 0)>
#map1 = affine_map<(d0, d1) -> (0, 0, 0)>
module attributes {stable_mosaic.version = 14 : i64} {
  func.func @body(%arg0: i32, %arg1: i32, %arg2: memref<32x10x8x128xi32, #tpu.memory_space<hbm>>, %arg3: memref<2x10240x16xf32, #tpu.memory_space<hbm>>, %arg4: memref<8x128xi32, #tpu.memory_space<vmem>>, %arg5: memref<8x128xi32, #tpu.memory_space<vmem>>, %arg6: memref<128x16xf32, #tpu.memory_space<vmem>>, %arg7: memref<10240x16xf32, #tpu.memory_space<vmem_shared>>, %arg8: memref<!tpu.dma_semaphore, #tpu.memory_space<semaphore_mem>>, %arg9: memref<!tpu.dma_semaphore, #tpu.memory_space<semaphore_mem>>, %arg10: memref<!tpu.dma_semaphore, #tpu.memory_space<semaphore_mem>>) attributes {dimension_semantics = [#tpu.dimension_semantics<core_parallel>, #tpu.dimension_semantics<subcore_parallel>], iteration_bounds = array<i64: 2, 16>, scalar_prefetch = 0 : i64, scratch_operands = 7 : i64, tpu.core_type = #tpu.core_type<sc_vector_subcore>, window_params = [{transform_indices = #map}, {transform_indices = #map1}]} {
    %mul3A = arith.constant 16 : i32
    %mul3A_0 = arith.muli %arg0, %mul3A : i32
    %add3A = arith.addi %mul3A_0, %arg1 : i32
    %broadcast_in_dim3A = arith.constant 0.000000e+00 : f32
    %broadcast_in_dim3A_1 = vector.broadcast %broadcast_in_dim3A : f32 to vector<16xf32>
    %scan3A = arith.constant 0 : i32
    %scan3A_2 = arith.constant 128 : i32
    %scan3A_3 = arith.addi %scan3A, %scan3A_2 : i32
    %scan3A_4 = arith.constant 1 : i32
    scf.for %scan3A_58 = %scan3A to %scan3A_3 step %scan3A_4  : i32 {
      %mul3A_59 = arith.constant 1 : i32
      %mul3A_60 = arith.muli %scan3A_58, %mul3A_59 : i32
      %add3A_61 = arith.constant 0 : i32
      %add3A_62 = arith.addi %add3A_61, %mul3A_60 : i32
      %swap3A = arith.index_cast %add3A_62 : i32 to index
      %swap3A_63 = arith.constant 0 : index
      %swap3A_64 = tpu.vector_load %arg6[%swap3A, %swap3A_63] {strides = array<i32>} : memref<128x16xf32, #tpu.memory_space<vmem>>, vector<1x16xf32>,
      %swap3A_65 = vector.shape_cast %swap3A_64 : vector<1x16xf32> to vector<16xf32>
      %swap3A_66 = vector.shape_cast %broadcast_in_dim3A_1 : vector<16xf32> to vector<1x16xf32>
      tpu.vector_store %arg6[%swap3A, %swap3A_63], %swap3A_66 {strides = array<i32>} : memref<128x16xf32, #tpu.memory_space<vmem>>, vector<1x16xf32>,
    }
    %scan3A_5 = arith.constant 128 : i32
    %mul3A_6 = arith.constant 640 : i32
    %mul3A_7 = arith.muli %arg1, %mul3A_6 : i32
    %add3A_8 = arith.constant 0 : i32
    %add3A_9 = arith.addi %mul3A_7, %add3A_8 : i32
    "tpu.region"() ({
      %run_scoped3A = tpu.sem_alloc : memref<!tpu.dma_semaphore, #tpu.memory_space<semaphore_mem>>
      %dma_start3A_58 = arith.constant 0 : i32
      %dma_start3A_59 = tpu.memref_slice %arg7[%add3A_9, %dma_start3A_58] : memref<10240x16xf32, #tpu.memory_space<vmem_shared>> -> memref<128x16xf32, #tpu.memory_space<vmem_shared>>
      %dma_start3A_60 = arith.constant 0 : i32
      %dma_start3A_61 = tpu.memref_slice %arg7[%add3A_9, %dma_start3A_60] : memref<10240x16xf32, #tpu.memory_space<vmem_shared>> -> memref<128x16xf32, #tpu.memory_space<vmem_shared>>
      tpu.enqueue_dma source(%arg6 : memref<128x16xf32, #tpu.memory_space<vmem>>) target(%dma_start3A_61 : memref<128x16xf32, #tpu.memory_space<vmem_shared>>) target_semaphore(%run_scoped3A : memref<!tpu.dma_semaphore, #tpu.memory_space<semaphore_mem>>)
      %dma_wait3A = arith.constant 0 : i32
      %dma_wait3A_62 = tpu.memref_slice %arg7[%add3A_9, %dma_wait3A] : memref<10240x16xf32, #tpu.memory_space<vmem_shared>> -> memref<128x16xf32, #tpu.memory_space<vmem_shared>>
      %dma_wait3A_63 = arith.constant 0 : i32
      %dma_wait3A_64 = tpu.memref_slice %arg7[%add3A_9, %dma_wait3A_63] : memref<10240x16xf32, #tpu.memory_space<vmem_shared>> -> memref<128x16xf32, #tpu.memory_space<vmem_shared>>
      tpu.wait_dma2 semaphore(%run_scoped3A : memref<!tpu.dma_semaphore, #tpu.memory_space<semaphore_mem>>) src(%arg6 : memref<128x16xf32, #tpu.memory_space<vmem>>) dst(%dma_wait3A_64 : memref<128x16xf32, #tpu.memory_space<vmem_shared>>)
      tpu.yield
    }) : () -> ()
    %add3A_10 = arith.constant 128 : i32
    %add3A_11 = arith.addi %mul3A_7, %add3A_10 : i32
    "tpu.region"() ({
      %run_scoped3A = tpu.sem_alloc : memref<!tpu.dma_semaphore, #tpu.memory_space<semaphore_mem>>
      %dma_start3A_58 = arith.constant 0 : i32
      %dma_start3A_59 = tpu.memref_slice %arg7[%add3A_11, %dma_start3A_58] : memref<10240x16xf32, #tpu.memory_space<vmem_shared>> -> memref<128x16xf32, #tpu.memory_space<vmem_shared>>
      %dma_start3A_60 = arith.constant 0 : i32
      %dma_start3A_61 = tpu.memref_slice %arg7[%add3A_11, %dma_start3A_60] : memref<10240x16xf32, #tpu.memory_space<vmem_shared>> -> memref<128x16xf32, #tpu.memory_space<vmem_shared>>
      tpu.enqueue_dma source(%arg6 : memref<128x16xf32, #tpu.memory_space<vmem>>) target(%dma_start3A_61 : memref<128x16xf32, #tpu.memory_space<vmem_shared>>) target_semaphore(%run_scoped3A : memref<!tpu.dma_semaphore, #tpu.memory_space<semaphore_mem>>)
      %dma_wait3A = arith.constant 0 : i32
      %dma_wait3A_62 = tpu.memref_slice %arg7[%add3A_11, %dma_wait3A] : memref<10240x16xf32, #tpu.memory_space<vmem_shared>> -> memref<128x16xf32, #tpu.memory_space<vmem_shared>>
      %dma_wait3A_63 = arith.constant 0 : i32
      %dma_wait3A_64 = tpu.memref_slice %arg7[%add3A_11, %dma_wait3A_63] : memref<10240x16xf32, #tpu.memory_space<vmem_shared>> -> memref<128x16xf32, #tpu.memory_space<vmem_shared>>
      tpu.wait_dma2 semaphore(%run_scoped3A : memref<!tpu.dma_semaphore, #tpu.memory_space<semaphore_mem>>) src(%arg6 : memref<128x16xf32, #tpu.memory_space<vmem>>) dst(%dma_wait3A_64 : memref<128x16xf32, #tpu.memory_space<vmem_shared>>)
      tpu.yield
    }) : () -> ()
    %add3A_12 = arith.constant 256 : i32
    %add3A_13 = arith.addi %mul3A_7, %add3A_12 : i32
    "tpu.region"() ({
      %run_scoped3A = tpu.sem_alloc : memref<!tpu.dma_semaphore, #tpu.memory_space<semaphore_mem>>
      %dma_start3A_58 = arith.constant 0 : i32
      %dma_start3A_59 = tpu.memref_slice %arg7[%add3A_13, %dma_start3A_58] : memref<10240x16xf32, #tpu.memory_space<vmem_shared>> -> memref<128x16xf32, #tpu.memory_space<vmem_shared>>
      %dma_start3A_60 = arith.constant 0 : i32
      %dma_start3A_61 = tpu.memref_slice %arg7[%add3A_13, %dma_start3A_60] : memref<10240x16xf32, #tpu.memory_space<vmem_shared>> -> memref<128x16xf32, #tpu.memory_space<vmem_shared>>
      tpu.enqueue_dma source(%arg6 : memref<128x16xf32, #tpu.memory_space<vmem>>) target(%dma_start3A_61 : memref<128x16xf32, #tpu.memory_space<vmem_shared>>) target_semaphore(%run_scoped3A : memref<!tpu.dma_semaphore, #tpu.memory_space<semaphore_mem>>)
      %dma_wait3A = arith.constant 0 : i32
      %dma_wait3A_62 = tpu.memref_slice %arg7[%add3A_13, %dma_wait3A] : memref<10240x16xf32, #tpu.memory_space<vmem_shared>> -> memref<128x16xf32, #tpu.memory_space<vmem_shared>>
      %dma_wait3A_63 = arith.constant 0 : i32
      %dma_wait3A_64 = tpu.memref_slice %arg7[%add3A_13, %dma_wait3A_63] : memref<10240x16xf32, #tpu.memory_space<vmem_shared>> -> memref<128x16xf32, #tpu.memory_space<vmem_shared>>
      tpu.wait_dma2 semaphore(%run_scoped3A : memref<!tpu.dma_semaphore, #tpu.memory_space<semaphore_mem>>) src(%arg6 : memref<128x16xf32, #tpu.memory_space<vmem>>) dst(%dma_wait3A_64 : memref<128x16xf32, #tpu.memory_space<vmem_shared>>)
      tpu.yield
    }) : () -> ()
    %add3A_14 = arith.constant 384 : i32
    %add3A_15 = arith.addi %mul3A_7, %add3A_14 : i32
    "tpu.region"() ({
      %run_scoped3A = tpu.sem_alloc : memref<!tpu.dma_semaphore, #tpu.memory_space<semaphore_mem>>
      %dma_start3A_58 = arith.constant 0 : i32
      %dma_start3A_59 = tpu.memref_slice %arg7[%add3A_15, %dma_start3A_58] : memref<10240x16xf32, #tpu.memory_space<vmem_shared>> -> memref<128x16xf32, #tpu.memory_space<vmem_shared>>
      %dma_start3A_60 = arith.constant 0 : i32
      %dma_start3A_61 = tpu.memref_slice %arg7[%add3A_15, %dma_start3A_60] : memref<10240x16xf32, #tpu.memory_space<vmem_shared>> -> memref<128x16xf32, #tpu.memory_space<vmem_shared>>
      tpu.enqueue_dma source(%arg6 : memref<128x16xf32, #tpu.memory_space<vmem>>) target(%dma_start3A_61 : memref<128x16xf32, #tpu.memory_space<vmem_shared>>) target_semaphore(%run_scoped3A : memref<!tpu.dma_semaphore, #tpu.memory_space<semaphore_mem>>)
      %dma_wait3A = arith.constant 0 : i32
      %dma_wait3A_62 = tpu.memref_slice %arg7[%add3A_15, %dma_wait3A] : memref<10240x16xf32, #tpu.memory_space<vmem_shared>> -> memref<128x16xf32, #tpu.memory_space<vmem_shared>>
      %dma_wait3A_63 = arith.constant 0 : i32
      %dma_wait3A_64 = tpu.memref_slice %arg7[%add3A_15, %dma_wait3A_63] : memref<10240x16xf32, #tpu.memory_space<vmem_shared>> -> memref<128x16xf32, #tpu.memory_space<vmem_shared>>
      tpu.wait_dma2 semaphore(%run_scoped3A : memref<!tpu.dma_semaphore, #tpu.memory_space<semaphore_mem>>) src(%arg6 : memref<128x16xf32, #tpu.memory_space<vmem>>) dst(%dma_wait3A_64 : memref<128x16xf32, #tpu.memory_space<vmem_shared>>)
      tpu.yield
    }) : () -> ()
    %add3A_16 = arith.constant 512 : i32
    %add3A_17 = arith.addi %mul3A_7, %add3A_16 : i32
    "tpu.region"() ({
      %run_scoped3A = tpu.sem_alloc : memref<!tpu.dma_semaphore, #tpu.memory_space<semaphore_mem>>
      %dma_start3A_58 = arith.constant 0 : i32
      %dma_start3A_59 = tpu.memref_slice %arg7[%add3A_17, %dma_start3A_58] : memref<10240x16xf32, #tpu.memory_space<vmem_shared>> -> memref<128x16xf32, #tpu.memory_space<vmem_shared>>
      %dma_start3A_60 = arith.constant 0 : i32
      %dma_start3A_61 = tpu.memref_slice %arg7[%add3A_17, %dma_start3A_60] : memref<10240x16xf32, #tpu.memory_space<vmem_shared>> -> memref<128x16xf32, #tpu.memory_space<vmem_shared>>
      tpu.enqueue_dma source(%arg6 : memref<128x16xf32, #tpu.memory_space<vmem>>) target(%dma_start3A_61 : memref<128x16xf32, #tpu.memory_space<vmem_shared>>) target_semaphore(%run_scoped3A : memref<!tpu.dma_semaphore, #tpu.memory_space<semaphore_mem>>)
      %dma_wait3A = arith.constant 0 : i32
      %dma_wait3A_62 = tpu.memref_slice %arg7[%add3A_17, %dma_wait3A] : memref<10240x16xf32, #tpu.memory_space<vmem_shared>> -> memref<128x16xf32, #tpu.memory_space<vmem_shared>>
      %dma_wait3A_63 = arith.constant 0 : i32
      %dma_wait3A_64 = tpu.memref_slice %arg7[%add3A_17, %dma_wait3A_63] : memref<10240x16xf32, #tpu.memory_space<vmem_shared>> -> memref<128x16xf32, #tpu.memory_space<vmem_shared>>
      tpu.wait_dma2 semaphore(%run_scoped3A : memref<!tpu.dma_semaphore, #tpu.memory_space<semaphore_mem>>) src(%arg6 : memref<128x16xf32, #tpu.memory_space<vmem>>) dst(%dma_wait3A_64 : memref<128x16xf32, #tpu.memory_space<vmem_shared>>)
      tpu.yield
    }) : () -> ()
    %broadcast_in_dim3A_18 = arith.constant 1.000000e+00 : f32
    %broadcast_in_dim3A_19 = vector.broadcast %broadcast_in_dim3A_18 : f32 to vector<16xf32>
    %scan3A_20 = arith.constant 0 : i32
    %scan3A_21 = arith.constant 128 : i32
    %scan3A_22 = arith.addi %scan3A_20, %scan3A_21 : i32
    %scan3A_23 = arith.constant 1 : i32
    scf.for %scan3A_58 = %scan3A_20 to %scan3A_22 step %scan3A_23  : i32 {
      %mul3A_59 = arith.constant 1 : i32
      %mul3A_60 = arith.muli %scan3A_58, %mul3A_59 : i32
      %add3A_61 = arith.constant 0 : i32
      %add3A_62 = arith.addi %add3A_61, %mul3A_60 : i32
      %swap3A = arith.index_cast %add3A_62 : i32 to index
      %swap3A_63 = arith.constant 0 : index
      %swap3A_64 = tpu.vector_load %arg6[%swap3A, %swap3A_63] {strides = array<i32>} : memref<128x16xf32, #tpu.memory_space<vmem>>, vector<1x16xf32>,
      %swap3A_65 = vector.shape_cast %swap3A_64 : vector<1x16xf32> to vector<16xf32>
      %swap3A_66 = vector.shape_cast %broadcast_in_dim3A_19 : vector<16xf32> to vector<1x16xf32>
      tpu.vector_store %arg6[%swap3A, %swap3A_63], %swap3A_66 {strides = array<i32>} : memref<128x16xf32, #tpu.memory_space<vmem>>, vector<1x16xf32>,
    }
    %scan3A_24 = arith.constant 128 : i32
    %barrier3A = arith.constant 0 : index
    tpu.barrier barrier_id(%barrier3A)
    %dma_start3A = arith.constant 0 : i32
    %dma_start3A_25 = arith.constant 0 : i32
    %dma_start3A_26 = arith.constant 0 : i32
    %dma_start3A_27 = tpu.memref_slice %arg2[%add3A, %dma_start3A, %dma_start3A_25, %dma_start3A_26] : memref<32x10x8x128xi32, #tpu.memory_space<hbm>> -> memref<1x1x8x128xi32, #tpu.memory_space<hbm>>
    %dma_start3A_28 = tpu.memref_squeeze %dma_start3A_27 : memref<1x1x8x128xi32, #tpu.memory_space<hbm>> -> memref<8x128xi32, #tpu.memory_space<hbm>>
    %dma_start3A_29 = arith.constant 0 : i32
    %dma_start3A_30 = arith.constant 0 : i32
    %dma_start3A_31 = tpu.memref_slice %arg2[%add3A, %dma_start3A, %dma_start3A_29, %dma_start3A_30] : memref<32x10x8x128xi32, #tpu.memory_space<hbm>> -> memref<1x1x8x128xi32, #tpu.memory_space<hbm>>
    %dma_start3A_32 = tpu.memref_squeeze %dma_start3A_31 : memref<1x1x8x128xi32, #tpu.memory_space<hbm>> -> memref<8x128xi32, #tpu.memory_space<hbm>>
    tpu.enqueue_dma source(%dma_start3A_32 : memref<8x128xi32, #tpu.memory_space<hbm>>) target(%arg4 : memref<8x128xi32, #tpu.memory_space<vmem>>) target_semaphore(%arg9 : memref<!tpu.dma_semaphore, #tpu.memory_space<semaphore_mem>>)
    %dma_start3A_33 = arith.constant 1 : i32
    %dma_start3A_34 = arith.constant 0 : i32
    %dma_start3A_35 = arith.constant 0 : i32
    %dma_start3A_36 = tpu.memref_slice %arg2[%add3A, %dma_start3A_33, %dma_start3A_34, %dma_start3A_35] : memref<32x10x8x128xi32, #tpu.memory_space<hbm>> -> memref<1x1x8x128xi32, #tpu.memory_space<hbm>>
    %dma_start3A_37 = tpu.memref_squeeze %dma_start3A_36 : memref<1x1x8x128xi32, #tpu.memory_space<hbm>> -> memref<8x128xi32, #tpu.memory_space<hbm>>
    %dma_start3A_38 = arith.constant 0 : i32
    %dma_start3A_39 = arith.constant 0 : i32
    %dma_start3A_40 = tpu.memref_slice %arg2[%add3A, %dma_start3A_33, %dma_start3A_38, %dma_start3A_39] : memref<32x10x8x128xi32, #tpu.memory_space<hbm>> -> memref<1x1x8x128xi32, #tpu.memory_space<hbm>>
    %dma_start3A_41 = tpu.memref_squeeze %dma_start3A_40 : memref<1x1x8x128xi32, #tpu.memory_space<hbm>> -> memref<8x128xi32, #tpu.memory_space<hbm>>
    tpu.enqueue_dma source(%dma_start3A_41 : memref<8x128xi32, #tpu.memory_space<hbm>>) target(%arg5 : memref<8x128xi32, #tpu.memory_space<vmem>>) target_semaphore(%arg10 : memref<!tpu.dma_semaphore, #tpu.memory_space<semaphore_mem>>)
    %scan3A_42 = arith.constant 0 : i32
    %scan3A_43 = arith.constant 5 : i32
    %scan3A_44 = arith.addi %scan3A_42, %scan3A_43 : i32
    %scan3A_45 = arith.constant 1 : i32
    scf.for %scan3A_58 = %scan3A_42 to %scan3A_44 step %scan3A_45  : i32 {
      %mul3A_59 = arith.constant 2 : i32
      %mul3A_60 = arith.muli %scan3A_58, %mul3A_59 : i32
      %add3A_61 = arith.constant 0 : i32
      %add3A_62 = arith.addi %add3A_61, %mul3A_60 : i32
      %dma_wait3A = arith.constant 0 : i32
      %dma_wait3A_63 = arith.constant 0 : i32
      %dma_wait3A_64 = arith.constant 0 : i32
      %dma_wait3A_65 = tpu.memref_slice %arg2[%add3A, %dma_wait3A, %dma_wait3A_63, %dma_wait3A_64] : memref<32x10x8x128xi32, #tpu.memory_space<hbm>> -> memref<1x1x8x128xi32, #tpu.memory_space<hbm>>
      %dma_wait3A_66 = tpu.memref_squeeze %dma_wait3A_65 : memref<1x1x8x128xi32, #tpu.memory_space<hbm>> -> memref<8x128xi32, #tpu.memory_space<hbm>>
      %dma_wait3A_67 = arith.constant 0 : i32
      %dma_wait3A_68 = arith.constant 0 : i32
      %dma_wait3A_69 = tpu.memref_slice %arg2[%add3A, %dma_wait3A, %dma_wait3A_67, %dma_wait3A_68] : memref<32x10x8x128xi32, #tpu.memory_space<hbm>> -> memref<1x1x8x128xi32, #tpu.memory_space<hbm>>
      %dma_wait3A_70 = tpu.memref_squeeze %dma_wait3A_69 : memref<1x1x8x128xi32, #tpu.memory_space<hbm>> -> memref<8x128xi32, #tpu.memory_space<hbm>>
      tpu.wait_dma2 semaphore(%arg9 : memref<!tpu.dma_semaphore, #tpu.memory_space<semaphore_mem>>) src(%dma_wait3A_70 : memref<8x128xi32, #tpu.memory_space<hbm>>) dst(%arg4 : memref<8x128xi32, #tpu.memory_space<vmem>>)
      %dma_start3A_71 = arith.constant 0 : i32
      %dma_start3A_72 = arith.constant 0 : i32
      %dma_start3A_73 = tpu.memref_slice %arg4[%dma_start3A_71, %dma_start3A_72] : memref<8x128xi32, #tpu.memory_space<vmem>> -> memref<1x128xi32, #tpu.memory_space<vmem>>
      %dma_start3A_74 = tpu.memref_squeeze %dma_start3A_73 : memref<1x128xi32, #tpu.memory_space<vmem>> -> memref<128xi32, #tpu.memory_space<vmem>>
      %dma_start3A_75 = arith.constant 0 : i32
      %dma_start3A_76 = arith.constant 0 : i32
      %dma_start3A_77 = tpu.memref_slice %arg7[%dma_start3A_75, %dma_start3A_76] : memref<10240x16xf32, #tpu.memory_space<vmem_shared>> -> memref<10240x16xf32, #tpu.memory_space<vmem_shared>>
      tpu.enqueue_indirect_dma source(%arg6 : memref<128x16xf32, #tpu.memory_space<vmem>>) target(%dma_start3A_77 : memref<10240x16xf32, #tpu.memory_space<vmem_shared>>) offsets(%dma_start3A_74 : memref<128xi32, #tpu.memory_space<vmem>>) semaphore(%arg8 : memref<!tpu.dma_semaphore, #tpu.memory_space<semaphore_mem>>) {add = true}
      %dma_start3A_78 = arith.constant 1 : i32
      %dma_start3A_79 = arith.constant 0 : i32
      %dma_start3A_80 = tpu.memref_slice %arg4[%dma_start3A_78, %dma_start3A_79] : memref<8x128xi32, #tpu.memory_space<vmem>> -> memref<1x128xi32, #tpu.memory_space<vmem>>
      %dma_start3A_81 = tpu.memref_squeeze %dma_start3A_80 : memref<1x128xi32, #tpu.memory_space<vmem>> -> memref<128xi32, #tpu.memory_space<vmem>>
      %dma_start3A_82 = arith.constant 0 : i32
      %dma_start3A_83 = arith.constant 0 : i32
      %dma_start3A_84 = tpu.memref_slice %arg7[%dma_start3A_82, %dma_start3A_83] : memref<10240x16xf32, #tpu.memory_space<vmem_shared>> -> memref<10240x16xf32, #tpu.memory_space<vmem_shared>>
      tpu.enqueue_indirect_dma source(%arg6 : memref<128x16xf32, #tpu.memory_space<vmem>>) target(%dma_start3A_84 : memref<10240x16xf32, #tpu.memory_space<vmem_shared>>) offsets(%dma_start3A_81 : memref<128xi32, #tpu.memory_space<vmem>>) semaphore(%arg8 : memref<!tpu.dma_semaphore, #tpu.memory_space<semaphore_mem>>) {add = true}
      %dma_start3A_85 = arith.constant 2 : i32
      %dma_start3A_86 = arith.constant 0 : i32
      %dma_start3A_87 = tpu.memref_slice %arg4[%dma_start3A_85, %dma_start3A_86] : memref<8x128xi32, #tpu.memory_space<vmem>> -> memref<1x128xi32, #tpu.memory_space<vmem>>
      %dma_start3A_88 = tpu.memref_squeeze %dma_start3A_87 : memref<1x128xi32, #tpu.memory_space<vmem>> -> memref<128xi32, #tpu.memory_space<vmem>>
      %dma_start3A_89 = arith.constant 0 : i32
      %dma_start3A_90 = arith.constant 0 : i32
      %dma_start3A_91 = tpu.memref_slice %arg7[%dma_start3A_89, %dma_start3A_90] : memref<10240x16xf32, #tpu.memory_space<vmem_shared>> -> memref<10240x16xf32, #tpu.memory_space<vmem_shared>>
      tpu.enqueue_indirect_dma source(%arg6 : memref<128x16xf32, #tpu.memory_space<vmem>>) target(%dma_start3A_91 : memref<10240x16xf32, #tpu.memory_space<vmem_shared>>) offsets(%dma_start3A_88 : memref<128xi32, #tpu.memory_space<vmem>>) semaphore(%arg8 : memref<!tpu.dma_semaphore, #tpu.memory_space<semaphore_mem>>) {add = true}
      %dma_start3A_92 = arith.constant 3 : i32
      %dma_start3A_93 = arith.constant 0 : i32
      %dma_start3A_94 = tpu.memref_slice %arg4[%dma_start3A_92, %dma_start3A_93] : memref<8x128xi32, #tpu.memory_space<vmem>> -> memref<1x128xi32, #tpu.memory_space<vmem>>
      %dma_start3A_95 = tpu.memref_squeeze %dma_start3A_94 : memref<1x128xi32, #tpu.memory_space<vmem>> -> memref<128xi32, #tpu.memory_space<vmem>>
      %dma_start3A_96 = arith.constant 0 : i32
      %dma_start3A_97 = arith.constant 0 : i32
      %dma_start3A_98 = tpu.memref_slice %arg7[%dma_start3A_96, %dma_start3A_97] : memref<10240x16xf32, #tpu.memory_space<vmem_shared>> -> memref<10240x16xf32, #tpu.memory_space<vmem_shared>>
      tpu.enqueue_indirect_dma source(%arg6 : memref<128x16xf32, #tpu.memory_space<vmem>>) target(%dma_start3A_98 : memref<10240x16xf32, #tpu.memory_space<vmem_shared>>) offsets(%dma_start3A_95 : memref<128xi32, #tpu.memory_space<vmem>>) semaphore(%arg8 : memref<!tpu.dma_semaphore, #tpu.memory_space<semaphore_mem>>) {add = true}
      %dma_start3A_99 = arith.constant 4 : i32
      %dma_start3A_100 = arith.constant 0 : i32
      %dma_start3A_101 = tpu.memref_slice %arg4[%dma_start3A_99, %dma_start3A_100] : memref<8x128xi32, #tpu.memory_space<vmem>> -> memref<1x128xi32, #tpu.memory_space<vmem>>
      %dma_start3A_102 = tpu.memref_squeeze %dma_start3A_101 : memref<1x128xi32, #tpu.memory_space<vmem>> -> memref<128xi32, #tpu.memory_space<vmem>>
      %dma_start3A_103 = arith.constant 0 : i32
      %dma_start3A_104 = arith.constant 0 : i32
      %dma_start3A_105 = tpu.memref_slice %arg7[%dma_start3A_103, %dma_start3A_104] : memref<10240x16xf32, #tpu.memory_space<vmem_shared>> -> memref<10240x16xf32, #tpu.memory_space<vmem_shared>>
      tpu.enqueue_indirect_dma source(%arg6 : memref<128x16xf32, #tpu.memory_space<vmem>>) target(%dma_start3A_105 : memref<10240x16xf32, #tpu.memory_space<vmem_shared>>) offsets(%dma_start3A_102 : memref<128xi32, #tpu.memory_space<vmem>>) semaphore(%arg8 : memref<!tpu.dma_semaphore, #tpu.memory_space<semaphore_mem>>) {add = true}
      %dma_start3A_106 = arith.constant 5 : i32
      %dma_start3A_107 = arith.constant 0 : i32
      %dma_start3A_108 = tpu.memref_slice %arg4[%dma_start3A_106, %dma_start3A_107] : memref<8x128xi32, #tpu.memory_space<vmem>> -> memref<1x128xi32, #tpu.memory_space<vmem>>
      %dma_start3A_109 = tpu.memref_squeeze %dma_start3A_108 : memref<1x128xi32, #tpu.memory_space<vmem>> -> memref<128xi32, #tpu.memory_space<vmem>>
      %dma_start3A_110 = arith.constant 0 : i32
      %dma_start3A_111 = arith.constant 0 : i32
      %dma_start3A_112 = tpu.memref_slice %arg7[%dma_start3A_110, %dma_start3A_111] : memref<10240x16xf32, #tpu.memory_space<vmem_shared>> -> memref<10240x16xf32, #tpu.memory_space<vmem_shared>>
      tpu.enqueue_indirect_dma source(%arg6 : memref<128x16xf32, #tpu.memory_space<vmem>>) target(%dma_start3A_112 : memref<10240x16xf32, #tpu.memory_space<vmem_shared>>) offsets(%dma_start3A_109 : memref<128xi32, #tpu.memory_space<vmem>>) semaphore(%arg8 : memref<!tpu.dma_semaphore, #tpu.memory_space<semaphore_mem>>) {add = true}
      %dma_start3A_113 = arith.constant 6 : i32
      %dma_start3A_114 = arith.constant 0 : i32
      %dma_start3A_115 = tpu.memref_slice %arg4[%dma_start3A_113, %dma_start3A_114] : memref<8x128xi32, #tpu.memory_space<vmem>> -> memref<1x128xi32, #tpu.memory_space<vmem>>
      %dma_start3A_116 = tpu.memref_squeeze %dma_start3A_115 : memref<1x128xi32, #tpu.memory_space<vmem>> -> memref<128xi32, #tpu.memory_space<vmem>>
      %dma_start3A_117 = arith.constant 0 : i32
      %dma_start3A_118 = arith.constant 0 : i32
      %dma_start3A_119 = tpu.memref_slice %arg7[%dma_start3A_117, %dma_start3A_118] : memref<10240x16xf32, #tpu.memory_space<vmem_shared>> -> memref<10240x16xf32, #tpu.memory_space<vmem_shared>>
      tpu.enqueue_indirect_dma source(%arg6 : memref<128x16xf32, #tpu.memory_space<vmem>>) target(%dma_start3A_119 : memref<10240x16xf32, #tpu.memory_space<vmem_shared>>) offsets(%dma_start3A_116 : memref<128xi32, #tpu.memory_space<vmem>>) semaphore(%arg8 : memref<!tpu.dma_semaphore, #tpu.memory_space<semaphore_mem>>) {add = true}
      %dma_start3A_120 = arith.constant 7 : i32
      %dma_start3A_121 = arith.constant 0 : i32
      %dma_start3A_122 = tpu.memref_slice %arg4[%dma_start3A_120, %dma_start3A_121] : memref<8x128xi32, #tpu.memory_space<vmem>> -> memref<1x128xi32, #tpu.memory_space<vmem>>
      %dma_start3A_123 = tpu.memref_squeeze %dma_start3A_122 : memref<1x128xi32, #tpu.memory_space<vmem>> -> memref<128xi32, #tpu.memory_space<vmem>>
      %dma_start3A_124 = arith.constant 0 : i32
      %dma_start3A_125 = arith.constant 0 : i32
      %dma_start3A_126 = tpu.memref_slice %arg7[%dma_start3A_124, %dma_start3A_125] : memref<10240x16xf32, #tpu.memory_space<vmem_shared>> -> memref<10240x16xf32, #tpu.memory_space<vmem_shared>>
      tpu.enqueue_indirect_dma source(%arg6 : memref<128x16xf32, #tpu.memory_space<vmem>>) target(%dma_start3A_126 : memref<10240x16xf32, #tpu.memory_space<vmem_shared>>) offsets(%dma_start3A_123 : memref<128xi32, #tpu.memory_space<vmem>>) semaphore(%arg8 : memref<!tpu.dma_semaphore, #tpu.memory_space<semaphore_mem>>) {add = true}
      %dma_wait3A_127 = arith.constant 0 : i32
      %dma_wait3A_128 = arith.constant 0 : i32
      %dma_wait3A_129 = tpu.memref_slice %arg4[%dma_wait3A_127, %dma_wait3A_128] : memref<8x128xi32, #tpu.memory_space<vmem>> -> memref<1x128xi32, #tpu.memory_space<vmem>>
      %dma_wait3A_130 = tpu.memref_squeeze %dma_wait3A_129 : memref<1x128xi32, #tpu.memory_space<vmem>> -> memref<128xi32, #tpu.memory_space<vmem>>
      %dma_wait3A_131 = arith.constant 0 : i32
      %dma_wait3A_132 = arith.constant 0 : i32
      %dma_wait3A_133 = tpu.memref_slice %arg7[%dma_wait3A_131, %dma_wait3A_132] : memref<10240x16xf32, #tpu.memory_space<vmem_shared>> -> memref<10240x16xf32, #tpu.memory_space<vmem_shared>>
      tpu.wait_indirect_dma semaphore(%arg8 : memref<!tpu.dma_semaphore, #tpu.memory_space<semaphore_mem>>) src(%arg6 : memref<128x16xf32, #tpu.memory_space<vmem>>) dst(%dma_wait3A_133 : memref<10240x16xf32, #tpu.memory_space<vmem_shared>>)
      %dma_wait3A_134 = arith.constant 1 : i32
      %dma_wait3A_135 = arith.constant 0 : i32
      %dma_wait3A_136 = tpu.memref_slice %arg4[%dma_wait3A_134, %dma_wait3A_135] : memref<8x128xi32, #tpu.memory_space<vmem>> -> memref<1x128xi32, #tpu.memory_space<vmem>>
      %dma_wait3A_137 = tpu.memref_squeeze %dma_wait3A_136 : memref<1x128xi32, #tpu.memory_space<vmem>> -> memref<128xi32, #tpu.memory_space<vmem>>
      %dma_wait3A_138 = arith.constant 0 : i32
      %dma_wait3A_139 = arith.constant 0 : i32
      %dma_wait3A_140 = tpu.memref_slice %arg7[%dma_wait3A_138, %dma_wait3A_139] : memref<10240x16xf32, #tpu.memory_space<vmem_shared>> -> memref<10240x16xf32, #tpu.memory_space<vmem_shared>>
      tpu.wait_indirect_dma semaphore(%arg8 : memref<!tpu.dma_semaphore, #tpu.memory_space<semaphore_mem>>) src(%arg6 : memref<128x16xf32, #tpu.memory_space<vmem>>) dst(%dma_wait3A_140 : memref<10240x16xf32, #tpu.memory_space<vmem_shared>>)
      %dma_wait3A_141 = arith.constant 2 : i32
      %dma_wait3A_142 = arith.constant 0 : i32
      %dma_wait3A_143 = tpu.memref_slice %arg4[%dma_wait3A_141, %dma_wait3A_142] : memref<8x128xi32, #tpu.memory_space<vmem>> -> memref<1x128xi32, #tpu.memory_space<vmem>>
      %dma_wait3A_144 = tpu.memref_squeeze %dma_wait3A_143 : memref<1x128xi32, #tpu.memory_space<vmem>> -> memref<128xi32, #tpu.memory_space<vmem>>
      %dma_wait3A_145 = arith.constant 0 : i32
      %dma_wait3A_146 = arith.constant 0 : i32
      %dma_wait3A_147 = tpu.memref_slice %arg7[%dma_wait3A_145, %dma_wait3A_146] : memref<10240x16xf32, #tpu.memory_space<vmem_shared>> -> memref<10240x16xf32, #tpu.memory_space<vmem_shared>>
      tpu.wait_indirect_dma semaphore(%arg8 : memref<!tpu.dma_semaphore, #tpu.memory_space<semaphore_mem>>) src(%arg6 : memref<128x16xf32, #tpu.memory_space<vmem>>) dst(%dma_wait3A_147 : memref<10240x16xf32, #tpu.memory_space<vmem_shared>>)
      %dma_wait3A_148 = arith.constant 3 : i32
      %dma_wait3A_149 = arith.constant 0 : i32
      %dma_wait3A_150 = tpu.memref_slice %arg4[%dma_wait3A_148, %dma_wait3A_149] : memref<8x128xi32, #tpu.memory_space<vmem>> -> memref<1x128xi32, #tpu.memory_space<vmem>>
      %dma_wait3A_151 = tpu.memref_squeeze %dma_wait3A_150 : memref<1x128xi32, #tpu.memory_space<vmem>> -> memref<128xi32, #tpu.memory_space<vmem>>
      %dma_wait3A_152 = arith.constant 0 : i32
      %dma_wait3A_153 = arith.constant 0 : i32
      %dma_wait3A_154 = tpu.memref_slice %arg7[%dma_wait3A_152, %dma_wait3A_153] : memref<10240x16xf32, #tpu.memory_space<vmem_shared>> -> memref<10240x16xf32, #tpu.memory_space<vmem_shared>>
      tpu.wait_indirect_dma semaphore(%arg8 : memref<!tpu.dma_semaphore, #tpu.memory_space<semaphore_mem>>) src(%arg6 : memref<128x16xf32, #tpu.memory_space<vmem>>) dst(%dma_wait3A_154 : memref<10240x16xf32, #tpu.memory_space<vmem_shared>>)
      %dma_wait3A_155 = arith.constant 4 : i32
      %dma_wait3A_156 = arith.constant 0 : i32
      %dma_wait3A_157 = tpu.memref_slice %arg4[%dma_wait3A_155, %dma_wait3A_156] : memref<8x128xi32, #tpu.memory_space<vmem>> -> memref<1x128xi32, #tpu.memory_space<vmem>>
      %dma_wait3A_158 = tpu.memref_squeeze %dma_wait3A_157 : memref<1x128xi32, #tpu.memory_space<vmem>> -> memref<128xi32, #tpu.memory_space<vmem>>
      %dma_wait3A_159 = arith.constant 0 : i32
      %dma_wait3A_160 = arith.constant 0 : i32
      %dma_wait3A_161 = tpu.memref_slice %arg7[%dma_wait3A_159, %dma_wait3A_160] : memref<10240x16xf32, #tpu.memory_space<vmem_shared>> -> memref<10240x16xf32, #tpu.memory_space<vmem_shared>>
      tpu.wait_indirect_dma semaphore(%arg8 : memref<!tpu.dma_semaphore, #tpu.memory_space<semaphore_mem>>) src(%arg6 : memref<128x16xf32, #tpu.memory_space<vmem>>) dst(%dma_wait3A_161 : memref<10240x16xf32, #tpu.memory_space<vmem_shared>>)
      %dma_wait3A_162 = arith.constant 5 : i32
      %dma_wait3A_163 = arith.constant 0 : i32
      %dma_wait3A_164 = tpu.memref_slice %arg4[%dma_wait3A_162, %dma_wait3A_163] : memref<8x128xi32, #tpu.memory_space<vmem>> -> memref<1x128xi32, #tpu.memory_space<vmem>>
      %dma_wait3A_165 = tpu.memref_squeeze %dma_wait3A_164 : memref<1x128xi32, #tpu.memory_space<vmem>> -> memref<128xi32, #tpu.memory_space<vmem>>
      %dma_wait3A_166 = arith.constant 0 : i32
      %dma_wait3A_167 = arith.constant 0 : i32
      %dma_wait3A_168 = tpu.memref_slice %arg7[%dma_wait3A_166, %dma_wait3A_167] : memref<10240x16xf32, #tpu.memory_space<vmem_shared>> -> memref<10240x16xf32, #tpu.memory_space<vmem_shared>>
      tpu.wait_indirect_dma semaphore(%arg8 : memref<!tpu.dma_semaphore, #tpu.memory_space<semaphore_mem>>) src(%arg6 : memref<128x16xf32, #tpu.memory_space<vmem>>) dst(%dma_wait3A_168 : memref<10240x16xf32, #tpu.memory_space<vmem_shared>>)
      %dma_wait3A_169 = arith.constant 6 : i32
      %dma_wait3A_170 = arith.constant 0 : i32
      %dma_wait3A_171 = tpu.memref_slice %arg4[%dma_wait3A_169, %dma_wait3A_170] : memref<8x128xi32, #tpu.memory_space<vmem>> -> memref<1x128xi32, #tpu.memory_space<vmem>>
      %dma_wait3A_172 = tpu.memref_squeeze %dma_wait3A_171 : memref<1x128xi32, #tpu.memory_space<vmem>> -> memref<128xi32, #tpu.memory_space<vmem>>
      %dma_wait3A_173 = arith.constant 0 : i32
      %dma_wait3A_174 = arith.constant 0 : i32
      %dma_wait3A_175 = tpu.memref_slice %arg7[%dma_wait3A_173, %dma_wait3A_174] : memref<10240x16xf32, #tpu.memory_space<vmem_shared>> -> memref<10240x16xf32, #tpu.memory_space<vmem_shared>>
      tpu.wait_indirect_dma semaphore(%arg8 : memref<!tpu.dma_semaphore, #tpu.memory_space<semaphore_mem>>) src(%arg6 : memref<128x16xf32, #tpu.memory_space<vmem>>) dst(%dma_wait3A_175 : memref<10240x16xf32, #tpu.memory_space<vmem_shared>>)
      %dma_wait3A_176 = arith.constant 7 : i32
      %dma_wait3A_177 = arith.constant 0 : i32
      %dma_wait3A_178 = tpu.memref_slice %arg4[%dma_wait3A_176, %dma_wait3A_177] : memref<8x128xi32, #tpu.memory_space<vmem>> -> memref<1x128xi32, #tpu.memory_space<vmem>>
      %dma_wait3A_179 = tpu.memref_squeeze %dma_wait3A_178 : memref<1x128xi32, #tpu.memory_space<vmem>> -> memref<128xi32, #tpu.memory_space<vmem>>
      %dma_wait3A_180 = arith.constant 0 : i32
      %dma_wait3A_181 = arith.constant 0 : i32
      %dma_wait3A_182 = tpu.memref_slice %arg7[%dma_wait3A_180, %dma_wait3A_181] : memref<10240x16xf32, #tpu.memory_space<vmem_shared>> -> memref<10240x16xf32, #tpu.memory_space<vmem_shared>>
      tpu.wait_indirect_dma semaphore(%arg8 : memref<!tpu.dma_semaphore, #tpu.memory_space<semaphore_mem>>) src(%arg6 : memref<128x16xf32, #tpu.memory_space<vmem>>) dst(%dma_wait3A_182 : memref<10240x16xf32, #tpu.memory_space<vmem_shared>>)
      %add3A_183 = arith.constant 0 : i32
      %add3A_184 = arith.addi %add3A_62, %add3A_183 : i32
      %add3A_185 = arith.constant 2 : i32
      %add3A_186 = arith.addi %add3A_184, %add3A_185 : i32
      %lt3A = arith.constant 10 : i32
      %lt3A_187 = arith.cmpi slt, %add3A_186, %lt3A : i32
      %convert_element_type3A = arith.extui %lt3A_187 : i1 to i32
      %cond3A = arith.constant 0 : i32
      %cond3A_188 = arith.cmpi ne, %convert_element_type3A, %cond3A : i32
      scf.if %cond3A_188 {
        %dma_start3A_319 = arith.constant 0 : i32
        %dma_start3A_320 = arith.constant 0 : i32
        %dma_start3A_321 = tpu.memref_slice %arg2[%add3A, %add3A_186, %dma_start3A_319, %dma_start3A_320] : memref<32x10x8x128xi32, #tpu.memory_space<hbm>> -> memref<1x1x8x128xi32, #tpu.memory_space<hbm>>
        %dma_start3A_322 = tpu.memref_squeeze %dma_start3A_321 : memref<1x1x8x128xi32, #tpu.memory_space<hbm>> -> memref<8x128xi32, #tpu.memory_space<hbm>>
        %dma_start3A_323 = arith.constant 0 : i32
        %dma_start3A_324 = arith.constant 0 : i32
        %dma_start3A_325 = tpu.memref_slice %arg2[%add3A, %add3A_186, %dma_start3A_323, %dma_start3A_324] : memref<32x10x8x128xi32, #tpu.memory_space<hbm>> -> memref<1x1x8x128xi32, #tpu.memory_space<hbm>>
        %dma_start3A_326 = tpu.memref_squeeze %dma_start3A_325 : memref<1x1x8x128xi32, #tpu.memory_space<hbm>> -> memref<8x128xi32, #tpu.memory_space<hbm>>
        tpu.enqueue_dma source(%dma_start3A_326 : memref<8x128xi32, #tpu.memory_space<hbm>>) target(%arg4 : memref<8x128xi32, #tpu.memory_space<vmem>>) target_semaphore(%arg9 : memref<!tpu.dma_semaphore, #tpu.memory_space<semaphore_mem>>)
      } else {
      }
      %dma_wait3A_189 = arith.constant 0 : i32
      %dma_wait3A_190 = arith.constant 0 : i32
      %dma_wait3A_191 = arith.constant 0 : i32
      %dma_wait3A_192 = tpu.memref_slice %arg2[%add3A, %dma_wait3A_189, %dma_wait3A_190, %dma_wait3A_191] : memref<32x10x8x128xi32, #tpu.memory_space<hbm>> -> memref<1x1x8x128xi32, #tpu.memory_space<hbm>>
      %dma_wait3A_193 = tpu.memref_squeeze %dma_wait3A_192 : memref<1x1x8x128xi32, #tpu.memory_space<hbm>> -> memref<8x128xi32, #tpu.memory_space<hbm>>
      %dma_wait3A_194 = arith.constant 0 : i32
      %dma_wait3A_195 = arith.constant 0 : i32
      %dma_wait3A_196 = tpu.memref_slice %arg2[%add3A, %dma_wait3A_189, %dma_wait3A_194, %dma_wait3A_195] : memref<32x10x8x128xi32, #tpu.memory_space<hbm>> -> memref<1x1x8x128xi32, #tpu.memory_space<hbm>>
      %dma_wait3A_197 = tpu.memref_squeeze %dma_wait3A_196 : memref<1x1x8x128xi32, #tpu.memory_space<hbm>> -> memref<8x128xi32, #tpu.memory_space<hbm>>
      tpu.wait_dma2 semaphore(%arg10 : memref<!tpu.dma_semaphore, #tpu.memory_space<semaphore_mem>>) src(%dma_wait3A_197 : memref<8x128xi32, #tpu.memory_space<hbm>>) dst(%arg5 : memref<8x128xi32, #tpu.memory_space<vmem>>)
      %dma_start3A_198 = arith.constant 0 : i32
      %dma_start3A_199 = arith.constant 0 : i32
      %dma_start3A_200 = tpu.memref_slice %arg5[%dma_start3A_198, %dma_start3A_199] : memref<8x128xi32, #tpu.memory_space<vmem>> -> memref<1x128xi32, #tpu.memory_space<vmem>>
      %dma_start3A_201 = tpu.memref_squeeze %dma_start3A_200 : memref<1x128xi32, #tpu.memory_space<vmem>> -> memref<128xi32, #tpu.memory_space<vmem>>
      %dma_start3A_202 = arith.constant 0 : i32
      %dma_start3A_203 = arith.constant 0 : i32
      %dma_start3A_204 = tpu.memref_slice %arg7[%dma_start3A_202, %dma_start3A_203] : memref<10240x16xf32, #tpu.memory_space<vmem_shared>> -> memref<10240x16xf32, #tpu.memory_space<vmem_shared>>
      tpu.enqueue_indirect_dma source(%arg6 : memref<128x16xf32, #tpu.memory_space<vmem>>) target(%dma_start3A_204 : memref<10240x16xf32, #tpu.memory_space<vmem_shared>>) offsets(%dma_start3A_201 : memref<128xi32, #tpu.memory_space<vmem>>) semaphore(%arg8 : memref<!tpu.dma_semaphore, #tpu.memory_space<semaphore_mem>>) {add = true}
      %dma_start3A_205 = arith.constant 1 : i32
      %dma_start3A_206 = arith.constant 0 : i32
      %dma_start3A_207 = tpu.memref_slice %arg5[%dma_start3A_205, %dma_start3A_206] : memref<8x128xi32, #tpu.memory_space<vmem>> -> memref<1x128xi32, #tpu.memory_space<vmem>>
      %dma_start3A_208 = tpu.memref_squeeze %dma_start3A_207 : memref<1x128xi32, #tpu.memory_space<vmem>> -> memref<128xi32, #tpu.memory_space<vmem>>
      %dma_start3A_209 = arith.constant 0 : i32
      %dma_start3A_210 = arith.constant 0 : i32
      %dma_start3A_211 = tpu.memref_slice %arg7[%dma_start3A_209, %dma_start3A_210] : memref<10240x16xf32, #tpu.memory_space<vmem_shared>> -> memref<10240x16xf32, #tpu.memory_space<vmem_shared>>
      tpu.enqueue_indirect_dma source(%arg6 : memref<128x16xf32, #tpu.memory_space<vmem>>) target(%dma_start3A_211 : memref<10240x16xf32, #tpu.memory_space<vmem_shared>>) offsets(%dma_start3A_208 : memref<128xi32, #tpu.memory_space<vmem>>) semaphore(%arg8 : memref<!tpu.dma_semaphore, #tpu.memory_space<semaphore_mem>>) {add = true}
      %dma_start3A_212 = arith.constant 2 : i32
      %dma_start3A_213 = arith.constant 0 : i32
      %dma_start3A_214 = tpu.memref_slice %arg5[%dma_start3A_212, %dma_start3A_213] : memref<8x128xi32, #tpu.memory_space<vmem>> -> memref<1x128xi32, #tpu.memory_space<vmem>>
      %dma_start3A_215 = tpu.memref_squeeze %dma_start3A_214 : memref<1x128xi32, #tpu.memory_space<vmem>> -> memref<128xi32, #tpu.memory_space<vmem>>
      %dma_start3A_216 = arith.constant 0 : i32
      %dma_start3A_217 = arith.constant 0 : i32
      %dma_start3A_218 = tpu.memref_slice %arg7[%dma_start3A_216, %dma_start3A_217] : memref<10240x16xf32, #tpu.memory_space<vmem_shared>> -> memref<10240x16xf32, #tpu.memory_space<vmem_shared>>
      tpu.enqueue_indirect_dma source(%arg6 : memref<128x16xf32, #tpu.memory_space<vmem>>) target(%dma_start3A_218 : memref<10240x16xf32, #tpu.memory_space<vmem_shared>>) offsets(%dma_start3A_215 : memref<128xi32, #tpu.memory_space<vmem>>) semaphore(%arg8 : memref<!tpu.dma_semaphore, #tpu.memory_space<semaphore_mem>>) {add = true}
      %dma_start3A_219 = arith.constant 3 : i32
      %dma_start3A_220 = arith.constant 0 : i32
      %dma_start3A_221 = tpu.memref_slice %arg5[%dma_start3A_219, %dma_start3A_220] : memref<8x128xi32, #tpu.memory_space<vmem>> -> memref<1x128xi32, #tpu.memory_space<vmem>>
      %dma_start3A_222 = tpu.memref_squeeze %dma_start3A_221 : memref<1x128xi32, #tpu.memory_space<vmem>> -> memref<128xi32, #tpu.memory_space<vmem>>
      %dma_start3A_223 = arith.constant 0 : i32
      %dma_start3A_224 = arith.constant 0 : i32
      %dma_start3A_225 = tpu.memref_slice %arg7[%dma_start3A_223, %dma_start3A_224] : memref<10240x16xf32, #tpu.memory_space<vmem_shared>> -> memref<10240x16xf32, #tpu.memory_space<vmem_shared>>
      tpu.enqueue_indirect_dma source(%arg6 : memref<128x16xf32, #tpu.memory_space<vmem>>) target(%dma_start3A_225 : memref<10240x16xf32, #tpu.memory_space<vmem_shared>>) offsets(%dma_start3A_222 : memref<128xi32, #tpu.memory_space<vmem>>) semaphore(%arg8 : memref<!tpu.dma_semaphore, #tpu.memory_space<semaphore_mem>>) {add = true}
      %dma_start3A_226 = arith.constant 4 : i32
      %dma_start3A_227 = arith.constant 0 : i32
      %dma_start3A_228 = tpu.memref_slice %arg5[%dma_start3A_226, %dma_start3A_227] : memref<8x128xi32, #tpu.memory_space<vmem>> -> memref<1x128xi32, #tpu.memory_space<vmem>>
      %dma_start3A_229 = tpu.memref_squeeze %dma_start3A_228 : memref<1x128xi32, #tpu.memory_space<vmem>> -> memref<128xi32, #tpu.memory_space<vmem>>
      %dma_start3A_230 = arith.constant 0 : i32
      %dma_start3A_231 = arith.constant 0 : i32
      %dma_start3A_232 = tpu.memref_slice %arg7[%dma_start3A_230, %dma_start3A_231] : memref<10240x16xf32, #tpu.memory_space<vmem_shared>> -> memref<10240x16xf32, #tpu.memory_space<vmem_shared>>
      tpu.enqueue_indirect_dma source(%arg6 : memref<128x16xf32, #tpu.memory_space<vmem>>) target(%dma_start3A_232 : memref<10240x16xf32, #tpu.memory_space<vmem_shared>>) offsets(%dma_start3A_229 : memref<128xi32, #tpu.memory_space<vmem>>) semaphore(%arg8 : memref<!tpu.dma_semaphore, #tpu.memory_space<semaphore_mem>>) {add = true}
      %dma_start3A_233 = arith.constant 5 : i32
      %dma_start3A_234 = arith.constant 0 : i32
      %dma_start3A_235 = tpu.memref_slice %arg5[%dma_start3A_233, %dma_start3A_234] : memref<8x128xi32, #tpu.memory_space<vmem>> -> memref<1x128xi32, #tpu.memory_space<vmem>>
      %dma_start3A_236 = tpu.memref_squeeze %dma_start3A_235 : memref<1x128xi32, #tpu.memory_space<vmem>> -> memref<128xi32, #tpu.memory_space<vmem>>
      %dma_start3A_237 = arith.constant 0 : i32
      %dma_start3A_238 = arith.constant 0 : i32
      %dma_start3A_239 = tpu.memref_slice %arg7[%dma_start3A_237, %dma_start3A_238] : memref<10240x16xf32, #tpu.memory_space<vmem_shared>> -> memref<10240x16xf32, #tpu.memory_space<vmem_shared>>
      tpu.enqueue_indirect_dma source(%arg6 : memref<128x16xf32, #tpu.memory_space<vmem>>) target(%dma_start3A_239 : memref<10240x16xf32, #tpu.memory_space<vmem_shared>>) offsets(%dma_start3A_236 : memref<128xi32, #tpu.memory_space<vmem>>) semaphore(%arg8 : memref<!tpu.dma_semaphore, #tpu.memory_space<semaphore_mem>>) {add = true}
      %dma_start3A_240 = arith.constant 6 : i32
      %dma_start3A_241 = arith.constant 0 : i32
      %dma_start3A_242 = tpu.memref_slice %arg5[%dma_start3A_240, %dma_start3A_241] : memref<8x128xi32, #tpu.memory_space<vmem>> -> memref<1x128xi32, #tpu.memory_space<vmem>>
      %dma_start3A_243 = tpu.memref_squeeze %dma_start3A_242 : memref<1x128xi32, #tpu.memory_space<vmem>> -> memref<128xi32, #tpu.memory_space<vmem>>
      %dma_start3A_244 = arith.constant 0 : i32
      %dma_start3A_245 = arith.constant 0 : i32
      %dma_start3A_246 = tpu.memref_slice %arg7[%dma_start3A_244, %dma_start3A_245] : memref<10240x16xf32, #tpu.memory_space<vmem_shared>> -> memref<10240x16xf32, #tpu.memory_space<vmem_shared>>
      tpu.enqueue_indirect_dma source(%arg6 : memref<128x16xf32, #tpu.memory_space<vmem>>) target(%dma_start3A_246 : memref<10240x16xf32, #tpu.memory_space<vmem_shared>>) offsets(%dma_start3A_243 : memref<128xi32, #tpu.memory_space<vmem>>) semaphore(%arg8 : memref<!tpu.dma_semaphore, #tpu.memory_space<semaphore_mem>>) {add = true}
      %dma_start3A_247 = arith.constant 7 : i32
      %dma_start3A_248 = arith.constant 0 : i32
      %dma_start3A_249 = tpu.memref_slice %arg5[%dma_start3A_247, %dma_start3A_248] : memref<8x128xi32, #tpu.memory_space<vmem>> -> memref<1x128xi32, #tpu.memory_space<vmem>>
      %dma_start3A_250 = tpu.memref_squeeze %dma_start3A_249 : memref<1x128xi32, #tpu.memory_space<vmem>> -> memref<128xi32, #tpu.memory_space<vmem>>
      %dma_start3A_251 = arith.constant 0 : i32
      %dma_start3A_252 = arith.constant 0 : i32
      %dma_start3A_253 = tpu.memref_slice %arg7[%dma_start3A_251, %dma_start3A_252] : memref<10240x16xf32, #tpu.memory_space<vmem_shared>> -> memref<10240x16xf32, #tpu.memory_space<vmem_shared>>
      tpu.enqueue_indirect_dma source(%arg6 : memref<128x16xf32, #tpu.memory_space<vmem>>) target(%dma_start3A_253 : memref<10240x16xf32, #tpu.memory_space<vmem_shared>>) offsets(%dma_start3A_250 : memref<128xi32, #tpu.memory_space<vmem>>) semaphore(%arg8 : memref<!tpu.dma_semaphore, #tpu.memory_space<semaphore_mem>>) {add = true}
      %dma_wait3A_254 = arith.constant 0 : i32
      %dma_wait3A_255 = arith.constant 0 : i32
      %dma_wait3A_256 = tpu.memref_slice %arg5[%dma_wait3A_254, %dma_wait3A_255] : memref<8x128xi32, #tpu.memory_space<vmem>> -> memref<1x128xi32, #tpu.memory_space<vmem>>
      %dma_wait3A_257 = tpu.memref_squeeze %dma_wait3A_256 : memref<1x128xi32, #tpu.memory_space<vmem>> -> memref<128xi32, #tpu.memory_space<vmem>>
      %dma_wait3A_258 = arith.constant 0 : i32
      %dma_wait3A_259 = arith.constant 0 : i32
      %dma_wait3A_260 = tpu.memref_slice %arg7[%dma_wait3A_258, %dma_wait3A_259] : memref<10240x16xf32, #tpu.memory_space<vmem_shared>> -> memref<10240x16xf32, #tpu.memory_space<vmem_shared>>
      tpu.wait_indirect_dma semaphore(%arg8 : memref<!tpu.dma_semaphore, #tpu.memory_space<semaphore_mem>>) src(%arg6 : memref<128x16xf32, #tpu.memory_space<vmem>>) dst(%dma_wait3A_260 : memref<10240x16xf32, #tpu.memory_space<vmem_shared>>)
      %dma_wait3A_261 = arith.constant 1 : i32
      %dma_wait3A_262 = arith.constant 0 : i32
      %dma_wait3A_263 = tpu.memref_slice %arg5[%dma_wait3A_261, %dma_wait3A_262] : memref<8x128xi32, #tpu.memory_space<vmem>> -> memref<1x128xi32, #tpu.memory_space<vmem>>
      %dma_wait3A_264 = tpu.memref_squeeze %dma_wait3A_263 : memref<1x128xi32, #tpu.memory_space<vmem>> -> memref<128xi32, #tpu.memory_space<vmem>>
      %dma_wait3A_265 = arith.constant 0 : i32
      %dma_wait3A_266 = arith.constant 0 : i32
      %dma_wait3A_267 = tpu.memref_slice %arg7[%dma_wait3A_265, %dma_wait3A_266] : memref<10240x16xf32, #tpu.memory_space<vmem_shared>> -> memref<10240x16xf32, #tpu.memory_space<vmem_shared>>
      tpu.wait_indirect_dma semaphore(%arg8 : memref<!tpu.dma_semaphore, #tpu.memory_space<semaphore_mem>>) src(%arg6 : memref<128x16xf32, #tpu.memory_space<vmem>>) dst(%dma_wait3A_267 : memref<10240x16xf32, #tpu.memory_space<vmem_shared>>)
      %dma_wait3A_268 = arith.constant 2 : i32
      %dma_wait3A_269 = arith.constant 0 : i32
      %dma_wait3A_270 = tpu.memref_slice %arg5[%dma_wait3A_268, %dma_wait3A_269] : memref<8x128xi32, #tpu.memory_space<vmem>> -> memref<1x128xi32, #tpu.memory_space<vmem>>
      %dma_wait3A_271 = tpu.memref_squeeze %dma_wait3A_270 : memref<1x128xi32, #tpu.memory_space<vmem>> -> memref<128xi32, #tpu.memory_space<vmem>>
      %dma_wait3A_272 = arith.constant 0 : i32
      %dma_wait3A_273 = arith.constant 0 : i32
      %dma_wait3A_274 = tpu.memref_slice %arg7[%dma_wait3A_272, %dma_wait3A_273] : memref<10240x16xf32, #tpu.memory_space<vmem_shared>> -> memref<10240x16xf32, #tpu.memory_space<vmem_shared>>
      tpu.wait_indirect_dma semaphore(%arg8 : memref<!tpu.dma_semaphore, #tpu.memory_space<semaphore_mem>>) src(%arg6 : memref<128x16xf32, #tpu.memory_space<vmem>>) dst(%dma_wait3A_274 : memref<10240x16xf32, #tpu.memory_space<vmem_shared>>)
      %dma_wait3A_275 = arith.constant 3 : i32
      %dma_wait3A_276 = arith.constant 0 : i32
      %dma_wait3A_277 = tpu.memref_slice %arg5[%dma_wait3A_275, %dma_wait3A_276] : memref<8x128xi32, #tpu.memory_space<vmem>> -> memref<1x128xi32, #tpu.memory_space<vmem>>
      %dma_wait3A_278 = tpu.memref_squeeze %dma_wait3A_277 : memref<1x128xi32, #tpu.memory_space<vmem>> -> memref<128xi32, #tpu.memory_space<vmem>>
      %dma_wait3A_279 = arith.constant 0 : i32
      %dma_wait3A_280 = arith.constant 0 : i32
      %dma_wait3A_281 = tpu.memref_slice %arg7[%dma_wait3A_279, %dma_wait3A_280] : memref<10240x16xf32, #tpu.memory_space<vmem_shared>> -> memref<10240x16xf32, #tpu.memory_space<vmem_shared>>
      tpu.wait_indirect_dma semaphore(%arg8 : memref<!tpu.dma_semaphore, #tpu.memory_space<semaphore_mem>>) src(%arg6 : memref<128x16xf32, #tpu.memory_space<vmem>>) dst(%dma_wait3A_281 : memref<10240x16xf32, #tpu.memory_space<vmem_shared>>)
      %dma_wait3A_282 = arith.constant 4 : i32
      %dma_wait3A_283 = arith.constant 0 : i32
      %dma_wait3A_284 = tpu.memref_slice %arg5[%dma_wait3A_282, %dma_wait3A_283] : memref<8x128xi32, #tpu.memory_space<vmem>> -> memref<1x128xi32, #tpu.memory_space<vmem>>
      %dma_wait3A_285 = tpu.memref_squeeze %dma_wait3A_284 : memref<1x128xi32, #tpu.memory_space<vmem>> -> memref<128xi32, #tpu.memory_space<vmem>>
      %dma_wait3A_286 = arith.constant 0 : i32
      %dma_wait3A_287 = arith.constant 0 : i32
      %dma_wait3A_288 = tpu.memref_slice %arg7[%dma_wait3A_286, %dma_wait3A_287] : memref<10240x16xf32, #tpu.memory_space<vmem_shared>> -> memref<10240x16xf32, #tpu.memory_space<vmem_shared>>
      tpu.wait_indirect_dma semaphore(%arg8 : memref<!tpu.dma_semaphore, #tpu.memory_space<semaphore_mem>>) src(%arg6 : memref<128x16xf32, #tpu.memory_space<vmem>>) dst(%dma_wait3A_288 : memref<10240x16xf32, #tpu.memory_space<vmem_shared>>)
      %dma_wait3A_289 = arith.constant 5 : i32
      %dma_wait3A_290 = arith.constant 0 : i32
      %dma_wait3A_291 = tpu.memref_slice %arg5[%dma_wait3A_289, %dma_wait3A_290] : memref<8x128xi32, #tpu.memory_space<vmem>> -> memref<1x128xi32, #tpu.memory_space<vmem>>
      %dma_wait3A_292 = tpu.memref_squeeze %dma_wait3A_291 : memref<1x128xi32, #tpu.memory_space<vmem>> -> memref<128xi32, #tpu.memory_space<vmem>>
      %dma_wait3A_293 = arith.constant 0 : i32
      %dma_wait3A_294 = arith.constant 0 : i32
      %dma_wait3A_295 = tpu.memref_slice %arg7[%dma_wait3A_293, %dma_wait3A_294] : memref<10240x16xf32, #tpu.memory_space<vmem_shared>> -> memref<10240x16xf32, #tpu.memory_space<vmem_shared>>
      tpu.wait_indirect_dma semaphore(%arg8 : memref<!tpu.dma_semaphore, #tpu.memory_space<semaphore_mem>>) src(%arg6 : memref<128x16xf32, #tpu.memory_space<vmem>>) dst(%dma_wait3A_295 : memref<10240x16xf32, #tpu.memory_space<vmem_shared>>)
      %dma_wait3A_296 = arith.constant 6 : i32
      %dma_wait3A_297 = arith.constant 0 : i32
      %dma_wait3A_298 = tpu.memref_slice %arg5[%dma_wait3A_296, %dma_wait3A_297] : memref<8x128xi32, #tpu.memory_space<vmem>> -> memref<1x128xi32, #tpu.memory_space<vmem>>
      %dma_wait3A_299 = tpu.memref_squeeze %dma_wait3A_298 : memref<1x128xi32, #tpu.memory_space<vmem>> -> memref<128xi32, #tpu.memory_space<vmem>>
      %dma_wait3A_300 = arith.constant 0 : i32
      %dma_wait3A_301 = arith.constant 0 : i32
      %dma_wait3A_302 = tpu.memref_slice %arg7[%dma_wait3A_300, %dma_wait3A_301] : memref<10240x16xf32, #tpu.memory_space<vmem_shared>> -> memref<10240x16xf32, #tpu.memory_space<vmem_shared>>
      tpu.wait_indirect_dma semaphore(%arg8 : memref<!tpu.dma_semaphore, #tpu.memory_space<semaphore_mem>>) src(%arg6 : memref<128x16xf32, #tpu.memory_space<vmem>>) dst(%dma_wait3A_302 : memref<10240x16xf32, #tpu.memory_space<vmem_shared>>)
      %dma_wait3A_303 = arith.constant 7 : i32
      %dma_wait3A_304 = arith.constant 0 : i32
      %dma_wait3A_305 = tpu.memref_slice %arg5[%dma_wait3A_303, %dma_wait3A_304] : memref<8x128xi32, #tpu.memory_space<vmem>> -> memref<1x128xi32, #tpu.memory_space<vmem>>
      %dma_wait3A_306 = tpu.memref_squeeze %dma_wait3A_305 : memref<1x128xi32, #tpu.memory_space<vmem>> -> memref<128xi32, #tpu.memory_space<vmem>>
      %dma_wait3A_307 = arith.constant 0 : i32
      %dma_wait3A_308 = arith.constant 0 : i32
      %dma_wait3A_309 = tpu.memref_slice %arg7[%dma_wait3A_307, %dma_wait3A_308] : memref<10240x16xf32, #tpu.memory_space<vmem_shared>> -> memref<10240x16xf32, #tpu.memory_space<vmem_shared>>
      tpu.wait_indirect_dma semaphore(%arg8 : memref<!tpu.dma_semaphore, #tpu.memory_space<semaphore_mem>>) src(%arg6 : memref<128x16xf32, #tpu.memory_space<vmem>>) dst(%dma_wait3A_309 : memref<10240x16xf32, #tpu.memory_space<vmem_shared>>)
      %add3A_310 = arith.constant 1 : i32
      %add3A_311 = arith.addi %add3A_62, %add3A_310 : i32
      %add3A_312 = arith.constant 2 : i32
      %add3A_313 = arith.addi %add3A_311, %add3A_312 : i32
      %lt3A_314 = arith.constant 10 : i32
      %lt3A_315 = arith.cmpi slt, %add3A_313, %lt3A_314 : i32
      %convert_element_type3A_316 = arith.extui %lt3A_315 : i1 to i32
      %cond3A_317 = arith.constant 0 : i32
      %cond3A_318 = arith.cmpi ne, %convert_element_type3A_316, %cond3A_317 : i32
      scf.if %cond3A_318 {
        %dma_start3A_319 = arith.constant 0 : i32
        %dma_start3A_320 = arith.constant 0 : i32
        %dma_start3A_321 = tpu.memref_slice %arg2[%add3A, %add3A_313, %dma_start3A_319, %dma_start3A_320] : memref<32x10x8x128xi32, #tpu.memory_space<hbm>> -> memref<1x1x8x128xi32, #tpu.memory_space<hbm>>
        %dma_start3A_322 = tpu.memref_squeeze %dma_start3A_321 : memref<1x1x8x128xi32, #tpu.memory_space<hbm>> -> memref<8x128xi32, #tpu.memory_space<hbm>>
        %dma_start3A_323 = arith.constant 0 : i32
        %dma_start3A_324 = arith.constant 0 : i32
        %dma_start3A_325 = tpu.memref_slice %arg2[%add3A, %add3A_313, %dma_start3A_323, %dma_start3A_324] : memref<32x10x8x128xi32, #tpu.memory_space<hbm>> -> memref<1x1x8x128xi32, #tpu.memory_space<hbm>>
        %dma_start3A_326 = tpu.memref_squeeze %dma_start3A_325 : memref<1x1x8x128xi32, #tpu.memory_space<hbm>> -> memref<8x128xi32, #tpu.memory_space<hbm>>
        tpu.enqueue_dma source(%dma_start3A_326 : memref<8x128xi32, #tpu.memory_space<hbm>>) target(%arg5 : memref<8x128xi32, #tpu.memory_space<vmem>>) target_semaphore(%arg10 : memref<!tpu.dma_semaphore, #tpu.memory_space<semaphore_mem>>)
      } else {
      }
    }
    %scan3A_46 = arith.constant 5 : i32
    %barrier3A_47 = arith.constant 0 : index
    tpu.barrier barrier_id(%barrier3A_47)
    %add3A_48 = arith.constant 0 : i32
    %add3A_49 = arith.addi %mul3A_7, %add3A_48 : i32
    "tpu.region"() ({
      %run_scoped3A = tpu.sem_alloc : memref<!tpu.dma_semaphore, #tpu.memory_space<semaphore_mem>>
      %dma_start3A_58 = arith.constant 0 : i32
      %dma_start3A_59 = tpu.memref_slice %arg3[%arg0, %add3A_49, %dma_start3A_58] : memref<2x10240x16xf32, #tpu.memory_space<hbm>> -> memref<1x128x16xf32, #tpu.memory_space<hbm>>
      %dma_start3A_60 = tpu.memref_squeeze %dma_start3A_59 : memref<1x128x16xf32, #tpu.memory_space<hbm>> -> memref<128x16xf32, #tpu.memory_space<hbm>>
      %dma_start3A_61 = arith.constant 0 : i32
      %dma_start3A_62 = tpu.memref_slice %arg7[%add3A_49, %dma_start3A_61] : memref<10240x16xf32, #tpu.memory_space<vmem_shared>> -> memref<128x16xf32, #tpu.memory_space<vmem_shared>>
      tpu.enqueue_dma source(%dma_start3A_62 : memref<128x16xf32, #tpu.memory_space<vmem_shared>>) target(%dma_start3A_60 : memref<128x16xf32, #tpu.memory_space<hbm>>) target_semaphore(%run_scoped3A : memref<!tpu.dma_semaphore, #tpu.memory_space<semaphore_mem>>)
      %dma_wait3A = arith.constant 0 : i32
      %dma_wait3A_63 = tpu.memref_slice %arg3[%arg0, %add3A_49, %dma_wait3A] : memref<2x10240x16xf32, #tpu.memory_space<hbm>> -> memref<1x128x16xf32, #tpu.memory_space<hbm>>
      %dma_wait3A_64 = tpu.memref_squeeze %dma_wait3A_63 : memref<1x128x16xf32, #tpu.memory_space<hbm>> -> memref<128x16xf32, #tpu.memory_space<hbm>>
      %dma_wait3A_65 = arith.constant 0 : i32
      %dma_wait3A_66 = tpu.memref_slice %arg7[%add3A_49, %dma_wait3A_65] : memref<10240x16xf32, #tpu.memory_space<vmem_shared>> -> memref<128x16xf32, #tpu.memory_space<vmem_shared>>
      tpu.wait_dma2 semaphore(%run_scoped3A : memref<!tpu.dma_semaphore, #tpu.memory_space<semaphore_mem>>) src(%dma_wait3A_66 : memref<128x16xf32, #tpu.memory_space<vmem_shared>>) dst(%dma_wait3A_64 : memref<128x16xf32, #tpu.memory_space<hbm>>)
      tpu.yield
    }) : () -> ()
    %add3A_50 = arith.constant 128 : i32
    %add3A_51 = arith.addi %mul3A_7, %add3A_50 : i32
    "tpu.region"() ({
      %run_scoped3A = tpu.sem_alloc : memref<!tpu.dma_semaphore, #tpu.memory_space<semaphore_mem>>
      %dma_start3A_58 = arith.constant 0 : i32
      %dma_start3A_59 = tpu.memref_slice %arg3[%arg0, %add3A_51, %dma_start3A_58] : memref<2x10240x16xf32, #tpu.memory_space<hbm>> -> memref<1x128x16xf32, #tpu.memory_space<hbm>>
      %dma_start3A_60 = tpu.memref_squeeze %dma_start3A_59 : memref<1x128x16xf32, #tpu.memory_space<hbm>> -> memref<128x16xf32, #tpu.memory_space<hbm>>
      %dma_start3A_61 = arith.constant 0 : i32
      %dma_start3A_62 = tpu.memref_slice %arg7[%add3A_51, %dma_start3A_61] : memref<10240x16xf32, #tpu.memory_space<vmem_shared>> -> memref<128x16xf32, #tpu.memory_space<vmem_shared>>
      tpu.enqueue_dma source(%dma_start3A_62 : memref<128x16xf32, #tpu.memory_space<vmem_shared>>) target(%dma_start3A_60 : memref<128x16xf32, #tpu.memory_space<hbm>>) target_semaphore(%run_scoped3A : memref<!tpu.dma_semaphore, #tpu.memory_space<semaphore_mem>>)
      %dma_wait3A = arith.constant 0 : i32
      %dma_wait3A_63 = tpu.memref_slice %arg3[%arg0, %add3A_51, %dma_wait3A] : memref<2x10240x16xf32, #tpu.memory_space<hbm>> -> memref<1x128x16xf32, #tpu.memory_space<hbm>>
      %dma_wait3A_64 = tpu.memref_squeeze %dma_wait3A_63 : memref<1x128x16xf32, #tpu.memory_space<hbm>> -> memref<128x16xf32, #tpu.memory_space<hbm>>
      %dma_wait3A_65 = arith.constant 0 : i32
      %dma_wait3A_66 = tpu.memref_slice %arg7[%add3A_51, %dma_wait3A_65] : memref<10240x16xf32, #tpu.memory_space<vmem_shared>> -> memref<128x16xf32, #tpu.memory_space<vmem_shared>>
      tpu.wait_dma2 semaphore(%run_scoped3A : memref<!tpu.dma_semaphore, #tpu.memory_space<semaphore_mem>>) src(%dma_wait3A_66 : memref<128x16xf32, #tpu.memory_space<vmem_shared>>) dst(%dma_wait3A_64 : memref<128x16xf32, #tpu.memory_space<hbm>>)
      tpu.yield
    }) : () -> ()
    %add3A_52 = arith.constant 256 : i32
    %add3A_53 = arith.addi %mul3A_7, %add3A_52 : i32
    "tpu.region"() ({
      %run_scoped3A = tpu.sem_alloc : memref<!tpu.dma_semaphore, #tpu.memory_space<semaphore_mem>>
      %dma_start3A_58 = arith.constant 0 : i32
      %dma_start3A_59 = tpu.memref_slice %arg3[%arg0, %add3A_53, %dma_start3A_58] : memref<2x10240x16xf32, #tpu.memory_space<hbm>> -> memref<1x128x16xf32, #tpu.memory_space<hbm>>
      %dma_start3A_60 = tpu.memref_squeeze %dma_start3A_59 : memref<1x128x16xf32, #tpu.memory_space<hbm>> -> memref<128x16xf32, #tpu.memory_space<hbm>>
      %dma_start3A_61 = arith.constant 0 : i32
      %dma_start3A_62 = tpu.memref_slice %arg7[%add3A_53, %dma_start3A_61] : memref<10240x16xf32, #tpu.memory_space<vmem_shared>> -> memref<128x16xf32, #tpu.memory_space<vmem_shared>>
      tpu.enqueue_dma source(%dma_start3A_62 : memref<128x16xf32, #tpu.memory_space<vmem_shared>>) target(%dma_start3A_60 : memref<128x16xf32, #tpu.memory_space<hbm>>) target_semaphore(%run_scoped3A : memref<!tpu.dma_semaphore, #tpu.memory_space<semaphore_mem>>)
      %dma_wait3A = arith.constant 0 : i32
      %dma_wait3A_63 = tpu.memref_slice %arg3[%arg0, %add3A_53, %dma_wait3A] : memref<2x10240x16xf32, #tpu.memory_space<hbm>> -> memref<1x128x16xf32, #tpu.memory_space<hbm>>
      %dma_wait3A_64 = tpu.memref_squeeze %dma_wait3A_63 : memref<1x128x16xf32, #tpu.memory_space<hbm>> -> memref<128x16xf32, #tpu.memory_space<hbm>>
      %dma_wait3A_65 = arith.constant 0 : i32
      %dma_wait3A_66 = tpu.memref_slice %arg7[%add3A_53, %dma_wait3A_65] : memref<10240x16xf32, #tpu.memory_space<vmem_shared>> -> memref<128x16xf32, #tpu.memory_space<vmem_shared>>
      tpu.wait_dma2 semaphore(%run_scoped3A : memref<!tpu.dma_semaphore, #tpu.memory_space<semaphore_mem>>) src(%dma_wait3A_66 : memref<128x16xf32, #tpu.memory_space<vmem_shared>>) dst(%dma_wait3A_64 : memref<128x16xf32, #tpu.memory_space<hbm>>)
      tpu.yield
    }) : () -> ()
    %add3A_54 = arith.constant 384 : i32
    %add3A_55 = arith.addi %mul3A_7, %add3A_54 : i32
    "tpu.region"() ({
      %run_scoped3A = tpu.sem_alloc : memref<!tpu.dma_semaphore, #tpu.memory_space<semaphore_mem>>
      %dma_start3A_58 = arith.constant 0 : i32
      %dma_start3A_59 = tpu.memref_slice %arg3[%arg0, %add3A_55, %dma_start3A_58] : memref<2x10240x16xf32, #tpu.memory_space<hbm>> -> memref<1x128x16xf32, #tpu.memory_space<hbm>>
      %dma_start3A_60 = tpu.memref_squeeze %dma_start3A_59 : memref<1x128x16xf32, #tpu.memory_space<hbm>> -> memref<128x16xf32, #tpu.memory_space<hbm>>
      %dma_start3A_61 = arith.constant 0 : i32
      %dma_start3A_62 = tpu.memref_slice %arg7[%add3A_55, %dma_start3A_61] : memref<10240x16xf32, #tpu.memory_space<vmem_shared>> -> memref<128x16xf32, #tpu.memory_space<vmem_shared>>
      tpu.enqueue_dma source(%dma_start3A_62 : memref<128x16xf32, #tpu.memory_space<vmem_shared>>) target(%dma_start3A_60 : memref<128x16xf32, #tpu.memory_space<hbm>>) target_semaphore(%run_scoped3A : memref<!tpu.dma_semaphore, #tpu.memory_space<semaphore_mem>>)
      %dma_wait3A = arith.constant 0 : i32
      %dma_wait3A_63 = tpu.memref_slice %arg3[%arg0, %add3A_55, %dma_wait3A] : memref<2x10240x16xf32, #tpu.memory_space<hbm>> -> memref<1x128x16xf32, #tpu.memory_space<hbm>>
      %dma_wait3A_64 = tpu.memref_squeeze %dma_wait3A_63 : memref<1x128x16xf32, #tpu.memory_space<hbm>> -> memref<128x16xf32, #tpu.memory_space<hbm>>
      %dma_wait3A_65 = arith.constant 0 : i32
      %dma_wait3A_66 = tpu.memref_slice %arg7[%add3A_55, %dma_wait3A_65] : memref<10240x16xf32, #tpu.memory_space<vmem_shared>> -> memref<128x16xf32, #tpu.memory_space<vmem_shared>>
      tpu.wait_dma2 semaphore(%run_scoped3A : memref<!tpu.dma_semaphore, #tpu.memory_space<semaphore_mem>>) src(%dma_wait3A_66 : memref<128x16xf32, #tpu.memory_space<vmem_shared>>) dst(%dma_wait3A_64 : memref<128x16xf32, #tpu.memory_space<hbm>>)
      tpu.yield
    }) : () -> ()
    %add3A_56 = arith.constant 512 : i32
    %add3A_57 = arith.addi %mul3A_7, %add3A_56 : i32
    "tpu.region"() ({
      %run_scoped3A = tpu.sem_alloc : memref<!tpu.dma_semaphore, #tpu.memory_space<semaphore_mem>>
      %dma_start3A_58 = arith.constant 0 : i32
      %dma_start3A_59 = tpu.memref_slice %arg3[%arg0, %add3A_57, %dma_start3A_58] : memref<2x10240x16xf32, #tpu.memory_space<hbm>> -> memref<1x128x16xf32, #tpu.memory_space<hbm>>
      %dma_start3A_60 = tpu.memref_squeeze %dma_start3A_59 : memref<1x128x16xf32, #tpu.memory_space<hbm>> -> memref<128x16xf32, #tpu.memory_space<hbm>>
      %dma_start3A_61 = arith.constant 0 : i32
      %dma_start3A_62 = tpu.memref_slice %arg7[%add3A_57, %dma_start3A_61] : memref<10240x16xf32, #tpu.memory_space<vmem_shared>> -> memref<128x16xf32, #tpu.memory_space<vmem_shared>>
      tpu.enqueue_dma source(%dma_start3A_62 : memref<128x16xf32, #tpu.memory_space<vmem_shared>>) target(%dma_start3A_60 : memref<128x16xf32, #tpu.memory_space<hbm>>) target_semaphore(%run_scoped3A : memref<!tpu.dma_semaphore, #tpu.memory_space<semaphore_mem>>)
      %dma_wait3A = arith.constant 0 : i32
      %dma_wait3A_63 = tpu.memref_slice %arg3[%arg0, %add3A_57, %dma_wait3A] : memref<2x10240x16xf32, #tpu.memory_space<hbm>> -> memref<1x128x16xf32, #tpu.memory_space<hbm>>
      %dma_wait3A_64 = tpu.memref_squeeze %dma_wait3A_63 : memref<1x128x16xf32, #tpu.memory_space<hbm>> -> memref<128x16xf32, #tpu.memory_space<hbm>>
      %dma_wait3A_65 = arith.constant 0 : i32
      %dma_wait3A_66 = tpu.memref_slice %arg7[%add3A_57, %dma_wait3A_65] : memref<10240x16xf32, #tpu.memory_space<vmem_shared>> -> memref<128x16xf32, #tpu.memory_space<vmem_shared>>
      tpu.wait_dma2 semaphore(%run_scoped3A : memref<!tpu.dma_semaphore, #tpu.memory_space<semaphore_mem>>) src(%dma_wait3A_66 : memref<128x16xf32, #tpu.memory_space<vmem_shared>>) dst(%dma_wait3A_64 : memref<128x16xf32, #tpu.memory_space<hbm>>)
      tpu.yield
    }) : () -> ()
    return
  }
}

#map = affine_map<(d0, d1) -> (0, 0)>
#map1 = affine_map<(d0, d1) -> (0, 0, 0, 0)>
#map2 = affine_map<(d0, d1) -> (0, 0, 0)>
module attributes {stable_mosaic.version = 14 : i64} {
  func.func @body(%arg0: i32, %arg1: i32, %arg2: memref<10240x48xf32, #tpu.memory_space<hbm>>, %arg3: memref<32x10x8x128xi32, #tpu.memory_space<hbm>>, %arg4: memref<32x10x8x128xi32, #tpu.memory_space<hbm>>, %arg5: memref<2x10240x48xf32, #tpu.memory_space<hbm>>, %arg6: memref<8x128xi32, #tpu.memory_space<vmem>>, %arg7: memref<8x128xi32, #tpu.memory_space<vmem>>, %arg8: memref<8x128xi32, #tpu.memory_space<vmem>>, %arg9: memref<8x128xi32, #tpu.memory_space<vmem>>, %arg10: memref<128x48xf32, #tpu.memory_space<vmem>>, %arg11: memref<128x48xf32, #tpu.memory_space<vmem>>, %arg12: memref<10240x48xf32, #tpu.memory_space<vmem_shared>>, %arg13: memref<!tpu.dma_semaphore, #tpu.memory_space<semaphore_mem>>, %arg14: memref<!tpu.dma_semaphore, #tpu.memory_space<semaphore_mem>>, %arg15: memref<!tpu.dma_semaphore, #tpu.memory_space<semaphore_mem>>, %arg16: memref<!tpu.dma_semaphore, #tpu.memory_space<semaphore_mem>>, %arg17: memref<!tpu.dma_semaphore, #tpu.memory_space<semaphore_mem>>, %arg18: memref<!tpu.dma_semaphore, #tpu.memory_space<semaphore_mem>>) attributes {dimension_semantics = [#tpu.dimension_semantics<core_parallel>, #tpu.dimension_semantics<subcore_parallel>], iteration_bounds = array<i64: 2, 16>, scalar_prefetch = 0 : i64, scratch_operands = 13 : i64, tpu.core_type = #tpu.core_type<sc_vector_subcore>, window_params = [{transform_indices = #map}, {transform_indices = #map1}, {transform_indices = #map1}, {transform_indices = #map2}]} {
    %mul3A = arith.constant 16 : i32
    %mul3A_0 = arith.muli %arg0, %mul3A : i32
    %add3A = arith.addi %mul3A_0, %arg1 : i32
    %broadcast_in_dim3A = arith.constant 0.000000e+00 : f32
    %broadcast_in_dim3A_1 = vector.broadcast %broadcast_in_dim3A : f32 to vector<16xf32>
    %scan3A = arith.constant 0 : i32
    %scan3A_2 = arith.constant 128 : i32
    %scan3A_3 = arith.addi %scan3A, %scan3A_2 : i32
    %scan3A_4 = arith.constant 1 : i32
    scf.for %scan3A_69 = %scan3A to %scan3A_3 step %scan3A_4  : i32 {
      %mul3A_70 = arith.constant 1 : i32
      %mul3A_71 = arith.muli %scan3A_69, %mul3A_70 : i32
      %add3A_72 = arith.constant 0 : i32
      %add3A_73 = arith.addi %add3A_72, %mul3A_71 : i32
      %swap3A = arith.index_cast %add3A_73 : i32 to index
      %swap3A_74 = arith.constant 0 : index
      %swap3A_75 = tpu.vector_load %arg10[%swap3A, %swap3A_74] {strides = array<i32>} : memref<128x48xf32, #tpu.memory_space<vmem>>, vector<1x16xf32>,
      %swap3A_76 = vector.shape_cast %swap3A_75 : vector<1x16xf32> to vector<16xf32>
      %swap3A_77 = vector.shape_cast %broadcast_in_dim3A_1 : vector<16xf32> to vector<1x16xf32>
      tpu.vector_store %arg10[%swap3A, %swap3A_74], %swap3A_77 {strides = array<i32>} : memref<128x48xf32, #tpu.memory_space<vmem>>, vector<1x16xf32>,
      %swap3A_78 = arith.index_cast %add3A_73 : i32 to index
      %swap3A_79 = arith.constant 16 : index
      %swap3A_80 = tpu.vector_load %arg10[%swap3A_78, %swap3A_79] {strides = array<i32>} : memref<128x48xf32, #tpu.memory_space<vmem>>, vector<1x16xf32>,
      %swap3A_81 = vector.shape_cast %swap3A_80 : vector<1x16xf32> to vector<16xf32>
      %swap3A_82 = vector.shape_cast %broadcast_in_dim3A_1 : vector<16xf32> to vector<1x16xf32>
      tpu.vector_store %arg10[%swap3A_78, %swap3A_79], %swap3A_82 {strides = array<i32>} : memref<128x48xf32, #tpu.memory_space<vmem>>, vector<1x16xf32>,
      %swap3A_83 = arith.index_cast %add3A_73 : i32 to index
      %swap3A_84 = arith.constant 32 : index
      %swap3A_85 = tpu.vector_load %arg10[%swap3A_83, %swap3A_84] {strides = array<i32>} : memref<128x48xf32, #tpu.memory_space<vmem>>, vector<1x16xf32>,
      %swap3A_86 = vector.shape_cast %swap3A_85 : vector<1x16xf32> to vector<16xf32>
      %swap3A_87 = vector.shape_cast %broadcast_in_dim3A_1 : vector<16xf32> to vector<1x16xf32>
      tpu.vector_store %arg10[%swap3A_83, %swap3A_84], %swap3A_87 {strides = array<i32>} : memref<128x48xf32, #tpu.memory_space<vmem>>, vector<1x16xf32>,
    }
    %scan3A_5 = arith.constant 128 : i32
    %mul3A_6 = arith.constant 640 : i32
    %mul3A_7 = arith.muli %arg1, %mul3A_6 : i32
    %add3A_8 = arith.constant 0 : i32
    %add3A_9 = arith.addi %mul3A_7, %add3A_8 : i32
    "tpu.region"() ({
      %run_scoped3A = tpu.sem_alloc : memref<!tpu.dma_semaphore, #tpu.memory_space<semaphore_mem>>
      %dma_start3A_69 = arith.constant 0 : i32
      %dma_start3A_70 = tpu.memref_slice %arg12[%add3A_9, %dma_start3A_69] : memref<10240x48xf32, #tpu.memory_space<vmem_shared>> -> memref<128x48xf32, #tpu.memory_space<vmem_shared>>
      %dma_start3A_71 = arith.constant 0 : i32
      %dma_start3A_72 = tpu.memref_slice %arg12[%add3A_9, %dma_start3A_71] : memref<10240x48xf32, #tpu.memory_space<vmem_shared>> -> memref<128x48xf32, #tpu.memory_space<vmem_shared>>
      tpu.enqueue_dma source(%arg10 : memref<128x48xf32, #tpu.memory_space<vmem>>) target(%dma_start3A_72 : memref<128x48xf32, #tpu.memory_space<vmem_shared>>) target_semaphore(%run_scoped3A : memref<!tpu.dma_semaphore, #tpu.memory_space<semaphore_mem>>)
      %dma_wait3A = arith.constant 0 : i32
      %dma_wait3A_73 = tpu.memref_slice %arg12[%add3A_9, %dma_wait3A] : memref<10240x48xf32, #tpu.memory_space<vmem_shared>> -> memref<128x48xf32, #tpu.memory_space<vmem_shared>>
      %dma_wait3A_74 = arith.constant 0 : i32
      %dma_wait3A_75 = tpu.memref_slice %arg12[%add3A_9, %dma_wait3A_74] : memref<10240x48xf32, #tpu.memory_space<vmem_shared>> -> memref<128x48xf32, #tpu.memory_space<vmem_shared>>
      tpu.wait_dma2 semaphore(%run_scoped3A : memref<!tpu.dma_semaphore, #tpu.memory_space<semaphore_mem>>) src(%arg10 : memref<128x48xf32, #tpu.memory_space<vmem>>) dst(%dma_wait3A_75 : memref<128x48xf32, #tpu.memory_space<vmem_shared>>)
      tpu.yield
    }) : () -> ()
    %add3A_10 = arith.constant 128 : i32
    %add3A_11 = arith.addi %mul3A_7, %add3A_10 : i32
    "tpu.region"() ({
      %run_scoped3A = tpu.sem_alloc : memref<!tpu.dma_semaphore, #tpu.memory_space<semaphore_mem>>
      %dma_start3A_69 = arith.constant 0 : i32
      %dma_start3A_70 = tpu.memref_slice %arg12[%add3A_11, %dma_start3A_69] : memref<10240x48xf32, #tpu.memory_space<vmem_shared>> -> memref<128x48xf32, #tpu.memory_space<vmem_shared>>
      %dma_start3A_71 = arith.constant 0 : i32
      %dma_start3A_72 = tpu.memref_slice %arg12[%add3A_11, %dma_start3A_71] : memref<10240x48xf32, #tpu.memory_space<vmem_shared>> -> memref<128x48xf32, #tpu.memory_space<vmem_shared>>
      tpu.enqueue_dma source(%arg10 : memref<128x48xf32, #tpu.memory_space<vmem>>) target(%dma_start3A_72 : memref<128x48xf32, #tpu.memory_space<vmem_shared>>) target_semaphore(%run_scoped3A : memref<!tpu.dma_semaphore, #tpu.memory_space<semaphore_mem>>)
      %dma_wait3A = arith.constant 0 : i32
      %dma_wait3A_73 = tpu.memref_slice %arg12[%add3A_11, %dma_wait3A] : memref<10240x48xf32, #tpu.memory_space<vmem_shared>> -> memref<128x48xf32, #tpu.memory_space<vmem_shared>>
      %dma_wait3A_74 = arith.constant 0 : i32
      %dma_wait3A_75 = tpu.memref_slice %arg12[%add3A_11, %dma_wait3A_74] : memref<10240x48xf32, #tpu.memory_space<vmem_shared>> -> memref<128x48xf32, #tpu.memory_space<vmem_shared>>
      tpu.wait_dma2 semaphore(%run_scoped3A : memref<!tpu.dma_semaphore, #tpu.memory_space<semaphore_mem>>) src(%arg10 : memref<128x48xf32, #tpu.memory_space<vmem>>) dst(%dma_wait3A_75 : memref<128x48xf32, #tpu.memory_space<vmem_shared>>)
      tpu.yield
    }) : () -> ()
    %add3A_12 = arith.constant 256 : i32
    %add3A_13 = arith.addi %mul3A_7, %add3A_12 : i32
    "tpu.region"() ({
      %run_scoped3A = tpu.sem_alloc : memref<!tpu.dma_semaphore, #tpu.memory_space<semaphore_mem>>
      %dma_start3A_69 = arith.constant 0 : i32
      %dma_start3A_70 = tpu.memref_slice %arg12[%add3A_13, %dma_start3A_69] : memref<10240x48xf32, #tpu.memory_space<vmem_shared>> -> memref<128x48xf32, #tpu.memory_space<vmem_shared>>
      %dma_start3A_71 = arith.constant 0 : i32
      %dma_start3A_72 = tpu.memref_slice %arg12[%add3A_13, %dma_start3A_71] : memref<10240x48xf32, #tpu.memory_space<vmem_shared>> -> memref<128x48xf32, #tpu.memory_space<vmem_shared>>
      tpu.enqueue_dma source(%arg10 : memref<128x48xf32, #tpu.memory_space<vmem>>) target(%dma_start3A_72 : memref<128x48xf32, #tpu.memory_space<vmem_shared>>) target_semaphore(%run_scoped3A : memref<!tpu.dma_semaphore, #tpu.memory_space<semaphore_mem>>)
      %dma_wait3A = arith.constant 0 : i32
      %dma_wait3A_73 = tpu.memref_slice %arg12[%add3A_13, %dma_wait3A] : memref<10240x48xf32, #tpu.memory_space<vmem_shared>> -> memref<128x48xf32, #tpu.memory_space<vmem_shared>>
      %dma_wait3A_74 = arith.constant 0 : i32
      %dma_wait3A_75 = tpu.memref_slice %arg12[%add3A_13, %dma_wait3A_74] : memref<10240x48xf32, #tpu.memory_space<vmem_shared>> -> memref<128x48xf32, #tpu.memory_space<vmem_shared>>
      tpu.wait_dma2 semaphore(%run_scoped3A : memref<!tpu.dma_semaphore, #tpu.memory_space<semaphore_mem>>) src(%arg10 : memref<128x48xf32, #tpu.memory_space<vmem>>) dst(%dma_wait3A_75 : memref<128x48xf32, #tpu.memory_space<vmem_shared>>)
      tpu.yield
    }) : () -> ()
    %add3A_14 = arith.constant 384 : i32
    %add3A_15 = arith.addi %mul3A_7, %add3A_14 : i32
    "tpu.region"() ({
      %run_scoped3A = tpu.sem_alloc : memref<!tpu.dma_semaphore, #tpu.memory_space<semaphore_mem>>
      %dma_start3A_69 = arith.constant 0 : i32
      %dma_start3A_70 = tpu.memref_slice %arg12[%add3A_15, %dma_start3A_69] : memref<10240x48xf32, #tpu.memory_space<vmem_shared>> -> memref<128x48xf32, #tpu.memory_space<vmem_shared>>
      %dma_start3A_71 = arith.constant 0 : i32
      %dma_start3A_72 = tpu.memref_slice %arg12[%add3A_15, %dma_start3A_71] : memref<10240x48xf32, #tpu.memory_space<vmem_shared>> -> memref<128x48xf32, #tpu.memory_space<vmem_shared>>
      tpu.enqueue_dma source(%arg10 : memref<128x48xf32, #tpu.memory_space<vmem>>) target(%dma_start3A_72 : memref<128x48xf32, #tpu.memory_space<vmem_shared>>) target_semaphore(%run_scoped3A : memref<!tpu.dma_semaphore, #tpu.memory_space<semaphore_mem>>)
      %dma_wait3A = arith.constant 0 : i32
      %dma_wait3A_73 = tpu.memref_slice %arg12[%add3A_15, %dma_wait3A] : memref<10240x48xf32, #tpu.memory_space<vmem_shared>> -> memref<128x48xf32, #tpu.memory_space<vmem_shared>>
      %dma_wait3A_74 = arith.constant 0 : i32
      %dma_wait3A_75 = tpu.memref_slice %arg12[%add3A_15, %dma_wait3A_74] : memref<10240x48xf32, #tpu.memory_space<vmem_shared>> -> memref<128x48xf32, #tpu.memory_space<vmem_shared>>
      tpu.wait_dma2 semaphore(%run_scoped3A : memref<!tpu.dma_semaphore, #tpu.memory_space<semaphore_mem>>) src(%arg10 : memref<128x48xf32, #tpu.memory_space<vmem>>) dst(%dma_wait3A_75 : memref<128x48xf32, #tpu.memory_space<vmem_shared>>)
      tpu.yield
    }) : () -> ()
    %add3A_16 = arith.constant 512 : i32
    %add3A_17 = arith.addi %mul3A_7, %add3A_16 : i32
    "tpu.region"() ({
      %run_scoped3A = tpu.sem_alloc : memref<!tpu.dma_semaphore, #tpu.memory_space<semaphore_mem>>
      %dma_start3A_69 = arith.constant 0 : i32
      %dma_start3A_70 = tpu.memref_slice %arg12[%add3A_17, %dma_start3A_69] : memref<10240x48xf32, #tpu.memory_space<vmem_shared>> -> memref<128x48xf32, #tpu.memory_space<vmem_shared>>
      %dma_start3A_71 = arith.constant 0 : i32
      %dma_start3A_72 = tpu.memref_slice %arg12[%add3A_17, %dma_start3A_71] : memref<10240x48xf32, #tpu.memory_space<vmem_shared>> -> memref<128x48xf32, #tpu.memory_space<vmem_shared>>
      tpu.enqueue_dma source(%arg10 : memref<128x48xf32, #tpu.memory_space<vmem>>) target(%dma_start3A_72 : memref<128x48xf32, #tpu.memory_space<vmem_shared>>) target_semaphore(%run_scoped3A : memref<!tpu.dma_semaphore, #tpu.memory_space<semaphore_mem>>)
      %dma_wait3A = arith.constant 0 : i32
      %dma_wait3A_73 = tpu.memref_slice %arg12[%add3A_17, %dma_wait3A] : memref<10240x48xf32, #tpu.memory_space<vmem_shared>> -> memref<128x48xf32, #tpu.memory_space<vmem_shared>>
      %dma_wait3A_74 = arith.constant 0 : i32
      %dma_wait3A_75 = tpu.memref_slice %arg12[%add3A_17, %dma_wait3A_74] : memref<10240x48xf32, #tpu.memory_space<vmem_shared>> -> memref<128x48xf32, #tpu.memory_space<vmem_shared>>
      tpu.wait_dma2 semaphore(%run_scoped3A : memref<!tpu.dma_semaphore, #tpu.memory_space<semaphore_mem>>) src(%arg10 : memref<128x48xf32, #tpu.memory_space<vmem>>) dst(%dma_wait3A_75 : memref<128x48xf32, #tpu.memory_space<vmem_shared>>)
      tpu.yield
    }) : () -> ()
    %barrier3A = arith.constant 0 : index
    tpu.barrier barrier_id(%barrier3A)
    %dma_start3A = arith.constant 0 : i32
    %dma_start3A_18 = arith.constant 0 : i32
    %dma_start3A_19 = arith.constant 0 : i32
    %dma_start3A_20 = tpu.memref_slice %arg3[%add3A, %dma_start3A, %dma_start3A_18, %dma_start3A_19] : memref<32x10x8x128xi32, #tpu.memory_space<hbm>> -> memref<1x1x8x128xi32, #tpu.memory_space<hbm>>
    %dma_start3A_21 = tpu.memref_squeeze %dma_start3A_20 : memref<1x1x8x128xi32, #tpu.memory_space<hbm>> -> memref<8x128xi32, #tpu.memory_space<hbm>>
    %dma_start3A_22 = arith.constant 0 : i32
    %dma_start3A_23 = arith.constant 0 : i32
    %dma_start3A_24 = tpu.memref_slice %arg3[%add3A, %dma_start3A, %dma_start3A_22, %dma_start3A_23] : memref<32x10x8x128xi32, #tpu.memory_space<hbm>> -> memref<1x1x8x128xi32, #tpu.memory_space<hbm>>
    %dma_start3A_25 = tpu.memref_squeeze %dma_start3A_24 : memref<1x1x8x128xi32, #tpu.memory_space<hbm>> -> memref<8x128xi32, #tpu.memory_space<hbm>>
    tpu.enqueue_dma source(%dma_start3A_25 : memref<8x128xi32, #tpu.memory_space<hbm>>) target(%arg6 : memref<8x128xi32, #tpu.memory_space<vmem>>) target_semaphore(%arg17 : memref<!tpu.dma_semaphore, #tpu.memory_space<semaphore_mem>>)
    %dma_start3A_26 = arith.constant 0 : i32
    %dma_start3A_27 = arith.constant 0 : i32
    %dma_start3A_28 = arith.constant 0 : i32
    %dma_start3A_29 = tpu.memref_slice %arg4[%add3A, %dma_start3A_26, %dma_start3A_27, %dma_start3A_28] : memref<32x10x8x128xi32, #tpu.memory_space<hbm>> -> memref<1x1x8x128xi32, #tpu.memory_space<hbm>>
    %dma_start3A_30 = tpu.memref_squeeze %dma_start3A_29 : memref<1x1x8x128xi32, #tpu.memory_space<hbm>> -> memref<8x128xi32, #tpu.memory_space<hbm>>
    %dma_start3A_31 = arith.constant 0 : i32
    %dma_start3A_32 = arith.constant 0 : i32
    %dma_start3A_33 = tpu.memref_slice %arg4[%add3A, %dma_start3A_26, %dma_start3A_31, %dma_start3A_32] : memref<32x10x8x128xi32, #tpu.memory_space<hbm>> -> memref<1x1x8x128xi32, #tpu.memory_space<hbm>>
    %dma_start3A_34 = tpu.memref_squeeze %dma_start3A_33 : memref<1x1x8x128xi32, #tpu.memory_space<hbm>> -> memref<8x128xi32, #tpu.memory_space<hbm>>
    tpu.enqueue_dma source(%dma_start3A_34 : memref<8x128xi32, #tpu.memory_space<hbm>>) target(%arg8 : memref<8x128xi32, #tpu.memory_space<vmem>>) target_semaphore(%arg17 : memref<!tpu.dma_semaphore, #tpu.memory_space<semaphore_mem>>)
    %dma_start3A_35 = arith.constant 1 : i32
    %dma_start3A_36 = arith.constant 0 : i32
    %dma_start3A_37 = arith.constant 0 : i32
    %dma_start3A_38 = tpu.memref_slice %arg3[%add3A, %dma_start3A_35, %dma_start3A_36, %dma_start3A_37] : memref<32x10x8x128xi32, #tpu.memory_space<hbm>> -> memref<1x1x8x128xi32, #tpu.memory_space<hbm>>
    %dma_start3A_39 = tpu.memref_squeeze %dma_start3A_38 : memref<1x1x8x128xi32, #tpu.memory_space<hbm>> -> memref<8x128xi32, #tpu.memory_space<hbm>>
    %dma_start3A_40 = arith.constant 0 : i32
    %dma_start3A_41 = arith.constant 0 : i32
    %dma_start3A_42 = tpu.memref_slice %arg3[%add3A, %dma_start3A_35, %dma_start3A_40, %dma_start3A_41] : memref<32x10x8x128xi32, #tpu.memory_space<hbm>> -> memref<1x1x8x128xi32, #tpu.memory_space<hbm>>
    %dma_start3A_43 = tpu.memref_squeeze %dma_start3A_42 : memref<1x1x8x128xi32, #tpu.memory_space<hbm>> -> memref<8x128xi32, #tpu.memory_space<hbm>>
    tpu.enqueue_dma source(%dma_start3A_43 : memref<8x128xi32, #tpu.memory_space<hbm>>) target(%arg7 : memref<8x128xi32, #tpu.memory_space<vmem>>) target_semaphore(%arg18 : memref<!tpu.dma_semaphore, #tpu.memory_space<semaphore_mem>>)
    %dma_start3A_44 = arith.constant 1 : i32
    %dma_start3A_45 = arith.constant 0 : i32
    %dma_start3A_46 = arith.constant 0 : i32
    %dma_start3A_47 = tpu.memref_slice %arg4[%add3A, %dma_start3A_44, %dma_start3A_45, %dma_start3A_46] : memref<32x10x8x128xi32, #tpu.memory_space<hbm>> -> memref<1x1x8x128xi32, #tpu.memory_space<hbm>>
    %dma_start3A_48 = tpu.memref_squeeze %dma_start3A_47 : memref<1x1x8x128xi32, #tpu.memory_space<hbm>> -> memref<8x128xi32, #tpu.memory_space<hbm>>
    %dma_start3A_49 = arith.constant 0 : i32
    %dma_start3A_50 = arith.constant 0 : i32
    %dma_start3A_51 = tpu.memref_slice %arg4[%add3A, %dma_start3A_44, %dma_start3A_49, %dma_start3A_50] : memref<32x10x8x128xi32, #tpu.memory_space<hbm>> -> memref<1x1x8x128xi32, #tpu.memory_space<hbm>>
    %dma_start3A_52 = tpu.memref_squeeze %dma_start3A_51 : memref<1x1x8x128xi32, #tpu.memory_space<hbm>> -> memref<8x128xi32, #tpu.memory_space<hbm>>
    tpu.enqueue_dma source(%dma_start3A_52 : memref<8x128xi32, #tpu.memory_space<hbm>>) target(%arg9 : memref<8x128xi32, #tpu.memory_space<vmem>>) target_semaphore(%arg18 : memref<!tpu.dma_semaphore, #tpu.memory_space<semaphore_mem>>)
    %scan3A_53 = arith.constant 0 : i32
    %scan3A_54 = arith.constant 5 : i32
    %scan3A_55 = arith.addi %scan3A_53, %scan3A_54 : i32
    %scan3A_56 = arith.constant 1 : i32
    scf.for %scan3A_69 = %scan3A_53 to %scan3A_55 step %scan3A_56  : i32 {
      %mul3A_70 = arith.constant 2 : i32
      %mul3A_71 = arith.muli %scan3A_69, %mul3A_70 : i32
      %add3A_72 = arith.constant 0 : i32
      %add3A_73 = arith.addi %add3A_72, %mul3A_71 : i32
      %dma_wait3A = arith.constant 0 : i32
      %dma_wait3A_74 = arith.constant 0 : i32
      %dma_wait3A_75 = arith.constant 0 : i32
      %dma_wait3A_76 = tpu.memref_slice %arg3[%add3A, %dma_wait3A, %dma_wait3A_74, %dma_wait3A_75] : memref<32x10x8x128xi32, #tpu.memory_space<hbm>> -> memref<1x1x8x128xi32, #tpu.memory_space<hbm>>
      %dma_wait3A_77 = tpu.memref_squeeze %dma_wait3A_76 : memref<1x1x8x128xi32, #tpu.memory_space<hbm>> -> memref<8x128xi32, #tpu.memory_space<hbm>>
      %dma_wait3A_78 = arith.constant 0 : i32
      %dma_wait3A_79 = arith.constant 0 : i32
      %dma_wait3A_80 = tpu.memref_slice %arg3[%add3A, %dma_wait3A, %dma_wait3A_78, %dma_wait3A_79] : memref<32x10x8x128xi32, #tpu.memory_space<hbm>> -> memref<1x1x8x128xi32, #tpu.memory_space<hbm>>
      %dma_wait3A_81 = tpu.memref_squeeze %dma_wait3A_80 : memref<1x1x8x128xi32, #tpu.memory_space<hbm>> -> memref<8x128xi32, #tpu.memory_space<hbm>>
      tpu.wait_dma2 semaphore(%arg17 : memref<!tpu.dma_semaphore, #tpu.memory_space<semaphore_mem>>) src(%dma_wait3A_81 : memref<8x128xi32, #tpu.memory_space<hbm>>) dst(%arg6 : memref<8x128xi32, #tpu.memory_space<vmem>>)
      %dma_wait3A_82 = arith.constant 0 : i32
      %dma_wait3A_83 = arith.constant 0 : i32
      %dma_wait3A_84 = arith.constant 0 : i32
      %dma_wait3A_85 = tpu.memref_slice %arg4[%add3A, %dma_wait3A_82, %dma_wait3A_83, %dma_wait3A_84] : memref<32x10x8x128xi32, #tpu.memory_space<hbm>> -> memref<1x1x8x128xi32, #tpu.memory_space<hbm>>
      %dma_wait3A_86 = tpu.memref_squeeze %dma_wait3A_85 : memref<1x1x8x128xi32, #tpu.memory_space<hbm>> -> memref<8x128xi32, #tpu.memory_space<hbm>>
      %dma_wait3A_87 = arith.constant 0 : i32
      %dma_wait3A_88 = arith.constant 0 : i32
      %dma_wait3A_89 = tpu.memref_slice %arg4[%add3A, %dma_wait3A_82, %dma_wait3A_87, %dma_wait3A_88] : memref<32x10x8x128xi32, #tpu.memory_space<hbm>> -> memref<1x1x8x128xi32, #tpu.memory_space<hbm>>
      %dma_wait3A_90 = tpu.memref_squeeze %dma_wait3A_89 : memref<1x1x8x128xi32, #tpu.memory_space<hbm>> -> memref<8x128xi32, #tpu.memory_space<hbm>>
      tpu.wait_dma2 semaphore(%arg17 : memref<!tpu.dma_semaphore, #tpu.memory_space<semaphore_mem>>) src(%dma_wait3A_90 : memref<8x128xi32, #tpu.memory_space<hbm>>) dst(%arg8 : memref<8x128xi32, #tpu.memory_space<vmem>>)
      %dma_start3A_91 = arith.constant 0 : i32
      %dma_start3A_92 = arith.constant 0 : i32
      %dma_start3A_93 = tpu.memref_slice %arg6[%dma_start3A_91, %dma_start3A_92] : memref<8x128xi32, #tpu.memory_space<vmem>> -> memref<1x128xi32, #tpu.memory_space<vmem>>
      %dma_start3A_94 = tpu.memref_squeeze %dma_start3A_93 : memref<1x128xi32, #tpu.memory_space<vmem>> -> memref<128xi32, #tpu.memory_space<vmem>>
      %dma_start3A_95 = arith.constant 0 : i32
      %dma_start3A_96 = arith.constant 0 : i32
      %dma_start3A_97 = tpu.memref_slice %arg2[%dma_start3A_95, %dma_start3A_96] : memref<10240x48xf32, #tpu.memory_space<hbm>> -> memref<10240x48xf32, #tpu.memory_space<hbm>>
      tpu.enqueue_indirect_dma source(%dma_start3A_97 : memref<10240x48xf32, #tpu.memory_space<hbm>>) target(%arg10 : memref<128x48xf32, #tpu.memory_space<vmem>>) offsets(%dma_start3A_94 : memref<128xi32, #tpu.memory_space<vmem>>) semaphore(%arg13 : memref<!tpu.dma_semaphore, #tpu.memory_space<semaphore_mem>>)
      %dma_wait3A_98 = arith.constant 0 : i32
      %dma_wait3A_99 = arith.constant 0 : i32
      %dma_wait3A_100 = tpu.memref_slice %arg6[%dma_wait3A_98, %dma_wait3A_99] : memref<8x128xi32, #tpu.memory_space<vmem>> -> memref<1x128xi32, #tpu.memory_space<vmem>>
      %dma_wait3A_101 = tpu.memref_squeeze %dma_wait3A_100 : memref<1x128xi32, #tpu.memory_space<vmem>> -> memref<128xi32, #tpu.memory_space<vmem>>
      %dma_wait3A_102 = arith.constant 0 : i32
      %dma_wait3A_103 = arith.constant 0 : i32
      %dma_wait3A_104 = tpu.memref_slice %arg2[%dma_wait3A_102, %dma_wait3A_103] : memref<10240x48xf32, #tpu.memory_space<hbm>> -> memref<10240x48xf32, #tpu.memory_space<hbm>>
      tpu.wait_indirect_dma semaphore(%arg13 : memref<!tpu.dma_semaphore, #tpu.memory_space<semaphore_mem>>) src(%dma_wait3A_104 : memref<10240x48xf32, #tpu.memory_space<hbm>>) dst(%arg10 : memref<128x48xf32, #tpu.memory_space<vmem>>)
      %dma_start3A_105 = arith.constant 0 : i32
      %dma_start3A_106 = arith.constant 0 : i32
      %dma_start3A_107 = tpu.memref_slice %arg8[%dma_start3A_105, %dma_start3A_106] : memref<8x128xi32, #tpu.memory_space<vmem>> -> memref<1x128xi32, #tpu.memory_space<vmem>>
      %dma_start3A_108 = tpu.memref_squeeze %dma_start3A_107 : memref<1x128xi32, #tpu.memory_space<vmem>> -> memref<128xi32, #tpu.memory_space<vmem>>
      %dma_start3A_109 = arith.constant 0 : i32
      %dma_start3A_110 = arith.constant 0 : i32
      %dma_start3A_111 = tpu.memref_slice %arg12[%dma_start3A_109, %dma_start3A_110] : memref<10240x48xf32, #tpu.memory_space<vmem_shared>> -> memref<10240x48xf32, #tpu.memory_space<vmem_shared>>
      tpu.enqueue_indirect_dma source(%arg10 : memref<128x48xf32, #tpu.memory_space<vmem>>) target(%dma_start3A_111 : memref<10240x48xf32, #tpu.memory_space<vmem_shared>>) offsets(%dma_start3A_108 : memref<128xi32, #tpu.memory_space<vmem>>) semaphore(%arg15 : memref<!tpu.dma_semaphore, #tpu.memory_space<semaphore_mem>>) {add = true}
      %dma_start3A_112 = arith.constant 1 : i32
      %dma_start3A_113 = arith.constant 0 : i32
      %dma_start3A_114 = tpu.memref_slice %arg6[%dma_start3A_112, %dma_start3A_113] : memref<8x128xi32, #tpu.memory_space<vmem>> -> memref<1x128xi32, #tpu.memory_space<vmem>>
      %dma_start3A_115 = tpu.memref_squeeze %dma_start3A_114 : memref<1x128xi32, #tpu.memory_space<vmem>> -> memref<128xi32, #tpu.memory_space<vmem>>
      %dma_start3A_116 = arith.constant 0 : i32
      %dma_start3A_117 = arith.constant 0 : i32
      %dma_start3A_118 = tpu.memref_slice %arg2[%dma_start3A_116, %dma_start3A_117] : memref<10240x48xf32, #tpu.memory_space<hbm>> -> memref<10240x48xf32, #tpu.memory_space<hbm>>
      tpu.enqueue_indirect_dma source(%dma_start3A_118 : memref<10240x48xf32, #tpu.memory_space<hbm>>) target(%arg11 : memref<128x48xf32, #tpu.memory_space<vmem>>) offsets(%dma_start3A_115 : memref<128xi32, #tpu.memory_space<vmem>>) semaphore(%arg14 : memref<!tpu.dma_semaphore, #tpu.memory_space<semaphore_mem>>)
      %dma_wait3A_119 = arith.constant 1 : i32
      %dma_wait3A_120 = arith.constant 0 : i32
      %dma_wait3A_121 = tpu.memref_slice %arg6[%dma_wait3A_119, %dma_wait3A_120] : memref<8x128xi32, #tpu.memory_space<vmem>> -> memref<1x128xi32, #tpu.memory_space<vmem>>
      %dma_wait3A_122 = tpu.memref_squeeze %dma_wait3A_121 : memref<1x128xi32, #tpu.memory_space<vmem>> -> memref<128xi32, #tpu.memory_space<vmem>>
      %dma_wait3A_123 = arith.constant 0 : i32
      %dma_wait3A_124 = arith.constant 0 : i32
      %dma_wait3A_125 = tpu.memref_slice %arg2[%dma_wait3A_123, %dma_wait3A_124] : memref<10240x48xf32, #tpu.memory_space<hbm>> -> memref<10240x48xf32, #tpu.memory_space<hbm>>
      tpu.wait_indirect_dma semaphore(%arg14 : memref<!tpu.dma_semaphore, #tpu.memory_space<semaphore_mem>>) src(%dma_wait3A_125 : memref<10240x48xf32, #tpu.memory_space<hbm>>) dst(%arg11 : memref<128x48xf32, #tpu.memory_space<vmem>>)
      %dma_start3A_126 = arith.constant 1 : i32
      %dma_start3A_127 = arith.constant 0 : i32
      %dma_start3A_128 = tpu.memref_slice %arg8[%dma_start3A_126, %dma_start3A_127] : memref<8x128xi32, #tpu.memory_space<vmem>> -> memref<1x128xi32, #tpu.memory_space<vmem>>
      %dma_start3A_129 = tpu.memref_squeeze %dma_start3A_128 : memref<1x128xi32, #tpu.memory_space<vmem>> -> memref<128xi32, #tpu.memory_space<vmem>>
      %dma_start3A_130 = arith.constant 0 : i32
      %dma_start3A_131 = arith.constant 0 : i32
      %dma_start3A_132 = tpu.memref_slice %arg12[%dma_start3A_130, %dma_start3A_131] : memref<10240x48xf32, #tpu.memory_space<vmem_shared>> -> memref<10240x48xf32, #tpu.memory_space<vmem_shared>>
      tpu.enqueue_indirect_dma source(%arg11 : memref<128x48xf32, #tpu.memory_space<vmem>>) target(%dma_start3A_132 : memref<10240x48xf32, #tpu.memory_space<vmem_shared>>) offsets(%dma_start3A_129 : memref<128xi32, #tpu.memory_space<vmem>>) semaphore(%arg16 : memref<!tpu.dma_semaphore, #tpu.memory_space<semaphore_mem>>) {add = true}
      %dma_wait3A_133 = arith.constant 0 : i32
      %dma_wait3A_134 = arith.constant 0 : i32
      %dma_wait3A_135 = tpu.memref_slice %arg8[%dma_wait3A_133, %dma_wait3A_134] : memref<8x128xi32, #tpu.memory_space<vmem>> -> memref<1x128xi32, #tpu.memory_space<vmem>>
      %dma_wait3A_136 = tpu.memref_squeeze %dma_wait3A_135 : memref<1x128xi32, #tpu.memory_space<vmem>> -> memref<128xi32, #tpu.memory_space<vmem>>
      %dma_wait3A_137 = arith.constant 0 : i32
      %dma_wait3A_138 = arith.constant 0 : i32
      %dma_wait3A_139 = tpu.memref_slice %arg12[%dma_wait3A_137, %dma_wait3A_138] : memref<10240x48xf32, #tpu.memory_space<vmem_shared>> -> memref<10240x48xf32, #tpu.memory_space<vmem_shared>>
      tpu.wait_indirect_dma semaphore(%arg15 : memref<!tpu.dma_semaphore, #tpu.memory_space<semaphore_mem>>) src(%arg10 : memref<128x48xf32, #tpu.memory_space<vmem>>) dst(%dma_wait3A_139 : memref<10240x48xf32, #tpu.memory_space<vmem_shared>>)
      %dma_start3A_140 = arith.constant 2 : i32
      %dma_start3A_141 = arith.constant 0 : i32
      %dma_start3A_142 = tpu.memref_slice %arg6[%dma_start3A_140, %dma_start3A_141] : memref<8x128xi32, #tpu.memory_space<vmem>> -> memref<1x128xi32, #tpu.memory_space<vmem>>
      %dma_start3A_143 = tpu.memref_squeeze %dma_start3A_142 : memref<1x128xi32, #tpu.memory_space<vmem>> -> memref<128xi32, #tpu.memory_space<vmem>>
      %dma_start3A_144 = arith.constant 0 : i32
      %dma_start3A_145 = arith.constant 0 : i32
      %dma_start3A_146 = tpu.memref_slice %arg2[%dma_start3A_144, %dma_start3A_145] : memref<10240x48xf32, #tpu.memory_space<hbm>> -> memref<10240x48xf32, #tpu.memory_space<hbm>>
      tpu.enqueue_indirect_dma source(%dma_start3A_146 : memref<10240x48xf32, #tpu.memory_space<hbm>>) target(%arg10 : memref<128x48xf32, #tpu.memory_space<vmem>>) offsets(%dma_start3A_143 : memref<128xi32, #tpu.memory_space<vmem>>) semaphore(%arg13 : memref<!tpu.dma_semaphore, #tpu.memory_space<semaphore_mem>>)
      %dma_wait3A_147 = arith.constant 2 : i32
      %dma_wait3A_148 = arith.constant 0 : i32
      %dma_wait3A_149 = tpu.memref_slice %arg6[%dma_wait3A_147, %dma_wait3A_148] : memref<8x128xi32, #tpu.memory_space<vmem>> -> memref<1x128xi32, #tpu.memory_space<vmem>>
      %dma_wait3A_150 = tpu.memref_squeeze %dma_wait3A_149 : memref<1x128xi32, #tpu.memory_space<vmem>> -> memref<128xi32, #tpu.memory_space<vmem>>
      %dma_wait3A_151 = arith.constant 0 : i32
      %dma_wait3A_152 = arith.constant 0 : i32
      %dma_wait3A_153 = tpu.memref_slice %arg2[%dma_wait3A_151, %dma_wait3A_152] : memref<10240x48xf32, #tpu.memory_space<hbm>> -> memref<10240x48xf32, #tpu.memory_space<hbm>>
      tpu.wait_indirect_dma semaphore(%arg13 : memref<!tpu.dma_semaphore, #tpu.memory_space<semaphore_mem>>) src(%dma_wait3A_153 : memref<10240x48xf32, #tpu.memory_space<hbm>>) dst(%arg10 : memref<128x48xf32, #tpu.memory_space<vmem>>)
      %dma_start3A_154 = arith.constant 2 : i32
      %dma_start3A_155 = arith.constant 0 : i32
      %dma_start3A_156 = tpu.memref_slice %arg8[%dma_start3A_154, %dma_start3A_155] : memref<8x128xi32, #tpu.memory_space<vmem>> -> memref<1x128xi32, #tpu.memory_space<vmem>>
      %dma_start3A_157 = tpu.memref_squeeze %dma_start3A_156 : memref<1x128xi32, #tpu.memory_space<vmem>> -> memref<128xi32, #tpu.memory_space<vmem>>
      %dma_start3A_158 = arith.constant 0 : i32
      %dma_start3A_159 = arith.constant 0 : i32
      %dma_start3A_160 = tpu.memref_slice %arg12[%dma_start3A_158, %dma_start3A_159] : memref<10240x48xf32, #tpu.memory_space<vmem_shared>> -> memref<10240x48xf32, #tpu.memory_space<vmem_shared>>
      tpu.enqueue_indirect_dma source(%arg10 : memref<128x48xf32, #tpu.memory_space<vmem>>) target(%dma_start3A_160 : memref<10240x48xf32, #tpu.memory_space<vmem_shared>>) offsets(%dma_start3A_157 : memref<128xi32, #tpu.memory_space<vmem>>) semaphore(%arg15 : memref<!tpu.dma_semaphore, #tpu.memory_space<semaphore_mem>>) {add = true}
      %dma_wait3A_161 = arith.constant 1 : i32
      %dma_wait3A_162 = arith.constant 0 : i32
      %dma_wait3A_163 = tpu.memref_slice %arg8[%dma_wait3A_161, %dma_wait3A_162] : memref<8x128xi32, #tpu.memory_space<vmem>> -> memref<1x128xi32, #tpu.memory_space<vmem>>
      %dma_wait3A_164 = tpu.memref_squeeze %dma_wait3A_163 : memref<1x128xi32, #tpu.memory_space<vmem>> -> memref<128xi32, #tpu.memory_space<vmem>>
      %dma_wait3A_165 = arith.constant 0 : i32
      %dma_wait3A_166 = arith.constant 0 : i32
      %dma_wait3A_167 = tpu.memref_slice %arg12[%dma_wait3A_165, %dma_wait3A_166] : memref<10240x48xf32, #tpu.memory_space<vmem_shared>> -> memref<10240x48xf32, #tpu.memory_space<vmem_shared>>
      tpu.wait_indirect_dma semaphore(%arg16 : memref<!tpu.dma_semaphore, #tpu.memory_space<semaphore_mem>>) src(%arg11 : memref<128x48xf32, #tpu.memory_space<vmem>>) dst(%dma_wait3A_167 : memref<10240x48xf32, #tpu.memory_space<vmem_shared>>)
      %dma_start3A_168 = arith.constant 3 : i32
      %dma_start3A_169 = arith.constant 0 : i32
      %dma_start3A_170 = tpu.memref_slice %arg6[%dma_start3A_168, %dma_start3A_169] : memref<8x128xi32, #tpu.memory_space<vmem>> -> memref<1x128xi32, #tpu.memory_space<vmem>>
      %dma_start3A_171 = tpu.memref_squeeze %dma_start3A_170 : memref<1x128xi32, #tpu.memory_space<vmem>> -> memref<128xi32, #tpu.memory_space<vmem>>
      %dma_start3A_172 = arith.constant 0 : i32
      %dma_start3A_173 = arith.constant 0 : i32
      %dma_start3A_174 = tpu.memref_slice %arg2[%dma_start3A_172, %dma_start3A_173] : memref<10240x48xf32, #tpu.memory_space<hbm>> -> memref<10240x48xf32, #tpu.memory_space<hbm>>
      tpu.enqueue_indirect_dma source(%dma_start3A_174 : memref<10240x48xf32, #tpu.memory_space<hbm>>) target(%arg11 : memref<128x48xf32, #tpu.memory_space<vmem>>) offsets(%dma_start3A_171 : memref<128xi32, #tpu.memory_space<vmem>>) semaphore(%arg14 : memref<!tpu.dma_semaphore, #tpu.memory_space<semaphore_mem>>)
      %dma_wait3A_175 = arith.constant 3 : i32
      %dma_wait3A_176 = arith.constant 0 : i32
      %dma_wait3A_177 = tpu.memref_slice %arg6[%dma_wait3A_175, %dma_wait3A_176] : memref<8x128xi32, #tpu.memory_space<vmem>> -> memref<1x128xi32, #tpu.memory_space<vmem>>
      %dma_wait3A_178 = tpu.memref_squeeze %dma_wait3A_177 : memref<1x128xi32, #tpu.memory_space<vmem>> -> memref<128xi32, #tpu.memory_space<vmem>>
      %dma_wait3A_179 = arith.constant 0 : i32
      %dma_wait3A_180 = arith.constant 0 : i32
      %dma_wait3A_181 = tpu.memref_slice %arg2[%dma_wait3A_179, %dma_wait3A_180] : memref<10240x48xf32, #tpu.memory_space<hbm>> -> memref<10240x48xf32, #tpu.memory_space<hbm>>
      tpu.wait_indirect_dma semaphore(%arg14 : memref<!tpu.dma_semaphore, #tpu.memory_space<semaphore_mem>>) src(%dma_wait3A_181 : memref<10240x48xf32, #tpu.memory_space<hbm>>) dst(%arg11 : memref<128x48xf32, #tpu.memory_space<vmem>>)
      %dma_start3A_182 = arith.constant 3 : i32
      %dma_start3A_183 = arith.constant 0 : i32
      %dma_start3A_184 = tpu.memref_slice %arg8[%dma_start3A_182, %dma_start3A_183] : memref<8x128xi32, #tpu.memory_space<vmem>> -> memref<1x128xi32, #tpu.memory_space<vmem>>
      %dma_start3A_185 = tpu.memref_squeeze %dma_start3A_184 : memref<1x128xi32, #tpu.memory_space<vmem>> -> memref<128xi32, #tpu.memory_space<vmem>>
      %dma_start3A_186 = arith.constant 0 : i32
      %dma_start3A_187 = arith.constant 0 : i32
      %dma_start3A_188 = tpu.memref_slice %arg12[%dma_start3A_186, %dma_start3A_187] : memref<10240x48xf32, #tpu.memory_space<vmem_shared>> -> memref<10240x48xf32, #tpu.memory_space<vmem_shared>>
      tpu.enqueue_indirect_dma source(%arg11 : memref<128x48xf32, #tpu.memory_space<vmem>>) target(%dma_start3A_188 : memref<10240x48xf32, #tpu.memory_space<vmem_shared>>) offsets(%dma_start3A_185 : memref<128xi32, #tpu.memory_space<vmem>>) semaphore(%arg16 : memref<!tpu.dma_semaphore, #tpu.memory_space<semaphore_mem>>) {add = true}
      %dma_wait3A_189 = arith.constant 2 : i32
      %dma_wait3A_190 = arith.constant 0 : i32
      %dma_wait3A_191 = tpu.memref_slice %arg8[%dma_wait3A_189, %dma_wait3A_190] : memref<8x128xi32, #tpu.memory_space<vmem>> -> memref<1x128xi32, #tpu.memory_space<vmem>>
      %dma_wait3A_192 = tpu.memref_squeeze %dma_wait3A_191 : memref<1x128xi32, #tpu.memory_space<vmem>> -> memref<128xi32, #tpu.memory_space<vmem>>
      %dma_wait3A_193 = arith.constant 0 : i32
      %dma_wait3A_194 = arith.constant 0 : i32
      %dma_wait3A_195 = tpu.memref_slice %arg12[%dma_wait3A_193, %dma_wait3A_194] : memref<10240x48xf32, #tpu.memory_space<vmem_shared>> -> memref<10240x48xf32, #tpu.memory_space<vmem_shared>>
      tpu.wait_indirect_dma semaphore(%arg15 : memref<!tpu.dma_semaphore, #tpu.memory_space<semaphore_mem>>) src(%arg10 : memref<128x48xf32, #tpu.memory_space<vmem>>) dst(%dma_wait3A_195 : memref<10240x48xf32, #tpu.memory_space<vmem_shared>>)
      %dma_start3A_196 = arith.constant 4 : i32
      %dma_start3A_197 = arith.constant 0 : i32
      %dma_start3A_198 = tpu.memref_slice %arg6[%dma_start3A_196, %dma_start3A_197] : memref<8x128xi32, #tpu.memory_space<vmem>> -> memref<1x128xi32, #tpu.memory_space<vmem>>
      %dma_start3A_199 = tpu.memref_squeeze %dma_start3A_198 : memref<1x128xi32, #tpu.memory_space<vmem>> -> memref<128xi32, #tpu.memory_space<vmem>>
      %dma_start3A_200 = arith.constant 0 : i32
      %dma_start3A_201 = arith.constant 0 : i32
      %dma_start3A_202 = tpu.memref_slice %arg2[%dma_start3A_200, %dma_start3A_201] : memref<10240x48xf32, #tpu.memory_space<hbm>> -> memref<10240x48xf32, #tpu.memory_space<hbm>>
      tpu.enqueue_indirect_dma source(%dma_start3A_202 : memref<10240x48xf32, #tpu.memory_space<hbm>>) target(%arg10 : memref<128x48xf32, #tpu.memory_space<vmem>>) offsets(%dma_start3A_199 : memref<128xi32, #tpu.memory_space<vmem>>) semaphore(%arg13 : memref<!tpu.dma_semaphore, #tpu.memory_space<semaphore_mem>>)
      %dma_wait3A_203 = arith.constant 4 : i32
      %dma_wait3A_204 = arith.constant 0 : i32
      %dma_wait3A_205 = tpu.memref_slice %arg6[%dma_wait3A_203, %dma_wait3A_204] : memref<8x128xi32, #tpu.memory_space<vmem>> -> memref<1x128xi32, #tpu.memory_space<vmem>>
      %dma_wait3A_206 = tpu.memref_squeeze %dma_wait3A_205 : memref<1x128xi32, #tpu.memory_space<vmem>> -> memref<128xi32, #tpu.memory_space<vmem>>
      %dma_wait3A_207 = arith.constant 0 : i32
      %dma_wait3A_208 = arith.constant 0 : i32
      %dma_wait3A_209 = tpu.memref_slice %arg2[%dma_wait3A_207, %dma_wait3A_208] : memref<10240x48xf32, #tpu.memory_space<hbm>> -> memref<10240x48xf32, #tpu.memory_space<hbm>>
      tpu.wait_indirect_dma semaphore(%arg13 : memref<!tpu.dma_semaphore, #tpu.memory_space<semaphore_mem>>) src(%dma_wait3A_209 : memref<10240x48xf32, #tpu.memory_space<hbm>>) dst(%arg10 : memref<128x48xf32, #tpu.memory_space<vmem>>)
      %dma_start3A_210 = arith.constant 4 : i32
      %dma_start3A_211 = arith.constant 0 : i32
      %dma_start3A_212 = tpu.memref_slice %arg8[%dma_start3A_210, %dma_start3A_211] : memref<8x128xi32, #tpu.memory_space<vmem>> -> memref<1x128xi32, #tpu.memory_space<vmem>>
      %dma_start3A_213 = tpu.memref_squeeze %dma_start3A_212 : memref<1x128xi32, #tpu.memory_space<vmem>> -> memref<128xi32, #tpu.memory_space<vmem>>
      %dma_start3A_214 = arith.constant 0 : i32
      %dma_start3A_215 = arith.constant 0 : i32
      %dma_start3A_216 = tpu.memref_slice %arg12[%dma_start3A_214, %dma_start3A_215] : memref<10240x48xf32, #tpu.memory_space<vmem_shared>> -> memref<10240x48xf32, #tpu.memory_space<vmem_shared>>
      tpu.enqueue_indirect_dma source(%arg10 : memref<128x48xf32, #tpu.memory_space<vmem>>) target(%dma_start3A_216 : memref<10240x48xf32, #tpu.memory_space<vmem_shared>>) offsets(%dma_start3A_213 : memref<128xi32, #tpu.memory_space<vmem>>) semaphore(%arg15 : memref<!tpu.dma_semaphore, #tpu.memory_space<semaphore_mem>>) {add = true}
      %dma_wait3A_217 = arith.constant 3 : i32
      %dma_wait3A_218 = arith.constant 0 : i32
      %dma_wait3A_219 = tpu.memref_slice %arg8[%dma_wait3A_217, %dma_wait3A_218] : memref<8x128xi32, #tpu.memory_space<vmem>> -> memref<1x128xi32, #tpu.memory_space<vmem>>
      %dma_wait3A_220 = tpu.memref_squeeze %dma_wait3A_219 : memref<1x128xi32, #tpu.memory_space<vmem>> -> memref<128xi32, #tpu.memory_space<vmem>>
      %dma_wait3A_221 = arith.constant 0 : i32
      %dma_wait3A_222 = arith.constant 0 : i32
      %dma_wait3A_223 = tpu.memref_slice %arg12[%dma_wait3A_221, %dma_wait3A_222] : memref<10240x48xf32, #tpu.memory_space<vmem_shared>> -> memref<10240x48xf32, #tpu.memory_space<vmem_shared>>
      tpu.wait_indirect_dma semaphore(%arg16 : memref<!tpu.dma_semaphore, #tpu.memory_space<semaphore_mem>>) src(%arg11 : memref<128x48xf32, #tpu.memory_space<vmem>>) dst(%dma_wait3A_223 : memref<10240x48xf32, #tpu.memory_space<vmem_shared>>)
      %dma_start3A_224 = arith.constant 5 : i32
      %dma_start3A_225 = arith.constant 0 : i32
      %dma_start3A_226 = tpu.memref_slice %arg6[%dma_start3A_224, %dma_start3A_225] : memref<8x128xi32, #tpu.memory_space<vmem>> -> memref<1x128xi32, #tpu.memory_space<vmem>>
      %dma_start3A_227 = tpu.memref_squeeze %dma_start3A_226 : memref<1x128xi32, #tpu.memory_space<vmem>> -> memref<128xi32, #tpu.memory_space<vmem>>
      %dma_start3A_228 = arith.constant 0 : i32
      %dma_start3A_229 = arith.constant 0 : i32
      %dma_start3A_230 = tpu.memref_slice %arg2[%dma_start3A_228, %dma_start3A_229] : memref<10240x48xf32, #tpu.memory_space<hbm>> -> memref<10240x48xf32, #tpu.memory_space<hbm>>
      tpu.enqueue_indirect_dma source(%dma_start3A_230 : memref<10240x48xf32, #tpu.memory_space<hbm>>) target(%arg11 : memref<128x48xf32, #tpu.memory_space<vmem>>) offsets(%dma_start3A_227 : memref<128xi32, #tpu.memory_space<vmem>>) semaphore(%arg14 : memref<!tpu.dma_semaphore, #tpu.memory_space<semaphore_mem>>)
      %dma_wait3A_231 = arith.constant 5 : i32
      %dma_wait3A_232 = arith.constant 0 : i32
      %dma_wait3A_233 = tpu.memref_slice %arg6[%dma_wait3A_231, %dma_wait3A_232] : memref<8x128xi32, #tpu.memory_space<vmem>> -> memref<1x128xi32, #tpu.memory_space<vmem>>
      %dma_wait3A_234 = tpu.memref_squeeze %dma_wait3A_233 : memref<1x128xi32, #tpu.memory_space<vmem>> -> memref<128xi32, #tpu.memory_space<vmem>>
      %dma_wait3A_235 = arith.constant 0 : i32
      %dma_wait3A_236 = arith.constant 0 : i32
      %dma_wait3A_237 = tpu.memref_slice %arg2[%dma_wait3A_235, %dma_wait3A_236] : memref<10240x48xf32, #tpu.memory_space<hbm>> -> memref<10240x48xf32, #tpu.memory_space<hbm>>
      tpu.wait_indirect_dma semaphore(%arg14 : memref<!tpu.dma_semaphore, #tpu.memory_space<semaphore_mem>>) src(%dma_wait3A_237 : memref<10240x48xf32, #tpu.memory_space<hbm>>) dst(%arg11 : memref<128x48xf32, #tpu.memory_space<vmem>>)
      %dma_start3A_238 = arith.constant 5 : i32
      %dma_start3A_239 = arith.constant 0 : i32
      %dma_start3A_240 = tpu.memref_slice %arg8[%dma_start3A_238, %dma_start3A_239] : memref<8x128xi32, #tpu.memory_space<vmem>> -> memref<1x128xi32, #tpu.memory_space<vmem>>
      %dma_start3A_241 = tpu.memref_squeeze %dma_start3A_240 : memref<1x128xi32, #tpu.memory_space<vmem>> -> memref<128xi32, #tpu.memory_space<vmem>>
      %dma_start3A_242 = arith.constant 0 : i32
      %dma_start3A_243 = arith.constant 0 : i32
      %dma_start3A_244 = tpu.memref_slice %arg12[%dma_start3A_242, %dma_start3A_243] : memref<10240x48xf32, #tpu.memory_space<vmem_shared>> -> memref<10240x48xf32, #tpu.memory_space<vmem_shared>>
      tpu.enqueue_indirect_dma source(%arg11 : memref<128x48xf32, #tpu.memory_space<vmem>>) target(%dma_start3A_244 : memref<10240x48xf32, #tpu.memory_space<vmem_shared>>) offsets(%dma_start3A_241 : memref<128xi32, #tpu.memory_space<vmem>>) semaphore(%arg16 : memref<!tpu.dma_semaphore, #tpu.memory_space<semaphore_mem>>) {add = true}
      %dma_wait3A_245 = arith.constant 4 : i32
      %dma_wait3A_246 = arith.constant 0 : i32
      %dma_wait3A_247 = tpu.memref_slice %arg8[%dma_wait3A_245, %dma_wait3A_246] : memref<8x128xi32, #tpu.memory_space<vmem>> -> memref<1x128xi32, #tpu.memory_space<vmem>>
      %dma_wait3A_248 = tpu.memref_squeeze %dma_wait3A_247 : memref<1x128xi32, #tpu.memory_space<vmem>> -> memref<128xi32, #tpu.memory_space<vmem>>
      %dma_wait3A_249 = arith.constant 0 : i32
      %dma_wait3A_250 = arith.constant 0 : i32
      %dma_wait3A_251 = tpu.memref_slice %arg12[%dma_wait3A_249, %dma_wait3A_250] : memref<10240x48xf32, #tpu.memory_space<vmem_shared>> -> memref<10240x48xf32, #tpu.memory_space<vmem_shared>>
      tpu.wait_indirect_dma semaphore(%arg15 : memref<!tpu.dma_semaphore, #tpu.memory_space<semaphore_mem>>) src(%arg10 : memref<128x48xf32, #tpu.memory_space<vmem>>) dst(%dma_wait3A_251 : memref<10240x48xf32, #tpu.memory_space<vmem_shared>>)
      %dma_start3A_252 = arith.constant 6 : i32
      %dma_start3A_253 = arith.constant 0 : i32
      %dma_start3A_254 = tpu.memref_slice %arg6[%dma_start3A_252, %dma_start3A_253] : memref<8x128xi32, #tpu.memory_space<vmem>> -> memref<1x128xi32, #tpu.memory_space<vmem>>
      %dma_start3A_255 = tpu.memref_squeeze %dma_start3A_254 : memref<1x128xi32, #tpu.memory_space<vmem>> -> memref<128xi32, #tpu.memory_space<vmem>>
      %dma_start3A_256 = arith.constant 0 : i32
      %dma_start3A_257 = arith.constant 0 : i32
      %dma_start3A_258 = tpu.memref_slice %arg2[%dma_start3A_256, %dma_start3A_257] : memref<10240x48xf32, #tpu.memory_space<hbm>> -> memref<10240x48xf32, #tpu.memory_space<hbm>>
      tpu.enqueue_indirect_dma source(%dma_start3A_258 : memref<10240x48xf32, #tpu.memory_space<hbm>>) target(%arg10 : memref<128x48xf32, #tpu.memory_space<vmem>>) offsets(%dma_start3A_255 : memref<128xi32, #tpu.memory_space<vmem>>) semaphore(%arg13 : memref<!tpu.dma_semaphore, #tpu.memory_space<semaphore_mem>>)
      %dma_wait3A_259 = arith.constant 6 : i32
      %dma_wait3A_260 = arith.constant 0 : i32
      %dma_wait3A_261 = tpu.memref_slice %arg6[%dma_wait3A_259, %dma_wait3A_260] : memref<8x128xi32, #tpu.memory_space<vmem>> -> memref<1x128xi32, #tpu.memory_space<vmem>>
      %dma_wait3A_262 = tpu.memref_squeeze %dma_wait3A_261 : memref<1x128xi32, #tpu.memory_space<vmem>> -> memref<128xi32, #tpu.memory_space<vmem>>
      %dma_wait3A_263 = arith.constant 0 : i32
      %dma_wait3A_264 = arith.constant 0 : i32
      %dma_wait3A_265 = tpu.memref_slice %arg2[%dma_wait3A_263, %dma_wait3A_264] : memref<10240x48xf32, #tpu.memory_space<hbm>> -> memref<10240x48xf32, #tpu.memory_space<hbm>>
      tpu.wait_indirect_dma semaphore(%arg13 : memref<!tpu.dma_semaphore, #tpu.memory_space<semaphore_mem>>) src(%dma_wait3A_265 : memref<10240x48xf32, #tpu.memory_space<hbm>>) dst(%arg10 : memref<128x48xf32, #tpu.memory_space<vmem>>)
      %dma_start3A_266 = arith.constant 6 : i32
      %dma_start3A_267 = arith.constant 0 : i32
      %dma_start3A_268 = tpu.memref_slice %arg8[%dma_start3A_266, %dma_start3A_267] : memref<8x128xi32, #tpu.memory_space<vmem>> -> memref<1x128xi32, #tpu.memory_space<vmem>>
      %dma_start3A_269 = tpu.memref_squeeze %dma_start3A_268 : memref<1x128xi32, #tpu.memory_space<vmem>> -> memref<128xi32, #tpu.memory_space<vmem>>
      %dma_start3A_270 = arith.constant 0 : i32
      %dma_start3A_271 = arith.constant 0 : i32
      %dma_start3A_272 = tpu.memref_slice %arg12[%dma_start3A_270, %dma_start3A_271] : memref<10240x48xf32, #tpu.memory_space<vmem_shared>> -> memref<10240x48xf32, #tpu.memory_space<vmem_shared>>
      tpu.enqueue_indirect_dma source(%arg10 : memref<128x48xf32, #tpu.memory_space<vmem>>) target(%dma_start3A_272 : memref<10240x48xf32, #tpu.memory_space<vmem_shared>>) offsets(%dma_start3A_269 : memref<128xi32, #tpu.memory_space<vmem>>) semaphore(%arg15 : memref<!tpu.dma_semaphore, #tpu.memory_space<semaphore_mem>>) {add = true}
      %dma_wait3A_273 = arith.constant 5 : i32
      %dma_wait3A_274 = arith.constant 0 : i32
      %dma_wait3A_275 = tpu.memref_slice %arg8[%dma_wait3A_273, %dma_wait3A_274] : memref<8x128xi32, #tpu.memory_space<vmem>> -> memref<1x128xi32, #tpu.memory_space<vmem>>
      %dma_wait3A_276 = tpu.memref_squeeze %dma_wait3A_275 : memref<1x128xi32, #tpu.memory_space<vmem>> -> memref<128xi32, #tpu.memory_space<vmem>>
      %dma_wait3A_277 = arith.constant 0 : i32
      %dma_wait3A_278 = arith.constant 0 : i32
      %dma_wait3A_279 = tpu.memref_slice %arg12[%dma_wait3A_277, %dma_wait3A_278] : memref<10240x48xf32, #tpu.memory_space<vmem_shared>> -> memref<10240x48xf32, #tpu.memory_space<vmem_shared>>
      tpu.wait_indirect_dma semaphore(%arg16 : memref<!tpu.dma_semaphore, #tpu.memory_space<semaphore_mem>>) src(%arg11 : memref<128x48xf32, #tpu.memory_space<vmem>>) dst(%dma_wait3A_279 : memref<10240x48xf32, #tpu.memory_space<vmem_shared>>)
      %dma_start3A_280 = arith.constant 7 : i32
      %dma_start3A_281 = arith.constant 0 : i32
      %dma_start3A_282 = tpu.memref_slice %arg6[%dma_start3A_280, %dma_start3A_281] : memref<8x128xi32, #tpu.memory_space<vmem>> -> memref<1x128xi32, #tpu.memory_space<vmem>>
      %dma_start3A_283 = tpu.memref_squeeze %dma_start3A_282 : memref<1x128xi32, #tpu.memory_space<vmem>> -> memref<128xi32, #tpu.memory_space<vmem>>
      %dma_start3A_284 = arith.constant 0 : i32
      %dma_start3A_285 = arith.constant 0 : i32
      %dma_start3A_286 = tpu.memref_slice %arg2[%dma_start3A_284, %dma_start3A_285] : memref<10240x48xf32, #tpu.memory_space<hbm>> -> memref<10240x48xf32, #tpu.memory_space<hbm>>
      tpu.enqueue_indirect_dma source(%dma_start3A_286 : memref<10240x48xf32, #tpu.memory_space<hbm>>) target(%arg11 : memref<128x48xf32, #tpu.memory_space<vmem>>) offsets(%dma_start3A_283 : memref<128xi32, #tpu.memory_space<vmem>>) semaphore(%arg14 : memref<!tpu.dma_semaphore, #tpu.memory_space<semaphore_mem>>)
      %dma_wait3A_287 = arith.constant 7 : i32
      %dma_wait3A_288 = arith.constant 0 : i32
      %dma_wait3A_289 = tpu.memref_slice %arg6[%dma_wait3A_287, %dma_wait3A_288] : memref<8x128xi32, #tpu.memory_space<vmem>> -> memref<1x128xi32, #tpu.memory_space<vmem>>
      %dma_wait3A_290 = tpu.memref_squeeze %dma_wait3A_289 : memref<1x128xi32, #tpu.memory_space<vmem>> -> memref<128xi32, #tpu.memory_space<vmem>>
      %dma_wait3A_291 = arith.constant 0 : i32
      %dma_wait3A_292 = arith.constant 0 : i32
      %dma_wait3A_293 = tpu.memref_slice %arg2[%dma_wait3A_291, %dma_wait3A_292] : memref<10240x48xf32, #tpu.memory_space<hbm>> -> memref<10240x48xf32, #tpu.memory_space<hbm>>
      tpu.wait_indirect_dma semaphore(%arg14 : memref<!tpu.dma_semaphore, #tpu.memory_space<semaphore_mem>>) src(%dma_wait3A_293 : memref<10240x48xf32, #tpu.memory_space<hbm>>) dst(%arg11 : memref<128x48xf32, #tpu.memory_space<vmem>>)
      %dma_start3A_294 = arith.constant 7 : i32
      %dma_start3A_295 = arith.constant 0 : i32
      %dma_start3A_296 = tpu.memref_slice %arg8[%dma_start3A_294, %dma_start3A_295] : memref<8x128xi32, #tpu.memory_space<vmem>> -> memref<1x128xi32, #tpu.memory_space<vmem>>
      %dma_start3A_297 = tpu.memref_squeeze %dma_start3A_296 : memref<1x128xi32, #tpu.memory_space<vmem>> -> memref<128xi32, #tpu.memory_space<vmem>>
      %dma_start3A_298 = arith.constant 0 : i32
      %dma_start3A_299 = arith.constant 0 : i32
      %dma_start3A_300 = tpu.memref_slice %arg12[%dma_start3A_298, %dma_start3A_299] : memref<10240x48xf32, #tpu.memory_space<vmem_shared>> -> memref<10240x48xf32, #tpu.memory_space<vmem_shared>>
      tpu.enqueue_indirect_dma source(%arg11 : memref<128x48xf32, #tpu.memory_space<vmem>>) target(%dma_start3A_300 : memref<10240x48xf32, #tpu.memory_space<vmem_shared>>) offsets(%dma_start3A_297 : memref<128xi32, #tpu.memory_space<vmem>>) semaphore(%arg16 : memref<!tpu.dma_semaphore, #tpu.memory_space<semaphore_mem>>) {add = true}
      %dma_wait3A_301 = arith.constant 6 : i32
      %dma_wait3A_302 = arith.constant 0 : i32
      %dma_wait3A_303 = tpu.memref_slice %arg8[%dma_wait3A_301, %dma_wait3A_302] : memref<8x128xi32, #tpu.memory_space<vmem>> -> memref<1x128xi32, #tpu.memory_space<vmem>>
      %dma_wait3A_304 = tpu.memref_squeeze %dma_wait3A_303 : memref<1x128xi32, #tpu.memory_space<vmem>> -> memref<128xi32, #tpu.memory_space<vmem>>
      %dma_wait3A_305 = arith.constant 0 : i32
      %dma_wait3A_306 = arith.constant 0 : i32
      %dma_wait3A_307 = tpu.memref_slice %arg12[%dma_wait3A_305, %dma_wait3A_306] : memref<10240x48xf32, #tpu.memory_space<vmem_shared>> -> memref<10240x48xf32, #tpu.memory_space<vmem_shared>>
      tpu.wait_indirect_dma semaphore(%arg15 : memref<!tpu.dma_semaphore, #tpu.memory_space<semaphore_mem>>) src(%arg10 : memref<128x48xf32, #tpu.memory_space<vmem>>) dst(%dma_wait3A_307 : memref<10240x48xf32, #tpu.memory_space<vmem_shared>>)
      %dma_wait3A_308 = arith.constant 7 : i32
      %dma_wait3A_309 = arith.constant 0 : i32
      %dma_wait3A_310 = tpu.memref_slice %arg8[%dma_wait3A_308, %dma_wait3A_309] : memref<8x128xi32, #tpu.memory_space<vmem>> -> memref<1x128xi32, #tpu.memory_space<vmem>>
      %dma_wait3A_311 = tpu.memref_squeeze %dma_wait3A_310 : memref<1x128xi32, #tpu.memory_space<vmem>> -> memref<128xi32, #tpu.memory_space<vmem>>
      %dma_wait3A_312 = arith.constant 0 : i32
      %dma_wait3A_313 = arith.constant 0 : i32
      %dma_wait3A_314 = tpu.memref_slice %arg12[%dma_wait3A_312, %dma_wait3A_313] : memref<10240x48xf32, #tpu.memory_space<vmem_shared>> -> memref<10240x48xf32, #tpu.memory_space<vmem_shared>>
      tpu.wait_indirect_dma semaphore(%arg16 : memref<!tpu.dma_semaphore, #tpu.memory_space<semaphore_mem>>) src(%arg11 : memref<128x48xf32, #tpu.memory_space<vmem>>) dst(%dma_wait3A_314 : memref<10240x48xf32, #tpu.memory_space<vmem_shared>>)
      %add3A_315 = arith.constant 0 : i32
      %add3A_316 = arith.addi %add3A_73, %add3A_315 : i32
      %add3A_317 = arith.constant 2 : i32
      %add3A_318 = arith.addi %add3A_316, %add3A_317 : i32
      %lt3A = arith.constant 10 : i32
      %lt3A_319 = arith.cmpi slt, %add3A_318, %lt3A : i32
      %convert_element_type3A = arith.extui %lt3A_319 : i1 to i32
      %cond3A = arith.constant 0 : i32
      %cond3A_320 = arith.cmpi ne, %convert_element_type3A, %cond3A : i32
      scf.if %cond3A_320 {
        %dma_start3A_572 = arith.constant 0 : i32
        %dma_start3A_573 = arith.constant 0 : i32
        %dma_start3A_574 = tpu.memref_slice %arg3[%add3A, %add3A_318, %dma_start3A_572, %dma_start3A_573] : memref<32x10x8x128xi32, #tpu.memory_space<hbm>> -> memref<1x1x8x128xi32, #tpu.memory_space<hbm>>
        %dma_start3A_575 = tpu.memref_squeeze %dma_start3A_574 : memref<1x1x8x128xi32, #tpu.memory_space<hbm>> -> memref<8x128xi32, #tpu.memory_space<hbm>>
        %dma_start3A_576 = arith.constant 0 : i32
        %dma_start3A_577 = arith.constant 0 : i32
        %dma_start3A_578 = tpu.memref_slice %arg3[%add3A, %add3A_318, %dma_start3A_576, %dma_start3A_577] : memref<32x10x8x128xi32, #tpu.memory_space<hbm>> -> memref<1x1x8x128xi32, #tpu.memory_space<hbm>>
        %dma_start3A_579 = tpu.memref_squeeze %dma_start3A_578 : memref<1x1x8x128xi32, #tpu.memory_space<hbm>> -> memref<8x128xi32, #tpu.memory_space<hbm>>
        tpu.enqueue_dma source(%dma_start3A_579 : memref<8x128xi32, #tpu.memory_space<hbm>>) target(%arg6 : memref<8x128xi32, #tpu.memory_space<vmem>>) target_semaphore(%arg17 : memref<!tpu.dma_semaphore, #tpu.memory_space<semaphore_mem>>)
        %dma_start3A_580 = arith.constant 0 : i32
        %dma_start3A_581 = arith.constant 0 : i32
        %dma_start3A_582 = tpu.memref_slice %arg4[%add3A, %add3A_318, %dma_start3A_580, %dma_start3A_581] : memref<32x10x8x128xi32, #tpu.memory_space<hbm>> -> memref<1x1x8x128xi32, #tpu.memory_space<hbm>>
        %dma_start3A_583 = tpu.memref_squeeze %dma_start3A_582 : memref<1x1x8x128xi32, #tpu.memory_space<hbm>> -> memref<8x128xi32, #tpu.memory_space<hbm>>
        %dma_start3A_584 = arith.constant 0 : i32
        %dma_start3A_585 = arith.constant 0 : i32
        %dma_start3A_586 = tpu.memref_slice %arg4[%add3A, %add3A_318, %dma_start3A_584, %dma_start3A_585] : memref<32x10x8x128xi32, #tpu.memory_space<hbm>> -> memref<1x1x8x128xi32, #tpu.memory_space<hbm>>
        %dma_start3A_587 = tpu.memref_squeeze %dma_start3A_586 : memref<1x1x8x128xi32, #tpu.memory_space<hbm>> -> memref<8x128xi32, #tpu.memory_space<hbm>>
        tpu.enqueue_dma source(%dma_start3A_587 : memref<8x128xi32, #tpu.memory_space<hbm>>) target(%arg8 : memref<8x128xi32, #tpu.memory_space<vmem>>) target_semaphore(%arg17 : memref<!tpu.dma_semaphore, #tpu.memory_space<semaphore_mem>>)
      } else {
      }
      %dma_wait3A_321 = arith.constant 0 : i32
      %dma_wait3A_322 = arith.constant 0 : i32
      %dma_wait3A_323 = arith.constant 0 : i32
      %dma_wait3A_324 = tpu.memref_slice %arg3[%add3A, %dma_wait3A_321, %dma_wait3A_322, %dma_wait3A_323] : memref<32x10x8x128xi32, #tpu.memory_space<hbm>> -> memref<1x1x8x128xi32, #tpu.memory_space<hbm>>
      %dma_wait3A_325 = tpu.memref_squeeze %dma_wait3A_324 : memref<1x1x8x128xi32, #tpu.memory_space<hbm>> -> memref<8x128xi32, #tpu.memory_space<hbm>>
      %dma_wait3A_326 = arith.constant 0 : i32
      %dma_wait3A_327 = arith.constant 0 : i32
      %dma_wait3A_328 = tpu.memref_slice %arg3[%add3A, %dma_wait3A_321, %dma_wait3A_326, %dma_wait3A_327] : memref<32x10x8x128xi32, #tpu.memory_space<hbm>> -> memref<1x1x8x128xi32, #tpu.memory_space<hbm>>
      %dma_wait3A_329 = tpu.memref_squeeze %dma_wait3A_328 : memref<1x1x8x128xi32, #tpu.memory_space<hbm>> -> memref<8x128xi32, #tpu.memory_space<hbm>>
      tpu.wait_dma2 semaphore(%arg18 : memref<!tpu.dma_semaphore, #tpu.memory_space<semaphore_mem>>) src(%dma_wait3A_329 : memref<8x128xi32, #tpu.memory_space<hbm>>) dst(%arg7 : memref<8x128xi32, #tpu.memory_space<vmem>>)
      %dma_wait3A_330 = arith.constant 0 : i32
      %dma_wait3A_331 = arith.constant 0 : i32
      %dma_wait3A_332 = arith.constant 0 : i32
      %dma_wait3A_333 = tpu.memref_slice %arg4[%add3A, %dma_wait3A_330, %dma_wait3A_331, %dma_wait3A_332] : memref<32x10x8x128xi32, #tpu.memory_space<hbm>> -> memref<1x1x8x128xi32, #tpu.memory_space<hbm>>
      %dma_wait3A_334 = tpu.memref_squeeze %dma_wait3A_333 : memref<1x1x8x128xi32, #tpu.memory_space<hbm>> -> memref<8x128xi32, #tpu.memory_space<hbm>>
      %dma_wait3A_335 = arith.constant 0 : i32
      %dma_wait3A_336 = arith.constant 0 : i32
      %dma_wait3A_337 = tpu.memref_slice %arg4[%add3A, %dma_wait3A_330, %dma_wait3A_335, %dma_wait3A_336] : memref<32x10x8x128xi32, #tpu.memory_space<hbm>> -> memref<1x1x8x128xi32, #tpu.memory_space<hbm>>
      %dma_wait3A_338 = tpu.memref_squeeze %dma_wait3A_337 : memref<1x1x8x128xi32, #tpu.memory_space<hbm>> -> memref<8x128xi32, #tpu.memory_space<hbm>>
      tpu.wait_dma2 semaphore(%arg18 : memref<!tpu.dma_semaphore, #tpu.memory_space<semaphore_mem>>) src(%dma_wait3A_338 : memref<8x128xi32, #tpu.memory_space<hbm>>) dst(%arg9 : memref<8x128xi32, #tpu.memory_space<vmem>>)
      %dma_start3A_339 = arith.constant 0 : i32
      %dma_start3A_340 = arith.constant 0 : i32
      %dma_start3A_341 = tpu.memref_slice %arg7[%dma_start3A_339, %dma_start3A_340] : memref<8x128xi32, #tpu.memory_space<vmem>> -> memref<1x128xi32, #tpu.memory_space<vmem>>
      %dma_start3A_342 = tpu.memref_squeeze %dma_start3A_341 : memref<1x128xi32, #tpu.memory_space<vmem>> -> memref<128xi32, #tpu.memory_space<vmem>>
      %dma_start3A_343 = arith.constant 0 : i32
      %dma_start3A_344 = arith.constant 0 : i32
      %dma_start3A_345 = tpu.memref_slice %arg2[%dma_start3A_343, %dma_start3A_344] : memref<10240x48xf32, #tpu.memory_space<hbm>> -> memref<10240x48xf32, #tpu.memory_space<hbm>>
      tpu.enqueue_indirect_dma source(%dma_start3A_345 : memref<10240x48xf32, #tpu.memory_space<hbm>>) target(%arg10 : memref<128x48xf32, #tpu.memory_space<vmem>>) offsets(%dma_start3A_342 : memref<128xi32, #tpu.memory_space<vmem>>) semaphore(%arg13 : memref<!tpu.dma_semaphore, #tpu.memory_space<semaphore_mem>>)
      %dma_wait3A_346 = arith.constant 0 : i32
      %dma_wait3A_347 = arith.constant 0 : i32
      %dma_wait3A_348 = tpu.memref_slice %arg7[%dma_wait3A_346, %dma_wait3A_347] : memref<8x128xi32, #tpu.memory_space<vmem>> -> memref<1x128xi32, #tpu.memory_space<vmem>>
      %dma_wait3A_349 = tpu.memref_squeeze %dma_wait3A_348 : memref<1x128xi32, #tpu.memory_space<vmem>> -> memref<128xi32, #tpu.memory_space<vmem>>
      %dma_wait3A_350 = arith.constant 0 : i32
      %dma_wait3A_351 = arith.constant 0 : i32
      %dma_wait3A_352 = tpu.memref_slice %arg2[%dma_wait3A_350, %dma_wait3A_351] : memref<10240x48xf32, #tpu.memory_space<hbm>> -> memref<10240x48xf32, #tpu.memory_space<hbm>>
      tpu.wait_indirect_dma semaphore(%arg13 : memref<!tpu.dma_semaphore, #tpu.memory_space<semaphore_mem>>) src(%dma_wait3A_352 : memref<10240x48xf32, #tpu.memory_space<hbm>>) dst(%arg10 : memref<128x48xf32, #tpu.memory_space<vmem>>)
      %dma_start3A_353 = arith.constant 0 : i32
      %dma_start3A_354 = arith.constant 0 : i32
      %dma_start3A_355 = tpu.memref_slice %arg9[%dma_start3A_353, %dma_start3A_354] : memref<8x128xi32, #tpu.memory_space<vmem>> -> memref<1x128xi32, #tpu.memory_space<vmem>>
      %dma_start3A_356 = tpu.memref_squeeze %dma_start3A_355 : memref<1x128xi32, #tpu.memory_space<vmem>> -> memref<128xi32, #tpu.memory_space<vmem>>
      %dma_start3A_357 = arith.constant 0 : i32
      %dma_start3A_358 = arith.constant 0 : i32
      %dma_start3A_359 = tpu.memref_slice %arg12[%dma_start3A_357, %dma_start3A_358] : memref<10240x48xf32, #tpu.memory_space<vmem_shared>> -> memref<10240x48xf32, #tpu.memory_space<vmem_shared>>
      tpu.enqueue_indirect_dma source(%arg10 : memref<128x48xf32, #tpu.memory_space<vmem>>) target(%dma_start3A_359 : memref<10240x48xf32, #tpu.memory_space<vmem_shared>>) offsets(%dma_start3A_356 : memref<128xi32, #tpu.memory_space<vmem>>) semaphore(%arg15 : memref<!tpu.dma_semaphore, #tpu.memory_space<semaphore_mem>>) {add = true}
      %dma_start3A_360 = arith.constant 1 : i32
      %dma_start3A_361 = arith.constant 0 : i32
      %dma_start3A_362 = tpu.memref_slice %arg7[%dma_start3A_360, %dma_start3A_361] : memref<8x128xi32, #tpu.memory_space<vmem>> -> memref<1x128xi32, #tpu.memory_space<vmem>>
      %dma_start3A_363 = tpu.memref_squeeze %dma_start3A_362 : memref<1x128xi32, #tpu.memory_space<vmem>> -> memref<128xi32, #tpu.memory_space<vmem>>
      %dma_start3A_364 = arith.constant 0 : i32
      %dma_start3A_365 = arith.constant 0 : i32
      %dma_start3A_366 = tpu.memref_slice %arg2[%dma_start3A_364, %dma_start3A_365] : memref<10240x48xf32, #tpu.memory_space<hbm>> -> memref<10240x48xf32, #tpu.memory_space<hbm>>
      tpu.enqueue_indirect_dma source(%dma_start3A_366 : memref<10240x48xf32, #tpu.memory_space<hbm>>) target(%arg11 : memref<128x48xf32, #tpu.memory_space<vmem>>) offsets(%dma_start3A_363 : memref<128xi32, #tpu.memory_space<vmem>>) semaphore(%arg14 : memref<!tpu.dma_semaphore, #tpu.memory_space<semaphore_mem>>)
      %dma_wait3A_367 = arith.constant 1 : i32
      %dma_wait3A_368 = arith.constant 0 : i32
      %dma_wait3A_369 = tpu.memref_slice %arg7[%dma_wait3A_367, %dma_wait3A_368] : memref<8x128xi32, #tpu.memory_space<vmem>> -> memref<1x128xi32, #tpu.memory_space<vmem>>
      %dma_wait3A_370 = tpu.memref_squeeze %dma_wait3A_369 : memref<1x128xi32, #tpu.memory_space<vmem>> -> memref<128xi32, #tpu.memory_space<vmem>>
      %dma_wait3A_371 = arith.constant 0 : i32
      %dma_wait3A_372 = arith.constant 0 : i32
      %dma_wait3A_373 = tpu.memref_slice %arg2[%dma_wait3A_371, %dma_wait3A_372] : memref<10240x48xf32, #tpu.memory_space<hbm>> -> memref<10240x48xf32, #tpu.memory_space<hbm>>
      tpu.wait_indirect_dma semaphore(%arg14 : memref<!tpu.dma_semaphore, #tpu.memory_space<semaphore_mem>>) src(%dma_wait3A_373 : memref<10240x48xf32, #tpu.memory_space<hbm>>) dst(%arg11 : memref<128x48xf32, #tpu.memory_space<vmem>>)
      %dma_start3A_374 = arith.constant 1 : i32
      %dma_start3A_375 = arith.constant 0 : i32
      %dma_start3A_376 = tpu.memref_slice %arg9[%dma_start3A_374, %dma_start3A_375] : memref<8x128xi32, #tpu.memory_space<vmem>> -> memref<1x128xi32, #tpu.memory_space<vmem>>
      %dma_start3A_377 = tpu.memref_squeeze %dma_start3A_376 : memref<1x128xi32, #tpu.memory_space<vmem>> -> memref<128xi32, #tpu.memory_space<vmem>>
      %dma_start3A_378 = arith.constant 0 : i32
      %dma_start3A_379 = arith.constant 0 : i32
      %dma_start3A_380 = tpu.memref_slice %arg12[%dma_start3A_378, %dma_start3A_379] : memref<10240x48xf32, #tpu.memory_space<vmem_shared>> -> memref<10240x48xf32, #tpu.memory_space<vmem_shared>>
      tpu.enqueue_indirect_dma source(%arg11 : memref<128x48xf32, #tpu.memory_space<vmem>>) target(%dma_start3A_380 : memref<10240x48xf32, #tpu.memory_space<vmem_shared>>) offsets(%dma_start3A_377 : memref<128xi32, #tpu.memory_space<vmem>>) semaphore(%arg16 : memref<!tpu.dma_semaphore, #tpu.memory_space<semaphore_mem>>) {add = true}
      %dma_wait3A_381 = arith.constant 0 : i32
      %dma_wait3A_382 = arith.constant 0 : i32
      %dma_wait3A_383 = tpu.memref_slice %arg9[%dma_wait3A_381, %dma_wait3A_382] : memref<8x128xi32, #tpu.memory_space<vmem>> -> memref<1x128xi32, #tpu.memory_space<vmem>>
      %dma_wait3A_384 = tpu.memref_squeeze %dma_wait3A_383 : memref<1x128xi32, #tpu.memory_space<vmem>> -> memref<128xi32, #tpu.memory_space<vmem>>
      %dma_wait3A_385 = arith.constant 0 : i32
      %dma_wait3A_386 = arith.constant 0 : i32
      %dma_wait3A_387 = tpu.memref_slice %arg12[%dma_wait3A_385, %dma_wait3A_386] : memref<10240x48xf32, #tpu.memory_space<vmem_shared>> -> memref<10240x48xf32, #tpu.memory_space<vmem_shared>>
      tpu.wait_indirect_dma semaphore(%arg15 : memref<!tpu.dma_semaphore, #tpu.memory_space<semaphore_mem>>) src(%arg10 : memref<128x48xf32, #tpu.memory_space<vmem>>) dst(%dma_wait3A_387 : memref<10240x48xf32, #tpu.memory_space<vmem_shared>>)
      %dma_start3A_388 = arith.constant 2 : i32
      %dma_start3A_389 = arith.constant 0 : i32
      %dma_start3A_390 = tpu.memref_slice %arg7[%dma_start3A_388, %dma_start3A_389] : memref<8x128xi32, #tpu.memory_space<vmem>> -> memref<1x128xi32, #tpu.memory_space<vmem>>
      %dma_start3A_391 = tpu.memref_squeeze %dma_start3A_390 : memref<1x128xi32, #tpu.memory_space<vmem>> -> memref<128xi32, #tpu.memory_space<vmem>>
      %dma_start3A_392 = arith.constant 0 : i32
      %dma_start3A_393 = arith.constant 0 : i32
      %dma_start3A_394 = tpu.memref_slice %arg2[%dma_start3A_392, %dma_start3A_393] : memref<10240x48xf32, #tpu.memory_space<hbm>> -> memref<10240x48xf32, #tpu.memory_space<hbm>>
      tpu.enqueue_indirect_dma source(%dma_start3A_394 : memref<10240x48xf32, #tpu.memory_space<hbm>>) target(%arg10 : memref<128x48xf32, #tpu.memory_space<vmem>>) offsets(%dma_start3A_391 : memref<128xi32, #tpu.memory_space<vmem>>) semaphore(%arg13 : memref<!tpu.dma_semaphore, #tpu.memory_space<semaphore_mem>>)
      %dma_wait3A_395 = arith.constant 2 : i32
      %dma_wait3A_396 = arith.constant 0 : i32
      %dma_wait3A_397 = tpu.memref_slice %arg7[%dma_wait3A_395, %dma_wait3A_396] : memref<8x128xi32, #tpu.memory_space<vmem>> -> memref<1x128xi32, #tpu.memory_space<vmem>>
      %dma_wait3A_398 = tpu.memref_squeeze %dma_wait3A_397 : memref<1x128xi32, #tpu.memory_space<vmem>> -> memref<128xi32, #tpu.memory_space<vmem>>
      %dma_wait3A_399 = arith.constant 0 : i32
      %dma_wait3A_400 = arith.constant 0 : i32
      %dma_wait3A_401 = tpu.memref_slice %arg2[%dma_wait3A_399, %dma_wait3A_400] : memref<10240x48xf32, #tpu.memory_space<hbm>> -> memref<10240x48xf32, #tpu.memory_space<hbm>>
      tpu.wait_indirect_dma semaphore(%arg13 : memref<!tpu.dma_semaphore, #tpu.memory_space<semaphore_mem>>) src(%dma_wait3A_401 : memref<10240x48xf32, #tpu.memory_space<hbm>>) dst(%arg10 : memref<128x48xf32, #tpu.memory_space<vmem>>)
      %dma_start3A_402 = arith.constant 2 : i32
      %dma_start3A_403 = arith.constant 0 : i32
      %dma_start3A_404 = tpu.memref_slice %arg9[%dma_start3A_402, %dma_start3A_403] : memref<8x128xi32, #tpu.memory_space<vmem>> -> memref<1x128xi32, #tpu.memory_space<vmem>>
      %dma_start3A_405 = tpu.memref_squeeze %dma_start3A_404 : memref<1x128xi32, #tpu.memory_space<vmem>> -> memref<128xi32, #tpu.memory_space<vmem>>
      %dma_start3A_406 = arith.constant 0 : i32
      %dma_start3A_407 = arith.constant 0 : i32
      %dma_start3A_408 = tpu.memref_slice %arg12[%dma_start3A_406, %dma_start3A_407] : memref<10240x48xf32, #tpu.memory_space<vmem_shared>> -> memref<10240x48xf32, #tpu.memory_space<vmem_shared>>
      tpu.enqueue_indirect_dma source(%arg10 : memref<128x48xf32, #tpu.memory_space<vmem>>) target(%dma_start3A_408 : memref<10240x48xf32, #tpu.memory_space<vmem_shared>>) offsets(%dma_start3A_405 : memref<128xi32, #tpu.memory_space<vmem>>) semaphore(%arg15 : memref<!tpu.dma_semaphore, #tpu.memory_space<semaphore_mem>>) {add = true}
      %dma_wait3A_409 = arith.constant 1 : i32
      %dma_wait3A_410 = arith.constant 0 : i32
      %dma_wait3A_411 = tpu.memref_slice %arg9[%dma_wait3A_409, %dma_wait3A_410] : memref<8x128xi32, #tpu.memory_space<vmem>> -> memref<1x128xi32, #tpu.memory_space<vmem>>
      %dma_wait3A_412 = tpu.memref_squeeze %dma_wait3A_411 : memref<1x128xi32, #tpu.memory_space<vmem>> -> memref<128xi32, #tpu.memory_space<vmem>>
      %dma_wait3A_413 = arith.constant 0 : i32
      %dma_wait3A_414 = arith.constant 0 : i32
      %dma_wait3A_415 = tpu.memref_slice %arg12[%dma_wait3A_413, %dma_wait3A_414] : memref<10240x48xf32, #tpu.memory_space<vmem_shared>> -> memref<10240x48xf32, #tpu.memory_space<vmem_shared>>
      tpu.wait_indirect_dma semaphore(%arg16 : memref<!tpu.dma_semaphore, #tpu.memory_space<semaphore_mem>>) src(%arg11 : memref<128x48xf32, #tpu.memory_space<vmem>>) dst(%dma_wait3A_415 : memref<10240x48xf32, #tpu.memory_space<vmem_shared>>)
      %dma_start3A_416 = arith.constant 3 : i32
      %dma_start3A_417 = arith.constant 0 : i32
      %dma_start3A_418 = tpu.memref_slice %arg7[%dma_start3A_416, %dma_start3A_417] : memref<8x128xi32, #tpu.memory_space<vmem>> -> memref<1x128xi32, #tpu.memory_space<vmem>>
      %dma_start3A_419 = tpu.memref_squeeze %dma_start3A_418 : memref<1x128xi32, #tpu.memory_space<vmem>> -> memref<128xi32, #tpu.memory_space<vmem>>
      %dma_start3A_420 = arith.constant 0 : i32
      %dma_start3A_421 = arith.constant 0 : i32
      %dma_start3A_422 = tpu.memref_slice %arg2[%dma_start3A_420, %dma_start3A_421] : memref<10240x48xf32, #tpu.memory_space<hbm>> -> memref<10240x48xf32, #tpu.memory_space<hbm>>
      tpu.enqueue_indirect_dma source(%dma_start3A_422 : memref<10240x48xf32, #tpu.memory_space<hbm>>) target(%arg11 : memref<128x48xf32, #tpu.memory_space<vmem>>) offsets(%dma_start3A_419 : memref<128xi32, #tpu.memory_space<vmem>>) semaphore(%arg14 : memref<!tpu.dma_semaphore, #tpu.memory_space<semaphore_mem>>)
      %dma_wait3A_423 = arith.constant 3 : i32
      %dma_wait3A_424 = arith.constant 0 : i32
      %dma_wait3A_425 = tpu.memref_slice %arg7[%dma_wait3A_423, %dma_wait3A_424] : memref<8x128xi32, #tpu.memory_space<vmem>> -> memref<1x128xi32, #tpu.memory_space<vmem>>
      %dma_wait3A_426 = tpu.memref_squeeze %dma_wait3A_425 : memref<1x128xi32, #tpu.memory_space<vmem>> -> memref<128xi32, #tpu.memory_space<vmem>>
      %dma_wait3A_427 = arith.constant 0 : i32
      %dma_wait3A_428 = arith.constant 0 : i32
      %dma_wait3A_429 = tpu.memref_slice %arg2[%dma_wait3A_427, %dma_wait3A_428] : memref<10240x48xf32, #tpu.memory_space<hbm>> -> memref<10240x48xf32, #tpu.memory_space<hbm>>
      tpu.wait_indirect_dma semaphore(%arg14 : memref<!tpu.dma_semaphore, #tpu.memory_space<semaphore_mem>>) src(%dma_wait3A_429 : memref<10240x48xf32, #tpu.memory_space<hbm>>) dst(%arg11 : memref<128x48xf32, #tpu.memory_space<vmem>>)
      %dma_start3A_430 = arith.constant 3 : i32
      %dma_start3A_431 = arith.constant 0 : i32
      %dma_start3A_432 = tpu.memref_slice %arg9[%dma_start3A_430, %dma_start3A_431] : memref<8x128xi32, #tpu.memory_space<vmem>> -> memref<1x128xi32, #tpu.memory_space<vmem>>
      %dma_start3A_433 = tpu.memref_squeeze %dma_start3A_432 : memref<1x128xi32, #tpu.memory_space<vmem>> -> memref<128xi32, #tpu.memory_space<vmem>>
      %dma_start3A_434 = arith.constant 0 : i32
      %dma_start3A_435 = arith.constant 0 : i32
      %dma_start3A_436 = tpu.memref_slice %arg12[%dma_start3A_434, %dma_start3A_435] : memref<10240x48xf32, #tpu.memory_space<vmem_shared>> -> memref<10240x48xf32, #tpu.memory_space<vmem_shared>>
      tpu.enqueue_indirect_dma source(%arg11 : memref<128x48xf32, #tpu.memory_space<vmem>>) target(%dma_start3A_436 : memref<10240x48xf32, #tpu.memory_space<vmem_shared>>) offsets(%dma_start3A_433 : memref<128xi32, #tpu.memory_space<vmem>>) semaphore(%arg16 : memref<!tpu.dma_semaphore, #tpu.memory_space<semaphore_mem>>) {add = true}
      %dma_wait3A_437 = arith.constant 2 : i32
      %dma_wait3A_438 = arith.constant 0 : i32
      %dma_wait3A_439 = tpu.memref_slice %arg9[%dma_wait3A_437, %dma_wait3A_438] : memref<8x128xi32, #tpu.memory_space<vmem>> -> memref<1x128xi32, #tpu.memory_space<vmem>>
      %dma_wait3A_440 = tpu.memref_squeeze %dma_wait3A_439 : memref<1x128xi32, #tpu.memory_space<vmem>> -> memref<128xi32, #tpu.memory_space<vmem>>
      %dma_wait3A_441 = arith.constant 0 : i32
      %dma_wait3A_442 = arith.constant 0 : i32
      %dma_wait3A_443 = tpu.memref_slice %arg12[%dma_wait3A_441, %dma_wait3A_442] : memref<10240x48xf32, #tpu.memory_space<vmem_shared>> -> memref<10240x48xf32, #tpu.memory_space<vmem_shared>>
      tpu.wait_indirect_dma semaphore(%arg15 : memref<!tpu.dma_semaphore, #tpu.memory_space<semaphore_mem>>) src(%arg10 : memref<128x48xf32, #tpu.memory_space<vmem>>) dst(%dma_wait3A_443 : memref<10240x48xf32, #tpu.memory_space<vmem_shared>>)
      %dma_start3A_444 = arith.constant 4 : i32
      %dma_start3A_445 = arith.constant 0 : i32
      %dma_start3A_446 = tpu.memref_slice %arg7[%dma_start3A_444, %dma_start3A_445] : memref<8x128xi32, #tpu.memory_space<vmem>> -> memref<1x128xi32, #tpu.memory_space<vmem>>
      %dma_start3A_447 = tpu.memref_squeeze %dma_start3A_446 : memref<1x128xi32, #tpu.memory_space<vmem>> -> memref<128xi32, #tpu.memory_space<vmem>>
      %dma_start3A_448 = arith.constant 0 : i32
      %dma_start3A_449 = arith.constant 0 : i32
      %dma_start3A_450 = tpu.memref_slice %arg2[%dma_start3A_448, %dma_start3A_449] : memref<10240x48xf32, #tpu.memory_space<hbm>> -> memref<10240x48xf32, #tpu.memory_space<hbm>>
      tpu.enqueue_indirect_dma source(%dma_start3A_450 : memref<10240x48xf32, #tpu.memory_space<hbm>>) target(%arg10 : memref<128x48xf32, #tpu.memory_space<vmem>>) offsets(%dma_start3A_447 : memref<128xi32, #tpu.memory_space<vmem>>) semaphore(%arg13 : memref<!tpu.dma_semaphore, #tpu.memory_space<semaphore_mem>>)
      %dma_wait3A_451 = arith.constant 4 : i32
      %dma_wait3A_452 = arith.constant 0 : i32
      %dma_wait3A_453 = tpu.memref_slice %arg7[%dma_wait3A_451, %dma_wait3A_452] : memref<8x128xi32, #tpu.memory_space<vmem>> -> memref<1x128xi32, #tpu.memory_space<vmem>>
      %dma_wait3A_454 = tpu.memref_squeeze %dma_wait3A_453 : memref<1x128xi32, #tpu.memory_space<vmem>> -> memref<128xi32, #tpu.memory_space<vmem>>
      %dma_wait3A_455 = arith.constant 0 : i32
      %dma_wait3A_456 = arith.constant 0 : i32
      %dma_wait3A_457 = tpu.memref_slice %arg2[%dma_wait3A_455, %dma_wait3A_456] : memref<10240x48xf32, #tpu.memory_space<hbm>> -> memref<10240x48xf32, #tpu.memory_space<hbm>>
      tpu.wait_indirect_dma semaphore(%arg13 : memref<!tpu.dma_semaphore, #tpu.memory_space<semaphore_mem>>) src(%dma_wait3A_457 : memref<10240x48xf32, #tpu.memory_space<hbm>>) dst(%arg10 : memref<128x48xf32, #tpu.memory_space<vmem>>)
      %dma_start3A_458 = arith.constant 4 : i32
      %dma_start3A_459 = arith.constant 0 : i32
      %dma_start3A_460 = tpu.memref_slice %arg9[%dma_start3A_458, %dma_start3A_459] : memref<8x128xi32, #tpu.memory_space<vmem>> -> memref<1x128xi32, #tpu.memory_space<vmem>>
      %dma_start3A_461 = tpu.memref_squeeze %dma_start3A_460 : memref<1x128xi32, #tpu.memory_space<vmem>> -> memref<128xi32, #tpu.memory_space<vmem>>
      %dma_start3A_462 = arith.constant 0 : i32
      %dma_start3A_463 = arith.constant 0 : i32
      %dma_start3A_464 = tpu.memref_slice %arg12[%dma_start3A_462, %dma_start3A_463] : memref<10240x48xf32, #tpu.memory_space<vmem_shared>> -> memref<10240x48xf32, #tpu.memory_space<vmem_shared>>
      tpu.enqueue_indirect_dma source(%arg10 : memref<128x48xf32, #tpu.memory_space<vmem>>) target(%dma_start3A_464 : memref<10240x48xf32, #tpu.memory_space<vmem_shared>>) offsets(%dma_start3A_461 : memref<128xi32, #tpu.memory_space<vmem>>) semaphore(%arg15 : memref<!tpu.dma_semaphore, #tpu.memory_space<semaphore_mem>>) {add = true}
      %dma_wait3A_465 = arith.constant 3 : i32
      %dma_wait3A_466 = arith.constant 0 : i32
      %dma_wait3A_467 = tpu.memref_slice %arg9[%dma_wait3A_465, %dma_wait3A_466] : memref<8x128xi32, #tpu.memory_space<vmem>> -> memref<1x128xi32, #tpu.memory_space<vmem>>
      %dma_wait3A_468 = tpu.memref_squeeze %dma_wait3A_467 : memref<1x128xi32, #tpu.memory_space<vmem>> -> memref<128xi32, #tpu.memory_space<vmem>>
      %dma_wait3A_469 = arith.constant 0 : i32
      %dma_wait3A_470 = arith.constant 0 : i32
      %dma_wait3A_471 = tpu.memref_slice %arg12[%dma_wait3A_469, %dma_wait3A_470] : memref<10240x48xf32, #tpu.memory_space<vmem_shared>> -> memref<10240x48xf32, #tpu.memory_space<vmem_shared>>
      tpu.wait_indirect_dma semaphore(%arg16 : memref<!tpu.dma_semaphore, #tpu.memory_space<semaphore_mem>>) src(%arg11 : memref<128x48xf32, #tpu.memory_space<vmem>>) dst(%dma_wait3A_471 : memref<10240x48xf32, #tpu.memory_space<vmem_shared>>)
      %dma_start3A_472 = arith.constant 5 : i32
      %dma_start3A_473 = arith.constant 0 : i32
      %dma_start3A_474 = tpu.memref_slice %arg7[%dma_start3A_472, %dma_start3A_473] : memref<8x128xi32, #tpu.memory_space<vmem>> -> memref<1x128xi32, #tpu.memory_space<vmem>>
      %dma_start3A_475 = tpu.memref_squeeze %dma_start3A_474 : memref<1x128xi32, #tpu.memory_space<vmem>> -> memref<128xi32, #tpu.memory_space<vmem>>
      %dma_start3A_476 = arith.constant 0 : i32
      %dma_start3A_477 = arith.constant 0 : i32
      %dma_start3A_478 = tpu.memref_slice %arg2[%dma_start3A_476, %dma_start3A_477] : memref<10240x48xf32, #tpu.memory_space<hbm>> -> memref<10240x48xf32, #tpu.memory_space<hbm>>
      tpu.enqueue_indirect_dma source(%dma_start3A_478 : memref<10240x48xf32, #tpu.memory_space<hbm>>) target(%arg11 : memref<128x48xf32, #tpu.memory_space<vmem>>) offsets(%dma_start3A_475 : memref<128xi32, #tpu.memory_space<vmem>>) semaphore(%arg14 : memref<!tpu.dma_semaphore, #tpu.memory_space<semaphore_mem>>)
      %dma_wait3A_479 = arith.constant 5 : i32
      %dma_wait3A_480 = arith.constant 0 : i32
      %dma_wait3A_481 = tpu.memref_slice %arg7[%dma_wait3A_479, %dma_wait3A_480] : memref<8x128xi32, #tpu.memory_space<vmem>> -> memref<1x128xi32, #tpu.memory_space<vmem>>
      %dma_wait3A_482 = tpu.memref_squeeze %dma_wait3A_481 : memref<1x128xi32, #tpu.memory_space<vmem>> -> memref<128xi32, #tpu.memory_space<vmem>>
      %dma_wait3A_483 = arith.constant 0 : i32
      %dma_wait3A_484 = arith.constant 0 : i32
      %dma_wait3A_485 = tpu.memref_slice %arg2[%dma_wait3A_483, %dma_wait3A_484] : memref<10240x48xf32, #tpu.memory_space<hbm>> -> memref<10240x48xf32, #tpu.memory_space<hbm>>
      tpu.wait_indirect_dma semaphore(%arg14 : memref<!tpu.dma_semaphore, #tpu.memory_space<semaphore_mem>>) src(%dma_wait3A_485 : memref<10240x48xf32, #tpu.memory_space<hbm>>) dst(%arg11 : memref<128x48xf32, #tpu.memory_space<vmem>>)
      %dma_start3A_486 = arith.constant 5 : i32
      %dma_start3A_487 = arith.constant 0 : i32
      %dma_start3A_488 = tpu.memref_slice %arg9[%dma_start3A_486, %dma_start3A_487] : memref<8x128xi32, #tpu.memory_space<vmem>> -> memref<1x128xi32, #tpu.memory_space<vmem>>
      %dma_start3A_489 = tpu.memref_squeeze %dma_start3A_488 : memref<1x128xi32, #tpu.memory_space<vmem>> -> memref<128xi32, #tpu.memory_space<vmem>>
      %dma_start3A_490 = arith.constant 0 : i32
      %dma_start3A_491 = arith.constant 0 : i32
      %dma_start3A_492 = tpu.memref_slice %arg12[%dma_start3A_490, %dma_start3A_491] : memref<10240x48xf32, #tpu.memory_space<vmem_shared>> -> memref<10240x48xf32, #tpu.memory_space<vmem_shared>>
      tpu.enqueue_indirect_dma source(%arg11 : memref<128x48xf32, #tpu.memory_space<vmem>>) target(%dma_start3A_492 : memref<10240x48xf32, #tpu.memory_space<vmem_shared>>) offsets(%dma_start3A_489 : memref<128xi32, #tpu.memory_space<vmem>>) semaphore(%arg16 : memref<!tpu.dma_semaphore, #tpu.memory_space<semaphore_mem>>) {add = true}
      %dma_wait3A_493 = arith.constant 4 : i32
      %dma_wait3A_494 = arith.constant 0 : i32
      %dma_wait3A_495 = tpu.memref_slice %arg9[%dma_wait3A_493, %dma_wait3A_494] : memref<8x128xi32, #tpu.memory_space<vmem>> -> memref<1x128xi32, #tpu.memory_space<vmem>>
      %dma_wait3A_496 = tpu.memref_squeeze %dma_wait3A_495 : memref<1x128xi32, #tpu.memory_space<vmem>> -> memref<128xi32, #tpu.memory_space<vmem>>
      %dma_wait3A_497 = arith.constant 0 : i32
      %dma_wait3A_498 = arith.constant 0 : i32
      %dma_wait3A_499 = tpu.memref_slice %arg12[%dma_wait3A_497, %dma_wait3A_498] : memref<10240x48xf32, #tpu.memory_space<vmem_shared>> -> memref<10240x48xf32, #tpu.memory_space<vmem_shared>>
      tpu.wait_indirect_dma semaphore(%arg15 : memref<!tpu.dma_semaphore, #tpu.memory_space<semaphore_mem>>) src(%arg10 : memref<128x48xf32, #tpu.memory_space<vmem>>) dst(%dma_wait3A_499 : memref<10240x48xf32, #tpu.memory_space<vmem_shared>>)
      %dma_start3A_500 = arith.constant 6 : i32
      %dma_start3A_501 = arith.constant 0 : i32
      %dma_start3A_502 = tpu.memref_slice %arg7[%dma_start3A_500, %dma_start3A_501] : memref<8x128xi32, #tpu.memory_space<vmem>> -> memref<1x128xi32, #tpu.memory_space<vmem>>
      %dma_start3A_503 = tpu.memref_squeeze %dma_start3A_502 : memref<1x128xi32, #tpu.memory_space<vmem>> -> memref<128xi32, #tpu.memory_space<vmem>>
      %dma_start3A_504 = arith.constant 0 : i32
      %dma_start3A_505 = arith.constant 0 : i32
      %dma_start3A_506 = tpu.memref_slice %arg2[%dma_start3A_504, %dma_start3A_505] : memref<10240x48xf32, #tpu.memory_space<hbm>> -> memref<10240x48xf32, #tpu.memory_space<hbm>>
      tpu.enqueue_indirect_dma source(%dma_start3A_506 : memref<10240x48xf32, #tpu.memory_space<hbm>>) target(%arg10 : memref<128x48xf32, #tpu.memory_space<vmem>>) offsets(%dma_start3A_503 : memref<128xi32, #tpu.memory_space<vmem>>) semaphore(%arg13 : memref<!tpu.dma_semaphore, #tpu.memory_space<semaphore_mem>>)
      %dma_wait3A_507 = arith.constant 6 : i32
      %dma_wait3A_508 = arith.constant 0 : i32
      %dma_wait3A_509 = tpu.memref_slice %arg7[%dma_wait3A_507, %dma_wait3A_508] : memref<8x128xi32, #tpu.memory_space<vmem>> -> memref<1x128xi32, #tpu.memory_space<vmem>>
      %dma_wait3A_510 = tpu.memref_squeeze %dma_wait3A_509 : memref<1x128xi32, #tpu.memory_space<vmem>> -> memref<128xi32, #tpu.memory_space<vmem>>
      %dma_wait3A_511 = arith.constant 0 : i32
      %dma_wait3A_512 = arith.constant 0 : i32
      %dma_wait3A_513 = tpu.memref_slice %arg2[%dma_wait3A_511, %dma_wait3A_512] : memref<10240x48xf32, #tpu.memory_space<hbm>> -> memref<10240x48xf32, #tpu.memory_space<hbm>>
      tpu.wait_indirect_dma semaphore(%arg13 : memref<!tpu.dma_semaphore, #tpu.memory_space<semaphore_mem>>) src(%dma_wait3A_513 : memref<10240x48xf32, #tpu.memory_space<hbm>>) dst(%arg10 : memref<128x48xf32, #tpu.memory_space<vmem>>)
      %dma_start3A_514 = arith.constant 6 : i32
      %dma_start3A_515 = arith.constant 0 : i32
      %dma_start3A_516 = tpu.memref_slice %arg9[%dma_start3A_514, %dma_start3A_515] : memref<8x128xi32, #tpu.memory_space<vmem>> -> memref<1x128xi32, #tpu.memory_space<vmem>>
      %dma_start3A_517 = tpu.memref_squeeze %dma_start3A_516 : memref<1x128xi32, #tpu.memory_space<vmem>> -> memref<128xi32, #tpu.memory_space<vmem>>
      %dma_start3A_518 = arith.constant 0 : i32
      %dma_start3A_519 = arith.constant 0 : i32
      %dma_start3A_520 = tpu.memref_slice %arg12[%dma_start3A_518, %dma_start3A_519] : memref<10240x48xf32, #tpu.memory_space<vmem_shared>> -> memref<10240x48xf32, #tpu.memory_space<vmem_shared>>
      tpu.enqueue_indirect_dma source(%arg10 : memref<128x48xf32, #tpu.memory_space<vmem>>) target(%dma_start3A_520 : memref<10240x48xf32, #tpu.memory_space<vmem_shared>>) offsets(%dma_start3A_517 : memref<128xi32, #tpu.memory_space<vmem>>) semaphore(%arg15 : memref<!tpu.dma_semaphore, #tpu.memory_space<semaphore_mem>>) {add = true}
      %dma_wait3A_521 = arith.constant 5 : i32
      %dma_wait3A_522 = arith.constant 0 : i32
      %dma_wait3A_523 = tpu.memref_slice %arg9[%dma_wait3A_521, %dma_wait3A_522] : memref<8x128xi32, #tpu.memory_space<vmem>> -> memref<1x128xi32, #tpu.memory_space<vmem>>
      %dma_wait3A_524 = tpu.memref_squeeze %dma_wait3A_523 : memref<1x128xi32, #tpu.memory_space<vmem>> -> memref<128xi32, #tpu.memory_space<vmem>>
      %dma_wait3A_525 = arith.constant 0 : i32
      %dma_wait3A_526 = arith.constant 0 : i32
      %dma_wait3A_527 = tpu.memref_slice %arg12[%dma_wait3A_525, %dma_wait3A_526] : memref<10240x48xf32, #tpu.memory_space<vmem_shared>> -> memref<10240x48xf32, #tpu.memory_space<vmem_shared>>
      tpu.wait_indirect_dma semaphore(%arg16 : memref<!tpu.dma_semaphore, #tpu.memory_space<semaphore_mem>>) src(%arg11 : memref<128x48xf32, #tpu.memory_space<vmem>>) dst(%dma_wait3A_527 : memref<10240x48xf32, #tpu.memory_space<vmem_shared>>)
      %dma_start3A_528 = arith.constant 7 : i32
      %dma_start3A_529 = arith.constant 0 : i32
      %dma_start3A_530 = tpu.memref_slice %arg7[%dma_start3A_528, %dma_start3A_529] : memref<8x128xi32, #tpu.memory_space<vmem>> -> memref<1x128xi32, #tpu.memory_space<vmem>>
      %dma_start3A_531 = tpu.memref_squeeze %dma_start3A_530 : memref<1x128xi32, #tpu.memory_space<vmem>> -> memref<128xi32, #tpu.memory_space<vmem>>
      %dma_start3A_532 = arith.constant 0 : i32
      %dma_start3A_533 = arith.constant 0 : i32
      %dma_start3A_534 = tpu.memref_slice %arg2[%dma_start3A_532, %dma_start3A_533] : memref<10240x48xf32, #tpu.memory_space<hbm>> -> memref<10240x48xf32, #tpu.memory_space<hbm>>
      tpu.enqueue_indirect_dma source(%dma_start3A_534 : memref<10240x48xf32, #tpu.memory_space<hbm>>) target(%arg11 : memref<128x48xf32, #tpu.memory_space<vmem>>) offsets(%dma_start3A_531 : memref<128xi32, #tpu.memory_space<vmem>>) semaphore(%arg14 : memref<!tpu.dma_semaphore, #tpu.memory_space<semaphore_mem>>)
      %dma_wait3A_535 = arith.constant 7 : i32
      %dma_wait3A_536 = arith.constant 0 : i32
      %dma_wait3A_537 = tpu.memref_slice %arg7[%dma_wait3A_535, %dma_wait3A_536] : memref<8x128xi32, #tpu.memory_space<vmem>> -> memref<1x128xi32, #tpu.memory_space<vmem>>
      %dma_wait3A_538 = tpu.memref_squeeze %dma_wait3A_537 : memref<1x128xi32, #tpu.memory_space<vmem>> -> memref<128xi32, #tpu.memory_space<vmem>>
      %dma_wait3A_539 = arith.constant 0 : i32
      %dma_wait3A_540 = arith.constant 0 : i32
      %dma_wait3A_541 = tpu.memref_slice %arg2[%dma_wait3A_539, %dma_wait3A_540] : memref<10240x48xf32, #tpu.memory_space<hbm>> -> memref<10240x48xf32, #tpu.memory_space<hbm>>
      tpu.wait_indirect_dma semaphore(%arg14 : memref<!tpu.dma_semaphore, #tpu.memory_space<semaphore_mem>>) src(%dma_wait3A_541 : memref<10240x48xf32, #tpu.memory_space<hbm>>) dst(%arg11 : memref<128x48xf32, #tpu.memory_space<vmem>>)
      %dma_start3A_542 = arith.constant 7 : i32
      %dma_start3A_543 = arith.constant 0 : i32
      %dma_start3A_544 = tpu.memref_slice %arg9[%dma_start3A_542, %dma_start3A_543] : memref<8x128xi32, #tpu.memory_space<vmem>> -> memref<1x128xi32, #tpu.memory_space<vmem>>
      %dma_start3A_545 = tpu.memref_squeeze %dma_start3A_544 : memref<1x128xi32, #tpu.memory_space<vmem>> -> memref<128xi32, #tpu.memory_space<vmem>>
      %dma_start3A_546 = arith.constant 0 : i32
      %dma_start3A_547 = arith.constant 0 : i32
      %dma_start3A_548 = tpu.memref_slice %arg12[%dma_start3A_546, %dma_start3A_547] : memref<10240x48xf32, #tpu.memory_space<vmem_shared>> -> memref<10240x48xf32, #tpu.memory_space<vmem_shared>>
      tpu.enqueue_indirect_dma source(%arg11 : memref<128x48xf32, #tpu.memory_space<vmem>>) target(%dma_start3A_548 : memref<10240x48xf32, #tpu.memory_space<vmem_shared>>) offsets(%dma_start3A_545 : memref<128xi32, #tpu.memory_space<vmem>>) semaphore(%arg16 : memref<!tpu.dma_semaphore, #tpu.memory_space<semaphore_mem>>) {add = true}
      %dma_wait3A_549 = arith.constant 6 : i32
      %dma_wait3A_550 = arith.constant 0 : i32
      %dma_wait3A_551 = tpu.memref_slice %arg9[%dma_wait3A_549, %dma_wait3A_550] : memref<8x128xi32, #tpu.memory_space<vmem>> -> memref<1x128xi32, #tpu.memory_space<vmem>>
      %dma_wait3A_552 = tpu.memref_squeeze %dma_wait3A_551 : memref<1x128xi32, #tpu.memory_space<vmem>> -> memref<128xi32, #tpu.memory_space<vmem>>
      %dma_wait3A_553 = arith.constant 0 : i32
      %dma_wait3A_554 = arith.constant 0 : i32
      %dma_wait3A_555 = tpu.memref_slice %arg12[%dma_wait3A_553, %dma_wait3A_554] : memref<10240x48xf32, #tpu.memory_space<vmem_shared>> -> memref<10240x48xf32, #tpu.memory_space<vmem_shared>>
      tpu.wait_indirect_dma semaphore(%arg15 : memref<!tpu.dma_semaphore, #tpu.memory_space<semaphore_mem>>) src(%arg10 : memref<128x48xf32, #tpu.memory_space<vmem>>) dst(%dma_wait3A_555 : memref<10240x48xf32, #tpu.memory_space<vmem_shared>>)
      %dma_wait3A_556 = arith.constant 7 : i32
      %dma_wait3A_557 = arith.constant 0 : i32
      %dma_wait3A_558 = tpu.memref_slice %arg9[%dma_wait3A_556, %dma_wait3A_557] : memref<8x128xi32, #tpu.memory_space<vmem>> -> memref<1x128xi32, #tpu.memory_space<vmem>>
      %dma_wait3A_559 = tpu.memref_squeeze %dma_wait3A_558 : memref<1x128xi32, #tpu.memory_space<vmem>> -> memref<128xi32, #tpu.memory_space<vmem>>
      %dma_wait3A_560 = arith.constant 0 : i32
      %dma_wait3A_561 = arith.constant 0 : i32
      %dma_wait3A_562 = tpu.memref_slice %arg12[%dma_wait3A_560, %dma_wait3A_561] : memref<10240x48xf32, #tpu.memory_space<vmem_shared>> -> memref<10240x48xf32, #tpu.memory_space<vmem_shared>>
      tpu.wait_indirect_dma semaphore(%arg16 : memref<!tpu.dma_semaphore, #tpu.memory_space<semaphore_mem>>) src(%arg11 : memref<128x48xf32, #tpu.memory_space<vmem>>) dst(%dma_wait3A_562 : memref<10240x48xf32, #tpu.memory_space<vmem_shared>>)
      %add3A_563 = arith.constant 1 : i32
      %add3A_564 = arith.addi %add3A_73, %add3A_563 : i32
      %add3A_565 = arith.constant 2 : i32
      %add3A_566 = arith.addi %add3A_564, %add3A_565 : i32
      %lt3A_567 = arith.constant 10 : i32
      %lt3A_568 = arith.cmpi slt, %add3A_566, %lt3A_567 : i32
      %convert_element_type3A_569 = arith.extui %lt3A_568 : i1 to i32
      %cond3A_570 = arith.constant 0 : i32
      %cond3A_571 = arith.cmpi ne, %convert_element_type3A_569, %cond3A_570 : i32
      scf.if %cond3A_571 {
        %dma_start3A_572 = arith.constant 0 : i32
        %dma_start3A_573 = arith.constant 0 : i32
        %dma_start3A_574 = tpu.memref_slice %arg3[%add3A, %add3A_566, %dma_start3A_572, %dma_start3A_573] : memref<32x10x8x128xi32, #tpu.memory_space<hbm>> -> memref<1x1x8x128xi32, #tpu.memory_space<hbm>>
        %dma_start3A_575 = tpu.memref_squeeze %dma_start3A_574 : memref<1x1x8x128xi32, #tpu.memory_space<hbm>> -> memref<8x128xi32, #tpu.memory_space<hbm>>
        %dma_start3A_576 = arith.constant 0 : i32
        %dma_start3A_577 = arith.constant 0 : i32
        %dma_start3A_578 = tpu.memref_slice %arg3[%add3A, %add3A_566, %dma_start3A_576, %dma_start3A_577] : memref<32x10x8x128xi32, #tpu.memory_space<hbm>> -> memref<1x1x8x128xi32, #tpu.memory_space<hbm>>
        %dma_start3A_579 = tpu.memref_squeeze %dma_start3A_578 : memref<1x1x8x128xi32, #tpu.memory_space<hbm>> -> memref<8x128xi32, #tpu.memory_space<hbm>>
        tpu.enqueue_dma source(%dma_start3A_579 : memref<8x128xi32, #tpu.memory_space<hbm>>) target(%arg7 : memref<8x128xi32, #tpu.memory_space<vmem>>) target_semaphore(%arg18 : memref<!tpu.dma_semaphore, #tpu.memory_space<semaphore_mem>>)
        %dma_start3A_580 = arith.constant 0 : i32
        %dma_start3A_581 = arith.constant 0 : i32
        %dma_start3A_582 = tpu.memref_slice %arg4[%add3A, %add3A_566, %dma_start3A_580, %dma_start3A_581] : memref<32x10x8x128xi32, #tpu.memory_space<hbm>> -> memref<1x1x8x128xi32, #tpu.memory_space<hbm>>
        %dma_start3A_583 = tpu.memref_squeeze %dma_start3A_582 : memref<1x1x8x128xi32, #tpu.memory_space<hbm>> -> memref<8x128xi32, #tpu.memory_space<hbm>>
        %dma_start3A_584 = arith.constant 0 : i32
        %dma_start3A_585 = arith.constant 0 : i32
        %dma_start3A_586 = tpu.memref_slice %arg4[%add3A, %add3A_566, %dma_start3A_584, %dma_start3A_585] : memref<32x10x8x128xi32, #tpu.memory_space<hbm>> -> memref<1x1x8x128xi32, #tpu.memory_space<hbm>>
        %dma_start3A_587 = tpu.memref_squeeze %dma_start3A_586 : memref<1x1x8x128xi32, #tpu.memory_space<hbm>> -> memref<8x128xi32, #tpu.memory_space<hbm>>
        tpu.enqueue_dma source(%dma_start3A_587 : memref<8x128xi32, #tpu.memory_space<hbm>>) target(%arg9 : memref<8x128xi32, #tpu.memory_space<vmem>>) target_semaphore(%arg18 : memref<!tpu.dma_semaphore, #tpu.memory_space<semaphore_mem>>)
      } else {
      }
    }
    %scan3A_57 = arith.constant 5 : i32
    %barrier3A_58 = arith.constant 0 : index
    tpu.barrier barrier_id(%barrier3A_58)
    %add3A_59 = arith.constant 0 : i32
    %add3A_60 = arith.addi %mul3A_7, %add3A_59 : i32
    "tpu.region"() ({
      %run_scoped3A = tpu.sem_alloc : memref<!tpu.dma_semaphore, #tpu.memory_space<semaphore_mem>>
      %dma_start3A_69 = arith.constant 0 : i32
      %dma_start3A_70 = tpu.memref_slice %arg5[%arg0, %add3A_60, %dma_start3A_69] : memref<2x10240x48xf32, #tpu.memory_space<hbm>> -> memref<1x128x48xf32, #tpu.memory_space<hbm>>
      %dma_start3A_71 = tpu.memref_squeeze %dma_start3A_70 : memref<1x128x48xf32, #tpu.memory_space<hbm>> -> memref<128x48xf32, #tpu.memory_space<hbm>>
      %dma_start3A_72 = arith.constant 0 : i32
      %dma_start3A_73 = tpu.memref_slice %arg12[%add3A_60, %dma_start3A_72] : memref<10240x48xf32, #tpu.memory_space<vmem_shared>> -> memref<128x48xf32, #tpu.memory_space<vmem_shared>>
      tpu.enqueue_dma source(%dma_start3A_73 : memref<128x48xf32, #tpu.memory_space<vmem_shared>>) target(%dma_start3A_71 : memref<128x48xf32, #tpu.memory_space<hbm>>) target_semaphore(%run_scoped3A : memref<!tpu.dma_semaphore, #tpu.memory_space<semaphore_mem>>)
      %dma_wait3A = arith.constant 0 : i32
      %dma_wait3A_74 = tpu.memref_slice %arg5[%arg0, %add3A_60, %dma_wait3A] : memref<2x10240x48xf32, #tpu.memory_space<hbm>> -> memref<1x128x48xf32, #tpu.memory_space<hbm>>
      %dma_wait3A_75 = tpu.memref_squeeze %dma_wait3A_74 : memref<1x128x48xf32, #tpu.memory_space<hbm>> -> memref<128x48xf32, #tpu.memory_space<hbm>>
      %dma_wait3A_76 = arith.constant 0 : i32
      %dma_wait3A_77 = tpu.memref_slice %arg12[%add3A_60, %dma_wait3A_76] : memref<10240x48xf32, #tpu.memory_space<vmem_shared>> -> memref<128x48xf32, #tpu.memory_space<vmem_shared>>
      tpu.wait_dma2 semaphore(%run_scoped3A : memref<!tpu.dma_semaphore, #tpu.memory_space<semaphore_mem>>) src(%dma_wait3A_77 : memref<128x48xf32, #tpu.memory_space<vmem_shared>>) dst(%dma_wait3A_75 : memref<128x48xf32, #tpu.memory_space<hbm>>)
      tpu.yield
    }) : () -> ()
    %add3A_61 = arith.constant 128 : i32
    %add3A_62 = arith.addi %mul3A_7, %add3A_61 : i32
    "tpu.region"() ({
      %run_scoped3A = tpu.sem_alloc : memref<!tpu.dma_semaphore, #tpu.memory_space<semaphore_mem>>
      %dma_start3A_69 = arith.constant 0 : i32
      %dma_start3A_70 = tpu.memref_slice %arg5[%arg0, %add3A_62, %dma_start3A_69] : memref<2x10240x48xf32, #tpu.memory_space<hbm>> -> memref<1x128x48xf32, #tpu.memory_space<hbm>>
      %dma_start3A_71 = tpu.memref_squeeze %dma_start3A_70 : memref<1x128x48xf32, #tpu.memory_space<hbm>> -> memref<128x48xf32, #tpu.memory_space<hbm>>
      %dma_start3A_72 = arith.constant 0 : i32
      %dma_start3A_73 = tpu.memref_slice %arg12[%add3A_62, %dma_start3A_72] : memref<10240x48xf32, #tpu.memory_space<vmem_shared>> -> memref<128x48xf32, #tpu.memory_space<vmem_shared>>
      tpu.enqueue_dma source(%dma_start3A_73 : memref<128x48xf32, #tpu.memory_space<vmem_shared>>) target(%dma_start3A_71 : memref<128x48xf32, #tpu.memory_space<hbm>>) target_semaphore(%run_scoped3A : memref<!tpu.dma_semaphore, #tpu.memory_space<semaphore_mem>>)
      %dma_wait3A = arith.constant 0 : i32
      %dma_wait3A_74 = tpu.memref_slice %arg5[%arg0, %add3A_62, %dma_wait3A] : memref<2x10240x48xf32, #tpu.memory_space<hbm>> -> memref<1x128x48xf32, #tpu.memory_space<hbm>>
      %dma_wait3A_75 = tpu.memref_squeeze %dma_wait3A_74 : memref<1x128x48xf32, #tpu.memory_space<hbm>> -> memref<128x48xf32, #tpu.memory_space<hbm>>
      %dma_wait3A_76 = arith.constant 0 : i32
      %dma_wait3A_77 = tpu.memref_slice %arg12[%add3A_62, %dma_wait3A_76] : memref<10240x48xf32, #tpu.memory_space<vmem_shared>> -> memref<128x48xf32, #tpu.memory_space<vmem_shared>>
      tpu.wait_dma2 semaphore(%run_scoped3A : memref<!tpu.dma_semaphore, #tpu.memory_space<semaphore_mem>>) src(%dma_wait3A_77 : memref<128x48xf32, #tpu.memory_space<vmem_shared>>) dst(%dma_wait3A_75 : memref<128x48xf32, #tpu.memory_space<hbm>>)
      tpu.yield
    }) : () -> ()
    %add3A_63 = arith.constant 256 : i32
    %add3A_64 = arith.addi %mul3A_7, %add3A_63 : i32
    "tpu.region"() ({
      %run_scoped3A = tpu.sem_alloc : memref<!tpu.dma_semaphore, #tpu.memory_space<semaphore_mem>>
      %dma_start3A_69 = arith.constant 0 : i32
      %dma_start3A_70 = tpu.memref_slice %arg5[%arg0, %add3A_64, %dma_start3A_69] : memref<2x10240x48xf32, #tpu.memory_space<hbm>> -> memref<1x128x48xf32, #tpu.memory_space<hbm>>
      %dma_start3A_71 = tpu.memref_squeeze %dma_start3A_70 : memref<1x128x48xf32, #tpu.memory_space<hbm>> -> memref<128x48xf32, #tpu.memory_space<hbm>>
      %dma_start3A_72 = arith.constant 0 : i32
      %dma_start3A_73 = tpu.memref_slice %arg12[%add3A_64, %dma_start3A_72] : memref<10240x48xf32, #tpu.memory_space<vmem_shared>> -> memref<128x48xf32, #tpu.memory_space<vmem_shared>>
      tpu.enqueue_dma source(%dma_start3A_73 : memref<128x48xf32, #tpu.memory_space<vmem_shared>>) target(%dma_start3A_71 : memref<128x48xf32, #tpu.memory_space<hbm>>) target_semaphore(%run_scoped3A : memref<!tpu.dma_semaphore, #tpu.memory_space<semaphore_mem>>)
      %dma_wait3A = arith.constant 0 : i32
      %dma_wait3A_74 = tpu.memref_slice %arg5[%arg0, %add3A_64, %dma_wait3A] : memref<2x10240x48xf32, #tpu.memory_space<hbm>> -> memref<1x128x48xf32, #tpu.memory_space<hbm>>
      %dma_wait3A_75 = tpu.memref_squeeze %dma_wait3A_74 : memref<1x128x48xf32, #tpu.memory_space<hbm>> -> memref<128x48xf32, #tpu.memory_space<hbm>>
      %dma_wait3A_76 = arith.constant 0 : i32
      %dma_wait3A_77 = tpu.memref_slice %arg12[%add3A_64, %dma_wait3A_76] : memref<10240x48xf32, #tpu.memory_space<vmem_shared>> -> memref<128x48xf32, #tpu.memory_space<vmem_shared>>
      tpu.wait_dma2 semaphore(%run_scoped3A : memref<!tpu.dma_semaphore, #tpu.memory_space<semaphore_mem>>) src(%dma_wait3A_77 : memref<128x48xf32, #tpu.memory_space<vmem_shared>>) dst(%dma_wait3A_75 : memref<128x48xf32, #tpu.memory_space<hbm>>)
      tpu.yield
    }) : () -> ()
    %add3A_65 = arith.constant 384 : i32
    %add3A_66 = arith.addi %mul3A_7, %add3A_65 : i32
    "tpu.region"() ({
      %run_scoped3A = tpu.sem_alloc : memref<!tpu.dma_semaphore, #tpu.memory_space<semaphore_mem>>
      %dma_start3A_69 = arith.constant 0 : i32
      %dma_start3A_70 = tpu.memref_slice %arg5[%arg0, %add3A_66, %dma_start3A_69] : memref<2x10240x48xf32, #tpu.memory_space<hbm>> -> memref<1x128x48xf32, #tpu.memory_space<hbm>>
      %dma_start3A_71 = tpu.memref_squeeze %dma_start3A_70 : memref<1x128x48xf32, #tpu.memory_space<hbm>> -> memref<128x48xf32, #tpu.memory_space<hbm>>
      %dma_start3A_72 = arith.constant 0 : i32
      %dma_start3A_73 = tpu.memref_slice %arg12[%add3A_66, %dma_start3A_72] : memref<10240x48xf32, #tpu.memory_space<vmem_shared>> -> memref<128x48xf32, #tpu.memory_space<vmem_shared>>
      tpu.enqueue_dma source(%dma_start3A_73 : memref<128x48xf32, #tpu.memory_space<vmem_shared>>) target(%dma_start3A_71 : memref<128x48xf32, #tpu.memory_space<hbm>>) target_semaphore(%run_scoped3A : memref<!tpu.dma_semaphore, #tpu.memory_space<semaphore_mem>>)
      %dma_wait3A = arith.constant 0 : i32
      %dma_wait3A_74 = tpu.memref_slice %arg5[%arg0, %add3A_66, %dma_wait3A] : memref<2x10240x48xf32, #tpu.memory_space<hbm>> -> memref<1x128x48xf32, #tpu.memory_space<hbm>>
      %dma_wait3A_75 = tpu.memref_squeeze %dma_wait3A_74 : memref<1x128x48xf32, #tpu.memory_space<hbm>> -> memref<128x48xf32, #tpu.memory_space<hbm>>
      %dma_wait3A_76 = arith.constant 0 : i32
      %dma_wait3A_77 = tpu.memref_slice %arg12[%add3A_66, %dma_wait3A_76] : memref<10240x48xf32, #tpu.memory_space<vmem_shared>> -> memref<128x48xf32, #tpu.memory_space<vmem_shared>>
      tpu.wait_dma2 semaphore(%run_scoped3A : memref<!tpu.dma_semaphore, #tpu.memory_space<semaphore_mem>>) src(%dma_wait3A_77 : memref<128x48xf32, #tpu.memory_space<vmem_shared>>) dst(%dma_wait3A_75 : memref<128x48xf32, #tpu.memory_space<hbm>>)
      tpu.yield
    }) : () -> ()
    %add3A_67 = arith.constant 512 : i32
    %add3A_68 = arith.addi %mul3A_7, %add3A_67 : i32
    "tpu.region"() ({
      %run_scoped3A = tpu.sem_alloc : memref<!tpu.dma_semaphore, #tpu.memory_space<semaphore_mem>>
      %dma_start3A_69 = arith.constant 0 : i32
      %dma_start3A_70 = tpu.memref_slice %arg5[%arg0, %add3A_68, %dma_start3A_69] : memref<2x10240x48xf32, #tpu.memory_space<hbm>> -> memref<1x128x48xf32, #tpu.memory_space<hbm>>
      %dma_start3A_71 = tpu.memref_squeeze %dma_start3A_70 : memref<1x128x48xf32, #tpu.memory_space<hbm>> -> memref<128x48xf32, #tpu.memory_space<hbm>>
      %dma_start3A_72 = arith.constant 0 : i32
      %dma_start3A_73 = tpu.memref_slice %arg12[%add3A_68, %dma_start3A_72] : memref<10240x48xf32, #tpu.memory_space<vmem_shared>> -> memref<128x48xf32, #tpu.memory_space<vmem_shared>>
      tpu.enqueue_dma source(%dma_start3A_73 : memref<128x48xf32, #tpu.memory_space<vmem_shared>>) target(%dma_start3A_71 : memref<128x48xf32, #tpu.memory_space<hbm>>) target_semaphore(%run_scoped3A : memref<!tpu.dma_semaphore, #tpu.memory_space<semaphore_mem>>)
      %dma_wait3A = arith.constant 0 : i32
      %dma_wait3A_74 = tpu.memref_slice %arg5[%arg0, %add3A_68, %dma_wait3A] : memref<2x10240x48xf32, #tpu.memory_space<hbm>> -> memref<1x128x48xf32, #tpu.memory_space<hbm>>
      %dma_wait3A_75 = tpu.memref_squeeze %dma_wait3A_74 : memref<1x128x48xf32, #tpu.memory_space<hbm>> -> memref<128x48xf32, #tpu.memory_space<hbm>>
      %dma_wait3A_76 = arith.constant 0 : i32
      %dma_wait3A_77 = tpu.memref_slice %arg12[%add3A_68, %dma_wait3A_76] : memref<10240x48xf32, #tpu.memory_space<vmem_shared>> -> memref<128x48xf32, #tpu.memory_space<vmem_shared>>
      tpu.wait_dma2 semaphore(%run_scoped3A : memref<!tpu.dma_semaphore, #tpu.memory_space<semaphore_mem>>) src(%dma_wait3A_77 : memref<128x48xf32, #tpu.memory_space<vmem_shared>>) dst(%dma_wait3A_75 : memref<128x48xf32, #tpu.memory_space<hbm>>)
      tpu.yield
    }) : () -> ()
    return
  }
}

#map = affine_map<(d0, d1) -> (0, 0)>
#map1 = affine_map<(d0, d1) -> (0, 0, 0, 0)>
#map2 = affine_map<(d0, d1) -> (0, 0, 0)>
module attributes {stable_mosaic.version = 14 : i64} {
  func.func @body(%arg0: i32, %arg1: i32, %arg2: memref<10240x128xf32, #tpu.memory_space<hbm>>, %arg3: memref<32x10x8x128xi32, #tpu.memory_space<hbm>>, %arg4: memref<32x10x8x128xi32, #tpu.memory_space<hbm>>, %arg5: memref<2x10240x128xf32, #tpu.memory_space<hbm>>, %arg6: memref<8x128xi32, #tpu.memory_space<vmem>>, %arg7: memref<8x128xi32, #tpu.memory_space<vmem>>, %arg8: memref<8x128xi32, #tpu.memory_space<vmem>>, %arg9: memref<8x128xi32, #tpu.memory_space<vmem>>, %arg10: memref<128x128xf32, #tpu.memory_space<vmem>>, %arg11: memref<128x128xf32, #tpu.memory_space<vmem>>, %arg12: memref<10240x128xf32, #tpu.memory_space<vmem_shared>>, %arg13: memref<!tpu.dma_semaphore, #tpu.memory_space<semaphore_mem>>, %arg14: memref<!tpu.dma_semaphore, #tpu.memory_space<semaphore_mem>>, %arg15: memref<!tpu.dma_semaphore, #tpu.memory_space<semaphore_mem>>, %arg16: memref<!tpu.dma_semaphore, #tpu.memory_space<semaphore_mem>>, %arg17: memref<!tpu.dma_semaphore, #tpu.memory_space<semaphore_mem>>, %arg18: memref<!tpu.dma_semaphore, #tpu.memory_space<semaphore_mem>>) attributes {dimension_semantics = [#tpu.dimension_semantics<core_parallel>, #tpu.dimension_semantics<subcore_parallel>], iteration_bounds = array<i64: 2, 16>, scalar_prefetch = 0 : i64, scratch_operands = 13 : i64, tpu.core_type = #tpu.core_type<sc_vector_subcore>, window_params = [{transform_indices = #map}, {transform_indices = #map1}, {transform_indices = #map1}, {transform_indices = #map2}]} {
    %mul3A = arith.constant 16 : i32
    %mul3A_0 = arith.muli %arg0, %mul3A : i32
    %add3A = arith.addi %mul3A_0, %arg1 : i32
    %broadcast_in_dim3A = arith.constant 0.000000e+00 : f32
    %broadcast_in_dim3A_1 = vector.broadcast %broadcast_in_dim3A : f32 to vector<16xf32>
    %scan3A = arith.constant 0 : i32
    %scan3A_2 = arith.constant 128 : i32
    %scan3A_3 = arith.addi %scan3A, %scan3A_2 : i32
    %scan3A_4 = arith.constant 1 : i32
    scf.for %scan3A_69 = %scan3A to %scan3A_3 step %scan3A_4  : i32 {
      %mul3A_70 = arith.constant 1 : i32
      %mul3A_71 = arith.muli %scan3A_69, %mul3A_70 : i32
      %add3A_72 = arith.constant 0 : i32
      %add3A_73 = arith.addi %add3A_72, %mul3A_71 : i32
      %swap3A = arith.index_cast %add3A_73 : i32 to index
      %swap3A_74 = arith.constant 0 : index
      %swap3A_75 = tpu.vector_load %arg10[%swap3A, %swap3A_74] {strides = array<i32>} : memref<128x128xf32, #tpu.memory_space<vmem>>, vector<1x16xf32>,
      %swap3A_76 = vector.shape_cast %swap3A_75 : vector<1x16xf32> to vector<16xf32>
      %swap3A_77 = vector.shape_cast %broadcast_in_dim3A_1 : vector<16xf32> to vector<1x16xf32>
      tpu.vector_store %arg10[%swap3A, %swap3A_74], %swap3A_77 {strides = array<i32>} : memref<128x128xf32, #tpu.memory_space<vmem>>, vector<1x16xf32>,
      %swap3A_78 = arith.index_cast %add3A_73 : i32 to index
      %swap3A_79 = arith.constant 16 : index
      %swap3A_80 = tpu.vector_load %arg10[%swap3A_78, %swap3A_79] {strides = array<i32>} : memref<128x128xf32, #tpu.memory_space<vmem>>, vector<1x16xf32>,
      %swap3A_81 = vector.shape_cast %swap3A_80 : vector<1x16xf32> to vector<16xf32>
      %swap3A_82 = vector.shape_cast %broadcast_in_dim3A_1 : vector<16xf32> to vector<1x16xf32>
      tpu.vector_store %arg10[%swap3A_78, %swap3A_79], %swap3A_82 {strides = array<i32>} : memref<128x128xf32, #tpu.memory_space<vmem>>, vector<1x16xf32>,
      %swap3A_83 = arith.index_cast %add3A_73 : i32 to index
      %swap3A_84 = arith.constant 32 : index
      %swap3A_85 = tpu.vector_load %arg10[%swap3A_83, %swap3A_84] {strides = array<i32>} : memref<128x128xf32, #tpu.memory_space<vmem>>, vector<1x16xf32>,
      %swap3A_86 = vector.shape_cast %swap3A_85 : vector<1x16xf32> to vector<16xf32>
      %swap3A_87 = vector.shape_cast %broadcast_in_dim3A_1 : vector<16xf32> to vector<1x16xf32>
      tpu.vector_store %arg10[%swap3A_83, %swap3A_84], %swap3A_87 {strides = array<i32>} : memref<128x128xf32, #tpu.memory_space<vmem>>, vector<1x16xf32>,
      %swap3A_88 = arith.index_cast %add3A_73 : i32 to index
      %swap3A_89 = arith.constant 48 : index
      %swap3A_90 = tpu.vector_load %arg10[%swap3A_88, %swap3A_89] {strides = array<i32>} : memref<128x128xf32, #tpu.memory_space<vmem>>, vector<1x16xf32>,
      %swap3A_91 = vector.shape_cast %swap3A_90 : vector<1x16xf32> to vector<16xf32>
      %swap3A_92 = vector.shape_cast %broadcast_in_dim3A_1 : vector<16xf32> to vector<1x16xf32>
      tpu.vector_store %arg10[%swap3A_88, %swap3A_89], %swap3A_92 {strides = array<i32>} : memref<128x128xf32, #tpu.memory_space<vmem>>, vector<1x16xf32>,
      %swap3A_93 = arith.index_cast %add3A_73 : i32 to index
      %swap3A_94 = arith.constant 64 : index
      %swap3A_95 = tpu.vector_load %arg10[%swap3A_93, %swap3A_94] {strides = array<i32>} : memref<128x128xf32, #tpu.memory_space<vmem>>, vector<1x16xf32>,
      %swap3A_96 = vector.shape_cast %swap3A_95 : vector<1x16xf32> to vector<16xf32>
      %swap3A_97 = vector.shape_cast %broadcast_in_dim3A_1 : vector<16xf32> to vector<1x16xf32>
      tpu.vector_store %arg10[%swap3A_93, %swap3A_94], %swap3A_97 {strides = array<i32>} : memref<128x128xf32, #tpu.memory_space<vmem>>, vector<1x16xf32>,
      %swap3A_98 = arith.index_cast %add3A_73 : i32 to index
      %swap3A_99 = arith.constant 80 : index
      %swap3A_100 = tpu.vector_load %arg10[%swap3A_98, %swap3A_99] {strides = array<i32>} : memref<128x128xf32, #tpu.memory_space<vmem>>, vector<1x16xf32>,
      %swap3A_101 = vector.shape_cast %swap3A_100 : vector<1x16xf32> to vector<16xf32>
      %swap3A_102 = vector.shape_cast %broadcast_in_dim3A_1 : vector<16xf32> to vector<1x16xf32>
      tpu.vector_store %arg10[%swap3A_98, %swap3A_99], %swap3A_102 {strides = array<i32>} : memref<128x128xf32, #tpu.memory_space<vmem>>, vector<1x16xf32>,
      %swap3A_103 = arith.index_cast %add3A_73 : i32 to index
      %swap3A_104 = arith.constant 96 : index
      %swap3A_105 = tpu.vector_load %arg10[%swap3A_103, %swap3A_104] {strides = array<i32>} : memref<128x128xf32, #tpu.memory_space<vmem>>, vector<1x16xf32>,
      %swap3A_106 = vector.shape_cast %swap3A_105 : vector<1x16xf32> to vector<16xf32>
      %swap3A_107 = vector.shape_cast %broadcast_in_dim3A_1 : vector<16xf32> to vector<1x16xf32>
      tpu.vector_store %arg10[%swap3A_103, %swap3A_104], %swap3A_107 {strides = array<i32>} : memref<128x128xf32, #tpu.memory_space<vmem>>, vector<1x16xf32>,
      %swap3A_108 = arith.index_cast %add3A_73 : i32 to index
      %swap3A_109 = arith.constant 112 : index
      %swap3A_110 = tpu.vector_load %arg10[%swap3A_108, %swap3A_109] {strides = array<i32>} : memref<128x128xf32, #tpu.memory_space<vmem>>, vector<1x16xf32>,
      %swap3A_111 = vector.shape_cast %swap3A_110 : vector<1x16xf32> to vector<16xf32>
      %swap3A_112 = vector.shape_cast %broadcast_in_dim3A_1 : vector<16xf32> to vector<1x16xf32>
      tpu.vector_store %arg10[%swap3A_108, %swap3A_109], %swap3A_112 {strides = array<i32>} : memref<128x128xf32, #tpu.memory_space<vmem>>, vector<1x16xf32>,
    }
    %scan3A_5 = arith.constant 128 : i32
    %mul3A_6 = arith.constant 640 : i32
    %mul3A_7 = arith.muli %arg1, %mul3A_6 : i32
    %add3A_8 = arith.constant 0 : i32
    %add3A_9 = arith.addi %mul3A_7, %add3A_8 : i32
    "tpu.region"() ({
      %run_scoped3A = tpu.sem_alloc : memref<!tpu.dma_semaphore, #tpu.memory_space<semaphore_mem>>
      %dma_start3A_69 = arith.constant 0 : i32
      %dma_start3A_70 = tpu.memref_slice %arg12[%add3A_9, %dma_start3A_69] : memref<10240x128xf32, #tpu.memory_space<vmem_shared>> -> memref<128x128xf32, #tpu.memory_space<vmem_shared>>
      %dma_start3A_71 = arith.constant 0 : i32
      %dma_start3A_72 = tpu.memref_slice %arg12[%add3A_9, %dma_start3A_71] : memref<10240x128xf32, #tpu.memory_space<vmem_shared>> -> memref<128x128xf32, #tpu.memory_space<vmem_shared>>
      tpu.enqueue_dma source(%arg10 : memref<128x128xf32, #tpu.memory_space<vmem>>) target(%dma_start3A_72 : memref<128x128xf32, #tpu.memory_space<vmem_shared>>) target_semaphore(%run_scoped3A : memref<!tpu.dma_semaphore, #tpu.memory_space<semaphore_mem>>)
      %dma_wait3A = arith.constant 0 : i32
      %dma_wait3A_73 = tpu.memref_slice %arg12[%add3A_9, %dma_wait3A] : memref<10240x128xf32, #tpu.memory_space<vmem_shared>> -> memref<128x128xf32, #tpu.memory_space<vmem_shared>>
      %dma_wait3A_74 = arith.constant 0 : i32
      %dma_wait3A_75 = tpu.memref_slice %arg12[%add3A_9, %dma_wait3A_74] : memref<10240x128xf32, #tpu.memory_space<vmem_shared>> -> memref<128x128xf32, #tpu.memory_space<vmem_shared>>
      tpu.wait_dma2 semaphore(%run_scoped3A : memref<!tpu.dma_semaphore, #tpu.memory_space<semaphore_mem>>) src(%arg10 : memref<128x128xf32, #tpu.memory_space<vmem>>) dst(%dma_wait3A_75 : memref<128x128xf32, #tpu.memory_space<vmem_shared>>)
      tpu.yield
    }) : () -> ()
    %add3A_10 = arith.constant 128 : i32
    %add3A_11 = arith.addi %mul3A_7, %add3A_10 : i32
    "tpu.region"() ({
      %run_scoped3A = tpu.sem_alloc : memref<!tpu.dma_semaphore, #tpu.memory_space<semaphore_mem>>
      %dma_start3A_69 = arith.constant 0 : i32
      %dma_start3A_70 = tpu.memref_slice %arg12[%add3A_11, %dma_start3A_69] : memref<10240x128xf32, #tpu.memory_space<vmem_shared>> -> memref<128x128xf32, #tpu.memory_space<vmem_shared>>
      %dma_start3A_71 = arith.constant 0 : i32
      %dma_start3A_72 = tpu.memref_slice %arg12[%add3A_11, %dma_start3A_71] : memref<10240x128xf32, #tpu.memory_space<vmem_shared>> -> memref<128x128xf32, #tpu.memory_space<vmem_shared>>
      tpu.enqueue_dma source(%arg10 : memref<128x128xf32, #tpu.memory_space<vmem>>) target(%dma_start3A_72 : memref<128x128xf32, #tpu.memory_space<vmem_shared>>) target_semaphore(%run_scoped3A : memref<!tpu.dma_semaphore, #tpu.memory_space<semaphore_mem>>)
      %dma_wait3A = arith.constant 0 : i32
      %dma_wait3A_73 = tpu.memref_slice %arg12[%add3A_11, %dma_wait3A] : memref<10240x128xf32, #tpu.memory_space<vmem_shared>> -> memref<128x128xf32, #tpu.memory_space<vmem_shared>>
      %dma_wait3A_74 = arith.constant 0 : i32
      %dma_wait3A_75 = tpu.memref_slice %arg12[%add3A_11, %dma_wait3A_74] : memref<10240x128xf32, #tpu.memory_space<vmem_shared>> -> memref<128x128xf32, #tpu.memory_space<vmem_shared>>
      tpu.wait_dma2 semaphore(%run_scoped3A : memref<!tpu.dma_semaphore, #tpu.memory_space<semaphore_mem>>) src(%arg10 : memref<128x128xf32, #tpu.memory_space<vmem>>) dst(%dma_wait3A_75 : memref<128x128xf32, #tpu.memory_space<vmem_shared>>)
      tpu.yield
    }) : () -> ()
    %add3A_12 = arith.constant 256 : i32
    %add3A_13 = arith.addi %mul3A_7, %add3A_12 : i32
    "tpu.region"() ({
      %run_scoped3A = tpu.sem_alloc : memref<!tpu.dma_semaphore, #tpu.memory_space<semaphore_mem>>
      %dma_start3A_69 = arith.constant 0 : i32
      %dma_start3A_70 = tpu.memref_slice %arg12[%add3A_13, %dma_start3A_69] : memref<10240x128xf32, #tpu.memory_space<vmem_shared>> -> memref<128x128xf32, #tpu.memory_space<vmem_shared>>
      %dma_start3A_71 = arith.constant 0 : i32
      %dma_start3A_72 = tpu.memref_slice %arg12[%add3A_13, %dma_start3A_71] : memref<10240x128xf32, #tpu.memory_space<vmem_shared>> -> memref<128x128xf32, #tpu.memory_space<vmem_shared>>
      tpu.enqueue_dma source(%arg10 : memref<128x128xf32, #tpu.memory_space<vmem>>) target(%dma_start3A_72 : memref<128x128xf32, #tpu.memory_space<vmem_shared>>) target_semaphore(%run_scoped3A : memref<!tpu.dma_semaphore, #tpu.memory_space<semaphore_mem>>)
      %dma_wait3A = arith.constant 0 : i32
      %dma_wait3A_73 = tpu.memref_slice %arg12[%add3A_13, %dma_wait3A] : memref<10240x128xf32, #tpu.memory_space<vmem_shared>> -> memref<128x128xf32, #tpu.memory_space<vmem_shared>>
      %dma_wait3A_74 = arith.constant 0 : i32
      %dma_wait3A_75 = tpu.memref_slice %arg12[%add3A_13, %dma_wait3A_74] : memref<10240x128xf32, #tpu.memory_space<vmem_shared>> -> memref<128x128xf32, #tpu.memory_space<vmem_shared>>
      tpu.wait_dma2 semaphore(%run_scoped3A : memref<!tpu.dma_semaphore, #tpu.memory_space<semaphore_mem>>) src(%arg10 : memref<128x128xf32, #tpu.memory_space<vmem>>) dst(%dma_wait3A_75 : memref<128x128xf32, #tpu.memory_space<vmem_shared>>)
      tpu.yield
    }) : () -> ()
    %add3A_14 = arith.constant 384 : i32
    %add3A_15 = arith.addi %mul3A_7, %add3A_14 : i32
    "tpu.region"() ({
      %run_scoped3A = tpu.sem_alloc : memref<!tpu.dma_semaphore, #tpu.memory_space<semaphore_mem>>
      %dma_start3A_69 = arith.constant 0 : i32
      %dma_start3A_70 = tpu.memref_slice %arg12[%add3A_15, %dma_start3A_69] : memref<10240x128xf32, #tpu.memory_space<vmem_shared>> -> memref<128x128xf32, #tpu.memory_space<vmem_shared>>
      %dma_start3A_71 = arith.constant 0 : i32
      %dma_start3A_72 = tpu.memref_slice %arg12[%add3A_15, %dma_start3A_71] : memref<10240x128xf32, #tpu.memory_space<vmem_shared>> -> memref<128x128xf32, #tpu.memory_space<vmem_shared>>
      tpu.enqueue_dma source(%arg10 : memref<128x128xf32, #tpu.memory_space<vmem>>) target(%dma_start3A_72 : memref<128x128xf32, #tpu.memory_space<vmem_shared>>) target_semaphore(%run_scoped3A : memref<!tpu.dma_semaphore, #tpu.memory_space<semaphore_mem>>)
      %dma_wait3A = arith.constant 0 : i32
      %dma_wait3A_73 = tpu.memref_slice %arg12[%add3A_15, %dma_wait3A] : memref<10240x128xf32, #tpu.memory_space<vmem_shared>> -> memref<128x128xf32, #tpu.memory_space<vmem_shared>>
      %dma_wait3A_74 = arith.constant 0 : i32
      %dma_wait3A_75 = tpu.memref_slice %arg12[%add3A_15, %dma_wait3A_74] : memref<10240x128xf32, #tpu.memory_space<vmem_shared>> -> memref<128x128xf32, #tpu.memory_space<vmem_shared>>
      tpu.wait_dma2 semaphore(%run_scoped3A : memref<!tpu.dma_semaphore, #tpu.memory_space<semaphore_mem>>) src(%arg10 : memref<128x128xf32, #tpu.memory_space<vmem>>) dst(%dma_wait3A_75 : memref<128x128xf32, #tpu.memory_space<vmem_shared>>)
      tpu.yield
    }) : () -> ()
    %add3A_16 = arith.constant 512 : i32
    %add3A_17 = arith.addi %mul3A_7, %add3A_16 : i32
    "tpu.region"() ({
      %run_scoped3A = tpu.sem_alloc : memref<!tpu.dma_semaphore, #tpu.memory_space<semaphore_mem>>
      %dma_start3A_69 = arith.constant 0 : i32
      %dma_start3A_70 = tpu.memref_slice %arg12[%add3A_17, %dma_start3A_69] : memref<10240x128xf32, #tpu.memory_space<vmem_shared>> -> memref<128x128xf32, #tpu.memory_space<vmem_shared>>
      %dma_start3A_71 = arith.constant 0 : i32
      %dma_start3A_72 = tpu.memref_slice %arg12[%add3A_17, %dma_start3A_71] : memref<10240x128xf32, #tpu.memory_space<vmem_shared>> -> memref<128x128xf32, #tpu.memory_space<vmem_shared>>
      tpu.enqueue_dma source(%arg10 : memref<128x128xf32, #tpu.memory_space<vmem>>) target(%dma_start3A_72 : memref<128x128xf32, #tpu.memory_space<vmem_shared>>) target_semaphore(%run_scoped3A : memref<!tpu.dma_semaphore, #tpu.memory_space<semaphore_mem>>)
      %dma_wait3A = arith.constant 0 : i32
      %dma_wait3A_73 = tpu.memref_slice %arg12[%add3A_17, %dma_wait3A] : memref<10240x128xf32, #tpu.memory_space<vmem_shared>> -> memref<128x128xf32, #tpu.memory_space<vmem_shared>>
      %dma_wait3A_74 = arith.constant 0 : i32
      %dma_wait3A_75 = tpu.memref_slice %arg12[%add3A_17, %dma_wait3A_74] : memref<10240x128xf32, #tpu.memory_space<vmem_shared>> -> memref<128x128xf32, #tpu.memory_space<vmem_shared>>
      tpu.wait_dma2 semaphore(%run_scoped3A : memref<!tpu.dma_semaphore, #tpu.memory_space<semaphore_mem>>) src(%arg10 : memref<128x128xf32, #tpu.memory_space<vmem>>) dst(%dma_wait3A_75 : memref<128x128xf32, #tpu.memory_space<vmem_shared>>)
      tpu.yield
    }) : () -> ()
    %barrier3A = arith.constant 0 : index
    tpu.barrier barrier_id(%barrier3A)
    %dma_start3A = arith.constant 0 : i32
    %dma_start3A_18 = arith.constant 0 : i32
    %dma_start3A_19 = arith.constant 0 : i32
    %dma_start3A_20 = tpu.memref_slice %arg3[%add3A, %dma_start3A, %dma_start3A_18, %dma_start3A_19] : memref<32x10x8x128xi32, #tpu.memory_space<hbm>> -> memref<1x1x8x128xi32, #tpu.memory_space<hbm>>
    %dma_start3A_21 = tpu.memref_squeeze %dma_start3A_20 : memref<1x1x8x128xi32, #tpu.memory_space<hbm>> -> memref<8x128xi32, #tpu.memory_space<hbm>>
    %dma_start3A_22 = arith.constant 0 : i32
    %dma_start3A_23 = arith.constant 0 : i32
    %dma_start3A_24 = tpu.memref_slice %arg3[%add3A, %dma_start3A, %dma_start3A_22, %dma_start3A_23] : memref<32x10x8x128xi32, #tpu.memory_space<hbm>> -> memref<1x1x8x128xi32, #tpu.memory_space<hbm>>
    %dma_start3A_25 = tpu.memref_squeeze %dma_start3A_24 : memref<1x1x8x128xi32, #tpu.memory_space<hbm>> -> memref<8x128xi32, #tpu.memory_space<hbm>>
    tpu.enqueue_dma source(%dma_start3A_25 : memref<8x128xi32, #tpu.memory_space<hbm>>) target(%arg6 : memref<8x128xi32, #tpu.memory_space<vmem>>) target_semaphore(%arg17 : memref<!tpu.dma_semaphore, #tpu.memory_space<semaphore_mem>>)
    %dma_start3A_26 = arith.constant 0 : i32
    %dma_start3A_27 = arith.constant 0 : i32
    %dma_start3A_28 = arith.constant 0 : i32
    %dma_start3A_29 = tpu.memref_slice %arg4[%add3A, %dma_start3A_26, %dma_start3A_27, %dma_start3A_28] : memref<32x10x8x128xi32, #tpu.memory_space<hbm>> -> memref<1x1x8x128xi32, #tpu.memory_space<hbm>>
    %dma_start3A_30 = tpu.memref_squeeze %dma_start3A_29 : memref<1x1x8x128xi32, #tpu.memory_space<hbm>> -> memref<8x128xi32, #tpu.memory_space<hbm>>
    %dma_start3A_31 = arith.constant 0 : i32
    %dma_start3A_32 = arith.constant 0 : i32
    %dma_start3A_33 = tpu.memref_slice %arg4[%add3A, %dma_start3A_26, %dma_start3A_31, %dma_start3A_32] : memref<32x10x8x128xi32, #tpu.memory_space<hbm>> -> memref<1x1x8x128xi32, #tpu.memory_space<hbm>>
    %dma_start3A_34 = tpu.memref_squeeze %dma_start3A_33 : memref<1x1x8x128xi32, #tpu.memory_space<hbm>> -> memref<8x128xi32, #tpu.memory_space<hbm>>
    tpu.enqueue_dma source(%dma_start3A_34 : memref<8x128xi32, #tpu.memory_space<hbm>>) target(%arg8 : memref<8x128xi32, #tpu.memory_space<vmem>>) target_semaphore(%arg17 : memref<!tpu.dma_semaphore, #tpu.memory_space<semaphore_mem>>)
    %dma_start3A_35 = arith.constant 1 : i32
    %dma_start3A_36 = arith.constant 0 : i32
    %dma_start3A_37 = arith.constant 0 : i32
    %dma_start3A_38 = tpu.memref_slice %arg3[%add3A, %dma_start3A_35, %dma_start3A_36, %dma_start3A_37] : memref<32x10x8x128xi32, #tpu.memory_space<hbm>> -> memref<1x1x8x128xi32, #tpu.memory_space<hbm>>
    %dma_start3A_39 = tpu.memref_squeeze %dma_start3A_38 : memref<1x1x8x128xi32, #tpu.memory_space<hbm>> -> memref<8x128xi32, #tpu.memory_space<hbm>>
    %dma_start3A_40 = arith.constant 0 : i32
    %dma_start3A_41 = arith.constant 0 : i32
    %dma_start3A_42 = tpu.memref_slice %arg3[%add3A, %dma_start3A_35, %dma_start3A_40, %dma_start3A_41] : memref<32x10x8x128xi32, #tpu.memory_space<hbm>> -> memref<1x1x8x128xi32, #tpu.memory_space<hbm>>
    %dma_start3A_43 = tpu.memref_squeeze %dma_start3A_42 : memref<1x1x8x128xi32, #tpu.memory_space<hbm>> -> memref<8x128xi32, #tpu.memory_space<hbm>>
    tpu.enqueue_dma source(%dma_start3A_43 : memref<8x128xi32, #tpu.memory_space<hbm>>) target(%arg7 : memref<8x128xi32, #tpu.memory_space<vmem>>) target_semaphore(%arg18 : memref<!tpu.dma_semaphore, #tpu.memory_space<semaphore_mem>>)
    %dma_start3A_44 = arith.constant 1 : i32
    %dma_start3A_45 = arith.constant 0 : i32
    %dma_start3A_46 = arith.constant 0 : i32
    %dma_start3A_47 = tpu.memref_slice %arg4[%add3A, %dma_start3A_44, %dma_start3A_45, %dma_start3A_46] : memref<32x10x8x128xi32, #tpu.memory_space<hbm>> -> memref<1x1x8x128xi32, #tpu.memory_space<hbm>>
    %dma_start3A_48 = tpu.memref_squeeze %dma_start3A_47 : memref<1x1x8x128xi32, #tpu.memory_space<hbm>> -> memref<8x128xi32, #tpu.memory_space<hbm>>
    %dma_start3A_49 = arith.constant 0 : i32
    %dma_start3A_50 = arith.constant 0 : i32
    %dma_start3A_51 = tpu.memref_slice %arg4[%add3A, %dma_start3A_44, %dma_start3A_49, %dma_start3A_50] : memref<32x10x8x128xi32, #tpu.memory_space<hbm>> -> memref<1x1x8x128xi32, #tpu.memory_space<hbm>>
    %dma_start3A_52 = tpu.memref_squeeze %dma_start3A_51 : memref<1x1x8x128xi32, #tpu.memory_space<hbm>> -> memref<8x128xi32, #tpu.memory_space<hbm>>
    tpu.enqueue_dma source(%dma_start3A_52 : memref<8x128xi32, #tpu.memory_space<hbm>>) target(%arg9 : memref<8x128xi32, #tpu.memory_space<vmem>>) target_semaphore(%arg18 : memref<!tpu.dma_semaphore, #tpu.memory_space<semaphore_mem>>)
    %scan3A_53 = arith.constant 0 : i32
    %scan3A_54 = arith.constant 5 : i32
    %scan3A_55 = arith.addi %scan3A_53, %scan3A_54 : i32
    %scan3A_56 = arith.constant 1 : i32
    scf.for %scan3A_69 = %scan3A_53 to %scan3A_55 step %scan3A_56  : i32 {
      %mul3A_70 = arith.constant 2 : i32
      %mul3A_71 = arith.muli %scan3A_69, %mul3A_70 : i32
      %add3A_72 = arith.constant 0 : i32
      %add3A_73 = arith.addi %add3A_72, %mul3A_71 : i32
      %dma_wait3A = arith.constant 0 : i32
      %dma_wait3A_74 = arith.constant 0 : i32
      %dma_wait3A_75 = arith.constant 0 : i32
      %dma_wait3A_76 = tpu.memref_slice %arg3[%add3A, %dma_wait3A, %dma_wait3A_74, %dma_wait3A_75] : memref<32x10x8x128xi32, #tpu.memory_space<hbm>> -> memref<1x1x8x128xi32, #tpu.memory_space<hbm>>
      %dma_wait3A_77 = tpu.memref_squeeze %dma_wait3A_76 : memref<1x1x8x128xi32, #tpu.memory_space<hbm>> -> memref<8x128xi32, #tpu.memory_space<hbm>>
      %dma_wait3A_78 = arith.constant 0 : i32
      %dma_wait3A_79 = arith.constant 0 : i32
      %dma_wait3A_80 = tpu.memref_slice %arg3[%add3A, %dma_wait3A, %dma_wait3A_78, %dma_wait3A_79] : memref<32x10x8x128xi32, #tpu.memory_space<hbm>> -> memref<1x1x8x128xi32, #tpu.memory_space<hbm>>
      %dma_wait3A_81 = tpu.memref_squeeze %dma_wait3A_80 : memref<1x1x8x128xi32, #tpu.memory_space<hbm>> -> memref<8x128xi32, #tpu.memory_space<hbm>>
      tpu.wait_dma2 semaphore(%arg17 : memref<!tpu.dma_semaphore, #tpu.memory_space<semaphore_mem>>) src(%dma_wait3A_81 : memref<8x128xi32, #tpu.memory_space<hbm>>) dst(%arg6 : memref<8x128xi32, #tpu.memory_space<vmem>>)
      %dma_wait3A_82 = arith.constant 0 : i32
      %dma_wait3A_83 = arith.constant 0 : i32
      %dma_wait3A_84 = arith.constant 0 : i32
      %dma_wait3A_85 = tpu.memref_slice %arg4[%add3A, %dma_wait3A_82, %dma_wait3A_83, %dma_wait3A_84] : memref<32x10x8x128xi32, #tpu.memory_space<hbm>> -> memref<1x1x8x128xi32, #tpu.memory_space<hbm>>
      %dma_wait3A_86 = tpu.memref_squeeze %dma_wait3A_85 : memref<1x1x8x128xi32, #tpu.memory_space<hbm>> -> memref<8x128xi32, #tpu.memory_space<hbm>>
      %dma_wait3A_87 = arith.constant 0 : i32
      %dma_wait3A_88 = arith.constant 0 : i32
      %dma_wait3A_89 = tpu.memref_slice %arg4[%add3A, %dma_wait3A_82, %dma_wait3A_87, %dma_wait3A_88] : memref<32x10x8x128xi32, #tpu.memory_space<hbm>> -> memref<1x1x8x128xi32, #tpu.memory_space<hbm>>
      %dma_wait3A_90 = tpu.memref_squeeze %dma_wait3A_89 : memref<1x1x8x128xi32, #tpu.memory_space<hbm>> -> memref<8x128xi32, #tpu.memory_space<hbm>>
      tpu.wait_dma2 semaphore(%arg17 : memref<!tpu.dma_semaphore, #tpu.memory_space<semaphore_mem>>) src(%dma_wait3A_90 : memref<8x128xi32, #tpu.memory_space<hbm>>) dst(%arg8 : memref<8x128xi32, #tpu.memory_space<vmem>>)
      %dma_start3A_91 = arith.constant 0 : i32
      %dma_start3A_92 = arith.constant 0 : i32
      %dma_start3A_93 = tpu.memref_slice %arg6[%dma_start3A_91, %dma_start3A_92] : memref<8x128xi32, #tpu.memory_space<vmem>> -> memref<1x128xi32, #tpu.memory_space<vmem>>
      %dma_start3A_94 = tpu.memref_squeeze %dma_start3A_93 : memref<1x128xi32, #tpu.memory_space<vmem>> -> memref<128xi32, #tpu.memory_space<vmem>>
      %dma_start3A_95 = arith.constant 0 : i32
      %dma_start3A_96 = arith.constant 0 : i32
      %dma_start3A_97 = tpu.memref_slice %arg2[%dma_start3A_95, %dma_start3A_96] : memref<10240x128xf32, #tpu.memory_space<hbm>> -> memref<10240x128xf32, #tpu.memory_space<hbm>>
      tpu.enqueue_indirect_dma source(%dma_start3A_97 : memref<10240x128xf32, #tpu.memory_space<hbm>>) target(%arg10 : memref<128x128xf32, #tpu.memory_space<vmem>>) offsets(%dma_start3A_94 : memref<128xi32, #tpu.memory_space<vmem>>) semaphore(%arg13 : memref<!tpu.dma_semaphore, #tpu.memory_space<semaphore_mem>>)
      %dma_wait3A_98 = arith.constant 0 : i32
      %dma_wait3A_99 = arith.constant 0 : i32
      %dma_wait3A_100 = tpu.memref_slice %arg6[%dma_wait3A_98, %dma_wait3A_99] : memref<8x128xi32, #tpu.memory_space<vmem>> -> memref<1x128xi32, #tpu.memory_space<vmem>>
      %dma_wait3A_101 = tpu.memref_squeeze %dma_wait3A_100 : memref<1x128xi32, #tpu.memory_space<vmem>> -> memref<128xi32, #tpu.memory_space<vmem>>
      %dma_wait3A_102 = arith.constant 0 : i32
      %dma_wait3A_103 = arith.constant 0 : i32
      %dma_wait3A_104 = tpu.memref_slice %arg2[%dma_wait3A_102, %dma_wait3A_103] : memref<10240x128xf32, #tpu.memory_space<hbm>> -> memref<10240x128xf32, #tpu.memory_space<hbm>>
      tpu.wait_indirect_dma semaphore(%arg13 : memref<!tpu.dma_semaphore, #tpu.memory_space<semaphore_mem>>) src(%dma_wait3A_104 : memref<10240x128xf32, #tpu.memory_space<hbm>>) dst(%arg10 : memref<128x128xf32, #tpu.memory_space<vmem>>)
      %dma_start3A_105 = arith.constant 0 : i32
      %dma_start3A_106 = arith.constant 0 : i32
      %dma_start3A_107 = tpu.memref_slice %arg8[%dma_start3A_105, %dma_start3A_106] : memref<8x128xi32, #tpu.memory_space<vmem>> -> memref<1x128xi32, #tpu.memory_space<vmem>>
      %dma_start3A_108 = tpu.memref_squeeze %dma_start3A_107 : memref<1x128xi32, #tpu.memory_space<vmem>> -> memref<128xi32, #tpu.memory_space<vmem>>
      %dma_start3A_109 = arith.constant 0 : i32
      %dma_start3A_110 = arith.constant 0 : i32
      %dma_start3A_111 = tpu.memref_slice %arg12[%dma_start3A_109, %dma_start3A_110] : memref<10240x128xf32, #tpu.memory_space<vmem_shared>> -> memref<10240x128xf32, #tpu.memory_space<vmem_shared>>
      tpu.enqueue_indirect_dma source(%arg10 : memref<128x128xf32, #tpu.memory_space<vmem>>) target(%dma_start3A_111 : memref<10240x128xf32, #tpu.memory_space<vmem_shared>>) offsets(%dma_start3A_108 : memref<128xi32, #tpu.memory_space<vmem>>) semaphore(%arg15 : memref<!tpu.dma_semaphore, #tpu.memory_space<semaphore_mem>>) {add = true}
      %dma_start3A_112 = arith.constant 1 : i32
      %dma_start3A_113 = arith.constant 0 : i32
      %dma_start3A_114 = tpu.memref_slice %arg6[%dma_start3A_112, %dma_start3A_113] : memref<8x128xi32, #tpu.memory_space<vmem>> -> memref<1x128xi32, #tpu.memory_space<vmem>>
      %dma_start3A_115 = tpu.memref_squeeze %dma_start3A_114 : memref<1x128xi32, #tpu.memory_space<vmem>> -> memref<128xi32, #tpu.memory_space<vmem>>
      %dma_start3A_116 = arith.constant 0 : i32
      %dma_start3A_117 = arith.constant 0 : i32
      %dma_start3A_118 = tpu.memref_slice %arg2[%dma_start3A_116, %dma_start3A_117] : memref<10240x128xf32, #tpu.memory_space<hbm>> -> memref<10240x128xf32, #tpu.memory_space<hbm>>
      tpu.enqueue_indirect_dma source(%dma_start3A_118 : memref<10240x128xf32, #tpu.memory_space<hbm>>) target(%arg11 : memref<128x128xf32, #tpu.memory_space<vmem>>) offsets(%dma_start3A_115 : memref<128xi32, #tpu.memory_space<vmem>>) semaphore(%arg14 : memref<!tpu.dma_semaphore, #tpu.memory_space<semaphore_mem>>)
      %dma_wait3A_119 = arith.constant 1 : i32
      %dma_wait3A_120 = arith.constant 0 : i32
      %dma_wait3A_121 = tpu.memref_slice %arg6[%dma_wait3A_119, %dma_wait3A_120] : memref<8x128xi32, #tpu.memory_space<vmem>> -> memref<1x128xi32, #tpu.memory_space<vmem>>
      %dma_wait3A_122 = tpu.memref_squeeze %dma_wait3A_121 : memref<1x128xi32, #tpu.memory_space<vmem>> -> memref<128xi32, #tpu.memory_space<vmem>>
      %dma_wait3A_123 = arith.constant 0 : i32
      %dma_wait3A_124 = arith.constant 0 : i32
      %dma_wait3A_125 = tpu.memref_slice %arg2[%dma_wait3A_123, %dma_wait3A_124] : memref<10240x128xf32, #tpu.memory_space<hbm>> -> memref<10240x128xf32, #tpu.memory_space<hbm>>
      tpu.wait_indirect_dma semaphore(%arg14 : memref<!tpu.dma_semaphore, #tpu.memory_space<semaphore_mem>>) src(%dma_wait3A_125 : memref<10240x128xf32, #tpu.memory_space<hbm>>) dst(%arg11 : memref<128x128xf32, #tpu.memory_space<vmem>>)
      %dma_start3A_126 = arith.constant 1 : i32
      %dma_start3A_127 = arith.constant 0 : i32
      %dma_start3A_128 = tpu.memref_slice %arg8[%dma_start3A_126, %dma_start3A_127] : memref<8x128xi32, #tpu.memory_space<vmem>> -> memref<1x128xi32, #tpu.memory_space<vmem>>
      %dma_start3A_129 = tpu.memref_squeeze %dma_start3A_128 : memref<1x128xi32, #tpu.memory_space<vmem>> -> memref<128xi32, #tpu.memory_space<vmem>>
      %dma_start3A_130 = arith.constant 0 : i32
      %dma_start3A_131 = arith.constant 0 : i32
      %dma_start3A_132 = tpu.memref_slice %arg12[%dma_start3A_130, %dma_start3A_131] : memref<10240x128xf32, #tpu.memory_space<vmem_shared>> -> memref<10240x128xf32, #tpu.memory_space<vmem_shared>>
      tpu.enqueue_indirect_dma source(%arg11 : memref<128x128xf32, #tpu.memory_space<vmem>>) target(%dma_start3A_132 : memref<10240x128xf32, #tpu.memory_space<vmem_shared>>) offsets(%dma_start3A_129 : memref<128xi32, #tpu.memory_space<vmem>>) semaphore(%arg16 : memref<!tpu.dma_semaphore, #tpu.memory_space<semaphore_mem>>) {add = true}
      %dma_wait3A_133 = arith.constant 0 : i32
      %dma_wait3A_134 = arith.constant 0 : i32
      %dma_wait3A_135 = tpu.memref_slice %arg8[%dma_wait3A_133, %dma_wait3A_134] : memref<8x128xi32, #tpu.memory_space<vmem>> -> memref<1x128xi32, #tpu.memory_space<vmem>>
      %dma_wait3A_136 = tpu.memref_squeeze %dma_wait3A_135 : memref<1x128xi32, #tpu.memory_space<vmem>> -> memref<128xi32, #tpu.memory_space<vmem>>
      %dma_wait3A_137 = arith.constant 0 : i32
      %dma_wait3A_138 = arith.constant 0 : i32
      %dma_wait3A_139 = tpu.memref_slice %arg12[%dma_wait3A_137, %dma_wait3A_138] : memref<10240x128xf32, #tpu.memory_space<vmem_shared>> -> memref<10240x128xf32, #tpu.memory_space<vmem_shared>>
      tpu.wait_indirect_dma semaphore(%arg15 : memref<!tpu.dma_semaphore, #tpu.memory_space<semaphore_mem>>) src(%arg10 : memref<128x128xf32, #tpu.memory_space<vmem>>) dst(%dma_wait3A_139 : memref<10240x128xf32, #tpu.memory_space<vmem_shared>>)
      %dma_start3A_140 = arith.constant 2 : i32
      %dma_start3A_141 = arith.constant 0 : i32
      %dma_start3A_142 = tpu.memref_slice %arg6[%dma_start3A_140, %dma_start3A_141] : memref<8x128xi32, #tpu.memory_space<vmem>> -> memref<1x128xi32, #tpu.memory_space<vmem>>
      %dma_start3A_143 = tpu.memref_squeeze %dma_start3A_142 : memref<1x128xi32, #tpu.memory_space<vmem>> -> memref<128xi32, #tpu.memory_space<vmem>>
      %dma_start3A_144 = arith.constant 0 : i32
      %dma_start3A_145 = arith.constant 0 : i32
      %dma_start3A_146 = tpu.memref_slice %arg2[%dma_start3A_144, %dma_start3A_145] : memref<10240x128xf32, #tpu.memory_space<hbm>> -> memref<10240x128xf32, #tpu.memory_space<hbm>>
      tpu.enqueue_indirect_dma source(%dma_start3A_146 : memref<10240x128xf32, #tpu.memory_space<hbm>>) target(%arg10 : memref<128x128xf32, #tpu.memory_space<vmem>>) offsets(%dma_start3A_143 : memref<128xi32, #tpu.memory_space<vmem>>) semaphore(%arg13 : memref<!tpu.dma_semaphore, #tpu.memory_space<semaphore_mem>>)
      %dma_wait3A_147 = arith.constant 2 : i32
      %dma_wait3A_148 = arith.constant 0 : i32
      %dma_wait3A_149 = tpu.memref_slice %arg6[%dma_wait3A_147, %dma_wait3A_148] : memref<8x128xi32, #tpu.memory_space<vmem>> -> memref<1x128xi32, #tpu.memory_space<vmem>>
      %dma_wait3A_150 = tpu.memref_squeeze %dma_wait3A_149 : memref<1x128xi32, #tpu.memory_space<vmem>> -> memref<128xi32, #tpu.memory_space<vmem>>
      %dma_wait3A_151 = arith.constant 0 : i32
      %dma_wait3A_152 = arith.constant 0 : i32
      %dma_wait3A_153 = tpu.memref_slice %arg2[%dma_wait3A_151, %dma_wait3A_152] : memref<10240x128xf32, #tpu.memory_space<hbm>> -> memref<10240x128xf32, #tpu.memory_space<hbm>>
      tpu.wait_indirect_dma semaphore(%arg13 : memref<!tpu.dma_semaphore, #tpu.memory_space<semaphore_mem>>) src(%dma_wait3A_153 : memref<10240x128xf32, #tpu.memory_space<hbm>>) dst(%arg10 : memref<128x128xf32, #tpu.memory_space<vmem>>)
      %dma_start3A_154 = arith.constant 2 : i32
      %dma_start3A_155 = arith.constant 0 : i32
      %dma_start3A_156 = tpu.memref_slice %arg8[%dma_start3A_154, %dma_start3A_155] : memref<8x128xi32, #tpu.memory_space<vmem>> -> memref<1x128xi32, #tpu.memory_space<vmem>>
      %dma_start3A_157 = tpu.memref_squeeze %dma_start3A_156 : memref<1x128xi32, #tpu.memory_space<vmem>> -> memref<128xi32, #tpu.memory_space<vmem>>
      %dma_start3A_158 = arith.constant 0 : i32
      %dma_start3A_159 = arith.constant 0 : i32
      %dma_start3A_160 = tpu.memref_slice %arg12[%dma_start3A_158, %dma_start3A_159] : memref<10240x128xf32, #tpu.memory_space<vmem_shared>> -> memref<10240x128xf32, #tpu.memory_space<vmem_shared>>
      tpu.enqueue_indirect_dma source(%arg10 : memref<128x128xf32, #tpu.memory_space<vmem>>) target(%dma_start3A_160 : memref<10240x128xf32, #tpu.memory_space<vmem_shared>>) offsets(%dma_start3A_157 : memref<128xi32, #tpu.memory_space<vmem>>) semaphore(%arg15 : memref<!tpu.dma_semaphore, #tpu.memory_space<semaphore_mem>>) {add = true}
      %dma_wait3A_161 = arith.constant 1 : i32
      %dma_wait3A_162 = arith.constant 0 : i32
      %dma_wait3A_163 = tpu.memref_slice %arg8[%dma_wait3A_161, %dma_wait3A_162] : memref<8x128xi32, #tpu.memory_space<vmem>> -> memref<1x128xi32, #tpu.memory_space<vmem>>
      %dma_wait3A_164 = tpu.memref_squeeze %dma_wait3A_163 : memref<1x128xi32, #tpu.memory_space<vmem>> -> memref<128xi32, #tpu.memory_space<vmem>>
      %dma_wait3A_165 = arith.constant 0 : i32
      %dma_wait3A_166 = arith.constant 0 : i32
      %dma_wait3A_167 = tpu.memref_slice %arg12[%dma_wait3A_165, %dma_wait3A_166] : memref<10240x128xf32, #tpu.memory_space<vmem_shared>> -> memref<10240x128xf32, #tpu.memory_space<vmem_shared>>
      tpu.wait_indirect_dma semaphore(%arg16 : memref<!tpu.dma_semaphore, #tpu.memory_space<semaphore_mem>>) src(%arg11 : memref<128x128xf32, #tpu.memory_space<vmem>>) dst(%dma_wait3A_167 : memref<10240x128xf32, #tpu.memory_space<vmem_shared>>)
      %dma_start3A_168 = arith.constant 3 : i32
      %dma_start3A_169 = arith.constant 0 : i32
      %dma_start3A_170 = tpu.memref_slice %arg6[%dma_start3A_168, %dma_start3A_169] : memref<8x128xi32, #tpu.memory_space<vmem>> -> memref<1x128xi32, #tpu.memory_space<vmem>>
      %dma_start3A_171 = tpu.memref_squeeze %dma_start3A_170 : memref<1x128xi32, #tpu.memory_space<vmem>> -> memref<128xi32, #tpu.memory_space<vmem>>
      %dma_start3A_172 = arith.constant 0 : i32
      %dma_start3A_173 = arith.constant 0 : i32
      %dma_start3A_174 = tpu.memref_slice %arg2[%dma_start3A_172, %dma_start3A_173] : memref<10240x128xf32, #tpu.memory_space<hbm>> -> memref<10240x128xf32, #tpu.memory_space<hbm>>
      tpu.enqueue_indirect_dma source(%dma_start3A_174 : memref<10240x128xf32, #tpu.memory_space<hbm>>) target(%arg11 : memref<128x128xf32, #tpu.memory_space<vmem>>) offsets(%dma_start3A_171 : memref<128xi32, #tpu.memory_space<vmem>>) semaphore(%arg14 : memref<!tpu.dma_semaphore, #tpu.memory_space<semaphore_mem>>)
      %dma_wait3A_175 = arith.constant 3 : i32
      %dma_wait3A_176 = arith.constant 0 : i32
      %dma_wait3A_177 = tpu.memref_slice %arg6[%dma_wait3A_175, %dma_wait3A_176] : memref<8x128xi32, #tpu.memory_space<vmem>> -> memref<1x128xi32, #tpu.memory_space<vmem>>
      %dma_wait3A_178 = tpu.memref_squeeze %dma_wait3A_177 : memref<1x128xi32, #tpu.memory_space<vmem>> -> memref<128xi32, #tpu.memory_space<vmem>>
      %dma_wait3A_179 = arith.constant 0 : i32
      %dma_wait3A_180 = arith.constant 0 : i32
      %dma_wait3A_181 = tpu.memref_slice %arg2[%dma_wait3A_179, %dma_wait3A_180] : memref<10240x128xf32, #tpu.memory_space<hbm>> -> memref<10240x128xf32, #tpu.memory_space<hbm>>
      tpu.wait_indirect_dma semaphore(%arg14 : memref<!tpu.dma_semaphore, #tpu.memory_space<semaphore_mem>>) src(%dma_wait3A_181 : memref<10240x128xf32, #tpu.memory_space<hbm>>) dst(%arg11 : memref<128x128xf32, #tpu.memory_space<vmem>>)
      %dma_start3A_182 = arith.constant 3 : i32
      %dma_start3A_183 = arith.constant 0 : i32
      %dma_start3A_184 = tpu.memref_slice %arg8[%dma_start3A_182, %dma_start3A_183] : memref<8x128xi32, #tpu.memory_space<vmem>> -> memref<1x128xi32, #tpu.memory_space<vmem>>
      %dma_start3A_185 = tpu.memref_squeeze %dma_start3A_184 : memref<1x128xi32, #tpu.memory_space<vmem>> -> memref<128xi32, #tpu.memory_space<vmem>>
      %dma_start3A_186 = arith.constant 0 : i32
      %dma_start3A_187 = arith.constant 0 : i32
      %dma_start3A_188 = tpu.memref_slice %arg12[%dma_start3A_186, %dma_start3A_187] : memref<10240x128xf32, #tpu.memory_space<vmem_shared>> -> memref<10240x128xf32, #tpu.memory_space<vmem_shared>>
      tpu.enqueue_indirect_dma source(%arg11 : memref<128x128xf32, #tpu.memory_space<vmem>>) target(%dma_start3A_188 : memref<10240x128xf32, #tpu.memory_space<vmem_shared>>) offsets(%dma_start3A_185 : memref<128xi32, #tpu.memory_space<vmem>>) semaphore(%arg16 : memref<!tpu.dma_semaphore, #tpu.memory_space<semaphore_mem>>) {add = true}
      %dma_wait3A_189 = arith.constant 2 : i32
      %dma_wait3A_190 = arith.constant 0 : i32
      %dma_wait3A_191 = tpu.memref_slice %arg8[%dma_wait3A_189, %dma_wait3A_190] : memref<8x128xi32, #tpu.memory_space<vmem>> -> memref<1x128xi32, #tpu.memory_space<vmem>>
      %dma_wait3A_192 = tpu.memref_squeeze %dma_wait3A_191 : memref<1x128xi32, #tpu.memory_space<vmem>> -> memref<128xi32, #tpu.memory_space<vmem>>
      %dma_wait3A_193 = arith.constant 0 : i32
      %dma_wait3A_194 = arith.constant 0 : i32
      %dma_wait3A_195 = tpu.memref_slice %arg12[%dma_wait3A_193, %dma_wait3A_194] : memref<10240x128xf32, #tpu.memory_space<vmem_shared>> -> memref<10240x128xf32, #tpu.memory_space<vmem_shared>>
      tpu.wait_indirect_dma semaphore(%arg15 : memref<!tpu.dma_semaphore, #tpu.memory_space<semaphore_mem>>) src(%arg10 : memref<128x128xf32, #tpu.memory_space<vmem>>) dst(%dma_wait3A_195 : memref<10240x128xf32, #tpu.memory_space<vmem_shared>>)
      %dma_start3A_196 = arith.constant 4 : i32
      %dma_start3A_197 = arith.constant 0 : i32
      %dma_start3A_198 = tpu.memref_slice %arg6[%dma_start3A_196, %dma_start3A_197] : memref<8x128xi32, #tpu.memory_space<vmem>> -> memref<1x128xi32, #tpu.memory_space<vmem>>
      %dma_start3A_199 = tpu.memref_squeeze %dma_start3A_198 : memref<1x128xi32, #tpu.memory_space<vmem>> -> memref<128xi32, #tpu.memory_space<vmem>>
      %dma_start3A_200 = arith.constant 0 : i32
      %dma_start3A_201 = arith.constant 0 : i32
      %dma_start3A_202 = tpu.memref_slice %arg2[%dma_start3A_200, %dma_start3A_201] : memref<10240x128xf32, #tpu.memory_space<hbm>> -> memref<10240x128xf32, #tpu.memory_space<hbm>>
      tpu.enqueue_indirect_dma source(%dma_start3A_202 : memref<10240x128xf32, #tpu.memory_space<hbm>>) target(%arg10 : memref<128x128xf32, #tpu.memory_space<vmem>>) offsets(%dma_start3A_199 : memref<128xi32, #tpu.memory_space<vmem>>) semaphore(%arg13 : memref<!tpu.dma_semaphore, #tpu.memory_space<semaphore_mem>>)
      %dma_wait3A_203 = arith.constant 4 : i32
      %dma_wait3A_204 = arith.constant 0 : i32
      %dma_wait3A_205 = tpu.memref_slice %arg6[%dma_wait3A_203, %dma_wait3A_204] : memref<8x128xi32, #tpu.memory_space<vmem>> -> memref<1x128xi32, #tpu.memory_space<vmem>>
      %dma_wait3A_206 = tpu.memref_squeeze %dma_wait3A_205 : memref<1x128xi32, #tpu.memory_space<vmem>> -> memref<128xi32, #tpu.memory_space<vmem>>
      %dma_wait3A_207 = arith.constant 0 : i32
      %dma_wait3A_208 = arith.constant 0 : i32
      %dma_wait3A_209 = tpu.memref_slice %arg2[%dma_wait3A_207, %dma_wait3A_208] : memref<10240x128xf32, #tpu.memory_space<hbm>> -> memref<10240x128xf32, #tpu.memory_space<hbm>>
      tpu.wait_indirect_dma semaphore(%arg13 : memref<!tpu.dma_semaphore, #tpu.memory_space<semaphore_mem>>) src(%dma_wait3A_209 : memref<10240x128xf32, #tpu.memory_space<hbm>>) dst(%arg10 : memref<128x128xf32, #tpu.memory_space<vmem>>)
      %dma_start3A_210 = arith.constant 4 : i32
      %dma_start3A_211 = arith.constant 0 : i32
      %dma_start3A_212 = tpu.memref_slice %arg8[%dma_start3A_210, %dma_start3A_211] : memref<8x128xi32, #tpu.memory_space<vmem>> -> memref<1x128xi32, #tpu.memory_space<vmem>>
      %dma_start3A_213 = tpu.memref_squeeze %dma_start3A_212 : memref<1x128xi32, #tpu.memory_space<vmem>> -> memref<128xi32, #tpu.memory_space<vmem>>
      %dma_start3A_214 = arith.constant 0 : i32
      %dma_start3A_215 = arith.constant 0 : i32
      %dma_start3A_216 = tpu.memref_slice %arg12[%dma_start3A_214, %dma_start3A_215] : memref<10240x128xf32, #tpu.memory_space<vmem_shared>> -> memref<10240x128xf32, #tpu.memory_space<vmem_shared>>
      tpu.enqueue_indirect_dma source(%arg10 : memref<128x128xf32, #tpu.memory_space<vmem>>) target(%dma_start3A_216 : memref<10240x128xf32, #tpu.memory_space<vmem_shared>>) offsets(%dma_start3A_213 : memref<128xi32, #tpu.memory_space<vmem>>) semaphore(%arg15 : memref<!tpu.dma_semaphore, #tpu.memory_space<semaphore_mem>>) {add = true}
      %dma_wait3A_217 = arith.constant 3 : i32
      %dma_wait3A_218 = arith.constant 0 : i32
      %dma_wait3A_219 = tpu.memref_slice %arg8[%dma_wait3A_217, %dma_wait3A_218] : memref<8x128xi32, #tpu.memory_space<vmem>> -> memref<1x128xi32, #tpu.memory_space<vmem>>
      %dma_wait3A_220 = tpu.memref_squeeze %dma_wait3A_219 : memref<1x128xi32, #tpu.memory_space<vmem>> -> memref<128xi32, #tpu.memory_space<vmem>>
      %dma_wait3A_221 = arith.constant 0 : i32
      %dma_wait3A_222 = arith.constant 0 : i32
      %dma_wait3A_223 = tpu.memref_slice %arg12[%dma_wait3A_221, %dma_wait3A_222] : memref<10240x128xf32, #tpu.memory_space<vmem_shared>> -> memref<10240x128xf32, #tpu.memory_space<vmem_shared>>
      tpu.wait_indirect_dma semaphore(%arg16 : memref<!tpu.dma_semaphore, #tpu.memory_space<semaphore_mem>>) src(%arg11 : memref<128x128xf32, #tpu.memory_space<vmem>>) dst(%dma_wait3A_223 : memref<10240x128xf32, #tpu.memory_space<vmem_shared>>)
      %dma_start3A_224 = arith.constant 5 : i32
      %dma_start3A_225 = arith.constant 0 : i32
      %dma_start3A_226 = tpu.memref_slice %arg6[%dma_start3A_224, %dma_start3A_225] : memref<8x128xi32, #tpu.memory_space<vmem>> -> memref<1x128xi32, #tpu.memory_space<vmem>>
      %dma_start3A_227 = tpu.memref_squeeze %dma_start3A_226 : memref<1x128xi32, #tpu.memory_space<vmem>> -> memref<128xi32, #tpu.memory_space<vmem>>
      %dma_start3A_228 = arith.constant 0 : i32
      %dma_start3A_229 = arith.constant 0 : i32
      %dma_start3A_230 = tpu.memref_slice %arg2[%dma_start3A_228, %dma_start3A_229] : memref<10240x128xf32, #tpu.memory_space<hbm>> -> memref<10240x128xf32, #tpu.memory_space<hbm>>
      tpu.enqueue_indirect_dma source(%dma_start3A_230 : memref<10240x128xf32, #tpu.memory_space<hbm>>) target(%arg11 : memref<128x128xf32, #tpu.memory_space<vmem>>) offsets(%dma_start3A_227 : memref<128xi32, #tpu.memory_space<vmem>>) semaphore(%arg14 : memref<!tpu.dma_semaphore, #tpu.memory_space<semaphore_mem>>)
      %dma_wait3A_231 = arith.constant 5 : i32
      %dma_wait3A_232 = arith.constant 0 : i32
      %dma_wait3A_233 = tpu.memref_slice %arg6[%dma_wait3A_231, %dma_wait3A_232] : memref<8x128xi32, #tpu.memory_space<vmem>> -> memref<1x128xi32, #tpu.memory_space<vmem>>
      %dma_wait3A_234 = tpu.memref_squeeze %dma_wait3A_233 : memref<1x128xi32, #tpu.memory_space<vmem>> -> memref<128xi32, #tpu.memory_space<vmem>>
      %dma_wait3A_235 = arith.constant 0 : i32
      %dma_wait3A_236 = arith.constant 0 : i32
      %dma_wait3A_237 = tpu.memref_slice %arg2[%dma_wait3A_235, %dma_wait3A_236] : memref<10240x128xf32, #tpu.memory_space<hbm>> -> memref<10240x128xf32, #tpu.memory_space<hbm>>
      tpu.wait_indirect_dma semaphore(%arg14 : memref<!tpu.dma_semaphore, #tpu.memory_space<semaphore_mem>>) src(%dma_wait3A_237 : memref<10240x128xf32, #tpu.memory_space<hbm>>) dst(%arg11 : memref<128x128xf32, #tpu.memory_space<vmem>>)
      %dma_start3A_238 = arith.constant 5 : i32
      %dma_start3A_239 = arith.constant 0 : i32
      %dma_start3A_240 = tpu.memref_slice %arg8[%dma_start3A_238, %dma_start3A_239] : memref<8x128xi32, #tpu.memory_space<vmem>> -> memref<1x128xi32, #tpu.memory_space<vmem>>
      %dma_start3A_241 = tpu.memref_squeeze %dma_start3A_240 : memref<1x128xi32, #tpu.memory_space<vmem>> -> memref<128xi32, #tpu.memory_space<vmem>>
      %dma_start3A_242 = arith.constant 0 : i32
      %dma_start3A_243 = arith.constant 0 : i32
      %dma_start3A_244 = tpu.memref_slice %arg12[%dma_start3A_242, %dma_start3A_243] : memref<10240x128xf32, #tpu.memory_space<vmem_shared>> -> memref<10240x128xf32, #tpu.memory_space<vmem_shared>>
      tpu.enqueue_indirect_dma source(%arg11 : memref<128x128xf32, #tpu.memory_space<vmem>>) target(%dma_start3A_244 : memref<10240x128xf32, #tpu.memory_space<vmem_shared>>) offsets(%dma_start3A_241 : memref<128xi32, #tpu.memory_space<vmem>>) semaphore(%arg16 : memref<!tpu.dma_semaphore, #tpu.memory_space<semaphore_mem>>) {add = true}
      %dma_wait3A_245 = arith.constant 4 : i32
      %dma_wait3A_246 = arith.constant 0 : i32
      %dma_wait3A_247 = tpu.memref_slice %arg8[%dma_wait3A_245, %dma_wait3A_246] : memref<8x128xi32, #tpu.memory_space<vmem>> -> memref<1x128xi32, #tpu.memory_space<vmem>>
      %dma_wait3A_248 = tpu.memref_squeeze %dma_wait3A_247 : memref<1x128xi32, #tpu.memory_space<vmem>> -> memref<128xi32, #tpu.memory_space<vmem>>
      %dma_wait3A_249 = arith.constant 0 : i32
      %dma_wait3A_250 = arith.constant 0 : i32
      %dma_wait3A_251 = tpu.memref_slice %arg12[%dma_wait3A_249, %dma_wait3A_250] : memref<10240x128xf32, #tpu.memory_space<vmem_shared>> -> memref<10240x128xf32, #tpu.memory_space<vmem_shared>>
      tpu.wait_indirect_dma semaphore(%arg15 : memref<!tpu.dma_semaphore, #tpu.memory_space<semaphore_mem>>) src(%arg10 : memref<128x128xf32, #tpu.memory_space<vmem>>) dst(%dma_wait3A_251 : memref<10240x128xf32, #tpu.memory_space<vmem_shared>>)
      %dma_start3A_252 = arith.constant 6 : i32
      %dma_start3A_253 = arith.constant 0 : i32
      %dma_start3A_254 = tpu.memref_slice %arg6[%dma_start3A_252, %dma_start3A_253] : memref<8x128xi32, #tpu.memory_space<vmem>> -> memref<1x128xi32, #tpu.memory_space<vmem>>
      %dma_start3A_255 = tpu.memref_squeeze %dma_start3A_254 : memref<1x128xi32, #tpu.memory_space<vmem>> -> memref<128xi32, #tpu.memory_space<vmem>>
      %dma_start3A_256 = arith.constant 0 : i32
      %dma_start3A_257 = arith.constant 0 : i32
      %dma_start3A_258 = tpu.memref_slice %arg2[%dma_start3A_256, %dma_start3A_257] : memref<10240x128xf32, #tpu.memory_space<hbm>> -> memref<10240x128xf32, #tpu.memory_space<hbm>>
      tpu.enqueue_indirect_dma source(%dma_start3A_258 : memref<10240x128xf32, #tpu.memory_space<hbm>>) target(%arg10 : memref<128x128xf32, #tpu.memory_space<vmem>>) offsets(%dma_start3A_255 : memref<128xi32, #tpu.memory_space<vmem>>) semaphore(%arg13 : memref<!tpu.dma_semaphore, #tpu.memory_space<semaphore_mem>>)
      %dma_wait3A_259 = arith.constant 6 : i32
      %dma_wait3A_260 = arith.constant 0 : i32
      %dma_wait3A_261 = tpu.memref_slice %arg6[%dma_wait3A_259, %dma_wait3A_260] : memref<8x128xi32, #tpu.memory_space<vmem>> -> memref<1x128xi32, #tpu.memory_space<vmem>>
      %dma_wait3A_262 = tpu.memref_squeeze %dma_wait3A_261 : memref<1x128xi32, #tpu.memory_space<vmem>> -> memref<128xi32, #tpu.memory_space<vmem>>
      %dma_wait3A_263 = arith.constant 0 : i32
      %dma_wait3A_264 = arith.constant 0 : i32
      %dma_wait3A_265 = tpu.memref_slice %arg2[%dma_wait3A_263, %dma_wait3A_264] : memref<10240x128xf32, #tpu.memory_space<hbm>> -> memref<10240x128xf32, #tpu.memory_space<hbm>>
      tpu.wait_indirect_dma semaphore(%arg13 : memref<!tpu.dma_semaphore, #tpu.memory_space<semaphore_mem>>) src(%dma_wait3A_265 : memref<10240x128xf32, #tpu.memory_space<hbm>>) dst(%arg10 : memref<128x128xf32, #tpu.memory_space<vmem>>)
      %dma_start3A_266 = arith.constant 6 : i32
      %dma_start3A_267 = arith.constant 0 : i32
      %dma_start3A_268 = tpu.memref_slice %arg8[%dma_start3A_266, %dma_start3A_267] : memref<8x128xi32, #tpu.memory_space<vmem>> -> memref<1x128xi32, #tpu.memory_space<vmem>>
      %dma_start3A_269 = tpu.memref_squeeze %dma_start3A_268 : memref<1x128xi32, #tpu.memory_space<vmem>> -> memref<128xi32, #tpu.memory_space<vmem>>
      %dma_start3A_270 = arith.constant 0 : i32
      %dma_start3A_271 = arith.constant 0 : i32
      %dma_start3A_272 = tpu.memref_slice %arg12[%dma_start3A_270, %dma_start3A_271] : memref<10240x128xf32, #tpu.memory_space<vmem_shared>> -> memref<10240x128xf32, #tpu.memory_space<vmem_shared>>
      tpu.enqueue_indirect_dma source(%arg10 : memref<128x128xf32, #tpu.memory_space<vmem>>) target(%dma_start3A_272 : memref<10240x128xf32, #tpu.memory_space<vmem_shared>>) offsets(%dma_start3A_269 : memref<128xi32, #tpu.memory_space<vmem>>) semaphore(%arg15 : memref<!tpu.dma_semaphore, #tpu.memory_space<semaphore_mem>>) {add = true}
      %dma_wait3A_273 = arith.constant 5 : i32
      %dma_wait3A_274 = arith.constant 0 : i32
      %dma_wait3A_275 = tpu.memref_slice %arg8[%dma_wait3A_273, %dma_wait3A_274] : memref<8x128xi32, #tpu.memory_space<vmem>> -> memref<1x128xi32, #tpu.memory_space<vmem>>
      %dma_wait3A_276 = tpu.memref_squeeze %dma_wait3A_275 : memref<1x128xi32, #tpu.memory_space<vmem>> -> memref<128xi32, #tpu.memory_space<vmem>>
      %dma_wait3A_277 = arith.constant 0 : i32
      %dma_wait3A_278 = arith.constant 0 : i32
      %dma_wait3A_279 = tpu.memref_slice %arg12[%dma_wait3A_277, %dma_wait3A_278] : memref<10240x128xf32, #tpu.memory_space<vmem_shared>> -> memref<10240x128xf32, #tpu.memory_space<vmem_shared>>
      tpu.wait_indirect_dma semaphore(%arg16 : memref<!tpu.dma_semaphore, #tpu.memory_space<semaphore_mem>>) src(%arg11 : memref<128x128xf32, #tpu.memory_space<vmem>>) dst(%dma_wait3A_279 : memref<10240x128xf32, #tpu.memory_space<vmem_shared>>)
      %dma_start3A_280 = arith.constant 7 : i32
      %dma_start3A_281 = arith.constant 0 : i32
      %dma_start3A_282 = tpu.memref_slice %arg6[%dma_start3A_280, %dma_start3A_281] : memref<8x128xi32, #tpu.memory_space<vmem>> -> memref<1x128xi32, #tpu.memory_space<vmem>>
      %dma_start3A_283 = tpu.memref_squeeze %dma_start3A_282 : memref<1x128xi32, #tpu.memory_space<vmem>> -> memref<128xi32, #tpu.memory_space<vmem>>
      %dma_start3A_284 = arith.constant 0 : i32
      %dma_start3A_285 = arith.constant 0 : i32
      %dma_start3A_286 = tpu.memref_slice %arg2[%dma_start3A_284, %dma_start3A_285] : memref<10240x128xf32, #tpu.memory_space<hbm>> -> memref<10240x128xf32, #tpu.memory_space<hbm>>
      tpu.enqueue_indirect_dma source(%dma_start3A_286 : memref<10240x128xf32, #tpu.memory_space<hbm>>) target(%arg11 : memref<128x128xf32, #tpu.memory_space<vmem>>) offsets(%dma_start3A_283 : memref<128xi32, #tpu.memory_space<vmem>>) semaphore(%arg14 : memref<!tpu.dma_semaphore, #tpu.memory_space<semaphore_mem>>)
      %dma_wait3A_287 = arith.constant 7 : i32
      %dma_wait3A_288 = arith.constant 0 : i32
      %dma_wait3A_289 = tpu.memref_slice %arg6[%dma_wait3A_287, %dma_wait3A_288] : memref<8x128xi32, #tpu.memory_space<vmem>> -> memref<1x128xi32, #tpu.memory_space<vmem>>
      %dma_wait3A_290 = tpu.memref_squeeze %dma_wait3A_289 : memref<1x128xi32, #tpu.memory_space<vmem>> -> memref<128xi32, #tpu.memory_space<vmem>>
      %dma_wait3A_291 = arith.constant 0 : i32
      %dma_wait3A_292 = arith.constant 0 : i32
      %dma_wait3A_293 = tpu.memref_slice %arg2[%dma_wait3A_291, %dma_wait3A_292] : memref<10240x128xf32, #tpu.memory_space<hbm>> -> memref<10240x128xf32, #tpu.memory_space<hbm>>
      tpu.wait_indirect_dma semaphore(%arg14 : memref<!tpu.dma_semaphore, #tpu.memory_space<semaphore_mem>>) src(%dma_wait3A_293 : memref<10240x128xf32, #tpu.memory_space<hbm>>) dst(%arg11 : memref<128x128xf32, #tpu.memory_space<vmem>>)
      %dma_start3A_294 = arith.constant 7 : i32
      %dma_start3A_295 = arith.constant 0 : i32
      %dma_start3A_296 = tpu.memref_slice %arg8[%dma_start3A_294, %dma_start3A_295] : memref<8x128xi32, #tpu.memory_space<vmem>> -> memref<1x128xi32, #tpu.memory_space<vmem>>
      %dma_start3A_297 = tpu.memref_squeeze %dma_start3A_296 : memref<1x128xi32, #tpu.memory_space<vmem>> -> memref<128xi32, #tpu.memory_space<vmem>>
      %dma_start3A_298 = arith.constant 0 : i32
      %dma_start3A_299 = arith.constant 0 : i32
      %dma_start3A_300 = tpu.memref_slice %arg12[%dma_start3A_298, %dma_start3A_299] : memref<10240x128xf32, #tpu.memory_space<vmem_shared>> -> memref<10240x128xf32, #tpu.memory_space<vmem_shared>>
      tpu.enqueue_indirect_dma source(%arg11 : memref<128x128xf32, #tpu.memory_space<vmem>>) target(%dma_start3A_300 : memref<10240x128xf32, #tpu.memory_space<vmem_shared>>) offsets(%dma_start3A_297 : memref<128xi32, #tpu.memory_space<vmem>>) semaphore(%arg16 : memref<!tpu.dma_semaphore, #tpu.memory_space<semaphore_mem>>) {add = true}
      %dma_wait3A_301 = arith.constant 6 : i32
      %dma_wait3A_302 = arith.constant 0 : i32
      %dma_wait3A_303 = tpu.memref_slice %arg8[%dma_wait3A_301, %dma_wait3A_302] : memref<8x128xi32, #tpu.memory_space<vmem>> -> memref<1x128xi32, #tpu.memory_space<vmem>>
      %dma_wait3A_304 = tpu.memref_squeeze %dma_wait3A_303 : memref<1x128xi32, #tpu.memory_space<vmem>> -> memref<128xi32, #tpu.memory_space<vmem>>
      %dma_wait3A_305 = arith.constant 0 : i32
      %dma_wait3A_306 = arith.constant 0 : i32
      %dma_wait3A_307 = tpu.memref_slice %arg12[%dma_wait3A_305, %dma_wait3A_306] : memref<10240x128xf32, #tpu.memory_space<vmem_shared>> -> memref<10240x128xf32, #tpu.memory_space<vmem_shared>>
      tpu.wait_indirect_dma semaphore(%arg15 : memref<!tpu.dma_semaphore, #tpu.memory_space<semaphore_mem>>) src(%arg10 : memref<128x128xf32, #tpu.memory_space<vmem>>) dst(%dma_wait3A_307 : memref<10240x128xf32, #tpu.memory_space<vmem_shared>>)
      %dma_wait3A_308 = arith.constant 7 : i32
      %dma_wait3A_309 = arith.constant 0 : i32
      %dma_wait3A_310 = tpu.memref_slice %arg8[%dma_wait3A_308, %dma_wait3A_309] : memref<8x128xi32, #tpu.memory_space<vmem>> -> memref<1x128xi32, #tpu.memory_space<vmem>>
      %dma_wait3A_311 = tpu.memref_squeeze %dma_wait3A_310 : memref<1x128xi32, #tpu.memory_space<vmem>> -> memref<128xi32, #tpu.memory_space<vmem>>
      %dma_wait3A_312 = arith.constant 0 : i32
      %dma_wait3A_313 = arith.constant 0 : i32
      %dma_wait3A_314 = tpu.memref_slice %arg12[%dma_wait3A_312, %dma_wait3A_313] : memref<10240x128xf32, #tpu.memory_space<vmem_shared>> -> memref<10240x128xf32, #tpu.memory_space<vmem_shared>>
      tpu.wait_indirect_dma semaphore(%arg16 : memref<!tpu.dma_semaphore, #tpu.memory_space<semaphore_mem>>) src(%arg11 : memref<128x128xf32, #tpu.memory_space<vmem>>) dst(%dma_wait3A_314 : memref<10240x128xf32, #tpu.memory_space<vmem_shared>>)
      %add3A_315 = arith.constant 0 : i32
      %add3A_316 = arith.addi %add3A_73, %add3A_315 : i32
      %add3A_317 = arith.constant 2 : i32
      %add3A_318 = arith.addi %add3A_316, %add3A_317 : i32
      %lt3A = arith.constant 10 : i32
      %lt3A_319 = arith.cmpi slt, %add3A_318, %lt3A : i32
      %convert_element_type3A = arith.extui %lt3A_319 : i1 to i32
      %cond3A = arith.constant 0 : i32
      %cond3A_320 = arith.cmpi ne, %convert_element_type3A, %cond3A : i32
      scf.if %cond3A_320 {
        %dma_start3A_572 = arith.constant 0 : i32
        %dma_start3A_573 = arith.constant 0 : i32
        %dma_start3A_574 = tpu.memref_slice %arg3[%add3A, %add3A_318, %dma_start3A_572, %dma_start3A_573] : memref<32x10x8x128xi32, #tpu.memory_space<hbm>> -> memref<1x1x8x128xi32, #tpu.memory_space<hbm>>
        %dma_start3A_575 = tpu.memref_squeeze %dma_start3A_574 : memref<1x1x8x128xi32, #tpu.memory_space<hbm>> -> memref<8x128xi32, #tpu.memory_space<hbm>>
        %dma_start3A_576 = arith.constant 0 : i32
        %dma_start3A_577 = arith.constant 0 : i32
        %dma_start3A_578 = tpu.memref_slice %arg3[%add3A, %add3A_318, %dma_start3A_576, %dma_start3A_577] : memref<32x10x8x128xi32, #tpu.memory_space<hbm>> -> memref<1x1x8x128xi32, #tpu.memory_space<hbm>>
        %dma_start3A_579 = tpu.memref_squeeze %dma_start3A_578 : memref<1x1x8x128xi32, #tpu.memory_space<hbm>> -> memref<8x128xi32, #tpu.memory_space<hbm>>
        tpu.enqueue_dma source(%dma_start3A_579 : memref<8x128xi32, #tpu.memory_space<hbm>>) target(%arg6 : memref<8x128xi32, #tpu.memory_space<vmem>>) target_semaphore(%arg17 : memref<!tpu.dma_semaphore, #tpu.memory_space<semaphore_mem>>)
        %dma_start3A_580 = arith.constant 0 : i32
        %dma_start3A_581 = arith.constant 0 : i32
        %dma_start3A_582 = tpu.memref_slice %arg4[%add3A, %add3A_318, %dma_start3A_580, %dma_start3A_581] : memref<32x10x8x128xi32, #tpu.memory_space<hbm>> -> memref<1x1x8x128xi32, #tpu.memory_space<hbm>>
        %dma_start3A_583 = tpu.memref_squeeze %dma_start3A_582 : memref<1x1x8x128xi32, #tpu.memory_space<hbm>> -> memref<8x128xi32, #tpu.memory_space<hbm>>
        %dma_start3A_584 = arith.constant 0 : i32
        %dma_start3A_585 = arith.constant 0 : i32
        %dma_start3A_586 = tpu.memref_slice %arg4[%add3A, %add3A_318, %dma_start3A_584, %dma_start3A_585] : memref<32x10x8x128xi32, #tpu.memory_space<hbm>> -> memref<1x1x8x128xi32, #tpu.memory_space<hbm>>
        %dma_start3A_587 = tpu.memref_squeeze %dma_start3A_586 : memref<1x1x8x128xi32, #tpu.memory_space<hbm>> -> memref<8x128xi32, #tpu.memory_space<hbm>>
        tpu.enqueue_dma source(%dma_start3A_587 : memref<8x128xi32, #tpu.memory_space<hbm>>) target(%arg8 : memref<8x128xi32, #tpu.memory_space<vmem>>) target_semaphore(%arg17 : memref<!tpu.dma_semaphore, #tpu.memory_space<semaphore_mem>>)
      } else {
      }
      %dma_wait3A_321 = arith.constant 0 : i32
      %dma_wait3A_322 = arith.constant 0 : i32
      %dma_wait3A_323 = arith.constant 0 : i32
      %dma_wait3A_324 = tpu.memref_slice %arg3[%add3A, %dma_wait3A_321, %dma_wait3A_322, %dma_wait3A_323] : memref<32x10x8x128xi32, #tpu.memory_space<hbm>> -> memref<1x1x8x128xi32, #tpu.memory_space<hbm>>
      %dma_wait3A_325 = tpu.memref_squeeze %dma_wait3A_324 : memref<1x1x8x128xi32, #tpu.memory_space<hbm>> -> memref<8x128xi32, #tpu.memory_space<hbm>>
      %dma_wait3A_326 = arith.constant 0 : i32
      %dma_wait3A_327 = arith.constant 0 : i32
      %dma_wait3A_328 = tpu.memref_slice %arg3[%add3A, %dma_wait3A_321, %dma_wait3A_326, %dma_wait3A_327] : memref<32x10x8x128xi32, #tpu.memory_space<hbm>> -> memref<1x1x8x128xi32, #tpu.memory_space<hbm>>
      %dma_wait3A_329 = tpu.memref_squeeze %dma_wait3A_328 : memref<1x1x8x128xi32, #tpu.memory_space<hbm>> -> memref<8x128xi32, #tpu.memory_space<hbm>>
      tpu.wait_dma2 semaphore(%arg18 : memref<!tpu.dma_semaphore, #tpu.memory_space<semaphore_mem>>) src(%dma_wait3A_329 : memref<8x128xi32, #tpu.memory_space<hbm>>) dst(%arg7 : memref<8x128xi32, #tpu.memory_space<vmem>>)
      %dma_wait3A_330 = arith.constant 0 : i32
      %dma_wait3A_331 = arith.constant 0 : i32
      %dma_wait3A_332 = arith.constant 0 : i32
      %dma_wait3A_333 = tpu.memref_slice %arg4[%add3A, %dma_wait3A_330, %dma_wait3A_331, %dma_wait3A_332] : memref<32x10x8x128xi32, #tpu.memory_space<hbm>> -> memref<1x1x8x128xi32, #tpu.memory_space<hbm>>
      %dma_wait3A_334 = tpu.memref_squeeze %dma_wait3A_333 : memref<1x1x8x128xi32, #tpu.memory_space<hbm>> -> memref<8x128xi32, #tpu.memory_space<hbm>>
      %dma_wait3A_335 = arith.constant 0 : i32
      %dma_wait3A_336 = arith.constant 0 : i32
      %dma_wait3A_337 = tpu.memref_slice %arg4[%add3A, %dma_wait3A_330, %dma_wait3A_335, %dma_wait3A_336] : memref<32x10x8x128xi32, #tpu.memory_space<hbm>> -> memref<1x1x8x128xi32, #tpu.memory_space<hbm>>
      %dma_wait3A_338 = tpu.memref_squeeze %dma_wait3A_337 : memref<1x1x8x128xi32, #tpu.memory_space<hbm>> -> memref<8x128xi32, #tpu.memory_space<hbm>>
      tpu.wait_dma2 semaphore(%arg18 : memref<!tpu.dma_semaphore, #tpu.memory_space<semaphore_mem>>) src(%dma_wait3A_338 : memref<8x128xi32, #tpu.memory_space<hbm>>) dst(%arg9 : memref<8x128xi32, #tpu.memory_space<vmem>>)
      %dma_start3A_339 = arith.constant 0 : i32
      %dma_start3A_340 = arith.constant 0 : i32
      %dma_start3A_341 = tpu.memref_slice %arg7[%dma_start3A_339, %dma_start3A_340] : memref<8x128xi32, #tpu.memory_space<vmem>> -> memref<1x128xi32, #tpu.memory_space<vmem>>
      %dma_start3A_342 = tpu.memref_squeeze %dma_start3A_341 : memref<1x128xi32, #tpu.memory_space<vmem>> -> memref<128xi32, #tpu.memory_space<vmem>>
      %dma_start3A_343 = arith.constant 0 : i32
      %dma_start3A_344 = arith.constant 0 : i32
      %dma_start3A_345 = tpu.memref_slice %arg2[%dma_start3A_343, %dma_start3A_344] : memref<10240x128xf32, #tpu.memory_space<hbm>> -> memref<10240x128xf32, #tpu.memory_space<hbm>>
      tpu.enqueue_indirect_dma source(%dma_start3A_345 : memref<10240x128xf32, #tpu.memory_space<hbm>>) target(%arg10 : memref<128x128xf32, #tpu.memory_space<vmem>>) offsets(%dma_start3A_342 : memref<128xi32, #tpu.memory_space<vmem>>) semaphore(%arg13 : memref<!tpu.dma_semaphore, #tpu.memory_space<semaphore_mem>>)
      %dma_wait3A_346 = arith.constant 0 : i32
      %dma_wait3A_347 = arith.constant 0 : i32
      %dma_wait3A_348 = tpu.memref_slice %arg7[%dma_wait3A_346, %dma_wait3A_347] : memref<8x128xi32, #tpu.memory_space<vmem>> -> memref<1x128xi32, #tpu.memory_space<vmem>>
      %dma_wait3A_349 = tpu.memref_squeeze %dma_wait3A_348 : memref<1x128xi32, #tpu.memory_space<vmem>> -> memref<128xi32, #tpu.memory_space<vmem>>
      %dma_wait3A_350 = arith.constant 0 : i32
      %dma_wait3A_351 = arith.constant 0 : i32
      %dma_wait3A_352 = tpu.memref_slice %arg2[%dma_wait3A_350, %dma_wait3A_351] : memref<10240x128xf32, #tpu.memory_space<hbm>> -> memref<10240x128xf32, #tpu.memory_space<hbm>>
      tpu.wait_indirect_dma semaphore(%arg13 : memref<!tpu.dma_semaphore, #tpu.memory_space<semaphore_mem>>) src(%dma_wait3A_352 : memref<10240x128xf32, #tpu.memory_space<hbm>>) dst(%arg10 : memref<128x128xf32, #tpu.memory_space<vmem>>)
      %dma_start3A_353 = arith.constant 0 : i32
      %dma_start3A_354 = arith.constant 0 : i32
      %dma_start3A_355 = tpu.memref_slice %arg9[%dma_start3A_353, %dma_start3A_354] : memref<8x128xi32, #tpu.memory_space<vmem>> -> memref<1x128xi32, #tpu.memory_space<vmem>>
      %dma_start3A_356 = tpu.memref_squeeze %dma_start3A_355 : memref<1x128xi32, #tpu.memory_space<vmem>> -> memref<128xi32, #tpu.memory_space<vmem>>
      %dma_start3A_357 = arith.constant 0 : i32
      %dma_start3A_358 = arith.constant 0 : i32
      %dma_start3A_359 = tpu.memref_slice %arg12[%dma_start3A_357, %dma_start3A_358] : memref<10240x128xf32, #tpu.memory_space<vmem_shared>> -> memref<10240x128xf32, #tpu.memory_space<vmem_shared>>
      tpu.enqueue_indirect_dma source(%arg10 : memref<128x128xf32, #tpu.memory_space<vmem>>) target(%dma_start3A_359 : memref<10240x128xf32, #tpu.memory_space<vmem_shared>>) offsets(%dma_start3A_356 : memref<128xi32, #tpu.memory_space<vmem>>) semaphore(%arg15 : memref<!tpu.dma_semaphore, #tpu.memory_space<semaphore_mem>>) {add = true}
      %dma_start3A_360 = arith.constant 1 : i32
      %dma_start3A_361 = arith.constant 0 : i32
      %dma_start3A_362 = tpu.memref_slice %arg7[%dma_start3A_360, %dma_start3A_361] : memref<8x128xi32, #tpu.memory_space<vmem>> -> memref<1x128xi32, #tpu.memory_space<vmem>>
      %dma_start3A_363 = tpu.memref_squeeze %dma_start3A_362 : memref<1x128xi32, #tpu.memory_space<vmem>> -> memref<128xi32, #tpu.memory_space<vmem>>
      %dma_start3A_364 = arith.constant 0 : i32
      %dma_start3A_365 = arith.constant 0 : i32
      %dma_start3A_366 = tpu.memref_slice %arg2[%dma_start3A_364, %dma_start3A_365] : memref<10240x128xf32, #tpu.memory_space<hbm>> -> memref<10240x128xf32, #tpu.memory_space<hbm>>
      tpu.enqueue_indirect_dma source(%dma_start3A_366 : memref<10240x128xf32, #tpu.memory_space<hbm>>) target(%arg11 : memref<128x128xf32, #tpu.memory_space<vmem>>) offsets(%dma_start3A_363 : memref<128xi32, #tpu.memory_space<vmem>>) semaphore(%arg14 : memref<!tpu.dma_semaphore, #tpu.memory_space<semaphore_mem>>)
      %dma_wait3A_367 = arith.constant 1 : i32
      %dma_wait3A_368 = arith.constant 0 : i32
      %dma_wait3A_369 = tpu.memref_slice %arg7[%dma_wait3A_367, %dma_wait3A_368] : memref<8x128xi32, #tpu.memory_space<vmem>> -> memref<1x128xi32, #tpu.memory_space<vmem>>
      %dma_wait3A_370 = tpu.memref_squeeze %dma_wait3A_369 : memref<1x128xi32, #tpu.memory_space<vmem>> -> memref<128xi32, #tpu.memory_space<vmem>>
      %dma_wait3A_371 = arith.constant 0 : i32
      %dma_wait3A_372 = arith.constant 0 : i32
      %dma_wait3A_373 = tpu.memref_slice %arg2[%dma_wait3A_371, %dma_wait3A_372] : memref<10240x128xf32, #tpu.memory_space<hbm>> -> memref<10240x128xf32, #tpu.memory_space<hbm>>
      tpu.wait_indirect_dma semaphore(%arg14 : memref<!tpu.dma_semaphore, #tpu.memory_space<semaphore_mem>>) src(%dma_wait3A_373 : memref<10240x128xf32, #tpu.memory_space<hbm>>) dst(%arg11 : memref<128x128xf32, #tpu.memory_space<vmem>>)
      %dma_start3A_374 = arith.constant 1 : i32
      %dma_start3A_375 = arith.constant 0 : i32
      %dma_start3A_376 = tpu.memref_slice %arg9[%dma_start3A_374, %dma_start3A_375] : memref<8x128xi32, #tpu.memory_space<vmem>> -> memref<1x128xi32, #tpu.memory_space<vmem>>
      %dma_start3A_377 = tpu.memref_squeeze %dma_start3A_376 : memref<1x128xi32, #tpu.memory_space<vmem>> -> memref<128xi32, #tpu.memory_space<vmem>>
      %dma_start3A_378 = arith.constant 0 : i32
      %dma_start3A_379 = arith.constant 0 : i32
      %dma_start3A_380 = tpu.memref_slice %arg12[%dma_start3A_378, %dma_start3A_379] : memref<10240x128xf32, #tpu.memory_space<vmem_shared>> -> memref<10240x128xf32, #tpu.memory_space<vmem_shared>>
      tpu.enqueue_indirect_dma source(%arg11 : memref<128x128xf32, #tpu.memory_space<vmem>>) target(%dma_start3A_380 : memref<10240x128xf32, #tpu.memory_space<vmem_shared>>) offsets(%dma_start3A_377 : memref<128xi32, #tpu.memory_space<vmem>>) semaphore(%arg16 : memref<!tpu.dma_semaphore, #tpu.memory_space<semaphore_mem>>) {add = true}
      %dma_wait3A_381 = arith.constant 0 : i32
      %dma_wait3A_382 = arith.constant 0 : i32
      %dma_wait3A_383 = tpu.memref_slice %arg9[%dma_wait3A_381, %dma_wait3A_382] : memref<8x128xi32, #tpu.memory_space<vmem>> -> memref<1x128xi32, #tpu.memory_space<vmem>>
      %dma_wait3A_384 = tpu.memref_squeeze %dma_wait3A_383 : memref<1x128xi32, #tpu.memory_space<vmem>> -> memref<128xi32, #tpu.memory_space<vmem>>
      %dma_wait3A_385 = arith.constant 0 : i32
      %dma_wait3A_386 = arith.constant 0 : i32
      %dma_wait3A_387 = tpu.memref_slice %arg12[%dma_wait3A_385, %dma_wait3A_386] : memref<10240x128xf32, #tpu.memory_space<vmem_shared>> -> memref<10240x128xf32, #tpu.memory_space<vmem_shared>>
      tpu.wait_indirect_dma semaphore(%arg15 : memref<!tpu.dma_semaphore, #tpu.memory_space<semaphore_mem>>) src(%arg10 : memref<128x128xf32, #tpu.memory_space<vmem>>) dst(%dma_wait3A_387 : memref<10240x128xf32, #tpu.memory_space<vmem_shared>>)
      %dma_start3A_388 = arith.constant 2 : i32
      %dma_start3A_389 = arith.constant 0 : i32
      %dma_start3A_390 = tpu.memref_slice %arg7[%dma_start3A_388, %dma_start3A_389] : memref<8x128xi32, #tpu.memory_space<vmem>> -> memref<1x128xi32, #tpu.memory_space<vmem>>
      %dma_start3A_391 = tpu.memref_squeeze %dma_start3A_390 : memref<1x128xi32, #tpu.memory_space<vmem>> -> memref<128xi32, #tpu.memory_space<vmem>>
      %dma_start3A_392 = arith.constant 0 : i32
      %dma_start3A_393 = arith.constant 0 : i32
      %dma_start3A_394 = tpu.memref_slice %arg2[%dma_start3A_392, %dma_start3A_393] : memref<10240x128xf32, #tpu.memory_space<hbm>> -> memref<10240x128xf32, #tpu.memory_space<hbm>>
      tpu.enqueue_indirect_dma source(%dma_start3A_394 : memref<10240x128xf32, #tpu.memory_space<hbm>>) target(%arg10 : memref<128x128xf32, #tpu.memory_space<vmem>>) offsets(%dma_start3A_391 : memref<128xi32, #tpu.memory_space<vmem>>) semaphore(%arg13 : memref<!tpu.dma_semaphore, #tpu.memory_space<semaphore_mem>>)
      %dma_wait3A_395 = arith.constant 2 : i32
      %dma_wait3A_396 = arith.constant 0 : i32
      %dma_wait3A_397 = tpu.memref_slice %arg7[%dma_wait3A_395, %dma_wait3A_396] : memref<8x128xi32, #tpu.memory_space<vmem>> -> memref<1x128xi32, #tpu.memory_space<vmem>>
      %dma_wait3A_398 = tpu.memref_squeeze %dma_wait3A_397 : memref<1x128xi32, #tpu.memory_space<vmem>> -> memref<128xi32, #tpu.memory_space<vmem>>
      %dma_wait3A_399 = arith.constant 0 : i32
      %dma_wait3A_400 = arith.constant 0 : i32
      %dma_wait3A_401 = tpu.memref_slice %arg2[%dma_wait3A_399, %dma_wait3A_400] : memref<10240x128xf32, #tpu.memory_space<hbm>> -> memref<10240x128xf32, #tpu.memory_space<hbm>>
      tpu.wait_indirect_dma semaphore(%arg13 : memref<!tpu.dma_semaphore, #tpu.memory_space<semaphore_mem>>) src(%dma_wait3A_401 : memref<10240x128xf32, #tpu.memory_space<hbm>>) dst(%arg10 : memref<128x128xf32, #tpu.memory_space<vmem>>)
      %dma_start3A_402 = arith.constant 2 : i32
      %dma_start3A_403 = arith.constant 0 : i32
      %dma_start3A_404 = tpu.memref_slice %arg9[%dma_start3A_402, %dma_start3A_403] : memref<8x128xi32, #tpu.memory_space<vmem>> -> memref<1x128xi32, #tpu.memory_space<vmem>>
      %dma_start3A_405 = tpu.memref_squeeze %dma_start3A_404 : memref<1x128xi32, #tpu.memory_space<vmem>> -> memref<128xi32, #tpu.memory_space<vmem>>
      %dma_start3A_406 = arith.constant 0 : i32
      %dma_start3A_407 = arith.constant 0 : i32
      %dma_start3A_408 = tpu.memref_slice %arg12[%dma_start3A_406, %dma_start3A_407] : memref<10240x128xf32, #tpu.memory_space<vmem_shared>> -> memref<10240x128xf32, #tpu.memory_space<vmem_shared>>
      tpu.enqueue_indirect_dma source(%arg10 : memref<128x128xf32, #tpu.memory_space<vmem>>) target(%dma_start3A_408 : memref<10240x128xf32, #tpu.memory_space<vmem_shared>>) offsets(%dma_start3A_405 : memref<128xi32, #tpu.memory_space<vmem>>) semaphore(%arg15 : memref<!tpu.dma_semaphore, #tpu.memory_space<semaphore_mem>>) {add = true}
      %dma_wait3A_409 = arith.constant 1 : i32
      %dma_wait3A_410 = arith.constant 0 : i32
      %dma_wait3A_411 = tpu.memref_slice %arg9[%dma_wait3A_409, %dma_wait3A_410] : memref<8x128xi32, #tpu.memory_space<vmem>> -> memref<1x128xi32, #tpu.memory_space<vmem>>
      %dma_wait3A_412 = tpu.memref_squeeze %dma_wait3A_411 : memref<1x128xi32, #tpu.memory_space<vmem>> -> memref<128xi32, #tpu.memory_space<vmem>>
      %dma_wait3A_413 = arith.constant 0 : i32
      %dma_wait3A_414 = arith.constant 0 : i32
      %dma_wait3A_415 = tpu.memref_slice %arg12[%dma_wait3A_413, %dma_wait3A_414] : memref<10240x128xf32, #tpu.memory_space<vmem_shared>> -> memref<10240x128xf32, #tpu.memory_space<vmem_shared>>
      tpu.wait_indirect_dma semaphore(%arg16 : memref<!tpu.dma_semaphore, #tpu.memory_space<semaphore_mem>>) src(%arg11 : memref<128x128xf32, #tpu.memory_space<vmem>>) dst(%dma_wait3A_415 : memref<10240x128xf32, #tpu.memory_space<vmem_shared>>)
      %dma_start3A_416 = arith.constant 3 : i32
      %dma_start3A_417 = arith.constant 0 : i32
      %dma_start3A_418 = tpu.memref_slice %arg7[%dma_start3A_416, %dma_start3A_417] : memref<8x128xi32, #tpu.memory_space<vmem>> -> memref<1x128xi32, #tpu.memory_space<vmem>>
      %dma_start3A_419 = tpu.memref_squeeze %dma_start3A_418 : memref<1x128xi32, #tpu.memory_space<vmem>> -> memref<128xi32, #tpu.memory_space<vmem>>
      %dma_start3A_420 = arith.constant 0 : i32
      %dma_start3A_421 = arith.constant 0 : i32
      %dma_start3A_422 = tpu.memref_slice %arg2[%dma_start3A_420, %dma_start3A_421] : memref<10240x128xf32, #tpu.memory_space<hbm>> -> memref<10240x128xf32, #tpu.memory_space<hbm>>
      tpu.enqueue_indirect_dma source(%dma_start3A_422 : memref<10240x128xf32, #tpu.memory_space<hbm>>) target(%arg11 : memref<128x128xf32, #tpu.memory_space<vmem>>) offsets(%dma_start3A_419 : memref<128xi32, #tpu.memory_space<vmem>>) semaphore(%arg14 : memref<!tpu.dma_semaphore, #tpu.memory_space<semaphore_mem>>)
      %dma_wait3A_423 = arith.constant 3 : i32
      %dma_wait3A_424 = arith.constant 0 : i32
      %dma_wait3A_425 = tpu.memref_slice %arg7[%dma_wait3A_423, %dma_wait3A_424] : memref<8x128xi32, #tpu.memory_space<vmem>> -> memref<1x128xi32, #tpu.memory_space<vmem>>
      %dma_wait3A_426 = tpu.memref_squeeze %dma_wait3A_425 : memref<1x128xi32, #tpu.memory_space<vmem>> -> memref<128xi32, #tpu.memory_space<vmem>>
      %dma_wait3A_427 = arith.constant 0 : i32
      %dma_wait3A_428 = arith.constant 0 : i32
      %dma_wait3A_429 = tpu.memref_slice %arg2[%dma_wait3A_427, %dma_wait3A_428] : memref<10240x128xf32, #tpu.memory_space<hbm>> -> memref<10240x128xf32, #tpu.memory_space<hbm>>
      tpu.wait_indirect_dma semaphore(%arg14 : memref<!tpu.dma_semaphore, #tpu.memory_space<semaphore_mem>>) src(%dma_wait3A_429 : memref<10240x128xf32, #tpu.memory_space<hbm>>) dst(%arg11 : memref<128x128xf32, #tpu.memory_space<vmem>>)
      %dma_start3A_430 = arith.constant 3 : i32
      %dma_start3A_431 = arith.constant 0 : i32
      %dma_start3A_432 = tpu.memref_slice %arg9[%dma_start3A_430, %dma_start3A_431] : memref<8x128xi32, #tpu.memory_space<vmem>> -> memref<1x128xi32, #tpu.memory_space<vmem>>
      %dma_start3A_433 = tpu.memref_squeeze %dma_start3A_432 : memref<1x128xi32, #tpu.memory_space<vmem>> -> memref<128xi32, #tpu.memory_space<vmem>>
      %dma_start3A_434 = arith.constant 0 : i32
      %dma_start3A_435 = arith.constant 0 : i32
      %dma_start3A_436 = tpu.memref_slice %arg12[%dma_start3A_434, %dma_start3A_435] : memref<10240x128xf32, #tpu.memory_space<vmem_shared>> -> memref<10240x128xf32, #tpu.memory_space<vmem_shared>>
      tpu.enqueue_indirect_dma source(%arg11 : memref<128x128xf32, #tpu.memory_space<vmem>>) target(%dma_start3A_436 : memref<10240x128xf32, #tpu.memory_space<vmem_shared>>) offsets(%dma_start3A_433 : memref<128xi32, #tpu.memory_space<vmem>>) semaphore(%arg16 : memref<!tpu.dma_semaphore, #tpu.memory_space<semaphore_mem>>) {add = true}
      %dma_wait3A_437 = arith.constant 2 : i32
      %dma_wait3A_438 = arith.constant 0 : i32
      %dma_wait3A_439 = tpu.memref_slice %arg9[%dma_wait3A_437, %dma_wait3A_438] : memref<8x128xi32, #tpu.memory_space<vmem>> -> memref<1x128xi32, #tpu.memory_space<vmem>>
      %dma_wait3A_440 = tpu.memref_squeeze %dma_wait3A_439 : memref<1x128xi32, #tpu.memory_space<vmem>> -> memref<128xi32, #tpu.memory_space<vmem>>
      %dma_wait3A_441 = arith.constant 0 : i32
      %dma_wait3A_442 = arith.constant 0 : i32
      %dma_wait3A_443 = tpu.memref_slice %arg12[%dma_wait3A_441, %dma_wait3A_442] : memref<10240x128xf32, #tpu.memory_space<vmem_shared>> -> memref<10240x128xf32, #tpu.memory_space<vmem_shared>>
      tpu.wait_indirect_dma semaphore(%arg15 : memref<!tpu.dma_semaphore, #tpu.memory_space<semaphore_mem>>) src(%arg10 : memref<128x128xf32, #tpu.memory_space<vmem>>) dst(%dma_wait3A_443 : memref<10240x128xf32, #tpu.memory_space<vmem_shared>>)
      %dma_start3A_444 = arith.constant 4 : i32
      %dma_start3A_445 = arith.constant 0 : i32
      %dma_start3A_446 = tpu.memref_slice %arg7[%dma_start3A_444, %dma_start3A_445] : memref<8x128xi32, #tpu.memory_space<vmem>> -> memref<1x128xi32, #tpu.memory_space<vmem>>
      %dma_start3A_447 = tpu.memref_squeeze %dma_start3A_446 : memref<1x128xi32, #tpu.memory_space<vmem>> -> memref<128xi32, #tpu.memory_space<vmem>>
      %dma_start3A_448 = arith.constant 0 : i32
      %dma_start3A_449 = arith.constant 0 : i32
      %dma_start3A_450 = tpu.memref_slice %arg2[%dma_start3A_448, %dma_start3A_449] : memref<10240x128xf32, #tpu.memory_space<hbm>> -> memref<10240x128xf32, #tpu.memory_space<hbm>>
      tpu.enqueue_indirect_dma source(%dma_start3A_450 : memref<10240x128xf32, #tpu.memory_space<hbm>>) target(%arg10 : memref<128x128xf32, #tpu.memory_space<vmem>>) offsets(%dma_start3A_447 : memref<128xi32, #tpu.memory_space<vmem>>) semaphore(%arg13 : memref<!tpu.dma_semaphore, #tpu.memory_space<semaphore_mem>>)
      %dma_wait3A_451 = arith.constant 4 : i32
      %dma_wait3A_452 = arith.constant 0 : i32
      %dma_wait3A_453 = tpu.memref_slice %arg7[%dma_wait3A_451, %dma_wait3A_452] : memref<8x128xi32, #tpu.memory_space<vmem>> -> memref<1x128xi32, #tpu.memory_space<vmem>>
      %dma_wait3A_454 = tpu.memref_squeeze %dma_wait3A_453 : memref<1x128xi32, #tpu.memory_space<vmem>> -> memref<128xi32, #tpu.memory_space<vmem>>
      %dma_wait3A_455 = arith.constant 0 : i32
      %dma_wait3A_456 = arith.constant 0 : i32
      %dma_wait3A_457 = tpu.memref_slice %arg2[%dma_wait3A_455, %dma_wait3A_456] : memref<10240x128xf32, #tpu.memory_space<hbm>> -> memref<10240x128xf32, #tpu.memory_space<hbm>>
      tpu.wait_indirect_dma semaphore(%arg13 : memref<!tpu.dma_semaphore, #tpu.memory_space<semaphore_mem>>) src(%dma_wait3A_457 : memref<10240x128xf32, #tpu.memory_space<hbm>>) dst(%arg10 : memref<128x128xf32, #tpu.memory_space<vmem>>)
      %dma_start3A_458 = arith.constant 4 : i32
      %dma_start3A_459 = arith.constant 0 : i32
      %dma_start3A_460 = tpu.memref_slice %arg9[%dma_start3A_458, %dma_start3A_459] : memref<8x128xi32, #tpu.memory_space<vmem>> -> memref<1x128xi32, #tpu.memory_space<vmem>>
      %dma_start3A_461 = tpu.memref_squeeze %dma_start3A_460 : memref<1x128xi32, #tpu.memory_space<vmem>> -> memref<128xi32, #tpu.memory_space<vmem>>
      %dma_start3A_462 = arith.constant 0 : i32
      %dma_start3A_463 = arith.constant 0 : i32
      %dma_start3A_464 = tpu.memref_slice %arg12[%dma_start3A_462, %dma_start3A_463] : memref<10240x128xf32, #tpu.memory_space<vmem_shared>> -> memref<10240x128xf32, #tpu.memory_space<vmem_shared>>
      tpu.enqueue_indirect_dma source(%arg10 : memref<128x128xf32, #tpu.memory_space<vmem>>) target(%dma_start3A_464 : memref<10240x128xf32, #tpu.memory_space<vmem_shared>>) offsets(%dma_start3A_461 : memref<128xi32, #tpu.memory_space<vmem>>) semaphore(%arg15 : memref<!tpu.dma_semaphore, #tpu.memory_space<semaphore_mem>>) {add = true}
      %dma_wait3A_465 = arith.constant 3 : i32
      %dma_wait3A_466 = arith.constant 0 : i32
      %dma_wait3A_467 = tpu.memref_slice %arg9[%dma_wait3A_465, %dma_wait3A_466] : memref<8x128xi32, #tpu.memory_space<vmem>> -> memref<1x128xi32, #tpu.memory_space<vmem>>
      %dma_wait3A_468 = tpu.memref_squeeze %dma_wait3A_467 : memref<1x128xi32, #tpu.memory_space<vmem>> -> memref<128xi32, #tpu.memory_space<vmem>>
      %dma_wait3A_469 = arith.constant 0 : i32
      %dma_wait3A_470 = arith.constant 0 : i32
      %dma_wait3A_471 = tpu.memref_slice %arg12[%dma_wait3A_469, %dma_wait3A_470] : memref<10240x128xf32, #tpu.memory_space<vmem_shared>> -> memref<10240x128xf32, #tpu.memory_space<vmem_shared>>
      tpu.wait_indirect_dma semaphore(%arg16 : memref<!tpu.dma_semaphore, #tpu.memory_space<semaphore_mem>>) src(%arg11 : memref<128x128xf32, #tpu.memory_space<vmem>>) dst(%dma_wait3A_471 : memref<10240x128xf32, #tpu.memory_space<vmem_shared>>)
      %dma_start3A_472 = arith.constant 5 : i32
      %dma_start3A_473 = arith.constant 0 : i32
      %dma_start3A_474 = tpu.memref_slice %arg7[%dma_start3A_472, %dma_start3A_473] : memref<8x128xi32, #tpu.memory_space<vmem>> -> memref<1x128xi32, #tpu.memory_space<vmem>>
      %dma_start3A_475 = tpu.memref_squeeze %dma_start3A_474 : memref<1x128xi32, #tpu.memory_space<vmem>> -> memref<128xi32, #tpu.memory_space<vmem>>
      %dma_start3A_476 = arith.constant 0 : i32
      %dma_start3A_477 = arith.constant 0 : i32
      %dma_start3A_478 = tpu.memref_slice %arg2[%dma_start3A_476, %dma_start3A_477] : memref<10240x128xf32, #tpu.memory_space<hbm>> -> memref<10240x128xf32, #tpu.memory_space<hbm>>
      tpu.enqueue_indirect_dma source(%dma_start3A_478 : memref<10240x128xf32, #tpu.memory_space<hbm>>) target(%arg11 : memref<128x128xf32, #tpu.memory_space<vmem>>) offsets(%dma_start3A_475 : memref<128xi32, #tpu.memory_space<vmem>>) semaphore(%arg14 : memref<!tpu.dma_semaphore, #tpu.memory_space<semaphore_mem>>)
      %dma_wait3A_479 = arith.constant 5 : i32
      %dma_wait3A_480 = arith.constant 0 : i32
      %dma_wait3A_481 = tpu.memref_slice %arg7[%dma_wait3A_479, %dma_wait3A_480] : memref<8x128xi32, #tpu.memory_space<vmem>> -> memref<1x128xi32, #tpu.memory_space<vmem>>
      %dma_wait3A_482 = tpu.memref_squeeze %dma_wait3A_481 : memref<1x128xi32, #tpu.memory_space<vmem>> -> memref<128xi32, #tpu.memory_space<vmem>>
      %dma_wait3A_483 = arith.constant 0 : i32
      %dma_wait3A_484 = arith.constant 0 : i32
      %dma_wait3A_485 = tpu.memref_slice %arg2[%dma_wait3A_483, %dma_wait3A_484] : memref<10240x128xf32, #tpu.memory_space<hbm>> -> memref<10240x128xf32, #tpu.memory_space<hbm>>
      tpu.wait_indirect_dma semaphore(%arg14 : memref<!tpu.dma_semaphore, #tpu.memory_space<semaphore_mem>>) src(%dma_wait3A_485 : memref<10240x128xf32, #tpu.memory_space<hbm>>) dst(%arg11 : memref<128x128xf32, #tpu.memory_space<vmem>>)
      %dma_start3A_486 = arith.constant 5 : i32
      %dma_start3A_487 = arith.constant 0 : i32
      %dma_start3A_488 = tpu.memref_slice %arg9[%dma_start3A_486, %dma_start3A_487] : memref<8x128xi32, #tpu.memory_space<vmem>> -> memref<1x128xi32, #tpu.memory_space<vmem>>
      %dma_start3A_489 = tpu.memref_squeeze %dma_start3A_488 : memref<1x128xi32, #tpu.memory_space<vmem>> -> memref<128xi32, #tpu.memory_space<vmem>>
      %dma_start3A_490 = arith.constant 0 : i32
      %dma_start3A_491 = arith.constant 0 : i32
      %dma_start3A_492 = tpu.memref_slice %arg12[%dma_start3A_490, %dma_start3A_491] : memref<10240x128xf32, #tpu.memory_space<vmem_shared>> -> memref<10240x128xf32, #tpu.memory_space<vmem_shared>>
      tpu.enqueue_indirect_dma source(%arg11 : memref<128x128xf32, #tpu.memory_space<vmem>>) target(%dma_start3A_492 : memref<10240x128xf32, #tpu.memory_space<vmem_shared>>) offsets(%dma_start3A_489 : memref<128xi32, #tpu.memory_space<vmem>>) semaphore(%arg16 : memref<!tpu.dma_semaphore, #tpu.memory_space<semaphore_mem>>) {add = true}
      %dma_wait3A_493 = arith.constant 4 : i32
      %dma_wait3A_494 = arith.constant 0 : i32
      %dma_wait3A_495 = tpu.memref_slice %arg9[%dma_wait3A_493, %dma_wait3A_494] : memref<8x128xi32, #tpu.memory_space<vmem>> -> memref<1x128xi32, #tpu.memory_space<vmem>>
      %dma_wait3A_496 = tpu.memref_squeeze %dma_wait3A_495 : memref<1x128xi32, #tpu.memory_space<vmem>> -> memref<128xi32, #tpu.memory_space<vmem>>
      %dma_wait3A_497 = arith.constant 0 : i32
      %dma_wait3A_498 = arith.constant 0 : i32
      %dma_wait3A_499 = tpu.memref_slice %arg12[%dma_wait3A_497, %dma_wait3A_498] : memref<10240x128xf32, #tpu.memory_space<vmem_shared>> -> memref<10240x128xf32, #tpu.memory_space<vmem_shared>>
      tpu.wait_indirect_dma semaphore(%arg15 : memref<!tpu.dma_semaphore, #tpu.memory_space<semaphore_mem>>) src(%arg10 : memref<128x128xf32, #tpu.memory_space<vmem>>) dst(%dma_wait3A_499 : memref<10240x128xf32, #tpu.memory_space<vmem_shared>>)
      %dma_start3A_500 = arith.constant 6 : i32
      %dma_start3A_501 = arith.constant 0 : i32
      %dma_start3A_502 = tpu.memref_slice %arg7[%dma_start3A_500, %dma_start3A_501] : memref<8x128xi32, #tpu.memory_space<vmem>> -> memref<1x128xi32, #tpu.memory_space<vmem>>
      %dma_start3A_503 = tpu.memref_squeeze %dma_start3A_502 : memref<1x128xi32, #tpu.memory_space<vmem>> -> memref<128xi32, #tpu.memory_space<vmem>>
      %dma_start3A_504 = arith.constant 0 : i32
      %dma_start3A_505 = arith.constant 0 : i32
      %dma_start3A_506 = tpu.memref_slice %arg2[%dma_start3A_504, %dma_start3A_505] : memref<10240x128xf32, #tpu.memory_space<hbm>> -> memref<10240x128xf32, #tpu.memory_space<hbm>>
      tpu.enqueue_indirect_dma source(%dma_start3A_506 : memref<10240x128xf32, #tpu.memory_space<hbm>>) target(%arg10 : memref<128x128xf32, #tpu.memory_space<vmem>>) offsets(%dma_start3A_503 : memref<128xi32, #tpu.memory_space<vmem>>) semaphore(%arg13 : memref<!tpu.dma_semaphore, #tpu.memory_space<semaphore_mem>>)
      %dma_wait3A_507 = arith.constant 6 : i32
      %dma_wait3A_508 = arith.constant 0 : i32
      %dma_wait3A_509 = tpu.memref_slice %arg7[%dma_wait3A_507, %dma_wait3A_508] : memref<8x128xi32, #tpu.memory_space<vmem>> -> memref<1x128xi32, #tpu.memory_space<vmem>>
      %dma_wait3A_510 = tpu.memref_squeeze %dma_wait3A_509 : memref<1x128xi32, #tpu.memory_space<vmem>> -> memref<128xi32, #tpu.memory_space<vmem>>
      %dma_wait3A_511 = arith.constant 0 : i32
      %dma_wait3A_512 = arith.constant 0 : i32
      %dma_wait3A_513 = tpu.memref_slice %arg2[%dma_wait3A_511, %dma_wait3A_512] : memref<10240x128xf32, #tpu.memory_space<hbm>> -> memref<10240x128xf32, #tpu.memory_space<hbm>>
      tpu.wait_indirect_dma semaphore(%arg13 : memref<!tpu.dma_semaphore, #tpu.memory_space<semaphore_mem>>) src(%dma_wait3A_513 : memref<10240x128xf32, #tpu.memory_space<hbm>>) dst(%arg10 : memref<128x128xf32, #tpu.memory_space<vmem>>)
      %dma_start3A_514 = arith.constant 6 : i32
      %dma_start3A_515 = arith.constant 0 : i32
      %dma_start3A_516 = tpu.memref_slice %arg9[%dma_start3A_514, %dma_start3A_515] : memref<8x128xi32, #tpu.memory_space<vmem>> -> memref<1x128xi32, #tpu.memory_space<vmem>>
      %dma_start3A_517 = tpu.memref_squeeze %dma_start3A_516 : memref<1x128xi32, #tpu.memory_space<vmem>> -> memref<128xi32, #tpu.memory_space<vmem>>
      %dma_start3A_518 = arith.constant 0 : i32
      %dma_start3A_519 = arith.constant 0 : i32
      %dma_start3A_520 = tpu.memref_slice %arg12[%dma_start3A_518, %dma_start3A_519] : memref<10240x128xf32, #tpu.memory_space<vmem_shared>> -> memref<10240x128xf32, #tpu.memory_space<vmem_shared>>
      tpu.enqueue_indirect_dma source(%arg10 : memref<128x128xf32, #tpu.memory_space<vmem>>) target(%dma_start3A_520 : memref<10240x128xf32, #tpu.memory_space<vmem_shared>>) offsets(%dma_start3A_517 : memref<128xi32, #tpu.memory_space<vmem>>) semaphore(%arg15 : memref<!tpu.dma_semaphore, #tpu.memory_space<semaphore_mem>>) {add = true}
      %dma_wait3A_521 = arith.constant 5 : i32
      %dma_wait3A_522 = arith.constant 0 : i32
      %dma_wait3A_523 = tpu.memref_slice %arg9[%dma_wait3A_521, %dma_wait3A_522] : memref<8x128xi32, #tpu.memory_space<vmem>> -> memref<1x128xi32, #tpu.memory_space<vmem>>
      %dma_wait3A_524 = tpu.memref_squeeze %dma_wait3A_523 : memref<1x128xi32, #tpu.memory_space<vmem>> -> memref<128xi32, #tpu.memory_space<vmem>>
      %dma_wait3A_525 = arith.constant 0 : i32
      %dma_wait3A_526 = arith.constant 0 : i32
      %dma_wait3A_527 = tpu.memref_slice %arg12[%dma_wait3A_525, %dma_wait3A_526] : memref<10240x128xf32, #tpu.memory_space<vmem_shared>> -> memref<10240x128xf32, #tpu.memory_space<vmem_shared>>
      tpu.wait_indirect_dma semaphore(%arg16 : memref<!tpu.dma_semaphore, #tpu.memory_space<semaphore_mem>>) src(%arg11 : memref<128x128xf32, #tpu.memory_space<vmem>>) dst(%dma_wait3A_527 : memref<10240x128xf32, #tpu.memory_space<vmem_shared>>)
      %dma_start3A_528 = arith.constant 7 : i32
      %dma_start3A_529 = arith.constant 0 : i32
      %dma_start3A_530 = tpu.memref_slice %arg7[%dma_start3A_528, %dma_start3A_529] : memref<8x128xi32, #tpu.memory_space<vmem>> -> memref<1x128xi32, #tpu.memory_space<vmem>>
      %dma_start3A_531 = tpu.memref_squeeze %dma_start3A_530 : memref<1x128xi32, #tpu.memory_space<vmem>> -> memref<128xi32, #tpu.memory_space<vmem>>
      %dma_start3A_532 = arith.constant 0 : i32
      %dma_start3A_533 = arith.constant 0 : i32
      %dma_start3A_534 = tpu.memref_slice %arg2[%dma_start3A_532, %dma_start3A_533] : memref<10240x128xf32, #tpu.memory_space<hbm>> -> memref<10240x128xf32, #tpu.memory_space<hbm>>
      tpu.enqueue_indirect_dma source(%dma_start3A_534 : memref<10240x128xf32, #tpu.memory_space<hbm>>) target(%arg11 : memref<128x128xf32, #tpu.memory_space<vmem>>) offsets(%dma_start3A_531 : memref<128xi32, #tpu.memory_space<vmem>>) semaphore(%arg14 : memref<!tpu.dma_semaphore, #tpu.memory_space<semaphore_mem>>)
      %dma_wait3A_535 = arith.constant 7 : i32
      %dma_wait3A_536 = arith.constant 0 : i32
      %dma_wait3A_537 = tpu.memref_slice %arg7[%dma_wait3A_535, %dma_wait3A_536] : memref<8x128xi32, #tpu.memory_space<vmem>> -> memref<1x128xi32, #tpu.memory_space<vmem>>
      %dma_wait3A_538 = tpu.memref_squeeze %dma_wait3A_537 : memref<1x128xi32, #tpu.memory_space<vmem>> -> memref<128xi32, #tpu.memory_space<vmem>>
      %dma_wait3A_539 = arith.constant 0 : i32
      %dma_wait3A_540 = arith.constant 0 : i32
      %dma_wait3A_541 = tpu.memref_slice %arg2[%dma_wait3A_539, %dma_wait3A_540] : memref<10240x128xf32, #tpu.memory_space<hbm>> -> memref<10240x128xf32, #tpu.memory_space<hbm>>
      tpu.wait_indirect_dma semaphore(%arg14 : memref<!tpu.dma_semaphore, #tpu.memory_space<semaphore_mem>>) src(%dma_wait3A_541 : memref<10240x128xf32, #tpu.memory_space<hbm>>) dst(%arg11 : memref<128x128xf32, #tpu.memory_space<vmem>>)
      %dma_start3A_542 = arith.constant 7 : i32
      %dma_start3A_543 = arith.constant 0 : i32
      %dma_start3A_544 = tpu.memref_slice %arg9[%dma_start3A_542, %dma_start3A_543] : memref<8x128xi32, #tpu.memory_space<vmem>> -> memref<1x128xi32, #tpu.memory_space<vmem>>
      %dma_start3A_545 = tpu.memref_squeeze %dma_start3A_544 : memref<1x128xi32, #tpu.memory_space<vmem>> -> memref<128xi32, #tpu.memory_space<vmem>>
      %dma_start3A_546 = arith.constant 0 : i32
      %dma_start3A_547 = arith.constant 0 : i32
      %dma_start3A_548 = tpu.memref_slice %arg12[%dma_start3A_546, %dma_start3A_547] : memref<10240x128xf32, #tpu.memory_space<vmem_shared>> -> memref<10240x128xf32, #tpu.memory_space<vmem_shared>>
      tpu.enqueue_indirect_dma source(%arg11 : memref<128x128xf32, #tpu.memory_space<vmem>>) target(%dma_start3A_548 : memref<10240x128xf32, #tpu.memory_space<vmem_shared>>) offsets(%dma_start3A_545 : memref<128xi32, #tpu.memory_space<vmem>>) semaphore(%arg16 : memref<!tpu.dma_semaphore, #tpu.memory_space<semaphore_mem>>) {add = true}
      %dma_wait3A_549 = arith.constant 6 : i32
      %dma_wait3A_550 = arith.constant 0 : i32
      %dma_wait3A_551 = tpu.memref_slice %arg9[%dma_wait3A_549, %dma_wait3A_550] : memref<8x128xi32, #tpu.memory_space<vmem>> -> memref<1x128xi32, #tpu.memory_space<vmem>>
      %dma_wait3A_552 = tpu.memref_squeeze %dma_wait3A_551 : memref<1x128xi32, #tpu.memory_space<vmem>> -> memref<128xi32, #tpu.memory_space<vmem>>
      %dma_wait3A_553 = arith.constant 0 : i32
      %dma_wait3A_554 = arith.constant 0 : i32
      %dma_wait3A_555 = tpu.memref_slice %arg12[%dma_wait3A_553, %dma_wait3A_554] : memref<10240x128xf32, #tpu.memory_space<vmem_shared>> -> memref<10240x128xf32, #tpu.memory_space<vmem_shared>>
      tpu.wait_indirect_dma semaphore(%arg15 : memref<!tpu.dma_semaphore, #tpu.memory_space<semaphore_mem>>) src(%arg10 : memref<128x128xf32, #tpu.memory_space<vmem>>) dst(%dma_wait3A_555 : memref<10240x128xf32, #tpu.memory_space<vmem_shared>>)
      %dma_wait3A_556 = arith.constant 7 : i32
      %dma_wait3A_557 = arith.constant 0 : i32
      %dma_wait3A_558 = tpu.memref_slice %arg9[%dma_wait3A_556, %dma_wait3A_557] : memref<8x128xi32, #tpu.memory_space<vmem>> -> memref<1x128xi32, #tpu.memory_space<vmem>>
      %dma_wait3A_559 = tpu.memref_squeeze %dma_wait3A_558 : memref<1x128xi32, #tpu.memory_space<vmem>> -> memref<128xi32, #tpu.memory_space<vmem>>
      %dma_wait3A_560 = arith.constant 0 : i32
      %dma_wait3A_561 = arith.constant 0 : i32
      %dma_wait3A_562 = tpu.memref_slice %arg12[%dma_wait3A_560, %dma_wait3A_561] : memref<10240x128xf32, #tpu.memory_space<vmem_shared>> -> memref<10240x128xf32, #tpu.memory_space<vmem_shared>>
      tpu.wait_indirect_dma semaphore(%arg16 : memref<!tpu.dma_semaphore, #tpu.memory_space<semaphore_mem>>) src(%arg11 : memref<128x128xf32, #tpu.memory_space<vmem>>) dst(%dma_wait3A_562 : memref<10240x128xf32, #tpu.memory_space<vmem_shared>>)
      %add3A_563 = arith.constant 1 : i32
      %add3A_564 = arith.addi %add3A_73, %add3A_563 : i32
      %add3A_565 = arith.constant 2 : i32
      %add3A_566 = arith.addi %add3A_564, %add3A_565 : i32
      %lt3A_567 = arith.constant 10 : i32
      %lt3A_568 = arith.cmpi slt, %add3A_566, %lt3A_567 : i32
      %convert_element_type3A_569 = arith.extui %lt3A_568 : i1 to i32
      %cond3A_570 = arith.constant 0 : i32
      %cond3A_571 = arith.cmpi ne, %convert_element_type3A_569, %cond3A_570 : i32
      scf.if %cond3A_571 {
        %dma_start3A_572 = arith.constant 0 : i32
        %dma_start3A_573 = arith.constant 0 : i32
        %dma_start3A_574 = tpu.memref_slice %arg3[%add3A, %add3A_566, %dma_start3A_572, %dma_start3A_573] : memref<32x10x8x128xi32, #tpu.memory_space<hbm>> -> memref<1x1x8x128xi32, #tpu.memory_space<hbm>>
        %dma_start3A_575 = tpu.memref_squeeze %dma_start3A_574 : memref<1x1x8x128xi32, #tpu.memory_space<hbm>> -> memref<8x128xi32, #tpu.memory_space<hbm>>
        %dma_start3A_576 = arith.constant 0 : i32
        %dma_start3A_577 = arith.constant 0 : i32
        %dma_start3A_578 = tpu.memref_slice %arg3[%add3A, %add3A_566, %dma_start3A_576, %dma_start3A_577] : memref<32x10x8x128xi32, #tpu.memory_space<hbm>> -> memref<1x1x8x128xi32, #tpu.memory_space<hbm>>
        %dma_start3A_579 = tpu.memref_squeeze %dma_start3A_578 : memref<1x1x8x128xi32, #tpu.memory_space<hbm>> -> memref<8x128xi32, #tpu.memory_space<hbm>>
        tpu.enqueue_dma source(%dma_start3A_579 : memref<8x128xi32, #tpu.memory_space<hbm>>) target(%arg7 : memref<8x128xi32, #tpu.memory_space<vmem>>) target_semaphore(%arg18 : memref<!tpu.dma_semaphore, #tpu.memory_space<semaphore_mem>>)
        %dma_start3A_580 = arith.constant 0 : i32
        %dma_start3A_581 = arith.constant 0 : i32
        %dma_start3A_582 = tpu.memref_slice %arg4[%add3A, %add3A_566, %dma_start3A_580, %dma_start3A_581] : memref<32x10x8x128xi32, #tpu.memory_space<hbm>> -> memref<1x1x8x128xi32, #tpu.memory_space<hbm>>
        %dma_start3A_583 = tpu.memref_squeeze %dma_start3A_582 : memref<1x1x8x128xi32, #tpu.memory_space<hbm>> -> memref<8x128xi32, #tpu.memory_space<hbm>>
        %dma_start3A_584 = arith.constant 0 : i32
        %dma_start3A_585 = arith.constant 0 : i32
        %dma_start3A_586 = tpu.memref_slice %arg4[%add3A, %add3A_566, %dma_start3A_584, %dma_start3A_585] : memref<32x10x8x128xi32, #tpu.memory_space<hbm>> -> memref<1x1x8x128xi32, #tpu.memory_space<hbm>>
        %dma_start3A_587 = tpu.memref_squeeze %dma_start3A_586 : memref<1x1x8x128xi32, #tpu.memory_space<hbm>> -> memref<8x128xi32, #tpu.memory_space<hbm>>
        tpu.enqueue_dma source(%dma_start3A_587 : memref<8x128xi32, #tpu.memory_space<hbm>>) target(%arg9 : memref<8x128xi32, #tpu.memory_space<vmem>>) target_semaphore(%arg18 : memref<!tpu.dma_semaphore, #tpu.memory_space<semaphore_mem>>)
      } else {
      }
    }
    %scan3A_57 = arith.constant 5 : i32
    %barrier3A_58 = arith.constant 0 : index
    tpu.barrier barrier_id(%barrier3A_58)
    %add3A_59 = arith.constant 0 : i32
    %add3A_60 = arith.addi %mul3A_7, %add3A_59 : i32
    "tpu.region"() ({
      %run_scoped3A = tpu.sem_alloc : memref<!tpu.dma_semaphore, #tpu.memory_space<semaphore_mem>>
      %dma_start3A_69 = arith.constant 0 : i32
      %dma_start3A_70 = tpu.memref_slice %arg5[%arg0, %add3A_60, %dma_start3A_69] : memref<2x10240x128xf32, #tpu.memory_space<hbm>> -> memref<1x128x128xf32, #tpu.memory_space<hbm>>
      %dma_start3A_71 = tpu.memref_squeeze %dma_start3A_70 : memref<1x128x128xf32, #tpu.memory_space<hbm>> -> memref<128x128xf32, #tpu.memory_space<hbm>>
      %dma_start3A_72 = arith.constant 0 : i32
      %dma_start3A_73 = tpu.memref_slice %arg12[%add3A_60, %dma_start3A_72] : memref<10240x128xf32, #tpu.memory_space<vmem_shared>> -> memref<128x128xf32, #tpu.memory_space<vmem_shared>>
      tpu.enqueue_dma source(%dma_start3A_73 : memref<128x128xf32, #tpu.memory_space<vmem_shared>>) target(%dma_start3A_71 : memref<128x128xf32, #tpu.memory_space<hbm>>) target_semaphore(%run_scoped3A : memref<!tpu.dma_semaphore, #tpu.memory_space<semaphore_mem>>)
      %dma_wait3A = arith.constant 0 : i32
      %dma_wait3A_74 = tpu.memref_slice %arg5[%arg0, %add3A_60, %dma_wait3A] : memref<2x10240x128xf32, #tpu.memory_space<hbm>> -> memref<1x128x128xf32, #tpu.memory_space<hbm>>
      %dma_wait3A_75 = tpu.memref_squeeze %dma_wait3A_74 : memref<1x128x128xf32, #tpu.memory_space<hbm>> -> memref<128x128xf32, #tpu.memory_space<hbm>>
      %dma_wait3A_76 = arith.constant 0 : i32
      %dma_wait3A_77 = tpu.memref_slice %arg12[%add3A_60, %dma_wait3A_76] : memref<10240x128xf32, #tpu.memory_space<vmem_shared>> -> memref<128x128xf32, #tpu.memory_space<vmem_shared>>
      tpu.wait_dma2 semaphore(%run_scoped3A : memref<!tpu.dma_semaphore, #tpu.memory_space<semaphore_mem>>) src(%dma_wait3A_77 : memref<128x128xf32, #tpu.memory_space<vmem_shared>>) dst(%dma_wait3A_75 : memref<128x128xf32, #tpu.memory_space<hbm>>)
      tpu.yield
    }) : () -> ()
    %add3A_61 = arith.constant 128 : i32
    %add3A_62 = arith.addi %mul3A_7, %add3A_61 : i32
    "tpu.region"() ({
      %run_scoped3A = tpu.sem_alloc : memref<!tpu.dma_semaphore, #tpu.memory_space<semaphore_mem>>
      %dma_start3A_69 = arith.constant 0 : i32
      %dma_start3A_70 = tpu.memref_slice %arg5[%arg0, %add3A_62, %dma_start3A_69] : memref<2x10240x128xf32, #tpu.memory_space<hbm>> -> memref<1x128x128xf32, #tpu.memory_space<hbm>>
      %dma_start3A_71 = tpu.memref_squeeze %dma_start3A_70 : memref<1x128x128xf32, #tpu.memory_space<hbm>> -> memref<128x128xf32, #tpu.memory_space<hbm>>
      %dma_start3A_72 = arith.constant 0 : i32
      %dma_start3A_73 = tpu.memref_slice %arg12[%add3A_62, %dma_start3A_72] : memref<10240x128xf32, #tpu.memory_space<vmem_shared>> -> memref<128x128xf32, #tpu.memory_space<vmem_shared>>
      tpu.enqueue_dma source(%dma_start3A_73 : memref<128x128xf32, #tpu.memory_space<vmem_shared>>) target(%dma_start3A_71 : memref<128x128xf32, #tpu.memory_space<hbm>>) target_semaphore(%run_scoped3A : memref<!tpu.dma_semaphore, #tpu.memory_space<semaphore_mem>>)
      %dma_wait3A = arith.constant 0 : i32
      %dma_wait3A_74 = tpu.memref_slice %arg5[%arg0, %add3A_62, %dma_wait3A] : memref<2x10240x128xf32, #tpu.memory_space<hbm>> -> memref<1x128x128xf32, #tpu.memory_space<hbm>>
      %dma_wait3A_75 = tpu.memref_squeeze %dma_wait3A_74 : memref<1x128x128xf32, #tpu.memory_space<hbm>> -> memref<128x128xf32, #tpu.memory_space<hbm>>
      %dma_wait3A_76 = arith.constant 0 : i32
      %dma_wait3A_77 = tpu.memref_slice %arg12[%add3A_62, %dma_wait3A_76] : memref<10240x128xf32, #tpu.memory_space<vmem_shared>> -> memref<128x128xf32, #tpu.memory_space<vmem_shared>>
      tpu.wait_dma2 semaphore(%run_scoped3A : memref<!tpu.dma_semaphore, #tpu.memory_space<semaphore_mem>>) src(%dma_wait3A_77 : memref<128x128xf32, #tpu.memory_space<vmem_shared>>) dst(%dma_wait3A_75 : memref<128x128xf32, #tpu.memory_space<hbm>>)
      tpu.yield
    }) : () -> ()
    %add3A_63 = arith.constant 256 : i32
    %add3A_64 = arith.addi %mul3A_7, %add3A_63 : i32
    "tpu.region"() ({
      %run_scoped3A = tpu.sem_alloc : memref<!tpu.dma_semaphore, #tpu.memory_space<semaphore_mem>>
      %dma_start3A_69 = arith.constant 0 : i32
      %dma_start3A_70 = tpu.memref_slice %arg5[%arg0, %add3A_64, %dma_start3A_69] : memref<2x10240x128xf32, #tpu.memory_space<hbm>> -> memref<1x128x128xf32, #tpu.memory_space<hbm>>
      %dma_start3A_71 = tpu.memref_squeeze %dma_start3A_70 : memref<1x128x128xf32, #tpu.memory_space<hbm>> -> memref<128x128xf32, #tpu.memory_space<hbm>>
      %dma_start3A_72 = arith.constant 0 : i32
      %dma_start3A_73 = tpu.memref_slice %arg12[%add3A_64, %dma_start3A_72] : memref<10240x128xf32, #tpu.memory_space<vmem_shared>> -> memref<128x128xf32, #tpu.memory_space<vmem_shared>>
      tpu.enqueue_dma source(%dma_start3A_73 : memref<128x128xf32, #tpu.memory_space<vmem_shared>>) target(%dma_start3A_71 : memref<128x128xf32, #tpu.memory_space<hbm>>) target_semaphore(%run_scoped3A : memref<!tpu.dma_semaphore, #tpu.memory_space<semaphore_mem>>)
      %dma_wait3A = arith.constant 0 : i32
      %dma_wait3A_74 = tpu.memref_slice %arg5[%arg0, %add3A_64, %dma_wait3A] : memref<2x10240x128xf32, #tpu.memory_space<hbm>> -> memref<1x128x128xf32, #tpu.memory_space<hbm>>
      %dma_wait3A_75 = tpu.memref_squeeze %dma_wait3A_74 : memref<1x128x128xf32, #tpu.memory_space<hbm>> -> memref<128x128xf32, #tpu.memory_space<hbm>>
      %dma_wait3A_76 = arith.constant 0 : i32
      %dma_wait3A_77 = tpu.memref_slice %arg12[%add3A_64, %dma_wait3A_76] : memref<10240x128xf32, #tpu.memory_space<vmem_shared>> -> memref<128x128xf32, #tpu.memory_space<vmem_shared>>
      tpu.wait_dma2 semaphore(%run_scoped3A : memref<!tpu.dma_semaphore, #tpu.memory_space<semaphore_mem>>) src(%dma_wait3A_77 : memref<128x128xf32, #tpu.memory_space<vmem_shared>>) dst(%dma_wait3A_75 : memref<128x128xf32, #tpu.memory_space<hbm>>)
      tpu.yield
    }) : () -> ()
    %add3A_65 = arith.constant 384 : i32
    %add3A_66 = arith.addi %mul3A_7, %add3A_65 : i32
    "tpu.region"() ({
      %run_scoped3A = tpu.sem_alloc : memref<!tpu.dma_semaphore, #tpu.memory_space<semaphore_mem>>
      %dma_start3A_69 = arith.constant 0 : i32
      %dma_start3A_70 = tpu.memref_slice %arg5[%arg0, %add3A_66, %dma_start3A_69] : memref<2x10240x128xf32, #tpu.memory_space<hbm>> -> memref<1x128x128xf32, #tpu.memory_space<hbm>>
      %dma_start3A_71 = tpu.memref_squeeze %dma_start3A_70 : memref<1x128x128xf32, #tpu.memory_space<hbm>> -> memref<128x128xf32, #tpu.memory_space<hbm>>
      %dma_start3A_72 = arith.constant 0 : i32
      %dma_start3A_73 = tpu.memref_slice %arg12[%add3A_66, %dma_start3A_72] : memref<10240x128xf32, #tpu.memory_space<vmem_shared>> -> memref<128x128xf32, #tpu.memory_space<vmem_shared>>
      tpu.enqueue_dma source(%dma_start3A_73 : memref<128x128xf32, #tpu.memory_space<vmem_shared>>) target(%dma_start3A_71 : memref<128x128xf32, #tpu.memory_space<hbm>>) target_semaphore(%run_scoped3A : memref<!tpu.dma_semaphore, #tpu.memory_space<semaphore_mem>>)
      %dma_wait3A = arith.constant 0 : i32
      %dma_wait3A_74 = tpu.memref_slice %arg5[%arg0, %add3A_66, %dma_wait3A] : memref<2x10240x128xf32, #tpu.memory_space<hbm>> -> memref<1x128x128xf32, #tpu.memory_space<hbm>>
      %dma_wait3A_75 = tpu.memref_squeeze %dma_wait3A_74 : memref<1x128x128xf32, #tpu.memory_space<hbm>> -> memref<128x128xf32, #tpu.memory_space<hbm>>
      %dma_wait3A_76 = arith.constant 0 : i32
      %dma_wait3A_77 = tpu.memref_slice %arg12[%add3A_66, %dma_wait3A_76] : memref<10240x128xf32, #tpu.memory_space<vmem_shared>> -> memref<128x128xf32, #tpu.memory_space<vmem_shared>>
      tpu.wait_dma2 semaphore(%run_scoped3A : memref<!tpu.dma_semaphore, #tpu.memory_space<semaphore_mem>>) src(%dma_wait3A_77 : memref<128x128xf32, #tpu.memory_space<vmem_shared>>) dst(%dma_wait3A_75 : memref<128x128xf32, #tpu.memory_space<hbm>>)
      tpu.yield
    }) : () -> ()
    %add3A_67 = arith.constant 512 : i32
    %add3A_68 = arith.addi %mul3A_7, %add3A_67 : i32
    "tpu.region"() ({
      %run_scoped3A = tpu.sem_alloc : memref<!tpu.dma_semaphore, #tpu.memory_space<semaphore_mem>>
      %dma_start3A_69 = arith.constant 0 : i32
      %dma_start3A_70 = tpu.memref_slice %arg5[%arg0, %add3A_68, %dma_start3A_69] : memref<2x10240x128xf32, #tpu.memory_space<hbm>> -> memref<1x128x128xf32, #tpu.memory_space<hbm>>
      %dma_start3A_71 = tpu.memref_squeeze %dma_start3A_70 : memref<1x128x128xf32, #tpu.memory_space<hbm>> -> memref<128x128xf32, #tpu.memory_space<hbm>>
      %dma_start3A_72 = arith.constant 0 : i32
      %dma_start3A_73 = tpu.memref_slice %arg12[%add3A_68, %dma_start3A_72] : memref<10240x128xf32, #tpu.memory_space<vmem_shared>> -> memref<128x128xf32, #tpu.memory_space<vmem_shared>>
      tpu.enqueue_dma source(%dma_start3A_73 : memref<128x128xf32, #tpu.memory_space<vmem_shared>>) target(%dma_start3A_71 : memref<128x128xf32, #tpu.memory_space<hbm>>) target_semaphore(%run_scoped3A : memref<!tpu.dma_semaphore, #tpu.memory_space<semaphore_mem>>)
      %dma_wait3A = arith.constant 0 : i32
      %dma_wait3A_74 = tpu.memref_slice %arg5[%arg0, %add3A_68, %dma_wait3A] : memref<2x10240x128xf32, #tpu.memory_space<hbm>> -> memref<1x128x128xf32, #tpu.memory_space<hbm>>
      %dma_wait3A_75 = tpu.memref_squeeze %dma_wait3A_74 : memref<1x128x128xf32, #tpu.memory_space<hbm>> -> memref<128x128xf32, #tpu.memory_space<hbm>>
      %dma_wait3A_76 = arith.constant 0 : i32
      %dma_wait3A_77 = tpu.memref_slice %arg12[%add3A_68, %dma_wait3A_76] : memref<10240x128xf32, #tpu.memory_space<vmem_shared>> -> memref<128x128xf32, #tpu.memory_space<vmem_shared>>
      tpu.wait_dma2 semaphore(%run_scoped3A : memref<!tpu.dma_semaphore, #tpu.memory_space<semaphore_mem>>) src(%dma_wait3A_77 : memref<128x128xf32, #tpu.memory_space<vmem_shared>>) dst(%dma_wait3A_75 : memref<128x128xf32, #tpu.memory_space<hbm>>)
      tpu.yield
    }) : () -> ()
    return
  }
}

module attributes {stable_mosaic.version = 14 : i64} {
  func.func @body(%arg0: i32, %arg1: memref<1024x128xf32, #tpu.memory_space<vmem>>, %arg2: memref<128x128xf32, #tpu.memory_space<vmem>>, %arg3: memref<128x128xf32, #tpu.memory_space<vmem>>, %arg4: memref<1x128xf32, #tpu.memory_space<vmem>>, %arg5: memref<1024x128xf32, #tpu.memory_space<vmem>>, %arg6: memref<1024x128xf32, #tpu.memory_space<vmem>>) attributes {dimension_semantics = [#tpu.dimension_semantics<arbitrary>], iteration_bounds = array<i64: 10>, scalar_prefetch = 0 : i64, scratch_operands = 0 : i64, tpu.core_type = #tpu.core_type<tc>, window_params = [{transform_indices = @transform_0, window_bounds = array<i64: 1024, 128>}, {pipeline_mode = #tpu.pipeline_mode<synchronous>, transform_indices = @transform_1, window_bounds = array<i64: 128, 128>}, {pipeline_mode = #tpu.pipeline_mode<synchronous>, transform_indices = @transform_2, window_bounds = array<i64: 128, 128>}, {pipeline_mode = #tpu.pipeline_mode<synchronous>, transform_indices = @transform_3, window_bounds = array<i64: 1, 128>}, {transform_indices = @transform_4, window_bounds = array<i64: 1024, 128>}, {transform_indices = @transform_5, window_bounds = array<i64: 1024, 128>}]} {
    %get3A = arith.constant 0 : index
    %get3A_0 = arith.constant 0 : index
    %get3A_1 = vector.load %arg1[%get3A, %get3A_0] : memref<1024x128xf32, #tpu.memory_space<vmem>>, vector<1024x128xf32>
    %get3A_2 = arith.constant 0 : index
    %get3A_3 = arith.constant 0 : index
    %get3A_4 = vector.load %arg2[%get3A_2, %get3A_3] : memref<128x128xf32, #tpu.memory_space<vmem>>, vector<128x128xf32>
    %dot_general3A = arith.constant dense<0.000000e+00> : vector<1024x128xf32>
    %dot_general3A_5 = tpu.matmul %get3A_1, %get3A_4, %dot_general3A {dimension_numbers = #tpu.dot_dimension_numbers<[1], [0], [0], [1], [0, 0, 1, 1], [], []>, transpose_lhs_hint = false} : vector<1024x128xf32>, vector<128x128xf32>, vector<1024x128xf32> -> vector<1024x128xf32>
    %get3A_6 = arith.constant 0 : index
    %get3A_7 = arith.constant 0 : index
    %get3A_8 = vector.load %arg4[%get3A_6, %get3A_7] : memref<1x128xf32, #tpu.memory_space<vmem>>, vector<1x128xf32>
    %add3A = vector.broadcast %get3A_8 : vector<1x128xf32> to vector<1024x128xf32>
    %add3A_9 = arith.addf %dot_general3A_5, %add3A : vector<1024x128xf32>
    %swap3A = arith.constant 0 : index
    %swap3A_10 = arith.constant 0 : index
    %swap3A_11 = vector.load %arg5[%swap3A, %swap3A_10] : memref<1024x128xf32, #tpu.memory_space<vmem>>, vector<1024x128xf32>
    tpu.vector_store %arg5[%swap3A, %swap3A_10], %add3A_9 {strides = array<i32>} : memref<1024x128xf32, #tpu.memory_space<vmem>>, vector<1024x128xf32>,
    %get3A_12 = arith.constant 0 : index
    %get3A_13 = arith.constant 0 : index
    %get3A_14 = vector.load %arg3[%get3A_12, %get3A_13] : memref<128x128xf32, #tpu.memory_space<vmem>>, vector<128x128xf32>
    %dot_general3A_15 = arith.constant dense<0.000000e+00> : vector<1024x128xf32>
    %dot_general3A_16 = tpu.matmul %get3A_1, %get3A_14, %dot_general3A_15 {dimension_numbers = #tpu.dot_dimension_numbers<[1], [0], [0], [1], [0, 0, 1, 1], [], []>, transpose_lhs_hint = false} : vector<1024x128xf32>, vector<128x128xf32>, vector<1024x128xf32> -> vector<1024x128xf32>
    %swap3A_17 = arith.constant 0 : index
    %swap3A_18 = arith.constant 0 : index
    %swap3A_19 = vector.load %arg6[%swap3A_17, %swap3A_18] : memref<1024x128xf32, #tpu.memory_space<vmem>>, vector<1024x128xf32>
    tpu.vector_store %arg6[%swap3A_17, %swap3A_18], %dot_general3A_16 {strides = array<i32>} : memref<1024x128xf32, #tpu.memory_space<vmem>>, vector<1024x128xf32>,
    return
  }
  func.func @transform_0(%arg0: i32) -> (i32, i32) {
    %c0_i32 = arith.constant 0 : i32
    %c0_i32_0 = arith.constant 0 : i32
    return %arg0, %c0_i32 : i32, i32
  }
  func.func @transform_1(%arg0: i32) -> (i32, i32) {
    %c0_i32 = arith.constant 0 : i32
    %c0_i32_0 = arith.constant 0 : i32
    %c0_i32_1 = arith.constant 0 : i32
    return %c0_i32, %c0_i32_0 : i32, i32
  }
  func.func @transform_2(%arg0: i32) -> (i32, i32) {
    %c0_i32 = arith.constant 0 : i32
    %c0_i32_0 = arith.constant 0 : i32
    %c0_i32_1 = arith.constant 0 : i32
    return %c0_i32, %c0_i32_0 : i32, i32
  }
  func.func @transform_3(%arg0: i32) -> (i32, i32) {
    %c0_i32 = arith.constant 0 : i32
    %c0_i32_0 = arith.constant 0 : i32
    %c0_i32_1 = arith.constant 0 : i32
    return %c0_i32, %c0_i32_0 : i32, i32
  }
  func.func @transform_4(%arg0: i32) -> (i32, i32) {
    %c0_i32 = arith.constant 0 : i32
    %c0_i32_0 = arith.constant 0 : i32
    return %arg0, %c0_i32 : i32, i32
  }
  func.func @transform_5(%arg0: i32) -> (i32, i32) {
    %c0_i32 = arith.constant 0 : i32
    %c0_i32_0 = arith.constant 0 : i32
    return %arg0, %c0_i32 : i32, i32
  }
}

module attributes {stable_mosaic.version = 14 : i64} {
  func.func @body(%arg0: i32, %arg1: memref<1024x128xf32, #tpu.memory_space<vmem>>, %arg2: memref<2x1024x128xf32, #tpu.memory_space<vmem>>, %arg3: memref<2x1024x16xf32, #tpu.memory_space<vmem>>, %arg4: memref<128x128xf32, #tpu.memory_space<vmem>>, %arg5: memref<128x128xf32, #tpu.memory_space<vmem>>, %arg6: memref<1x128xf32, #tpu.memory_space<vmem>>, %arg7: memref<1024x128xf32, #tpu.memory_space<vmem>>, %arg8: memref<1024x128xf32, #tpu.memory_space<vmem>>) attributes {dimension_semantics = [#tpu.dimension_semantics<arbitrary>], iteration_bounds = array<i64: 10>, scalar_prefetch = 0 : i64, scratch_operands = 0 : i64, tpu.core_type = #tpu.core_type<tc>, window_params = [{transform_indices = @transform_0, window_bounds = array<i64: 1024, 128>}, {transform_indices = @transform_1, window_bounds = array<i64: 2, 1024, 128>}, {transform_indices = @transform_2, window_bounds = array<i64: 2, 1024, 16>}, {pipeline_mode = #tpu.pipeline_mode<synchronous>, transform_indices = @transform_3, window_bounds = array<i64: 128, 128>}, {pipeline_mode = #tpu.pipeline_mode<synchronous>, transform_indices = @transform_4, window_bounds = array<i64: 128, 128>}, {pipeline_mode = #tpu.pipeline_mode<synchronous>, transform_indices = @transform_5, window_bounds = array<i64: 1, 128>}, {transform_indices = @transform_6, window_bounds = array<i64: 1024, 128>}, {transform_indices = @transform_7, window_bounds = array<i64: 1024, 128>}]} {
    %get3A = arith.constant 0 : index
    %get3A_0 = arith.constant 0 : index
    %get3A_1 = arith.constant 0 : index
    %get3A_2 = vector.load %arg2[%get3A, %get3A_0, %get3A_1] : memref<2x1024x128xf32, #tpu.memory_space<vmem>>, vector<1x1024x128xf32>
    %get3A_3 = vector.shape_cast %get3A_2 : vector<1x1024x128xf32> to vector<1024x128xf32>
    %get3A_4 = arith.constant 1 : index
    %get3A_5 = arith.constant 0 : index
    %get3A_6 = arith.constant 0 : index
    %get3A_7 = vector.load %arg2[%get3A_4, %get3A_5, %get3A_6] : memref<2x1024x128xf32, #tpu.memory_space<vmem>>, vector<1x1024x128xf32>
    %get3A_8 = vector.shape_cast %get3A_7 : vector<1x1024x128xf32> to vector<1024x128xf32>
    %add3A = arith.addf %get3A_3, %get3A_8 : vector<1024x128xf32>
    %get3A_9 = arith.constant 0 : index
    %get3A_10 = arith.constant 0 : index
    %get3A_11 = arith.constant 0 : index
    %get3A_12 = vector.load %arg3[%get3A_9, %get3A_10, %get3A_11] : memref<2x1024x16xf32, #tpu.memory_space<vmem>>, vector<1x1024x1xf32>
    %get3A_13 = vector.shape_cast %get3A_12 : vector<1x1024x1xf32> to vector<1024x1xf32>
    %get3A_14 = arith.constant 1 : index
    %get3A_15 = arith.constant 0 : index
    %get3A_16 = arith.constant 0 : index
    %get3A_17 = vector.load %arg3[%get3A_14, %get3A_15, %get3A_16] : memref<2x1024x16xf32, #tpu.memory_space<vmem>>, vector<1x1024x1xf32>
    %get3A_18 = vector.shape_cast %get3A_17 : vector<1x1024x1xf32> to vector<1024x1xf32>
    %add3A_19 = arith.addf %get3A_13, %get3A_18 : vector<1024x1xf32>
    %max3A = arith.constant 1.000000e+00 : f32
    %max3A_20 = vector.broadcast %max3A : f32 to vector<1024x1xf32>
    %max3A_21 = arith.maximumf %add3A_19, %max3A_20 : vector<1024x1xf32>
    %div3A = arith.constant 1.000000e+00 : f32
    %div3A_22 = vector.broadcast %div3A : f32 to vector<1024x1xf32>
    %div3A_23 = arith.divf %div3A_22, %max3A_21 : vector<1024x1xf32>
    %get3A_24 = arith.constant 0 : index
    %get3A_25 = arith.constant 0 : index
    %get3A_26 = vector.load %arg1[%get3A_24, %get3A_25] : memref<1024x128xf32, #tpu.memory_space<vmem>>, vector<1024x128xf32>
    %mul3A = vector.broadcast %div3A_23 : vector<1024x1xf32> to vector<1024x128xf32>
    %mul3A_27 = arith.mulf %add3A, %mul3A : vector<1024x128xf32>
    %add3A_28 = arith.addf %get3A_26, %mul3A_27 : vector<1024x128xf32>
    %max3A_29 = arith.constant 0.000000e+00 : f32
    %max3A_30 = vector.broadcast %max3A_29 : f32 to vector<1024x128xf32>
    %max3A_31 = arith.maximumf %add3A_28, %max3A_30 : vector<1024x128xf32>
    %get3A_32 = arith.constant 0 : index
    %get3A_33 = arith.constant 0 : index
    %get3A_34 = vector.load %arg4[%get3A_32, %get3A_33] : memref<128x128xf32, #tpu.memory_space<vmem>>, vector<128x128xf32>
    %dot_general3A = arith.constant dense<0.000000e+00> : vector<1024x128xf32>
    %dot_general3A_35 = tpu.matmul %max3A_31, %get3A_34, %dot_general3A {dimension_numbers = #tpu.dot_dimension_numbers<[1], [0], [0], [1], [0, 0, 1, 1], [], []>, transpose_lhs_hint = false} : vector<1024x128xf32>, vector<128x128xf32>, vector<1024x128xf32> -> vector<1024x128xf32>
    %get3A_36 = arith.constant 0 : index
    %get3A_37 = arith.constant 0 : index
    %get3A_38 = vector.load %arg6[%get3A_36, %get3A_37] : memref<1x128xf32, #tpu.memory_space<vmem>>, vector<1x128xf32>
    %add3A_39 = vector.broadcast %get3A_38 : vector<1x128xf32> to vector<1024x128xf32>
    %add3A_40 = arith.addf %dot_general3A_35, %add3A_39 : vector<1024x128xf32>
    %swap3A = arith.constant 0 : index
    %swap3A_41 = arith.constant 0 : index
    %swap3A_42 = vector.load %arg7[%swap3A, %swap3A_41] : memref<1024x128xf32, #tpu.memory_space<vmem>>, vector<1024x128xf32>
    tpu.vector_store %arg7[%swap3A, %swap3A_41], %add3A_40 {strides = array<i32>} : memref<1024x128xf32, #tpu.memory_space<vmem>>, vector<1024x128xf32>,
    %get3A_43 = arith.constant 0 : index
    %get3A_44 = arith.constant 0 : index
    %get3A_45 = vector.load %arg5[%get3A_43, %get3A_44] : memref<128x128xf32, #tpu.memory_space<vmem>>, vector<128x128xf32>
    %dot_general3A_46 = arith.constant dense<0.000000e+00> : vector<1024x128xf32>
    %dot_general3A_47 = tpu.matmul %max3A_31, %get3A_45, %dot_general3A_46 {dimension_numbers = #tpu.dot_dimension_numbers<[1], [0], [0], [1], [0, 0, 1, 1], [], []>, transpose_lhs_hint = false} : vector<1024x128xf32>, vector<128x128xf32>, vector<1024x128xf32> -> vector<1024x128xf32>
    %swap3A_48 = arith.constant 0 : index
    %swap3A_49 = arith.constant 0 : index
    %swap3A_50 = vector.load %arg8[%swap3A_48, %swap3A_49] : memref<1024x128xf32, #tpu.memory_space<vmem>>, vector<1024x128xf32>
    tpu.vector_store %arg8[%swap3A_48, %swap3A_49], %dot_general3A_47 {strides = array<i32>} : memref<1024x128xf32, #tpu.memory_space<vmem>>, vector<1024x128xf32>,
    return
  }
  func.func @transform_0(%arg0: i32) -> (i32, i32) {
    %c0_i32 = arith.constant 0 : i32
    %c0_i32_0 = arith.constant 0 : i32
    return %arg0, %c0_i32 : i32, i32
  }
  func.func @transform_1(%arg0: i32) -> (i32, i32, i32) {
    %c0_i32 = arith.constant 0 : i32
    %c0_i32_0 = arith.constant 0 : i32
    %c0_i32_1 = arith.constant 0 : i32
    return %c0_i32, %arg0, %c0_i32_0 : i32, i32, i32
  }
  func.func @transform_2(%arg0: i32) -> (i32, i32, i32) {
    %c0_i32 = arith.constant 0 : i32
    %c0_i32_0 = arith.constant 0 : i32
    %c0_i32_1 = arith.constant 0 : i32
    return %c0_i32, %arg0, %c0_i32_0 : i32, i32, i32
  }
  func.func @transform_3(%arg0: i32) -> (i32, i32) {
    %c0_i32 = arith.constant 0 : i32
    %c0_i32_0 = arith.constant 0 : i32
    %c0_i32_1 = arith.constant 0 : i32
    return %c0_i32, %c0_i32_0 : i32, i32
  }
  func.func @transform_4(%arg0: i32) -> (i32, i32) {
    %c0_i32 = arith.constant 0 : i32
    %c0_i32_0 = arith.constant 0 : i32
    %c0_i32_1 = arith.constant 0 : i32
    return %c0_i32, %c0_i32_0 : i32, i32
  }
  func.func @transform_5(%arg0: i32) -> (i32, i32) {
    %c0_i32 = arith.constant 0 : i32
    %c0_i32_0 = arith.constant 0 : i32
    %c0_i32_1 = arith.constant 0 : i32
    return %c0_i32, %c0_i32_0 : i32, i32
  }
  func.func @transform_6(%arg0: i32) -> (i32, i32) {
    %c0_i32 = arith.constant 0 : i32
    %c0_i32_0 = arith.constant 0 : i32
    return %arg0, %c0_i32 : i32, i32
  }
  func.func @transform_7(%arg0: i32) -> (i32, i32) {
    %c0_i32 = arith.constant 0 : i32
    %c0_i32_0 = arith.constant 0 : i32
    return %arg0, %c0_i32 : i32, i32
  }
}

module attributes {stable_mosaic.version = 14 : i64} {
  func.func @body(%arg0: i32, %arg1: memref<1024x128xf32, #tpu.memory_space<vmem>>, %arg2: memref<2x1024x128xf32, #tpu.memory_space<vmem>>, %arg3: memref<2x1024x16xf32, #tpu.memory_space<vmem>>, %arg4: memref<128x48xf32, #tpu.memory_space<vmem>>, %arg5: memref<128x48xf32, #tpu.memory_space<vmem>>, %arg6: memref<1x48xf32, #tpu.memory_space<vmem>>, %arg7: memref<1024x48xf32, #tpu.memory_space<vmem>>, %arg8: memref<1024x48xf32, #tpu.memory_space<vmem>>) attributes {dimension_semantics = [#tpu.dimension_semantics<arbitrary>], iteration_bounds = array<i64: 10>, scalar_prefetch = 0 : i64, scratch_operands = 0 : i64, tpu.core_type = #tpu.core_type<tc>, window_params = [{transform_indices = @transform_0, window_bounds = array<i64: 1024, 128>}, {transform_indices = @transform_1, window_bounds = array<i64: 2, 1024, 128>}, {transform_indices = @transform_2, window_bounds = array<i64: 2, 1024, 16>}, {pipeline_mode = #tpu.pipeline_mode<synchronous>, transform_indices = @transform_3, window_bounds = array<i64: 128, 48>}, {pipeline_mode = #tpu.pipeline_mode<synchronous>, transform_indices = @transform_4, window_bounds = array<i64: 128, 48>}, {pipeline_mode = #tpu.pipeline_mode<synchronous>, transform_indices = @transform_5, window_bounds = array<i64: 1, 48>}, {transform_indices = @transform_6, window_bounds = array<i64: 1024, 48>}, {transform_indices = @transform_7, window_bounds = array<i64: 1024, 48>}]} {
    %get3A = arith.constant 0 : index
    %get3A_0 = arith.constant 0 : index
    %get3A_1 = arith.constant 0 : index
    %get3A_2 = vector.load %arg2[%get3A, %get3A_0, %get3A_1] : memref<2x1024x128xf32, #tpu.memory_space<vmem>>, vector<1x1024x128xf32>
    %get3A_3 = vector.shape_cast %get3A_2 : vector<1x1024x128xf32> to vector<1024x128xf32>
    %get3A_4 = arith.constant 1 : index
    %get3A_5 = arith.constant 0 : index
    %get3A_6 = arith.constant 0 : index
    %get3A_7 = vector.load %arg2[%get3A_4, %get3A_5, %get3A_6] : memref<2x1024x128xf32, #tpu.memory_space<vmem>>, vector<1x1024x128xf32>
    %get3A_8 = vector.shape_cast %get3A_7 : vector<1x1024x128xf32> to vector<1024x128xf32>
    %add3A = arith.addf %get3A_3, %get3A_8 : vector<1024x128xf32>
    %get3A_9 = arith.constant 0 : index
    %get3A_10 = arith.constant 0 : index
    %get3A_11 = arith.constant 0 : index
    %get3A_12 = vector.load %arg3[%get3A_9, %get3A_10, %get3A_11] : memref<2x1024x16xf32, #tpu.memory_space<vmem>>, vector<1x1024x1xf32>
    %get3A_13 = vector.shape_cast %get3A_12 : vector<1x1024x1xf32> to vector<1024x1xf32>
    %get3A_14 = arith.constant 1 : index
    %get3A_15 = arith.constant 0 : index
    %get3A_16 = arith.constant 0 : index
    %get3A_17 = vector.load %arg3[%get3A_14, %get3A_15, %get3A_16] : memref<2x1024x16xf32, #tpu.memory_space<vmem>>, vector<1x1024x1xf32>
    %get3A_18 = vector.shape_cast %get3A_17 : vector<1x1024x1xf32> to vector<1024x1xf32>
    %add3A_19 = arith.addf %get3A_13, %get3A_18 : vector<1024x1xf32>
    %max3A = arith.constant 1.000000e+00 : f32
    %max3A_20 = vector.broadcast %max3A : f32 to vector<1024x1xf32>
    %max3A_21 = arith.maximumf %add3A_19, %max3A_20 : vector<1024x1xf32>
    %div3A = arith.constant 1.000000e+00 : f32
    %div3A_22 = vector.broadcast %div3A : f32 to vector<1024x1xf32>
    %div3A_23 = arith.divf %div3A_22, %max3A_21 : vector<1024x1xf32>
    %get3A_24 = arith.constant 0 : index
    %get3A_25 = arith.constant 0 : index
    %get3A_26 = vector.load %arg1[%get3A_24, %get3A_25] : memref<1024x128xf32, #tpu.memory_space<vmem>>, vector<1024x128xf32>
    %mul3A = vector.broadcast %div3A_23 : vector<1024x1xf32> to vector<1024x128xf32>
    %mul3A_27 = arith.mulf %add3A, %mul3A : vector<1024x128xf32>
    %add3A_28 = arith.addf %get3A_26, %mul3A_27 : vector<1024x128xf32>
    %max3A_29 = arith.constant 0.000000e+00 : f32
    %max3A_30 = vector.broadcast %max3A_29 : f32 to vector<1024x128xf32>
    %max3A_31 = arith.maximumf %add3A_28, %max3A_30 : vector<1024x128xf32>
    %get3A_32 = arith.constant 0 : index
    %get3A_33 = arith.constant 0 : index
    %get3A_34 = vector.load %arg4[%get3A_32, %get3A_33] : memref<128x48xf32, #tpu.memory_space<vmem>>, vector<128x48xf32>
    %dot_general3A = arith.constant dense<0.000000e+00> : vector<1024x48xf32>
    %dot_general3A_35 = tpu.matmul %max3A_31, %get3A_34, %dot_general3A {dimension_numbers = #tpu.dot_dimension_numbers<[1], [0], [0], [1], [0, 0, 1, 1], [], []>, transpose_lhs_hint = false} : vector<1024x128xf32>, vector<128x48xf32>, vector<1024x48xf32> -> vector<1024x48xf32>
    %get3A_36 = arith.constant 0 : index
    %get3A_37 = arith.constant 0 : index
    %get3A_38 = vector.load %arg6[%get3A_36, %get3A_37] : memref<1x48xf32, #tpu.memory_space<vmem>>, vector<1x48xf32>
    %add3A_39 = vector.broadcast %get3A_38 : vector<1x48xf32> to vector<1024x48xf32>
    %add3A_40 = arith.addf %dot_general3A_35, %add3A_39 : vector<1024x48xf32>
    %swap3A = arith.constant 0 : index
    %swap3A_41 = arith.constant 0 : index
    %swap3A_42 = vector.load %arg7[%swap3A, %swap3A_41] : memref<1024x48xf32, #tpu.memory_space<vmem>>, vector<1024x48xf32>
    tpu.vector_store %arg7[%swap3A, %swap3A_41], %add3A_40 {strides = array<i32>} : memref<1024x48xf32, #tpu.memory_space<vmem>>, vector<1024x48xf32>,
    %get3A_43 = arith.constant 0 : index
    %get3A_44 = arith.constant 0 : index
    %get3A_45 = vector.load %arg5[%get3A_43, %get3A_44] : memref<128x48xf32, #tpu.memory_space<vmem>>, vector<128x48xf32>
    %dot_general3A_46 = arith.constant dense<0.000000e+00> : vector<1024x48xf32>
    %dot_general3A_47 = tpu.matmul %max3A_31, %get3A_45, %dot_general3A_46 {dimension_numbers = #tpu.dot_dimension_numbers<[1], [0], [0], [1], [0, 0, 1, 1], [], []>, transpose_lhs_hint = false} : vector<1024x128xf32>, vector<128x48xf32>, vector<1024x48xf32> -> vector<1024x48xf32>
    %swap3A_48 = arith.constant 0 : index
    %swap3A_49 = arith.constant 0 : index
    %swap3A_50 = vector.load %arg8[%swap3A_48, %swap3A_49] : memref<1024x48xf32, #tpu.memory_space<vmem>>, vector<1024x48xf32>
    tpu.vector_store %arg8[%swap3A_48, %swap3A_49], %dot_general3A_47 {strides = array<i32>} : memref<1024x48xf32, #tpu.memory_space<vmem>>, vector<1024x48xf32>,
    return
  }
  func.func @transform_0(%arg0: i32) -> (i32, i32) {
    %c0_i32 = arith.constant 0 : i32
    %c0_i32_0 = arith.constant 0 : i32
    return %arg0, %c0_i32 : i32, i32
  }
  func.func @transform_1(%arg0: i32) -> (i32, i32, i32) {
    %c0_i32 = arith.constant 0 : i32
    %c0_i32_0 = arith.constant 0 : i32
    %c0_i32_1 = arith.constant 0 : i32
    return %c0_i32, %arg0, %c0_i32_0 : i32, i32, i32
  }
  func.func @transform_2(%arg0: i32) -> (i32, i32, i32) {
    %c0_i32 = arith.constant 0 : i32
    %c0_i32_0 = arith.constant 0 : i32
    %c0_i32_1 = arith.constant 0 : i32
    return %c0_i32, %arg0, %c0_i32_0 : i32, i32, i32
  }
  func.func @transform_3(%arg0: i32) -> (i32, i32) {
    %c0_i32 = arith.constant 0 : i32
    %c0_i32_0 = arith.constant 0 : i32
    %c0_i32_1 = arith.constant 0 : i32
    return %c0_i32, %c0_i32_0 : i32, i32
  }
  func.func @transform_4(%arg0: i32) -> (i32, i32) {
    %c0_i32 = arith.constant 0 : i32
    %c0_i32_0 = arith.constant 0 : i32
    %c0_i32_1 = arith.constant 0 : i32
    return %c0_i32, %c0_i32_0 : i32, i32
  }
  func.func @transform_5(%arg0: i32) -> (i32, i32) {
    %c0_i32 = arith.constant 0 : i32
    %c0_i32_0 = arith.constant 0 : i32
    %c0_i32_1 = arith.constant 0 : i32
    return %c0_i32, %c0_i32_0 : i32, i32
  }
  func.func @transform_6(%arg0: i32) -> (i32, i32) {
    %c0_i32 = arith.constant 0 : i32
    %c0_i32_0 = arith.constant 0 : i32
    return %arg0, %c0_i32 : i32, i32
  }
  func.func @transform_7(%arg0: i32) -> (i32, i32) {
    %c0_i32 = arith.constant 0 : i32
    %c0_i32_0 = arith.constant 0 : i32
    return %arg0, %c0_i32 : i32, i32
  }
}

module attributes {stable_mosaic.version = 14 : i64} {
  func.func @body(%arg0: i32, %arg1: memref<1024x48xf32, #tpu.memory_space<vmem>>, %arg2: memref<2x1024x48xf32, #tpu.memory_space<vmem>>, %arg3: memref<2x1024x16xf32, #tpu.memory_space<vmem>>, %arg4: memref<1024x48xf32, #tpu.memory_space<vmem>>) attributes {dimension_semantics = [#tpu.dimension_semantics<arbitrary>], iteration_bounds = array<i64: 10>, scalar_prefetch = 0 : i64, scratch_operands = 0 : i64, tpu.core_type = #tpu.core_type<tc>, window_params = [{transform_indices = @transform_0, window_bounds = array<i64: 1024, 48>}, {transform_indices = @transform_1, window_bounds = array<i64: 2, 1024, 48>}, {transform_indices = @transform_2, window_bounds = array<i64: 2, 1024, 16>}, {transform_indices = @transform_3, window_bounds = array<i64: 1024, 48>}]} {
    %get3A = arith.constant 0 : index
    %get3A_0 = arith.constant 0 : index
    %get3A_1 = arith.constant 0 : index
    %get3A_2 = vector.load %arg2[%get3A, %get3A_0, %get3A_1] : memref<2x1024x48xf32, #tpu.memory_space<vmem>>, vector<1x1024x48xf32>
    %get3A_3 = vector.shape_cast %get3A_2 : vector<1x1024x48xf32> to vector<1024x48xf32>
    %get3A_4 = arith.constant 1 : index
    %get3A_5 = arith.constant 0 : index
    %get3A_6 = arith.constant 0 : index
    %get3A_7 = vector.load %arg2[%get3A_4, %get3A_5, %get3A_6] : memref<2x1024x48xf32, #tpu.memory_space<vmem>>, vector<1x1024x48xf32>
    %get3A_8 = vector.shape_cast %get3A_7 : vector<1x1024x48xf32> to vector<1024x48xf32>
    %add3A = arith.addf %get3A_3, %get3A_8 : vector<1024x48xf32>
    %get3A_9 = arith.constant 0 : index
    %get3A_10 = arith.constant 0 : index
    %get3A_11 = arith.constant 0 : index
    %get3A_12 = vector.load %arg3[%get3A_9, %get3A_10, %get3A_11] : memref<2x1024x16xf32, #tpu.memory_space<vmem>>, vector<1x1024x1xf32>
    %get3A_13 = vector.shape_cast %get3A_12 : vector<1x1024x1xf32> to vector<1024x1xf32>
    %get3A_14 = arith.constant 1 : index
    %get3A_15 = arith.constant 0 : index
    %get3A_16 = arith.constant 0 : index
    %get3A_17 = vector.load %arg3[%get3A_14, %get3A_15, %get3A_16] : memref<2x1024x16xf32, #tpu.memory_space<vmem>>, vector<1x1024x1xf32>
    %get3A_18 = vector.shape_cast %get3A_17 : vector<1x1024x1xf32> to vector<1024x1xf32>
    %add3A_19 = arith.addf %get3A_13, %get3A_18 : vector<1024x1xf32>
    %max3A = arith.constant 1.000000e+00 : f32
    %max3A_20 = vector.broadcast %max3A : f32 to vector<1024x1xf32>
    %max3A_21 = arith.maximumf %add3A_19, %max3A_20 : vector<1024x1xf32>
    %div3A = arith.constant 1.000000e+00 : f32
    %div3A_22 = vector.broadcast %div3A : f32 to vector<1024x1xf32>
    %div3A_23 = arith.divf %div3A_22, %max3A_21 : vector<1024x1xf32>
    %get3A_24 = arith.constant 0 : index
    %get3A_25 = arith.constant 0 : index
    %get3A_26 = vector.load %arg1[%get3A_24, %get3A_25] : memref<1024x48xf32, #tpu.memory_space<vmem>>, vector<1024x48xf32>
    %mul3A = vector.broadcast %div3A_23 : vector<1024x1xf32> to vector<1024x48xf32>
    %mul3A_27 = arith.mulf %add3A, %mul3A : vector<1024x48xf32>
    %add3A_28 = arith.addf %get3A_26, %mul3A_27 : vector<1024x48xf32>
    %swap3A = arith.constant 0 : index
    %swap3A_29 = arith.constant 0 : index
    %swap3A_30 = vector.load %arg4[%swap3A, %swap3A_29] : memref<1024x48xf32, #tpu.memory_space<vmem>>, vector<1024x48xf32>
    tpu.vector_store %arg4[%swap3A, %swap3A_29], %add3A_28 {strides = array<i32>} : memref<1024x48xf32, #tpu.memory_space<vmem>>, vector<1024x48xf32>,
    return
  }
  func.func @transform_0(%arg0: i32) -> (i32, i32) {
    %c0_i32 = arith.constant 0 : i32
    %c0_i32_0 = arith.constant 0 : i32
    return %arg0, %c0_i32 : i32, i32
  }
  func.func @transform_1(%arg0: i32) -> (i32, i32, i32) {
    %c0_i32 = arith.constant 0 : i32
    %c0_i32_0 = arith.constant 0 : i32
    %c0_i32_1 = arith.constant 0 : i32
    return %c0_i32, %arg0, %c0_i32_0 : i32, i32, i32
  }
  func.func @transform_2(%arg0: i32) -> (i32, i32, i32) {
    %c0_i32 = arith.constant 0 : i32
    %c0_i32_0 = arith.constant 0 : i32
    %c0_i32_1 = arith.constant 0 : i32
    return %c0_i32, %arg0, %c0_i32_0 : i32, i32, i32
  }
  func.func @transform_3(%arg0: i32) -> (i32, i32) {
    %c0_i32 = arith.constant 0 : i32
    %c0_i32_0 = arith.constant 0 : i32
    return %arg0, %c0_i32 : i32, i32
  }
}

</mosaic_0001>

<sc_bundles>
// kernel: kernel.10.cloned.1.call-start
scs
__scs_entry_jumppad:
0x0: {  	(pc) =	sbr.rel $0x88, $3  }
0x1: {  	(tag) =	ssettag $0x0;
	lr =	simm.s32 $0x1  }
0x2: {  	[smem:$0x3F96] =	sst lr;
	_ =	strace $0xD0000000  }
0x3: {  	_ = 	snop  }
0x4: {  	_ = 	snop  }
0x5: {  	_ = 	snop  }
0x6: {  	_ = 	snop  }
0x7: {  	_ = 	snop  }
__scs_overlays_trampoline_lowered:
0x8: {  	[smem:$0x3FA5] =	sst s0  }
0x9: {  	[smem:$0x3FA6] =	sst s1  }
0xa: {  	[smem:$0x3FA7] =	sst s2  }
0xb: {  	[smem:$0x3FA8] =	sst s3  }
0xc: {  	[smem:$0x3FA9] =	sst s4  }
0xd: {  	[smem:$0x3FAA] =	sst s5  }
0xe: {  	[smem:$0x3FAB] =	sst s6  }
0xf: {  	[smem:$0x3FAC] =	sst s7  }
0x10: {  	[smem:$0x3FAD] =	sst s8  }
0x11: {  	[smem:$0x3FAE] =	sst s9;
	s0 =	simm.s32 @!p0 $0x0  }
0x12: {  	s1 =	sld [smem:$0x3F94];
	s0 =	simm.s32 @p0 $0x1  }
0x13: {  	[smem:$0x3FAF] =	sst s0;
	s0 =	simm.s32 @!p1 $0x0  }
0x14: {  	s2 =	sld [smem:$0x3F93];
	s0 =	simm.s32 @p1 $0x1  }
0x15: {  	[smem:$0x3FB0] =	sst s0;
	s0 =	simm.s32 @!p2 $0x0  }
0x16: {  	s3 =	sld [smem:$0x3FDB];
	s0 =	simm.s32 @p2 $0x1  }
0x17: {  	s4 =	simm.s32 $0x1BF5;
	[smem:$0x3FB2] =	sst s0  }
0x18: {  	s0 =	sld [smem:$0x3F95];
	_ =	swait.ge [sflag:s4], $0x0  }
0x19: {  	s7 =	sld [smem:$0x3F96]  }
0x1a: {  	s8 =	sadd.s32 $0xFFFFE003, lr  }
0x1b: {  	s9 =	sadd.s32 $0xFFFFFEF7, lr;
	s5 =	simm.s32 $0xFFFFFFFF;
	p2 =	slt.u32 s8, $0xFFFFF086  }
0x1c: {  	p1 =	slt.u32 s9, $0xF7A;
	s5 =	simm.s32 @!p2 $0x0  }
0x1d: {  	s5 =	simm.s32 @p1 $0x1;
	p0 =	seq.s32 s7, s2  }
0x1e: {  	s7 =	smul.u32 @!p0 $0xF7A, s2;
	p2 =	seq.s32 @!p0 s5, $0x0  }
0x1f: {  	s9 =	smul.u32 $0xF7A, s1;
	s8 =	simm.s32 @!p0 $0x1BF5;
	p2 =	por !p2, p0  }
0x20: {  	[sflag:s8] =	ssyncset.s32 @!p0 $0xFFFFF086;
	s6 =	sadd.s32 @!p0 s3, s7;
	s7 =	simm.s32 @!p0 $0x108  }
0x21: {  	s3 =	sadd.s32 s3, s9;
	s6 =	sadd.s32 @!p0 $0x88, s6;
	s7 =	simm.s32 @p2 $0x1082  }
0x22: {  	[simem:s7], [sflag:s8] =	dma.local @!p0 [hbm:s6], $0xF7A  }
0x23: {  	s9 =	sor.u32 $0xD0000000, s2;
	s6 =	simm.s32 $0x108;
	_ =	swait.ge @!p0 [sflag:s8], $0x0  }
0x24: {  	s3 =	sadd.s32 $0x88, s3;
	s6 =	simm.s32 @!p1 $0x1082;
	[sflag:s4] =	ssyncset.s32 $0xFFFFF086  }
0x25: {  	[simem:s6], [sflag:s4] =	dma.local [hbm:s3], $0xF7A  }
0x26: {  	[smem:$0x3F96] =	sst s1;
	(tag) =	ssettag s2;
	_ =	strace s9  }
0x27: {  	s1 =	sld [smem:$0x3FA6]  }
0x28: {  	s2 =	sld [smem:$0x3FA7]  }
0x29: {  	s4 =	sld [smem:$0x3FA9]  }
0x2a: {  	p0 =	seq.s32 s5, $0x0;
	s5 =	sld [smem:$0x3FAA]  }
0x2b: {  	s6 =	sld [smem:$0x3FAB]  }
0x2c: {  	s7 =	sld [smem:$0x3FAC]  }
0x2d: {  	s3 =	simm.s32 $0x108;
	s8 =	sld [smem:$0x3FAD]  }
0x2e: {  	s3 =	simm.s32 @!p0 $0x1082;
	s9 =	sld [smem:$0x3FAE]  }
0x2f: {  	lr =	sadd.s32 s0, s3;
	s0 =	sld [smem:$0x3FA5]  }
0x30: {  	s3 =	sld [smem:$0x3FA8]  }
0x31: {  	[smem:$0x3FB1] =	sst s10  }
0x32: {  	s10 =	sld [smem:$0x3FAF];
	_ =	sdelay $0x3  }
0x33: {  	p0 =	seq.s32 s10, $0x1;
	s10 =	sld [smem:$0x3FB1];
	_ =	sdelay $0x3  }
0x34: {  	[smem:$0x3FB1] =	sst s10  }
0x35: {  	s10 =	sld [smem:$0x3FB0];
	_ =	sdelay $0x3  }
0x36: {  	p1 =	seq.s32 s10, $0x1;
	s10 =	sld [smem:$0x3FB1];
	_ =	sdelay $0x3  }
0x37: {  	[smem:$0x3FB1] =	sst s10  }
0x38: {  	s10 =	sld [smem:$0x3FB2]  }
0x39: {  	_ = 	snop;
	(pc) =	sbr.ind lr, $3  }
0x3a: {  	_ = 	snop  }
0x3b: {  	_ = 	snop  }
0x3c: {  	p2 =	seq.s32 s10, $0x1;
	s10 =	sld [smem:$0x3FB1]  }
0x3d: {  	_ =	shalt  }
0x3e: {  	_ =	shalt  }
0x3f: {  	_ =	shalt  }
0x40: {  	_ =	shalt  }
0x41: {  	_ =	shalt  }
0x42: {  	_ =	shalt  }
0x43: {  	_ =	shalt  }
0x44: {  	_ =	shalt  }
0x45: {  	_ =	shalt  }
0x46: {  	_ =	shalt  }
0x47: {  	_ =	shalt  }
0x48: {  	_ =	shalt  }
0x49: {  	_ =	shalt  }
0x4a: {  	_ =	shalt  }
0x4b: {  	_ =	shalt  }
0x4c: {  	_ =	shalt  }
0x4d: {  	_ =	shalt  }
0x4e: {  	_ =	shalt  }
0x4f: {  	_ =	shalt  }
0x50: {  	_ =	shalt  }
0x51: {  	_ =	shalt  }
0x52: {  	_ =	shalt  }
0x53: {  	_ =	shalt  }
0x54: {  	_ =	shalt  }
0x55: {  	_ =	shalt  }
0x56: {  	_ =	shalt  }
0x57: {  	_ =	shalt  }
0x58: {  	_ =	shalt  }
0x59: {  	_ =	shalt  }
0x5a: {  	_ =	shalt  }
0x5b: {  	_ =	shalt  }
0x5c: {  	_ =	shalt  }
0x5d: {  	_ =	shalt  }
0x5e: {  	_ =	shalt  }
0x5f: {  	_ =	shalt  }
0x60: {  	_ =	shalt  }
0x61: {  	_ =	shalt  }
0x62: {  	_ =	shalt  }
0x63: {  	_ =	shalt  }
0x64: {  	_ =	shalt  }
0x65: {  	_ =	shalt  }
0x66: {  	_ =	shalt  }
0x67: {  	_ =	shalt  }
0x68: {  	_ =	shalt  }
0x69: {  	_ =	shalt  }
0x6a: {  	_ =	shalt  }
0x6b: {  	_ =	shalt  }
0x6c: {  	_ =	shalt  }
0x6d: {  	_ =	shalt  }
0x6e: {  	_ =	shalt  }
0x6f: {  	_ =	shalt  }
0x70: {  	_ =	shalt  }
0x71: {  	_ =	shalt  }
0x72: {  	_ =	shalt  }
0x73: {  	_ =	shalt  }
0x74: {  	_ =	shalt  }
0x75: {  	_ =	shalt  }
0x76: {  	_ =	shalt  }
0x77: {  	_ =	shalt  }
0x78: {  	_ =	shalt  }
0x79: {  	_ =	shalt  }
0x7a: {  	_ =	shalt  }
0x7b: {  	_ =	shalt  }
0x7c: {  	_ =	shalt  }
0x7d: {  	_ =	shalt  }
0x7e: {  	_ =	shalt  }
0x7f: {  	_ =	shalt  }
0x80: {  	_ =	shalt  }
0x81: {  	_ =	shalt  }
0x82: {  	_ =	shalt  }
0x83: {  	_ =	shalt  }
0x84: {  	_ =	shalt  }
0x85: {  	_ =	shalt  }
0x86: {  	_ =	shalt  }
0x87: {  	_ =	shalt  }
.Lfunc_end0:
.L_simem_size_0:
called_computation_lowered:
.L_overlay_start_0:
0x88: {  	s2 =	sld [smem:$0x3FD9]  }
0x89: {  	s3 =	sld [smem:$0x3FFE];
	_ =	sdelay $0x1  }
0x8a: {  	s1 =	srdreg.scid  }
0x8b: {  	s0 =	sand.u32 $0x1, s1  }
0x8c: {  	s16 =	sshll.u32 s0, $0xA;
	s2 =	sadd.s32 s3, s2  }
0x8d: {  	s2 =	sadd.s32 s2, s16  }
0x8e: {  	[smem:$0x3FBD] =	sst s2  }
0x8f: {  	_ = 	snop  }
0x90: {  	(tm) =	ssettm $0x1  }
0x91: {  	s17 =	sld [smem:$0x3FFB];
	_ =	sdelay $0x3  }
0x92: {  	_ =	strace s17  }
0x93: {  	s2 =	sld [smem:$0x3FFC];
	_ =	sdelay $0x3  }
0x94: {  	_ =	strace s2  }
0x95: {  	s2 =	sld [smem:$0x3FFD];
	_ =	sdelay $0x3  }
0x96: {  	_ =	strace s2  }
0x97: {  	_ =	strace $0x8FFFFFFF  }
0x98: {  	s18 =	sld [smem:$0x3FDB];
	_ =	sdelay $0x1  }
0x99: {  	s19 =	simm.s32 $_scs_section_size  }
0x9a: {  	s4 =	simm.s32 $_size__tile_overlayer_lowered;
	s5 =	simm.s32 $_tile_overlayer_lowered  }
0x9b: {  	s22 =	simm.s32 $0x1BFF;
	s21 =	sshll.u32 s5, $0x1;
	s2 =	sadd.s32 s19, s18  }
0x9c: {  	s6 =	simm.s32 $0x0;
	s20 =	sshll.u32 s4, $0x1;
	s4 =	sadd.s32 s21, s2  }
0x9d: {  	[timem:s6], [sflag:s22] =	dma.local [hbm:s4], s20  }
0x9e: {  	_ =	swait.ge [sflag:s22], s20  }
0x9f: {  	s3 =	ssub.s32 $0x0, s20;
	[sflag:s22] =	ssyncset.done $0x0  }
0xa0: {  	[sflag:s22] =	ssyncadd.s32 s3;
	_ =	sdelay $0x1  }
0xa1: {  	s23 =	simm.s32 $0x1B8B  }
0xa2: {  	_ =	swait.ge [sflag:s23], $0x1  }
0xa3: {  	[sflag:s23] =	ssyncset.done $0x0  }
0xa4: {  	s25 =	simm.s32 $0x1B8E;
	s24 =	sld [smem:$0x3FFE];
	[sflag:s23] =	ssyncadd.s32 $0xFFFFFFFF  }
0xa5: {  	s26 =	simm.s32 $execute0_lowered;
	[smem:$0x3FD2] =	sst s25  }
0xa6: {  	s4 =	sshll.u32 s26, $0x1;
	_ =	strace $0x80000046;
	[dreg:$0x1] =	wrdreg $0xFFFFFFFF  }
0xa7: {  	s28 =	simm.s32 $_size_execute0_lowered;
	s2 =	sadd.s32 s2, s4;
	[dreg:$0x0] =	wrdreg $0x0  }
0xa8: {  	s4 =	sshll.u32 s28, $0x1;
	[dreg:$0x2] =	wrdreg s2  }
0xa9: {  	[dreg:$0x3] =	wrdreg s4  }
0xaa: {  	[dreg:$0x4] =	wrdreg $0xC0  }
0xab: {  	_ =	task [dreg:s6], $0x5FFFF  }
0xac: {  	[dreg:$0x1] =	wrdreg $0xFFFFFFFF  }
0xad: {  	[dreg:$0x0] =	wrdreg $0x60  }
0xae: {  	[dreg:$0x2] =	wrdreg s24  }
0xaf: {  	[dreg:$0x3] =	wrdreg $0x10000  }
0xb0: {  	[dreg:$0x4] =	wrdreg $0x9  }
0xb1: {  	_ =	task.clear_ibuf [dreg:s6], $0x5FFFF;
	_ =	strace $0x90000046  }
0xb2: {  	s29 =	simm.s32 $0x9;
	_ =	strace $0x80000048  }
0xb3: {  	_ =	swait.ge [sflag:s29], $0x1  }
0xb4: {  	[sflag:s29] =	ssyncadd.s32 $0xFFFFFFFF  }
0xb5: {  	_ =	strace $0x90000048  }
0xb6: {  	_ =	sfence  }
0xb7: {  	s30 =	sld [smem:$0x0];
	_ =	sdelay $0x2  }
0xb8: {  	s31 =	sshll.u32 s1, $0xD;
	s1 =	sshrl.u32 s1, $0x2  }
0xb9: {  	s3 =	sand.u32 $0x4000, s31;
	s1 =	sadd.s32 s1, s30  }
0xba: {  	s0 =	sor.u32 s3, s0;
	s1 =	sshll.u32 s1, $0x11  }
0xbb: {  	s0 =	sor.u32 s1, s0  }
0xbc: {  	s0 =	sadd.s32 $0x8F2B, s0  }
0xbd: {  	[sflag:s0] =	ssyncadd.remote.s32 $0x1  }
0xbe: {  	_ =	sfence.sel $0xFFFF  }
0xbf: {  	[dreg:$0x0] =	wrdreg $0xFFFFFFFF;
	(pc) =	sbr.abs _section_cstart, $3  }
0xc0: {  	[dreg:$0x1] =	wrdreg $0xFFFFFFFF  }
0xc1: {  	_ =	task.clear_ibuf [dreg:s6], $0x2FFFF;
	_ =	strace $0x9FFFFFFF  }
0xc2: {  	(tm) =	ssettm $0x7FFFFFFF  }
0xc3: {  	_ =	shalt  }
tec
execute0_lowered:
.L_overlay_start_1:
0x0: {  	(tag) =	ssettag $0x1  }
0x1: {  	s0 =	rddreg [dreg:$0x0]  }
0x2: {  	s1 =	rddreg [dreg:$0x1];
	s3 =	simm.s32 $0x0  }
0x3: {  	s2 =	srdreg.scid;
	s8 =	stileid.u32;
	s28 =	simm.s32 $0x200  }
0x4: {  	s29 =	simm.s32 $0x280;
	s30 =	simm.s32 $0x300;
	s31 =	simm.s32 $0x380  }
0x5: {  	[smem:$0x7FF] =	sst s3;
	s2 =	sand.u32 $0x1, s2;
	s4 =	sadd.s32 $0x2E00, s0  }
0x6: {  	s10 =	smul.u32 $0x2800, s8;
	s0 =	sadd.s32 $0xCE00, s0;
	_ =	strace $0x80000047  }
0x7: {  	s5 =	ssub.s32 $0x2, s2;
	s7 =	sshll.u32 s2, $0x4;
	s2 =	smul.u32 $0x28000, s2  }
0x8: {  	s6 =	sshrl.u32 s5, $0x1;
	s24 =	sor.u32 s8, s7;
	s7 =	sadd.s32 s10, s1  }
0x9: {  	s11 =	sadd.s32 $0x800, s10;
	s12 =	sadd.s32 $0x1000, s10;
	s13 =	sadd.s32 $0x1800, s10  }
0xa: {  	s14 =	sadd.s32 $0x2000, s10;
	s5 =	ssub.s32 s5, s6;
	s8 =	smul.u32 $0x2800, s24  }
0xb: {  	s25 =	sadd.s32 s11, s1;
	s26 =	sadd.s32 s12, s1;
	s9 =	sadd.s32 s13, s1  }
0xc: {  	s10 =	sadd.s32 s10, s2;
	s11 =	sadd.s32 s2, s11;
	[dreg:$0x3] =	wrdreg s25  }
0xd: {  	s12 =	sadd.s32 s2, s12;
	s21 =	sadd.s32 s2, s13;
	[dreg:$0x4] =	wrdreg s26  }
0xe: {  	s2 =	sadd.s32 s2, s14;
	s13 =	simm.s32 $0x600;
	[dreg:$0x5] =	wrdreg s9  }
0xf: {  	s9 =	sadd.s32 s14, s1;
	s16 =	sshrl.u32 s10, $0x3;
	s11 =	sshrl.u32 s11, $0x3  }
0x10: {  	s19 =	sshrl.u32 s12, $0x3;
	s2 =	sshrl.u32 s2, $0x3;
	s22 =	sadd.s32 $0xC00, s10  }
0x11: {  	s25 =	smax.u32 s5, $0x1;
	s26 =	sadd.s32 $0x800, s10;
	s12 =	simm.s32 $0x500  }
0x12: {  	s10 =	simm.s32 $0x580;
	s14 =	simm.s32 $0x680;
	s15 =	sshrl.u32 s8, $0x3  }
0x13: {  	s17 =	sadd.s32 s0, s16;
	s18 =	sadd.s32 s0, s11;
	s20 =	sadd.s32 s0, s19  }
0x14: {  	s11 =	sshrl.u32 s21, $0x3;
	s24 =	sshrl.u32 s22, $0x3;
	[dreg:$0xd] =	wrdreg s25  }
0x15: {  	[dreg:$0xe] =	wrdreg s26;
	s21 =	simm.s32 $0x4;
	s22 =	simm.s32 $0x400  }
0x16: {  	s25 =	simm.s32 $0x100;
	s26 =	simm.s32 $0x180;
	[dreg:$0x8] =	wrdreg s17  }
0x17: {  	s16 =	simm.s32 $0x780;
	s15 =	sadd.s32 s4, s15;
	[dreg:$0x9] =	wrdreg s18  }
0x18: {  	[dreg:$0xa] =	wrdreg s20;
	s23 =	sadd.s32 s0, s11;
	s0 =	sadd.s32 s0, s2  }
.Ltmp0:
0x19: {  	s18 =	sadd.s32 s24, s4;
	s20 =	simm.s32 $0x800;
	(pc) =	sbr.rel .LBB2_1-.Ltmp0, $4  }
0x1a: {  	s24 =	simm.s32 $0x80;
	s2 =	simm.s32 $0x3;
	[dreg:$0x6] =	wrdreg s15  }
0x1b: {  	s11 =	simm.s32 $0x480;
	s17 =	simm.s32 $0x0;
	[dreg:$0xb] =	wrdreg s23  }
0x1c: {  	s6 =	sadd.s32 $0x80, s15;
	[dreg:$0xc] =	wrdreg s0;
	s23 =	simm.s32 $0x2  }
0x1d: {  	v0 =	vimm.f32 $0.0e+00;
	v1 =	vimm.f32 $1.000000000e+00;
	s0 =	simm.s32 $0x1;
	s15 =	simm.s32 $0x700;
	[dreg:$0x7] =	wrdreg s6  }
.LBB2_8:
0x1e: {  	s5 =	stileid.u32  }
0x1f: {  	[bflag:$0x0] =	sbarrier.arrive $0xFFFF;
	s5 =	sshll.u32 s5, $0x6  }
0x20: {  	s6 =	sshrl.u32 s8, $0x3;
	s19 =	rddreg [dreg:$0x8];
	s5 =	sor.u32 $0x1C04, s5  }
0x21: {  	[hbm:s19], [sflag:s5] =	dma.local [spmem:s6], $0x100  }
0x22: {  	_ =	swait.ge [sflag:s21], $0x100  }
0x23: {  	s7 =	smov.u32 s8;
	[sflag:s21] =	ssyncset.done $0x0;
	s8 =	rddreg [dreg:$0x3]  }
0x24: {  	s19 =	rddreg [dreg:$0x9];
	[sflag:s21] =	ssyncadd.s32 $0xFFFFFF00;
	s6 =	sshrl.u32 s8, $0x3  }
0x25: {  	[hbm:s19], [sflag:s5] =	dma.local [spmem:s6], $0x100  }
0x26: {  	_ =	swait.ge [sflag:s21], $0x100  }
0x27: {  	[sflag:s21] =	ssyncset.done $0x0;
	s8 =	rddreg [dreg:$0x4]  }
0x28: {  	s19 =	rddreg [dreg:$0xa];
	[sflag:s21] =	ssyncadd.s32 $0xFFFFFF00;
	s6 =	sshrl.u32 s8, $0x3  }
0x29: {  	[hbm:s19], [sflag:s5] =	dma.local [spmem:s6], $0x100  }
0x2a: {  	_ =	swait.ge [sflag:s21], $0x100  }
0x2b: {  	[sflag:s21] =	ssyncset.done $0x0;
	s8 =	rddreg [dreg:$0x5]  }
0x2c: {  	s19 =	rddreg [dreg:$0xb];
	[sflag:s21] =	ssyncadd.s32 $0xFFFFFF00;
	s6 =	sshrl.u32 s8, $0x3  }
0x2d: {  	[hbm:s19], [sflag:s5] =	dma.local [spmem:s6], $0x100  }
0x2e: {  	_ =	swait.ge [sflag:s21], $0x100  }
0x2f: {  	[sflag:s21] =	ssyncset.done $0x0  }
0x30: {  	s8 =	sshrl.u32 s9, $0x3;
	s19 =	rddreg [dreg:$0xc];
	[sflag:s21] =	ssyncadd.s32 $0xFFFFFF00  }
0x31: {  	[hbm:s19], [sflag:s5] =	dma.local [spmem:s8], $0x100  }
0x32: {  	_ =	swait.ge [sflag:s21], $0x100  }
0x33: {  	s17 =	sadd.s32 $0x1, s17;
	s19 =	rddreg [dreg:$0xd]  }
0x34: {  	p0 =	sne.s32 s17, s19  }
.Ltmp1:
0x35: {  	_ = 	snop;
	(pc) =	sbr.rel @!p0 .LBB2_9-.Ltmp1, $3  }
0x36: {  	_ =	sdelay $0x1  }
0x37: {  	[sflag:s21] =	ssyncset.done $0x0  }
0x38: {  	[sflag:s21] =	ssyncadd.s32 $0xFFFFFF00  }
.LBB2_1:
0x39: {  	s5 =	simm.s32 $0x40;
	s19 =	simm.s32 $0x0  }
.LBB2_2:
0x3a: {  	p0 =	sne.s32 s5, $0x1FC0;
	[tilespmem:s19+$0x800] =	vst v0;
	s19 =	smov.u32 s5;
	s5 =	sadd.s32 $0x40, s5  }
.Ltmp2:
0x3b: {  	(pc) =	sbr.rel @p0 .LBB2_2-.Ltmp2, $2  }
0x3c: {  	_ =	sdelay $0x2  }
0x3d: {  	s19 =	sshra.s32 s19, $0x2  }
0x3e: {  	[tilespmem:s19+$0x800] =	vst v0  }
0x3f: {  	[spmem:s7] =	stream.linear.scatter [tilespmem:s20], [sflag:$0x4], $0x800, $0x38;
	[tilespmem:$0x3800] =	vst v63  }
0x40: {  	_ =	swait.ge [sflag:s21], $0x800  }
0x41: {  	[sflag:s21] =	ssyncset.done $0x0  }
0x42: {  	s5 =	rddreg [dreg:$0x3];
	[sflag:s21] =	ssyncadd.s32 $0xFFFFF800  }
0x43: {  	[spmem:s5] =	stream.linear.scatter [tilespmem:s20], [sflag:$0x4], $0x800, $0x38;
	[tilespmem:$0x3800] =	vst v63  }
0x44: {  	_ =	swait.ge [sflag:s21], $0x800  }
0x45: {  	[sflag:s21] =	ssyncset.done $0x0  }
0x46: {  	s8 =	smov.u32 s7;
	s7 =	rddreg [dreg:$0x4];
	[sflag:s21] =	ssyncadd.s32 $0xFFFFF800  }
0x47: {  	[spmem:s7] =	stream.linear.scatter [tilespmem:s20], [sflag:$0x4], $0x800, $0x38;
	[tilespmem:$0x3800] =	vst v63  }
0x48: {  	_ =	swait.ge [sflag:s21], $0x800  }
0x49: {  	[sflag:s21] =	ssyncset.done $0x0  }
0x4a: {  	s19 =	rddreg [dreg:$0x5];
	[sflag:s21] =	ssyncadd.s32 $0xFFFFF800  }
0x4b: {  	[spmem:s19] =	stream.linear.scatter [tilespmem:s20], [sflag:$0x4], $0x800, $0x38;
	[tilespmem:$0x3800] =	vst v63  }
0x4c: {  	_ =	swait.ge [sflag:s21], $0x800  }
0x4d: {  	[sflag:s21] =	ssyncset.done $0x0  }
0x4e: {  	[sflag:s21] =	ssyncadd.s32 $0xFFFFF800  }
0x4f: {  	[spmem:s9] =	stream.linear.scatter [tilespmem:s20], [sflag:$0x4], $0x800, $0x38;
	[tilespmem:$0x3800] =	vst v63  }
0x50: {  	_ =	swait.ge [sflag:s21], $0x800  }
0x51: {  	[sflag:s21] =	ssyncset.done $0x0  }
0x52: {  	s5 =	simm.s32 $0x40;
	s19 =	simm.s32 $0x0;
	[sflag:s21] =	ssyncadd.s32 $0xFFFFF800  }
.LBB2_4:
0x53: {  	p0 =	sne.s32 s5, $0x1FC0;
	[tilespmem:s19+$0x800] =	vst v1;
	s19 =	smov.u32 s5;
	s5 =	sadd.s32 $0x40, s5  }
.Ltmp3:
0x54: {  	(pc) =	sbr.rel @p0 .LBB2_4-.Ltmp3, $2  }
0x55: {  	_ =	sdelay $0x2  }
0x56: {  	s19 =	sshra.s32 s19, $0x2  }
0x57: {  	[tilespmem:s19+$0x800] =	vst v1  }
0x58: {  	[bflag:$0x0] =	sbarrier.arrive $0xFFFF  }
0x59: {  	s5 =	rddreg [dreg:$0x6]  }
0x5a: {  	s19 =	simm.s32 $0x0;
	s7 =	rddreg [dreg:$0x7]  }
0x5b: {  	[tilespmem:s19], [sflag:$0x2] =	stream.linear.gather [hbm4b:s5+s19], $0x400, $0x38;
	[tilespmem:$0x3800] =	vst v63  }
0x5c: {  	s5 =	rddreg [dreg:$0xe]  }
0x5d: {  	[tilespmem:s22], [sflag:$0x3] =	stream.linear.gather [hbm4b:s7+s19], $0x400, $0x38;
	[tilespmem:$0x3800] =	vst v63  }
.LBB2_6:
0x5e: {  	_ =	swait.ge [sflag:s23], $0x400  }
0x5f: {  	[sflag:s23] =	ssyncset.done $0x0  }
0x60: {  	[sflag:s23] =	ssyncadd.s32 $0xFFFFFC00  }
0x61: {  	[spmem:s1] =	stream.indirect.scatter.add.f32 [tilespmem:s20], [sflag:$0x1], $0x10, s3, s24, $0xb8;
	[tilespmem:$0x3800] =	vst v63  }
0x62: {  	_ = 	snop  }
0x63: {  	[spmem:s1] =	stream.indirect.scatter.add.f32 [tilespmem:s20], [sflag:$0x1], $0x10, s24, s24, $0xb8;
	[tilespmem:$0x3800] =	vst v63  }
0x64: {  	_ = 	snop  }
0x65: {  	[spmem:s1] =	stream.indirect.scatter.add.f32 [tilespmem:s20], [sflag:$0x1], $0x10, s25, s24, $0xb8;
	[tilespmem:$0x3800] =	vst v63  }
0x66: {  	_ = 	snop  }
0x67: {  	[spmem:s1] =	stream.indirect.scatter.add.f32 [tilespmem:s20], [sflag:$0x1], $0x10, s26, s24, $0xb8;
	[tilespmem:$0x3800] =	vst v63  }
0x68: {  	_ = 	snop  }
0x69: {  	[spmem:s1] =	stream.indirect.scatter.add.f32 [tilespmem:s20], [sflag:$0x1], $0x10, s28, s24, $0xb8;
	[tilespmem:$0x3800] =	vst v63  }
0x6a: {  	_ = 	snop  }
0x6b: {  	[spmem:s1] =	stream.indirect.scatter.add.f32 [tilespmem:s20], [sflag:$0x1], $0x10, s29, s24, $0xb8;
	[tilespmem:$0x3800] =	vst v63  }
0x6c: {  	_ = 	snop  }
0x6d: {  	[spmem:s1] =	stream.indirect.scatter.add.f32 [tilespmem:s20], [sflag:$0x1], $0x10, s30, s24, $0xb8;
	[tilespmem:$0x3800] =	vst v63  }
0x6e: {  	_ = 	snop  }
0x6f: {  	[spmem:s1] =	stream.indirect.scatter.add.f32 [tilespmem:s20], [sflag:$0x1], $0x10, s31, s24, $0xb8;
	[tilespmem:$0x3800] =	vst v63  }
0x70: {  	_ =	swait.ge [sflag:s0], $0x800  }
0x71: {  	[sflag:s0] =	ssyncset.done $0x0  }
0x72: {  	[sflag:s0] =	ssyncadd.s32 $0xFFFFF800  }
0x73: {  	_ =	swait.ge [sflag:s0], $0x800  }
0x74: {  	[sflag:s0] =	ssyncset.done $0x0  }
0x75: {  	[sflag:s0] =	ssyncadd.s32 $0xFFFFF800  }
0x76: {  	_ =	swait.ge [sflag:s0], $0x800  }
0x77: {  	[sflag:s0] =	ssyncset.done $0x0  }
0x78: {  	[sflag:s0] =	ssyncadd.s32 $0xFFFFF800  }
0x79: {  	_ =	swait.ge [sflag:s0], $0x800  }
0x7a: {  	[sflag:s0] =	ssyncset.done $0x0  }
0x7b: {  	[sflag:s0] =	ssyncadd.s32 $0xFFFFF800  }
0x7c: {  	_ =	swait.ge [sflag:s0], $0x800  }
0x7d: {  	[sflag:s0] =	ssyncset.done $0x0  }
0x7e: {  	[sflag:s0] =	ssyncadd.s32 $0xFFFFF800  }
0x7f: {  	_ =	swait.ge [sflag:s0], $0x800  }
0x80: {  	[sflag:s0] =	ssyncset.done $0x0  }
0x81: {  	[sflag:s0] =	ssyncadd.s32 $0xFFFFF800  }
0x82: {  	_ =	swait.ge [sflag:s0], $0x800  }
0x83: {  	[sflag:s0] =	ssyncset.done $0x0  }
0x84: {  	[sflag:s0] =	ssyncadd.s32 $0xFFFFF800  }
0x85: {  	p0 =	seq.s32 s19, $0x400;
	_ =	swait.ge [sflag:s0], $0x800  }
0x86: {  	s6 =	sshrl.u32 @!p0 s5, $0x3;
	[sflag:s0] =	ssyncset.done $0x0  }
0x87: {  	s7 =	simm.s32 @!p0 $0x0;
	s6 =	sadd.s32 @!p0 s4, s6;
	[sflag:s0] =	ssyncadd.s32 $0xFFFFF800  }
0x88: {  	[tilespmem:s7], [sflag:$0x2] =	stream.linear.gather @!p0 [hbm4b:s6+s7], $0x400, $0x38;
	[tilespmem:$0x3800] =	vst v63  }
0x89: {  	_ =	swait.ge [sflag:s2], $0x400  }
0x8a: {  	[sflag:s2] =	ssyncset.done $0x0  }
0x8b: {  	[sflag:s2] =	ssyncadd.s32 $0xFFFFFC00  }
0x8c: {  	[spmem:s1] =	stream.indirect.scatter.add.f32 [tilespmem:s20], [sflag:$0x1], $0x10, s22, s24, $0xb8;
	[tilespmem:$0x3800] =	vst v63  }
0x8d: {  	_ = 	snop  }
0x8e: {  	[spmem:s1] =	stream.indirect.scatter.add.f32 [tilespmem:s20], [sflag:$0x1], $0x10, s11, s24, $0xb8;
	[tilespmem:$0x3800] =	vst v63  }
0x8f: {  	_ = 	snop  }
0x90: {  	[spmem:s1] =	stream.indirect.scatter.add.f32 [tilespmem:s20], [sflag:$0x1], $0x10, s12, s24, $0xb8;
	[tilespmem:$0x3800] =	vst v63  }
0x91: {  	_ = 	snop  }
0x92: {  	[spmem:s1] =	stream.indirect.scatter.add.f32 [tilespmem:s20], [sflag:$0x1], $0x10, s10, s24, $0xb8;
	[tilespmem:$0x3800] =	vst v63  }
0x93: {  	_ = 	snop  }
0x94: {  	[spmem:s1] =	stream.indirect.scatter.add.f32 [tilespmem:s20], [sflag:$0x1], $0x10, s13, s24, $0xb8;
	[tilespmem:$0x3800] =	vst v63  }
0x95: {  	_ = 	snop  }
0x96: {  	[spmem:s1] =	stream.indirect.scatter.add.f32 [tilespmem:s20], [sflag:$0x1], $0x10, s14, s24, $0xb8;
	[tilespmem:$0x3800] =	vst v63  }
0x97: {  	_ = 	snop  }
0x98: {  	[spmem:s1] =	stream.indirect.scatter.add.f32 [tilespmem:s20], [sflag:$0x1], $0x10, s15, s24, $0xb8;
	[tilespmem:$0x3800] =	vst v63  }
0x99: {  	_ = 	snop  }
0x9a: {  	[spmem:s1] =	stream.indirect.scatter.add.f32 [tilespmem:s20], [sflag:$0x1], $0x10, s16, s24, $0xb8;
	[tilespmem:$0x3800] =	vst v63  }
0x9b: {  	_ =	swait.ge [sflag:s0], $0x800  }
0x9c: {  	[sflag:s0] =	ssyncset.done $0x0  }
0x9d: {  	[sflag:s0] =	ssyncadd.s32 $0xFFFFF800  }
0x9e: {  	_ =	swait.ge [sflag:s0], $0x800  }
0x9f: {  	[sflag:s0] =	ssyncset.done $0x0  }
0xa0: {  	[sflag:s0] =	ssyncadd.s32 $0xFFFFF800  }
0xa1: {  	_ =	swait.ge [sflag:s0], $0x800  }
0xa2: {  	[sflag:s0] =	ssyncset.done $0x0  }
0xa3: {  	[sflag:s0] =	ssyncadd.s32 $0xFFFFF800  }
0xa4: {  	_ =	swait.ge [sflag:s0], $0x800  }
0xa5: {  	[sflag:s0] =	ssyncset.done $0x0  }
0xa6: {  	[sflag:s0] =	ssyncadd.s32 $0xFFFFF800  }
0xa7: {  	_ =	swait.ge [sflag:s0], $0x800  }
0xa8: {  	[sflag:s0] =	ssyncset.done $0x0  }
0xa9: {  	[sflag:s0] =	ssyncadd.s32 $0xFFFFF800  }
0xaa: {  	_ =	swait.ge [sflag:s0], $0x800  }
0xab: {  	[sflag:s0] =	ssyncset.done $0x0  }
0xac: {  	[sflag:s0] =	ssyncadd.s32 $0xFFFFF800  }
0xad: {  	_ =	swait.ge [sflag:s0], $0x800  }
.Ltmp4:
0xae: {  	[sflag:s0] =	ssyncset.done $0x0;
	(pc) =	sbr.rel @p0 .LBB2_8-.Ltmp4, $4  }
0xaf: {  	[sflag:s0] =	ssyncadd.s32 $0xFFFFF800  }
0xb0: {  	_ =	swait.ge [sflag:s0], $0x800  }
0xb1: {  	[sflag:s0] =	ssyncset.done $0x0  }
0xb2: {  	[sflag:s0] =	ssyncadd.s32 $0xFFFFF800  }
.Ltmp5:
0xb3: {  	(pc) =	sbr.rel .LBB2_6-.Ltmp5, $3  }
0xb4: {  	_ =	sdelay $0x1  }
0xb5: {  	s6 =	sadd.s32 s19, s18;
	s19 =	sadd.s32 $0x100, s19;
	s5 =	sadd.s32 $0x800, s5  }
0xb6: {  	[tilespmem:s22], [sflag:$0x3] =	stream.linear.gather [hbm4b:s6+s3], $0x400, $0x38;
	[tilespmem:$0x3800] =	vst v63  }
.LBB2_9:
0xb7: {  	_ =	sfence.sel $0x180000  }
0xb8: {  	[bflag:$0x0] =	sbarrier.arrive $0xFFFF  }
0xb9: {  	_ =	strace $0x90000047  }
0xba: {  	s0 =	stileid.u32;
	[bflag:$0x2] =	sbarrier.arrive $0xFFFF  }
0xbb: {  	p0 =	sne.s32 s0, $0x0;
	s0 =	rddreg [dreg:$0x2]  }
0xbc: {  	s0 =	sadd.s32 @!p0 $0x100000, s0  }
0xbd: {  	[sflag:s0] =	ssyncadd.tile.s32 @!p0 $0x1;
	_ =	shalt  }
.Lfunc_end2:
_tile_overlayer_lowered:
.L_overlay_start_2:
0xbe: {  	(tag) =	ssettag $0x2  }
0xbf: {  	s0 =	rddreg [dreg:$0x0];
	s2 =	stileid.u32  }
0xc0: {  	s1 =	rddreg [dreg:$0x1];
	p0 =	sne.s32 s2, $0x0  }
0xc1: {  	s3 =	rddreg [dreg:$0x2];
	[bflag:$0x3] =	sbarrier.arrive $0xFFFF;
	s2 =	simm.s32 @!p0 $0x1C04  }
0xc2: {  	[timem:s3], [sflag:s2] =	dma.local @!p0 [hbm:s0], s1  }
0xc3: {  	s0 =	simm.s32 @!p0 $0x4  }
0xc4: {  	_ =	swait.ge @!p0 [sflag:s0], s1  }
0xc5: {  	s1 =	ssub.s32 @!p0 $0x0, s1;
	[sflag:s0] =	ssyncset.done @!p0 $0x0  }
0xc6: {  	[sflag:s0] =	ssyncadd.s32 @!p0 s1  }
0xc7: {  	[bflag:$0x3] =	sbarrier.arrive $0xFFFF  }
0xc8: {  	_ =	shalt  }

// kernel: kernel.13.cloned.1.call-start
scs
__scs_entry_jumppad:
0x0: {  	(pc) =	sbr.rel $0x88, $3  }
0x1: {  	(tag) =	ssettag $0x0;
	lr =	simm.s32 $0x1  }
0x2: {  	[smem:$0x3F96] =	sst lr;
	_ =	strace $0xD0000000  }
0x3: {  	_ = 	snop  }
0x4: {  	_ = 	snop  }
0x5: {  	_ = 	snop  }
0x6: {  	_ = 	snop  }
0x7: {  	_ = 	snop  }
__scs_overlays_trampoline_lowered:
0x8: {  	[smem:$0x3FA5] =	sst s0  }
0x9: {  	[smem:$0x3FA6] =	sst s1  }
0xa: {  	[smem:$0x3FA7] =	sst s2  }
0xb: {  	[smem:$0x3FA8] =	sst s3  }
0xc: {  	[smem:$0x3FA9] =	sst s4  }
0xd: {  	[smem:$0x3FAA] =	sst s5  }
0xe: {  	[smem:$0x3FAB] =	sst s6  }
0xf: {  	[smem:$0x3FAC] =	sst s7  }
0x10: {  	[smem:$0x3FAD] =	sst s8  }
0x11: {  	[smem:$0x3FAE] =	sst s9;
	s0 =	simm.s32 @!p0 $0x0  }
0x12: {  	s1 =	sld [smem:$0x3F94];
	s0 =	simm.s32 @p0 $0x1  }
0x13: {  	[smem:$0x3FAF] =	sst s0;
	s0 =	simm.s32 @!p1 $0x0  }
0x14: {  	s2 =	sld [smem:$0x3F93];
	s0 =	simm.s32 @p1 $0x1  }
0x15: {  	[smem:$0x3FB0] =	sst s0;
	s0 =	simm.s32 @!p2 $0x0  }
0x16: {  	s3 =	sld [smem:$0x3FDB];
	s0 =	simm.s32 @p2 $0x1  }
0x17: {  	s4 =	simm.s32 $0x1BF5;
	[smem:$0x3FB2] =	sst s0  }
0x18: {  	s0 =	sld [smem:$0x3F95];
	_ =	swait.ge [sflag:s4], $0x0  }
0x19: {  	s7 =	sld [smem:$0x3F96]  }
0x1a: {  	s8 =	sadd.s32 $0xFFFFE003, lr  }
0x1b: {  	s9 =	sadd.s32 $0xFFFFFEF7, lr;
	s5 =	simm.s32 $0xFFFFFFFF;
	p2 =	slt.u32 s8, $0xFFFFF086  }
0x1c: {  	p1 =	slt.u32 s9, $0xF7A;
	s5 =	simm.s32 @!p2 $0x0  }
0x1d: {  	s5 =	simm.s32 @p1 $0x1;
	p0 =	seq.s32 s7, s2  }
0x1e: {  	s7 =	smul.u32 @!p0 $0xF7A, s2;
	p2 =	seq.s32 @!p0 s5, $0x0  }
0x1f: {  	s9 =	smul.u32 $0xF7A, s1;
	s8 =	simm.s32 @!p0 $0x1BF5;
	p2 =	por !p2, p0  }
0x20: {  	[sflag:s8] =	ssyncset.s32 @!p0 $0xFFFFF086;
	s6 =	sadd.s32 @!p0 s3, s7;
	s7 =	simm.s32 @!p0 $0x108  }
0x21: {  	s3 =	sadd.s32 s3, s9;
	s6 =	sadd.s32 @!p0 $0x88, s6;
	s7 =	simm.s32 @p2 $0x1082  }
0x22: {  	[simem:s7], [sflag:s8] =	dma.local @!p0 [hbm:s6], $0xF7A  }
0x23: {  	s9 =	sor.u32 $0xD0000000, s2;
	s6 =	simm.s32 $0x108;
	_ =	swait.ge @!p0 [sflag:s8], $0x0  }
0x24: {  	s3 =	sadd.s32 $0x88, s3;
	s6 =	simm.s32 @!p1 $0x1082;
	[sflag:s4] =	ssyncset.s32 $0xFFFFF086  }
0x25: {  	[simem:s6], [sflag:s4] =	dma.local [hbm:s3], $0xF7A  }
0x26: {  	[smem:$0x3F96] =	sst s1;
	(tag) =	ssettag s2;
	_ =	strace s9  }
0x27: {  	s1 =	sld [smem:$0x3FA6]  }
0x28: {  	s2 =	sld [smem:$0x3FA7]  }
0x29: {  	s4 =	sld [smem:$0x3FA9]  }
0x2a: {  	p0 =	seq.s32 s5, $0x0;
	s5 =	sld [smem:$0x3FAA]  }
0x2b: {  	s6 =	sld [smem:$0x3FAB]  }
0x2c: {  	s7 =	sld [smem:$0x3FAC]  }
0x2d: {  	s3 =	simm.s32 $0x108;
	s8 =	sld [smem:$0x3FAD]  }
0x2e: {  	s3 =	simm.s32 @!p0 $0x1082;
	s9 =	sld [smem:$0x3FAE]  }
0x2f: {  	lr =	sadd.s32 s0, s3;
	s0 =	sld [smem:$0x3FA5]  }
0x30: {  	s3 =	sld [smem:$0x3FA8]  }
0x31: {  	[smem:$0x3FB1] =	sst s10  }
0x32: {  	s10 =	sld [smem:$0x3FAF];
	_ =	sdelay $0x3  }
0x33: {  	p0 =	seq.s32 s10, $0x1;
	s10 =	sld [smem:$0x3FB1];
	_ =	sdelay $0x3  }
0x34: {  	[smem:$0x3FB1] =	sst s10  }
0x35: {  	s10 =	sld [smem:$0x3FB0];
	_ =	sdelay $0x3  }
0x36: {  	p1 =	seq.s32 s10, $0x1;
	s10 =	sld [smem:$0x3FB1];
	_ =	sdelay $0x3  }
0x37: {  	[smem:$0x3FB1] =	sst s10  }
0x38: {  	s10 =	sld [smem:$0x3FB2]  }
0x39: {  	_ = 	snop;
	(pc) =	sbr.ind lr, $3  }
0x3a: {  	_ = 	snop  }
0x3b: {  	_ = 	snop  }
0x3c: {  	p2 =	seq.s32 s10, $0x1;
	s10 =	sld [smem:$0x3FB1]  }
0x3d: {  	_ =	shalt  }
0x3e: {  	_ =	shalt  }
0x3f: {  	_ =	shalt  }
0x40: {  	_ =	shalt  }
0x41: {  	_ =	shalt  }
0x42: {  	_ =	shalt  }
0x43: {  	_ =	shalt  }
0x44: {  	_ =	shalt  }
0x45: {  	_ =	shalt  }
0x46: {  	_ =	shalt  }
0x47: {  	_ =	shalt  }
0x48: {  	_ =	shalt  }
0x49: {  	_ =	shalt  }
0x4a: {  	_ =	shalt  }
0x4b: {  	_ =	shalt  }
0x4c: {  	_ =	shalt  }
0x4d: {  	_ =	shalt  }
0x4e: {  	_ =	shalt  }
0x4f: {  	_ =	shalt  }
0x50: {  	_ =	shalt  }
0x51: {  	_ =	shalt  }
0x52: {  	_ =	shalt  }
0x53: {  	_ =	shalt  }
0x54: {  	_ =	shalt  }
0x55: {  	_ =	shalt  }
0x56: {  	_ =	shalt  }
0x57: {  	_ =	shalt  }
0x58: {  	_ =	shalt  }
0x59: {  	_ =	shalt  }
0x5a: {  	_ =	shalt  }
0x5b: {  	_ =	shalt  }
0x5c: {  	_ =	shalt  }
0x5d: {  	_ =	shalt  }
0x5e: {  	_ =	shalt  }
0x5f: {  	_ =	shalt  }
0x60: {  	_ =	shalt  }
0x61: {  	_ =	shalt  }
0x62: {  	_ =	shalt  }
0x63: {  	_ =	shalt  }
0x64: {  	_ =	shalt  }
0x65: {  	_ =	shalt  }
0x66: {  	_ =	shalt  }
0x67: {  	_ =	shalt  }
0x68: {  	_ =	shalt  }
0x69: {  	_ =	shalt  }
0x6a: {  	_ =	shalt  }
0x6b: {  	_ =	shalt  }
0x6c: {  	_ =	shalt  }
0x6d: {  	_ =	shalt  }
0x6e: {  	_ =	shalt  }
0x6f: {  	_ =	shalt  }
0x70: {  	_ =	shalt  }
0x71: {  	_ =	shalt  }
0x72: {  	_ =	shalt  }
0x73: {  	_ =	shalt  }
0x74: {  	_ =	shalt  }
0x75: {  	_ =	shalt  }
0x76: {  	_ =	shalt  }
0x77: {  	_ =	shalt  }
0x78: {  	_ =	shalt  }
0x79: {  	_ =	shalt  }
0x7a: {  	_ =	shalt  }
0x7b: {  	_ =	shalt  }
0x7c: {  	_ =	shalt  }
0x7d: {  	_ =	shalt  }
0x7e: {  	_ =	shalt  }
0x7f: {  	_ =	shalt  }
0x80: {  	_ =	shalt  }
0x81: {  	_ =	shalt  }
0x82: {  	_ =	shalt  }
0x83: {  	_ =	shalt  }
0x84: {  	_ =	shalt  }
0x85: {  	_ =	shalt  }
0x86: {  	_ =	shalt  }
0x87: {  	_ =	shalt  }
.Lfunc_end0:
.L_simem_size_0:
called_computation.1_lowered:
.L_overlay_start_0:
0x88: {  	s2 =	sld [smem:$0x3FD9]  }
0x89: {  	s3 =	sld [smem:$0x3FFE];
	_ =	sdelay $0x1  }
0x8a: {  	s1 =	srdreg.scid  }
0x8b: {  	s0 =	sand.u32 $0x1, s1  }
0x8c: {  	s17 =	sshll.u32 s0, $0xA;
	s2 =	sadd.s32 s3, s2  }
0x8d: {  	s2 =	sadd.s32 s2, s17  }
0x8e: {  	[smem:$0x3FBD] =	sst s2  }
0x8f: {  	_ = 	snop  }
0x90: {  	s18 =	sld [smem:$0x3FD0];
	(tm) =	ssettm $0x1  }
0x91: {  	s19 =	sld [smem:$0x3FFB];
	_ =	sdelay $0x3  }
0x92: {  	_ =	strace s19  }
0x93: {  	s2 =	sld [smem:$0x3FFC];
	_ =	sdelay $0x3  }
0x94: {  	_ =	strace s2  }
0x95: {  	s2 =	sld [smem:$0x3FFD];
	_ =	sdelay $0x3  }
0x96: {  	_ =	strace s2  }
0x97: {  	_ =	strace $0x8FFFFFFF  }
0x98: {  	s20 =	sld [smem:$0x3FDB];
	_ =	sdelay $0x1  }
0x99: {  	s4 =	simm.s32 $_scs_section_size  }
0x9a: {  	s5 =	simm.s32 $_size__tile_overlayer_lowered;
	s6 =	simm.s32 $_tile_overlayer_lowered  }
0x9b: {  	s7 =	simm.s32 $0x1BFF;
	s21 =	sshll.u32 s6, $0x1;
	s4 =	sadd.s32 s4, s20  }
0x9c: {  	s22 =	simm.s32 $0x0;
	s5 =	sshll.u32 s5, $0x1;
	s6 =	sadd.s32 s21, s4  }
0x9d: {  	[timem:s22], [sflag:s7] =	dma.local [hbm:s6], s5  }
0x9e: {  	_ =	swait.ge [sflag:s7], s5  }
0x9f: {  	s5 =	ssub.s32 $0x0, s5;
	[sflag:s7] =	ssyncset.done $0x0  }
0xa0: {  	[sflag:s7] =	ssyncadd.s32 s5;
	_ =	sdelay $0x1  }
0xa1: {  	s23 =	simm.s32 $0x1B8B  }
0xa2: {  	_ =	swait.ge [sflag:s23], $0x1  }
0xa3: {  	[sflag:s23] =	ssyncset.done $0x0  }
0xa4: {  	[sflag:s23] =	ssyncadd.s32 $0xFFFFFFFF  }
0xa5: {  	s5 =	sld [smem:$0x0]  }
0xa6: {  	s6 =	sand.u32 $0xFFFFFFFE, s1  }
0xa7: {  	p0 =	sne.s32 s1, s6  }
0xa8: {  	s6 =	sshll.u32 @p0 s6, $0xE  }
0xa9: {  	s6 =	sadd.s32 @p0 $0x11B8D, s6;
	s7 =	sshll.u32 @p0 s5, $0x11  }
0xaa: {  	s6 =	sor.u32 @p0 s7, s6  }
0xab: {  	[sflag:s6] =	ssyncadd.remote.s32 @p0 $0x1;
	_ =	sdelay $0x1  }
0xac: {  	s6 =	simm.s32 @p0 $0x1B8D  }
0xad: {  	_ =	swait.eq @p0 [sflag:s6], $0x1  }
0xae: {  	[sflag:s6] =	ssyncadd.s32 @p0 $0xFFFFFFFF  }
0xaf: {  	s7 =	sshll.u32 @!p0 s1, $0xE  }
0xb0: {  	s7 =	sor.u32 @!p0 $0x4000, s7;
	s6 =	simm.s32 @!p0 $0x1B8D  }
0xb1: {  	s5 =	sshll.u32 @!p0 s5, $0x11;
	s7 =	sadd.s32 @!p0 $0x11B8D, s7;
	_ =	swait.eq @!p0 [sflag:s6], $0x1  }
0xb2: {  	s5 =	sor.u32 @!p0 s5, s7;
	[sflag:s6] =	ssyncadd.s32 @!p0 $0xFFFFFFFF  }
0xb3: {  	s25 =	simm.s32 $0x1B8E;
	s24 =	sld [smem:$0x3FFE];
	[sflag:s5] =	ssyncadd.remote.s32 @!p0 $0x1  }
0xb4: {  	s26 =	simm.s32 $execute0_lowered;
	[smem:$0x3FD2] =	sst s25  }
0xb5: {  	s6 =	sshll.u32 s26, $0x1;
	_ =	strace $0x80000049;
	[dreg:$0x1] =	wrdreg $0xFFFFFFFF  }
0xb6: {  	s28 =	simm.s32 $_size_execute0_lowered;
	s4 =	sadd.s32 s4, s6;
	[dreg:$0x0] =	wrdreg $0x0  }
0xb7: {  	s6 =	sshll.u32 s28, $0x1;
	[dreg:$0x2] =	wrdreg s4  }
0xb8: {  	[dreg:$0x3] =	wrdreg s6  }
0xb9: {  	[dreg:$0x4] =	wrdreg $0xC0  }
0xba: {  	_ =	task [dreg:s22], $0x5FFFF  }
0xbb: {  	[dreg:$0x1] =	wrdreg $0xFFFFFFFF  }
0xbc: {  	[dreg:$0x0] =	wrdreg $0x60  }
0xbd: {  	[dreg:$0x2] =	wrdreg s24  }
0xbe: {  	[dreg:$0x3] =	wrdreg s18  }
0xbf: {  	[dreg:$0x4] =	wrdreg $0x90000  }
0xc0: {  	[dreg:$0x5] =	wrdreg $0xA  }
0xc1: {  	_ =	task.clear_ibuf [dreg:s22], $0x6FFFF;
	_ =	strace $0x90000049  }
0xc2: {  	s29 =	simm.s32 $0xA;
	_ =	strace $0x8000004B  }
0xc3: {  	_ =	swait.ge [sflag:s29], $0x1  }
0xc4: {  	[sflag:s29] =	ssyncadd.s32 $0xFFFFFFFF  }
0xc5: {  	_ =	strace $0x9000004B  }
0xc6: {  	_ =	sfence  }
0xc7: {  	s30 =	sld [smem:$0x0];
	_ =	sdelay $0x2  }
0xc8: {  	s31 =	sshll.u32 s1, $0xD;
	s1 =	sshrl.u32 s1, $0x2  }
0xc9: {  	s4 =	sand.u32 $0x4000, s31;
	s1 =	sadd.s32 s1, s30  }
0xca: {  	s0 =	sor.u32 s4, s0;
	s1 =	sshll.u32 s1, $0x11  }
0xcb: {  	s0 =	sor.u32 s1, s0  }
0xcc: {  	s0 =	sadd.s32 $0x8F2B, s0  }
0xcd: {  	[sflag:s0] =	ssyncadd.remote.s32 $0x1  }
0xce: {  	_ =	sfence.sel $0xFFFF  }
0xcf: {  	[dreg:$0x0] =	wrdreg $0xFFFFFFFF;
	(pc) =	sbr.abs _section_cstart, $3  }
0xd0: {  	[dreg:$0x1] =	wrdreg $0xFFFFFFFF  }
0xd1: {  	_ =	task.clear_ibuf [dreg:s22], $0x2FFFF;
	_ =	strace $0x9FFFFFFF  }
0xd2: {  	(tm) =	ssettm $0x7FFFFFFF  }
0xd3: {  	_ =	shalt  }
tec
execute0_lowered:
.L_overlay_start_1:
0x0: {  	(tag) =	ssettag $0x1  }
0x1: {  	s0 =	rddreg [dreg:$0x0]  }
0x2: {  	s14 =	rddreg [dreg:$0x1]  }
0x3: {  	s2 =	rddreg [dreg:$0x2]  }
0x4: {  	s4 =	simm.s32 $0x0;
	s1 =	srdreg.scid;
	s15 =	stileid.u32  }
0x5: {  	s29 =	simm.s32 $0x400;
	s30 =	simm.s32 $0xC00;
	s31 =	simm.s32 $0x5  }
0x6: {  	[smem:$0x7FF] =	sst s4;
	s1 =	sand.u32 $0x1, s1;
	s7 =	smul.u32 $0x50000, s15  }
0x7: {  	s5 =	sadd.s32 $0x16E00, s0;
	s6 =	sadd.s32 $0x2E00, s0;
	s10 =	smul.u32 $0x14000, s15  }
0x8: {  	s0 =	sadd.s32 $0x3EE00, s0;
	s21 =	smul.u32 $0x2800, s15;
	_ =	strace $0x8000004A  }
0x9: {  	s3 =	ssub.s32 $0x2, s1;
	s9 =	sshll.u32 s1, $0x4;
	s13 =	smul.u32 $0x140000, s1  }
0xa: {  	s1 =	smul.u32 $0x28000, s1;
	s8 =	sshrl.u32 s3, $0x1;
	s7 =	sshrl.u32 s7, $0x2  }
0xb: {  	s22 =	sor.u32 s15, s9;
	s23 =	sadd.s32 $0x4000, s10;
	s24 =	sadd.s32 $0x8000, s10  }
0xc: {  	s25 =	sadd.s32 $0xC000, s10;
	s12 =	sadd.s32 $0x10000, s10;
	s15 =	simm.s32 $0x3  }
0xd: {  	s3 =	ssub.s32 s3, s8;
	s7 =	sadd.s32 s7, s2;
	s8 =	smul.u32 $0x2800, s22  }
0xe: {  	s19 =	sadd.s32 s23, s2;
	s11 =	sadd.s32 s24, s2;
	s16 =	sadd.s32 s25, s2  }
0xf: {  	s26 =	sadd.s32 s12, s2;
	s10 =	sadd.s32 s10, s13;
	[dreg:$0x4] =	wrdreg s7  }
0x10: {  	s9 =	sadd.s32 s13, s24;
	s24 =	sadd.s32 s13, s12;
	[dreg:$0x6] =	wrdreg s11  }
0x11: {  	s1 =	sadd.s32 s21, s1;
	s12 =	simm.s32 $0x5000;
	[dreg:$0x7] =	wrdreg s16  }
0x12: {  	s21 =	simm.s32 $0x600;
	[dreg:$0x8] =	wrdreg s26;
	s20 =	sshrl.u32 s10, $0x3  }
0x13: {  	s7 =	sadd.s32 s13, s23;
	s9 =	sshrl.u32 s9, $0x3;
	s23 =	sadd.s32 s13, s25  }
0x14: {  	s25 =	sadd.s32 $0xC00, s1;
	s3 =	smax.u32 s3, $0x1;
	s13 =	simm.s32 $0x2  }
0x15: {  	s10 =	simm.s32 $0xF00;
	s11 =	simm.s32 $0x780;
	s16 =	simm.s32 $0x0  }
0x16: {  	[dreg:$0x5] =	wrdreg s19;
	s8 =	sshrl.u32 s8, $0x3;
	s7 =	sshrl.u32 s7, $0x3  }
0x17: {  	s22 =	sadd.s32 s0, s9;
	s26 =	sshrl.u32 s25, $0x3;
	[dreg:$0x12] =	wrdreg s3  }
0x18: {  	s25 =	simm.s32 $0x1000;
	s3 =	simm.s32 $0x1;
	s9 =	simm.s32 $0x700  }
0x19: {  	s28 =	sadd.s32 s14, s8;
	s17 =	sadd.s32 s6, s8;
	[dreg:$0xf] =	wrdreg s22  }
0x1a: {  	s8 =	sor.u32 $0x80, s8;
	s7 =	sadd.s32 s0, s7;
	[dreg:$0x9] =	wrdreg s28  }
0x1b: {  	s22 =	sadd.s32 s26, s6;
	[dreg:$0xa] =	wrdreg s17;
	s18 =	sadd.s32 s14, s8  }
0x1c: {  	s8 =	sadd.s32 s6, s8;
	[dreg:$0xe] =	wrdreg s7;
	s7 =	sshrl.u32 s23, $0x3  }
0x1d: {  	s23 =	sadd.s32 s26, s14;
	s28 =	sadd.s32 $0x800, s1;
	[dreg:$0xb] =	wrdreg s18  }
0x1e: {  	s26 =	simm.s32 $0x6;
	s1 =	simm.s32 $0xF80;
	[dreg:$0xc] =	wrdreg s8  }
.Ltmp0:
0x1f: {  	s8 =	sadd.s32 s0, s20;
	[dreg:$0x13] =	wrdreg s28;
	(pc) =	sbr.rel .LBB2_1-.Ltmp0, $4  }
0x20: {  	s7 =	sadd.s32 s0, s7;
	s18 =	simm.s32 $0x4;
	[dreg:$0xd] =	wrdreg s8  }
0x21: {  	s20 =	simm.s32 $0xD80;
	s8 =	sshrl.u32 s24, $0x3;
	[dreg:$0x10] =	wrdreg s7  }
0x22: {  	s24 =	simm.s32 $0xE00;
	s7 =	simm.s32 $0x680;
	s0 =	sadd.s32 s0, s8  }
0x23: {  	v0 =	vimm.f32 $0.0e+00;
	s8 =	simm.s32 $0xE80;
	[dreg:$0x11] =	wrdreg s0;
	s0 =	simm.s32 $0x80  }
.LBB2_6:
0x24: {  	s14 =	stileid.u32;
	[bflag:$0x0] =	sbarrier.arrive $0xFFFF  }
0x25: {  	s17 =	simm.s32 $0x7;
	s14 =	sshll.u32 s14, $0x6;
	s16 =	rddreg [dreg:$0x4]  }
0x26: {  	s19 =	rddreg [dreg:$0xd];
	s14 =	sor.u32 $0x1C07, s14;
	s16 =	sshrl.u32 s16, $0x3  }
0x27: {  	[hbm:s19], [sflag:s14] =	dma.local [spmem:s16], $0x800  }
0x28: {  	_ =	swait.ge [sflag:s17], $0x800  }
0x29: {  	[sflag:s17] =	ssyncset.done $0x0;
	s19 =	rddreg [dreg:$0x5]  }
0x2a: {  	s28 =	rddreg [dreg:$0xe];
	[sflag:s17] =	ssyncadd.s32 $0xFFFFF800;
	s16 =	sshrl.u32 s19, $0x3  }
0x2b: {  	[hbm:s28], [sflag:s14] =	dma.local [spmem:s16], $0x800  }
0x2c: {  	_ =	swait.ge [sflag:s17], $0x800  }
0x2d: {  	[sflag:s17] =	ssyncset.done $0x0;
	s28 =	rddreg [dreg:$0x6]  }
0x2e: {  	[sflag:s17] =	ssyncadd.s32 $0xFFFFF800;
	s16 =	sshrl.u32 s28, $0x3;
	s28 =	rddreg [dreg:$0xf]  }
0x2f: {  	[hbm:s28], [sflag:s14] =	dma.local [spmem:s16], $0x800  }
0x30: {  	_ =	swait.ge [sflag:s17], $0x800  }
0x31: {  	[sflag:s17] =	ssyncset.done $0x0;
	s28 =	rddreg [dreg:$0x7]  }
0x32: {  	[sflag:s17] =	ssyncadd.s32 $0xFFFFF800;
	s16 =	sshrl.u32 s28, $0x3;
	s28 =	rddreg [dreg:$0x10]  }
0x33: {  	[hbm:s28], [sflag:s14] =	dma.local [spmem:s16], $0x800  }
0x34: {  	_ =	swait.ge [sflag:s17], $0x800  }
0x35: {  	[sflag:s17] =	ssyncset.done $0x0;
	s28 =	rddreg [dreg:$0x8]  }
0x36: {  	[sflag:s17] =	ssyncadd.s32 $0xFFFFF800;
	s16 =	sshrl.u32 s28, $0x3;
	s28 =	rddreg [dreg:$0x11]  }
0x37: {  	[hbm:s28], [sflag:s14] =	dma.local [spmem:s16], $0x800  }
0x38: {  	_ =	swait.ge [sflag:s17], $0x800  }
0x39: {  	s14 =	rddreg [dreg:$0x14]  }
0x3a: {  	s28 =	rddreg [dreg:$0x12];
	s16 =	sadd.s32 $0x1, s14  }
0x3b: {  	p0 =	sne.s32 s16, s28  }
.Ltmp1:
0x3c: {  	_ = 	snop;
	(pc) =	sbr.rel @!p0 .LBB2_7-.Ltmp1, $3  }
0x3d: {  	_ =	sdelay $0x1  }
0x3e: {  	[sflag:s17] =	ssyncset.done $0x0  }
0x3f: {  	[sflag:s17] =	ssyncadd.s32 $0xFFFFF800  }
.LBB2_1:
0x40: {  	[dreg:$0x14] =	wrdreg s16;
	s14 =	simm.s32 $0x0;
	s28 =	simm.s32 $0x200  }
.LBB2_2:
0x41: {  	p0 =	sne.s32 s28, $0xFE00;
	[tilespmem:s14+$0x1070] =	vst v0  }
0x42: {  	[tilespmem:s14+$0x1000] =	vst v0  }
0x43: {  	[tilespmem:s14+$0x1010] =	vst v0  }
.Ltmp2:
0x44: {  	[tilespmem:s14+$0x1020] =	vst v0;
	(pc) =	sbr.rel @p0 .LBB2_2-.Ltmp2, $4  }
0x45: {  	[tilespmem:s14+$0x1030] =	vst v0  }
0x46: {  	[tilespmem:s14+$0x1040] =	vst v0  }
0x47: {  	[tilespmem:s14+$0x1050] =	vst v0  }
0x48: {  	[tilespmem:s14+$0x1060] =	vst v0;
	s14 =	sshra.s32 s28, $0x2;
	s28 =	sadd.s32 $0x200, s28  }
0x49: {  	[tilespmem:s14+$0x1070] =	vst v0  }
0x4a: {  	[tilespmem:s14+$0x1000] =	vst v0  }
0x4b: {  	[tilespmem:s14+$0x1010] =	vst v0  }
0x4c: {  	[tilespmem:s14+$0x1020] =	vst v0  }
0x4d: {  	[tilespmem:s14+$0x1030] =	vst v0  }
0x4e: {  	[tilespmem:s14+$0x1040] =	vst v0  }
0x4f: {  	[tilespmem:s14+$0x1050] =	vst v0  }
0x50: {  	[tilespmem:s14+$0x1060] =	vst v0;
	s17 =	rddreg [dreg:$0x4];
	s16 =	simm.s32 $0x7  }
0x51: {  	[spmem:s17] =	stream.linear.scatter [tilespmem:s25], [sflag:$0x7], $0x4000, $0x38;
	[tilespmem:$0x1D000] =	vst v63  }
0x52: {  	_ =	swait.ge [sflag:s16], $0x4000  }
0x53: {  	[sflag:s16] =	ssyncset.done $0x0  }
0x54: {  	[sflag:s16] =	ssyncadd.s32 $0xFFFFC000  }
0x55: {  	[spmem:s19] =	stream.linear.scatter [tilespmem:s25], [sflag:$0x7], $0x4000, $0x38;
	[tilespmem:$0x1D000] =	vst v63  }
0x56: {  	_ =	swait.ge [sflag:s16], $0x4000  }
0x57: {  	[sflag:s16] =	ssyncset.done $0x0  }
0x58: {  	s19 =	rddreg [dreg:$0x6];
	[sflag:s16] =	ssyncadd.s32 $0xFFFFC000  }
0x59: {  	[spmem:s19] =	stream.linear.scatter [tilespmem:s25], [sflag:$0x7], $0x4000, $0x38;
	[tilespmem:$0x1D000] =	vst v63  }
0x5a: {  	_ =	swait.ge [sflag:s16], $0x4000  }
0x5b: {  	[sflag:s16] =	ssyncset.done $0x0  }
0x5c: {  	s17 =	rddreg [dreg:$0x7];
	[sflag:s16] =	ssyncadd.s32 $0xFFFFC000  }
0x5d: {  	[spmem:s17] =	stream.linear.scatter [tilespmem:s25], [sflag:$0x7], $0x4000, $0x38;
	[tilespmem:$0x1D000] =	vst v63  }
0x5e: {  	_ =	swait.ge [sflag:s16], $0x4000  }
0x5f: {  	[sflag:s16] =	ssyncset.done $0x0  }
0x60: {  	s19 =	rddreg [dreg:$0x8];
	[sflag:s16] =	ssyncadd.s32 $0xFFFFC000  }
0x61: {  	[spmem:s19] =	stream.linear.scatter [tilespmem:s25], [sflag:$0x7], $0x4000, $0x38;
	[tilespmem:$0x1D000] =	vst v63  }
0x62: {  	_ =	swait.ge [sflag:s16], $0x4000  }
0x63: {  	[sflag:s16] =	ssyncset.done $0x0  }
0x64: {  	[sflag:s16] =	ssyncadd.s32 $0xFFFFC000  }
0x65: {  	[bflag:$0x0] =	sbarrier.arrive $0xFFFF  }
0x66: {  	s17 =	rddreg [dreg:$0x9]  }
0x67: {  	s14 =	simm.s32 $0x0;
	s19 =	rddreg [dreg:$0xa]  }
0x68: {  	[tilespmem:s14], [sflag:$0x5] =	stream.linear.gather [hbm4b:s17+s14], $0x400, $0x38;
	[tilespmem:$0x1D000] =	vst v63  }
0x69: {  	s28 =	rddreg [dreg:$0x13];
	s17 =	simm.s32 $0x800  }
0x6a: {  	[tilespmem:s17], [sflag:$0x5] =	stream.linear.gather [hbm4b:s19+s14], $0x400, $0x38;
	[tilespmem:$0x1D000] =	vst v63  }
0x6b: {  	s17 =	rddreg [dreg:$0xb]  }
0x6c: {  	[tilespmem:s29], [sflag:$0x6] =	stream.linear.gather [hbm4b:s17+s14], $0x400, $0x38;
	[tilespmem:$0x1D000] =	vst v63  }
0x6d: {  	s19 =	rddreg [dreg:$0xc]  }
0x6e: {  	[tilespmem:s30], [sflag:$0x6] =	stream.linear.gather [hbm4b:s19+s14], $0x400, $0x38;
	[tilespmem:$0x1D000] =	vst v63  }
.LBB2_4:
0x6f: {  	_ =	swait.ge [sflag:s31], $0x400  }
0x70: {  	[sflag:s31] =	ssyncset.done $0x0  }
0x71: {  	[sflag:s31] =	ssyncadd.s32 $0xFFFFFC00  }
0x72: {  	_ =	swait.ge [sflag:s31], $0x400  }
0x73: {  	[sflag:s31] =	ssyncset.done $0x0  }
0x74: {  	[sflag:s31] =	ssyncadd.s32 $0xFFFFFC00  }
0x75: {  	[tilespmem:s25], [sflag:$0x1] =	stream.indirect.gather [hbm4b:s5+s0], $0x80, s4, s0, $0xb8;
	[tilespmem:$0x1D000] =	vst v63  }
0x76: {  	_ =	swait.ge [sflag:s3], $0x4000  }
0x77: {  	[sflag:s3] =	ssyncset.done $0x0  }
0x78: {  	s16 =	simm.s32 $0x800;
	[sflag:s3] =	ssyncadd.s32 $0xFFFFC000  }
0x79: {  	[spmem:s2] =	stream.indirect.scatter.add.f32 [tilespmem:s25], [sflag:$0x3], $0x80, s16, s0, $0xb8;
	[tilespmem:$0x1D000] =	vst v63  }
0x7a: {  	_ = 	snop  }
0x7b: {  	[tilespmem:s12], [sflag:$0x2] =	stream.indirect.gather [hbm4b:s5+s0], $0x80, s0, s0, $0xb8;
	[tilespmem:$0x1D000] =	vst v63  }
0x7c: {  	_ =	swait.ge [sflag:s13], $0x4000  }
0x7d: {  	[sflag:s13] =	ssyncset.done $0x0  }
0x7e: {  	s17 =	simm.s32 $0x880;
	[sflag:s13] =	ssyncadd.s32 $0xFFFFC000  }
0x7f: {  	[spmem:s2] =	stream.indirect.scatter.add.f32 [tilespmem:s12], [sflag:$0x4], $0x80, s17, s0, $0xb8;
	[tilespmem:$0x1D000] =	vst v63  }
0x80: {  	_ =	swait.ge [sflag:s15], $0x4000  }
0x81: {  	[sflag:s15] =	ssyncset.done $0x0  }
0x82: {  	s19 =	simm.s32 $0x100;
	[sflag:s15] =	ssyncadd.s32 $0xFFFFC000  }
0x83: {  	[tilespmem:s25], [sflag:$0x1] =	stream.indirect.gather [hbm4b:s5+s0], $0x80, s19, s0, $0xb8;
	[tilespmem:$0x1D000] =	vst v63  }
0x84: {  	_ =	swait.ge [sflag:s3], $0x4000  }
0x85: {  	[sflag:s3] =	ssyncset.done $0x0  }
0x86: {  	s17 =	simm.s32 $0x900;
	[sflag:s3] =	ssyncadd.s32 $0xFFFFC000  }
0x87: {  	[spmem:s2] =	stream.indirect.scatter.add.f32 [tilespmem:s25], [sflag:$0x3], $0x80, s17, s0, $0xb8;
	[tilespmem:$0x1D000] =	vst v63  }
0x88: {  	_ =	swait.ge [sflag:s18], $0x4000  }
0x89: {  	[sflag:s18] =	ssyncset.done $0x0  }
0x8a: {  	s19 =	simm.s32 $0x180;
	[sflag:s18] =	ssyncadd.s32 $0xFFFFC000  }
0x8b: {  	[tilespmem:s12], [sflag:$0x2] =	stream.indirect.gather [hbm4b:s5+s0], $0x80, s19, s0, $0xb8;
	[tilespmem:$0x1D000] =	vst v63  }
0x8c: {  	_ =	swait.ge [sflag:s13], $0x4000  }
0x8d: {  	[sflag:s13] =	ssyncset.done $0x0  }
0x8e: {  	s17 =	simm.s32 $0x980;
	[sflag:s13] =	ssyncadd.s32 $0xFFFFC000  }
0x8f: {  	[spmem:s2] =	stream.indirect.scatter.add.f32 [tilespmem:s12], [sflag:$0x4], $0x80, s17, s0, $0xb8;
	[tilespmem:$0x1D000] =	vst v63  }
0x90: {  	_ =	swait.ge [sflag:s15], $0x4000  }
0x91: {  	[sflag:s15] =	ssyncset.done $0x0  }
0x92: {  	s19 =	simm.s32 $0x200;
	[sflag:s15] =	ssyncadd.s32 $0xFFFFC000  }
0x93: {  	[tilespmem:s25], [sflag:$0x1] =	stream.indirect.gather [hbm4b:s5+s0], $0x80, s19, s0, $0xb8;
	[tilespmem:$0x1D000] =	vst v63  }
0x94: {  	_ =	swait.ge [sflag:s3], $0x4000  }
0x95: {  	[sflag:s3] =	ssyncset.done $0x0  }
0x96: {  	s17 =	simm.s32 $0xA00;
	[sflag:s3] =	ssyncadd.s32 $0xFFFFC000  }
0x97: {  	[spmem:s2] =	stream.indirect.scatter.add.f32 [tilespmem:s25], [sflag:$0x3], $0x80, s17, s0, $0xb8;
	[tilespmem:$0x1D000] =	vst v63  }
0x98: {  	_ =	swait.ge [sflag:s18], $0x4000  }
0x99: {  	[sflag:s18] =	ssyncset.done $0x0  }
0x9a: {  	s19 =	simm.s32 $0x280;
	[sflag:s18] =	ssyncadd.s32 $0xFFFFC000  }
0x9b: {  	[tilespmem:s12], [sflag:$0x2] =	stream.indirect.gather [hbm4b:s5+s0], $0x80, s19, s0, $0xb8;
	[tilespmem:$0x1D000] =	vst v63  }
0x9c: {  	_ =	swait.ge [sflag:s13], $0x4000  }
0x9d: {  	[sflag:s13] =	ssyncset.done $0x0  }
0x9e: {  	s17 =	simm.s32 $0xA80;
	[sflag:s13] =	ssyncadd.s32 $0xFFFFC000  }
0x9f: {  	[spmem:s2] =	stream.indirect.scatter.add.f32 [tilespmem:s12], [sflag:$0x4], $0x80, s17, s0, $0xb8;
	[tilespmem:$0x1D000] =	vst v63  }
0xa0: {  	_ =	swait.ge [sflag:s15], $0x4000  }
0xa1: {  	[sflag:s15] =	ssyncset.done $0x0  }
0xa2: {  	s19 =	simm.s32 $0x300;
	[sflag:s15] =	ssyncadd.s32 $0xFFFFC000  }
0xa3: {  	[tilespmem:s25], [sflag:$0x1] =	stream.indirect.gather [hbm4b:s5+s0], $0x80, s19, s0, $0xb8;
	[tilespmem:$0x1D000] =	vst v63  }
0xa4: {  	_ =	swait.ge [sflag:s3], $0x4000  }
0xa5: {  	[sflag:s3] =	ssyncset.done $0x0  }
0xa6: {  	s17 =	simm.s32 $0xB00;
	[sflag:s3] =	ssyncadd.s32 $0xFFFFC000  }
0xa7: {  	[spmem:s2] =	stream.indirect.scatter.add.f32 [tilespmem:s25], [sflag:$0x3], $0x80, s17, s0, $0xb8;
	[tilespmem:$0x1D000] =	vst v63  }
0xa8: {  	_ =	swait.ge [sflag:s18], $0x4000  }
0xa9: {  	[sflag:s18] =	ssyncset.done $0x0  }
0xaa: {  	s19 =	simm.s32 $0x380;
	[sflag:s18] =	ssyncadd.s32 $0xFFFFC000  }
0xab: {  	[tilespmem:s12], [sflag:$0x2] =	stream.indirect.gather [hbm4b:s5+s0], $0x80, s19, s0, $0xb8;
	[tilespmem:$0x1D000] =	vst v63  }
0xac: {  	_ =	swait.ge [sflag:s13], $0x4000  }
0xad: {  	[sflag:s13] =	ssyncset.done $0x0  }
0xae: {  	s17 =	simm.s32 $0xB80;
	[sflag:s13] =	ssyncadd.s32 $0xFFFFC000  }
0xaf: {  	[spmem:s2] =	stream.indirect.scatter.add.f32 [tilespmem:s12], [sflag:$0x4], $0x80, s17, s0, $0xb8;
	[tilespmem:$0x1D000] =	vst v63  }
0xb0: {  	_ =	swait.ge [sflag:s15], $0x4000  }
0xb1: {  	[sflag:s15] =	ssyncset.done $0x0  }
0xb2: {  	[sflag:s15] =	ssyncadd.s32 $0xFFFFC000  }
0xb3: {  	_ =	swait.ge [sflag:s18], $0x4000  }
0xb4: {  	[sflag:s18] =	ssyncset.done $0x0  }
0xb5: {  	p0 =	seq.s32 s14, $0x400;
	[sflag:s18] =	ssyncadd.s32 $0xFFFFC000  }
0xb6: {  	s16 =	sshrl.u32 @!p0 s28, $0x3;
	s17 =	rddreg [dreg:$0x1]  }
0xb7: {  	s19 =	simm.s32 @!p0 $0x0;
	s17 =	sadd.s32 @!p0 s17, s16  }
0xb8: {  	[tilespmem:s19], [sflag:$0x5] =	stream.linear.gather @!p0 [hbm4b:s17+s19], $0x400, $0x38;
	[tilespmem:$0x1D000] =	vst v63  }
0xb9: {  	s16 =	sadd.s32 @!p0 s6, s16;
	s17 =	simm.s32 @!p0 $0x800  }
0xba: {  	[tilespmem:s17], [sflag:$0x5] =	stream.linear.gather @!p0 [hbm4b:s16+s19], $0x400, $0x38;
	[tilespmem:$0x1D000] =	vst v63  }
0xbb: {  	_ =	swait.ge [sflag:s26], $0x400  }
0xbc: {  	[sflag:s26] =	ssyncset.done $0x0  }
0xbd: {  	[sflag:s26] =	ssyncadd.s32 $0xFFFFFC00  }
0xbe: {  	_ =	swait.ge [sflag:s26], $0x400  }
0xbf: {  	[sflag:s26] =	ssyncset.done $0x0  }
0xc0: {  	[sflag:s26] =	ssyncadd.s32 $0xFFFFFC00  }
0xc1: {  	[tilespmem:s25], [sflag:$0x1] =	stream.indirect.gather [hbm4b:s5+s0], $0x80, s29, s0, $0xb8;
	[tilespmem:$0x1D000] =	vst v63  }
0xc2: {  	_ =	swait.ge [sflag:s3], $0x4000  }
0xc3: {  	[sflag:s3] =	ssyncset.done $0x0  }
0xc4: {  	[sflag:s3] =	ssyncadd.s32 $0xFFFFC000  }
0xc5: {  	[spmem:s2] =	stream.indirect.scatter.add.f32 [tilespmem:s25], [sflag:$0x3], $0x80, s30, s0, $0xb8;
	[tilespmem:$0x1D000] =	vst v63  }
0xc6: {  	s19 =	simm.s32 $0x480  }
0xc7: {  	[tilespmem:s12], [sflag:$0x2] =	stream.indirect.gather [hbm4b:s5+s0], $0x80, s19, s0, $0xb8;
	[tilespmem:$0x1D000] =	vst v63  }
0xc8: {  	_ =	swait.ge [sflag:s13], $0x4000  }
0xc9: {  	[sflag:s13] =	ssyncset.done $0x0  }
0xca: {  	s17 =	simm.s32 $0xC80;
	[sflag:s13] =	ssyncadd.s32 $0xFFFFC000  }
0xcb: {  	[spmem:s2] =	stream.indirect.scatter.add.f32 [tilespmem:s12], [sflag:$0x4], $0x80, s17, s0, $0xb8;
	[tilespmem:$0x1D000] =	vst v63  }
0xcc: {  	_ =	swait.ge [sflag:s15], $0x4000  }
0xcd: {  	[sflag:s15] =	ssyncset.done $0x0  }
0xce: {  	s19 =	simm.s32 $0x500;
	[sflag:s15] =	ssyncadd.s32 $0xFFFFC000  }
0xcf: {  	[tilespmem:s25], [sflag:$0x1] =	stream.indirect.gather [hbm4b:s5+s0], $0x80, s19, s0, $0xb8;
	[tilespmem:$0x1D000] =	vst v63  }
0xd0: {  	_ =	swait.ge [sflag:s3], $0x4000  }
0xd1: {  	[sflag:s3] =	ssyncset.done $0x0  }
0xd2: {  	s17 =	simm.s32 $0xD00;
	[sflag:s3] =	ssyncadd.s32 $0xFFFFC000  }
0xd3: {  	[spmem:s2] =	stream.indirect.scatter.add.f32 [tilespmem:s25], [sflag:$0x3], $0x80, s17, s0, $0xb8;
	[tilespmem:$0x1D000] =	vst v63  }
0xd4: {  	_ =	swait.ge [sflag:s18], $0x4000  }
0xd5: {  	[sflag:s18] =	ssyncset.done $0x0  }
0xd6: {  	s19 =	simm.s32 $0x580;
	[sflag:s18] =	ssyncadd.s32 $0xFFFFC000  }
0xd7: {  	[tilespmem:s12], [sflag:$0x2] =	stream.indirect.gather [hbm4b:s5+s0], $0x80, s19, s0, $0xb8;
	[tilespmem:$0x1D000] =	vst v63  }
0xd8: {  	_ =	swait.ge [sflag:s13], $0x4000  }
0xd9: {  	[sflag:s13] =	ssyncset.done $0x0  }
0xda: {  	[sflag:s13] =	ssyncadd.s32 $0xFFFFC000  }
0xdb: {  	[spmem:s2] =	stream.indirect.scatter.add.f32 [tilespmem:s12], [sflag:$0x4], $0x80, s20, s0, $0xb8;
	[tilespmem:$0x1D000] =	vst v63  }
0xdc: {  	_ =	swait.ge [sflag:s15], $0x4000  }
0xdd: {  	[sflag:s15] =	ssyncset.done $0x0  }
0xde: {  	[sflag:s15] =	ssyncadd.s32 $0xFFFFC000  }
0xdf: {  	[tilespmem:s25], [sflag:$0x1] =	stream.indirect.gather [hbm4b:s5+s0], $0x80, s21, s0, $0xb8;
	[tilespmem:$0x1D000] =	vst v63  }
0xe0: {  	_ =	swait.ge [sflag:s3], $0x4000  }
0xe1: {  	[sflag:s3] =	ssyncset.done $0x0  }
0xe2: {  	[sflag:s3] =	ssyncadd.s32 $0xFFFFC000  }
0xe3: {  	[spmem:s2] =	stream.indirect.scatter.add.f32 [tilespmem:s25], [sflag:$0x3], $0x80, s24, s0, $0xb8;
	[tilespmem:$0x1D000] =	vst v63  }
0xe4: {  	_ =	swait.ge [sflag:s18], $0x4000  }
0xe5: {  	[sflag:s18] =	ssyncset.done $0x0  }
0xe6: {  	[sflag:s18] =	ssyncadd.s32 $0xFFFFC000  }
0xe7: {  	[tilespmem:s12], [sflag:$0x2] =	stream.indirect.gather [hbm4b:s5+s0], $0x80, s7, s0, $0xb8;
	[tilespmem:$0x1D000] =	vst v63  }
0xe8: {  	_ =	swait.ge [sflag:s13], $0x4000  }
0xe9: {  	[sflag:s13] =	ssyncset.done $0x0  }
0xea: {  	[sflag:s13] =	ssyncadd.s32 $0xFFFFC000  }
0xeb: {  	[spmem:s2] =	stream.indirect.scatter.add.f32 [tilespmem:s12], [sflag:$0x4], $0x80, s8, s0, $0xb8;
	[tilespmem:$0x1D000] =	vst v63  }
0xec: {  	_ =	swait.ge [sflag:s15], $0x4000  }
0xed: {  	[sflag:s15] =	ssyncset.done $0x0  }
0xee: {  	[sflag:s15] =	ssyncadd.s32 $0xFFFFC000  }
0xef: {  	[tilespmem:s25], [sflag:$0x1] =	stream.indirect.gather [hbm4b:s5+s0], $0x80, s9, s0, $0xb8;
	[tilespmem:$0x1D000] =	vst v63  }
0xf0: {  	_ =	swait.ge [sflag:s3], $0x4000  }
0xf1: {  	[sflag:s3] =	ssyncset.done $0x0  }
0xf2: {  	[sflag:s3] =	ssyncadd.s32 $0xFFFFC000  }
0xf3: {  	[spmem:s2] =	stream.indirect.scatter.add.f32 [tilespmem:s25], [sflag:$0x3], $0x80, s10, s0, $0xb8;
	[tilespmem:$0x1D000] =	vst v63  }
0xf4: {  	_ =	swait.ge [sflag:s18], $0x4000  }
0xf5: {  	[sflag:s18] =	ssyncset.done $0x0  }
0xf6: {  	[sflag:s18] =	ssyncadd.s32 $0xFFFFC000  }
0xf7: {  	[tilespmem:s12], [sflag:$0x2] =	stream.indirect.gather [hbm4b:s5+s0], $0x80, s11, s0, $0xb8;
	[tilespmem:$0x1D000] =	vst v63  }
0xf8: {  	_ =	swait.ge [sflag:s13], $0x4000  }
0xf9: {  	[sflag:s13] =	ssyncset.done $0x0  }
0xfa: {  	[sflag:s13] =	ssyncadd.s32 $0xFFFFC000  }
0xfb: {  	[spmem:s2] =	stream.indirect.scatter.add.f32 [tilespmem:s12], [sflag:$0x4], $0x80, s1, s0, $0xb8;
	[tilespmem:$0x1D000] =	vst v63  }
0xfc: {  	_ =	swait.ge [sflag:s15], $0x4000  }
.Ltmp3:
0xfd: {  	[sflag:s15] =	ssyncset.done $0x0;
	(pc) =	sbr.rel @p0 .LBB2_6-.Ltmp3, $4  }
0xfe: {  	[sflag:s15] =	ssyncadd.s32 $0xFFFFC000  }
0xff: {  	_ =	swait.ge [sflag:s18], $0x4000  }
0x100: {  	[sflag:s18] =	ssyncset.done $0x0  }
0x101: {  	[sflag:s18] =	ssyncadd.s32 $0xFFFFC000  }
.Ltmp4:
0x102: {  	(pc) =	sbr.rel .LBB2_4-.Ltmp4, $4  }
0x103: {  	s16 =	sadd.s32 s14, s23  }
0x104: {  	[tilespmem:s29], [sflag:$0x6] =	stream.linear.gather [hbm4b:s16+s4], $0x400, $0x38;
	[tilespmem:$0x1D000] =	vst v63  }
0x105: {  	s19 =	sadd.s32 s14, s22;
	s14 =	sadd.s32 $0x100, s14;
	s28 =	sadd.s32 $0x800, s28  }
0x106: {  	[tilespmem:s30], [sflag:$0x6] =	stream.linear.gather [hbm4b:s19+s4], $0x400, $0x38;
	[tilespmem:$0x1D000] =	vst v63  }
.LBB2_7:
0x107: {  	_ =	sfence.sel $0x180000  }
0x108: {  	[bflag:$0x0] =	sbarrier.arrive $0xFFFF  }
0x109: {  	_ =	strace $0x9000004A  }
0x10a: {  	s0 =	stileid.u32;
	[bflag:$0x2] =	sbarrier.arrive $0xFFFF  }
0x10b: {  	p0 =	sne.s32 s0, $0x0;
	s0 =	rddreg [dreg:$0x3]  }
0x10c: {  	s0 =	sadd.s32 @!p0 $0x100000, s0  }
0x10d: {  	[sflag:s0] =	ssyncadd.tile.s32 @!p0 $0x1;
	_ =	shalt  }
.Lfunc_end2:
_tile_overlayer_lowered:
.L_overlay_start_2:
0x10e: {  	(tag) =	ssettag $0x2  }
0x10f: {  	s0 =	rddreg [dreg:$0x0];
	s2 =	stileid.u32  }
0x110: {  	s1 =	rddreg [dreg:$0x1];
	p0 =	sne.s32 s2, $0x0  }
0x111: {  	s3 =	rddreg [dreg:$0x2];
	[bflag:$0x3] =	sbarrier.arrive $0xFFFF;
	s2 =	simm.s32 @!p0 $0x1C07  }
0x112: {  	[timem:s3], [sflag:s2] =	dma.local @!p0 [hbm:s0], s1  }
0x113: {  	s0 =	simm.s32 @!p0 $0x7  }
0x114: {  	_ =	swait.ge @!p0 [sflag:s0], s1  }
0x115: {  	s1 =	ssub.s32 @!p0 $0x0, s1;
	[sflag:s0] =	ssyncset.done @!p0 $0x0  }
0x116: {  	[sflag:s0] =	ssyncadd.s32 @!p0 s1  }
0x117: {  	[bflag:$0x3] =	sbarrier.arrive $0xFFFF  }
0x118: {  	_ =	shalt  }

// kernel: kernel.16.cloned.1.call-start
scs
__scs_entry_jumppad:
0x0: {  	(pc) =	sbr.rel $0x88, $3  }
0x1: {  	(tag) =	ssettag $0x0;
	lr =	simm.s32 $0x1  }
0x2: {  	[smem:$0x3F96] =	sst lr;
	_ =	strace $0xD0000000  }
0x3: {  	_ = 	snop  }
0x4: {  	_ = 	snop  }
0x5: {  	_ = 	snop  }
0x6: {  	_ = 	snop  }
0x7: {  	_ = 	snop  }
__scs_overlays_trampoline_lowered:
0x8: {  	[smem:$0x3FA5] =	sst s0  }
0x9: {  	[smem:$0x3FA6] =	sst s1  }
0xa: {  	[smem:$0x3FA7] =	sst s2  }
0xb: {  	[smem:$0x3FA8] =	sst s3  }
0xc: {  	[smem:$0x3FA9] =	sst s4  }
0xd: {  	[smem:$0x3FAA] =	sst s5  }
0xe: {  	[smem:$0x3FAB] =	sst s6  }
0xf: {  	[smem:$0x3FAC] =	sst s7  }
0x10: {  	[smem:$0x3FAD] =	sst s8  }
0x11: {  	[smem:$0x3FAE] =	sst s9;
	s0 =	simm.s32 @!p0 $0x0  }
0x12: {  	s1 =	sld [smem:$0x3F94];
	s0 =	simm.s32 @p0 $0x1  }
0x13: {  	[smem:$0x3FAF] =	sst s0;
	s0 =	simm.s32 @!p1 $0x0  }
0x14: {  	s2 =	sld [smem:$0x3F93];
	s0 =	simm.s32 @p1 $0x1  }
0x15: {  	[smem:$0x3FB0] =	sst s0;
	s0 =	simm.s32 @!p2 $0x0  }
0x16: {  	s3 =	sld [smem:$0x3FDB];
	s0 =	simm.s32 @p2 $0x1  }
0x17: {  	s4 =	simm.s32 $0x1BF5;
	[smem:$0x3FB2] =	sst s0  }
0x18: {  	s0 =	sld [smem:$0x3F95];
	_ =	swait.ge [sflag:s4], $0x0  }
0x19: {  	s7 =	sld [smem:$0x3F96]  }
0x1a: {  	s8 =	sadd.s32 $0xFFFFE003, lr  }
0x1b: {  	s9 =	sadd.s32 $0xFFFFFEF7, lr;
	s5 =	simm.s32 $0xFFFFFFFF;
	p2 =	slt.u32 s8, $0xFFFFF086  }
0x1c: {  	p1 =	slt.u32 s9, $0xF7A;
	s5 =	simm.s32 @!p2 $0x0  }
0x1d: {  	s5 =	simm.s32 @p1 $0x1;
	p0 =	seq.s32 s7, s2  }
0x1e: {  	s7 =	smul.u32 @!p0 $0xF7A, s2;
	p2 =	seq.s32 @!p0 s5, $0x0  }
0x1f: {  	s9 =	smul.u32 $0xF7A, s1;
	s8 =	simm.s32 @!p0 $0x1BF5;
	p2 =	por !p2, p0  }
0x20: {  	[sflag:s8] =	ssyncset.s32 @!p0 $0xFFFFF086;
	s6 =	sadd.s32 @!p0 s3, s7;
	s7 =	simm.s32 @!p0 $0x108  }
0x21: {  	s3 =	sadd.s32 s3, s9;
	s6 =	sadd.s32 @!p0 $0x88, s6;
	s7 =	simm.s32 @p2 $0x1082  }
0x22: {  	[simem:s7], [sflag:s8] =	dma.local @!p0 [hbm:s6], $0xF7A  }
0x23: {  	s9 =	sor.u32 $0xD0000000, s2;
	s6 =	simm.s32 $0x108;
	_ =	swait.ge @!p0 [sflag:s8], $0x0  }
0x24: {  	s3 =	sadd.s32 $0x88, s3;
	s6 =	simm.s32 @!p1 $0x1082;
	[sflag:s4] =	ssyncset.s32 $0xFFFFF086  }
0x25: {  	[simem:s6], [sflag:s4] =	dma.local [hbm:s3], $0xF7A  }
0x26: {  	[smem:$0x3F96] =	sst s1;
	(tag) =	ssettag s2;
	_ =	strace s9  }
0x27: {  	s1 =	sld [smem:$0x3FA6]  }
0x28: {  	s2 =	sld [smem:$0x3FA7]  }
0x29: {  	s4 =	sld [smem:$0x3FA9]  }
0x2a: {  	p0 =	seq.s32 s5, $0x0;
	s5 =	sld [smem:$0x3FAA]  }
0x2b: {  	s6 =	sld [smem:$0x3FAB]  }
0x2c: {  	s7 =	sld [smem:$0x3FAC]  }
0x2d: {  	s3 =	simm.s32 $0x108;
	s8 =	sld [smem:$0x3FAD]  }
0x2e: {  	s3 =	simm.s32 @!p0 $0x1082;
	s9 =	sld [smem:$0x3FAE]  }
0x2f: {  	lr =	sadd.s32 s0, s3;
	s0 =	sld [smem:$0x3FA5]  }
0x30: {  	s3 =	sld [smem:$0x3FA8]  }
0x31: {  	[smem:$0x3FB1] =	sst s10  }
0x32: {  	s10 =	sld [smem:$0x3FAF];
	_ =	sdelay $0x3  }
0x33: {  	p0 =	seq.s32 s10, $0x1;
	s10 =	sld [smem:$0x3FB1];
	_ =	sdelay $0x3  }
0x34: {  	[smem:$0x3FB1] =	sst s10  }
0x35: {  	s10 =	sld [smem:$0x3FB0];
	_ =	sdelay $0x3  }
0x36: {  	p1 =	seq.s32 s10, $0x1;
	s10 =	sld [smem:$0x3FB1];
	_ =	sdelay $0x3  }
0x37: {  	[smem:$0x3FB1] =	sst s10  }
0x38: {  	s10 =	sld [smem:$0x3FB2]  }
0x39: {  	_ = 	snop;
	(pc) =	sbr.ind lr, $3  }
0x3a: {  	_ = 	snop  }
0x3b: {  	_ = 	snop  }
0x3c: {  	p2 =	seq.s32 s10, $0x1;
	s10 =	sld [smem:$0x3FB1]  }
0x3d: {  	_ =	shalt  }
0x3e: {  	_ =	shalt  }
0x3f: {  	_ =	shalt  }
0x40: {  	_ =	shalt  }
0x41: {  	_ =	shalt  }
0x42: {  	_ =	shalt  }
0x43: {  	_ =	shalt  }
0x44: {  	_ =	shalt  }
0x45: {  	_ =	shalt  }
0x46: {  	_ =	shalt  }
0x47: {  	_ =	shalt  }
0x48: {  	_ =	shalt  }
0x49: {  	_ =	shalt  }
0x4a: {  	_ =	shalt  }
0x4b: {  	_ =	shalt  }
0x4c: {  	_ =	shalt  }
0x4d: {  	_ =	shalt  }
0x4e: {  	_ =	shalt  }
0x4f: {  	_ =	shalt  }
0x50: {  	_ =	shalt  }
0x51: {  	_ =	shalt  }
0x52: {  	_ =	shalt  }
0x53: {  	_ =	shalt  }
0x54: {  	_ =	shalt  }
0x55: {  	_ =	shalt  }
0x56: {  	_ =	shalt  }
0x57: {  	_ =	shalt  }
0x58: {  	_ =	shalt  }
0x59: {  	_ =	shalt  }
0x5a: {  	_ =	shalt  }
0x5b: {  	_ =	shalt  }
0x5c: {  	_ =	shalt  }
0x5d: {  	_ =	shalt  }
0x5e: {  	_ =	shalt  }
0x5f: {  	_ =	shalt  }
0x60: {  	_ =	shalt  }
0x61: {  	_ =	shalt  }
0x62: {  	_ =	shalt  }
0x63: {  	_ =	shalt  }
0x64: {  	_ =	shalt  }
0x65: {  	_ =	shalt  }
0x66: {  	_ =	shalt  }
0x67: {  	_ =	shalt  }
0x68: {  	_ =	shalt  }
0x69: {  	_ =	shalt  }
0x6a: {  	_ =	shalt  }
0x6b: {  	_ =	shalt  }
0x6c: {  	_ =	shalt  }
0x6d: {  	_ =	shalt  }
0x6e: {  	_ =	shalt  }
0x6f: {  	_ =	shalt  }
0x70: {  	_ =	shalt  }
0x71: {  	_ =	shalt  }
0x72: {  	_ =	shalt  }
0x73: {  	_ =	shalt  }
0x74: {  	_ =	shalt  }
0x75: {  	_ =	shalt  }
0x76: {  	_ =	shalt  }
0x77: {  	_ =	shalt  }
0x78: {  	_ =	shalt  }
0x79: {  	_ =	shalt  }
0x7a: {  	_ =	shalt  }
0x7b: {  	_ =	shalt  }
0x7c: {  	_ =	shalt  }
0x7d: {  	_ =	shalt  }
0x7e: {  	_ =	shalt  }
0x7f: {  	_ =	shalt  }
0x80: {  	_ =	shalt  }
0x81: {  	_ =	shalt  }
0x82: {  	_ =	shalt  }
0x83: {  	_ =	shalt  }
0x84: {  	_ =	shalt  }
0x85: {  	_ =	shalt  }
0x86: {  	_ =	shalt  }
0x87: {  	_ =	shalt  }
.Lfunc_end0:
.L_simem_size_0:
called_computation.2_lowered:
.L_overlay_start_0:
0x88: {  	s2 =	sld [smem:$0x3FD9]  }
0x89: {  	s3 =	sld [smem:$0x3FFE];
	_ =	sdelay $0x1  }
0x8a: {  	s1 =	srdreg.scid  }
0x8b: {  	s0 =	sand.u32 $0x1, s1  }
0x8c: {  	s17 =	sshll.u32 s0, $0xA;
	s2 =	sadd.s32 s3, s2  }
0x8d: {  	s2 =	sadd.s32 s2, s17  }
0x8e: {  	[smem:$0x3FBD] =	sst s2  }
0x8f: {  	_ = 	snop  }
0x90: {  	s2 =	sld [smem:$0x3FD0];
	(tm) =	ssettm $0x1  }
0x91: {  	s18 =	sld [smem:$0x3FFB];
	_ =	sdelay $0x3  }
0x92: {  	_ =	strace s18  }
0x93: {  	s3 =	sld [smem:$0x3FFC];
	_ =	sdelay $0x3  }
0x94: {  	_ =	strace s3  }
0x95: {  	s3 =	sld [smem:$0x3FFD];
	_ =	sdelay $0x3  }
0x96: {  	_ =	strace s3  }
0x97: {  	_ =	strace $0x8FFFFFFF  }
0x98: {  	s19 =	sld [smem:$0x3FDB];
	_ =	sdelay $0x1  }
0x99: {  	s4 =	simm.s32 $_scs_section_size  }
0x9a: {  	s5 =	simm.s32 $_size__tile_overlayer_lowered;
	s6 =	simm.s32 $_tile_overlayer_lowered  }
0x9b: {  	s22 =	simm.s32 $0x1BFF;
	s21 =	sshll.u32 s6, $0x1;
	s3 =	sadd.s32 s4, s19  }
0x9c: {  	s7 =	simm.s32 $0x0;
	s20 =	sshll.u32 s5, $0x1;
	s5 =	sadd.s32 s21, s3  }
0x9d: {  	[timem:s7], [sflag:s22] =	dma.local [hbm:s5], s20  }
0x9e: {  	_ =	swait.ge [sflag:s22], s20  }
0x9f: {  	s4 =	ssub.s32 $0x0, s20;
	[sflag:s22] =	ssyncset.done $0x0  }
0xa0: {  	[sflag:s22] =	ssyncadd.s32 s4;
	_ =	sdelay $0x1  }
0xa1: {  	s23 =	simm.s32 $0x1B8B  }
0xa2: {  	_ =	swait.ge [sflag:s23], $0x1  }
0xa3: {  	[sflag:s23] =	ssyncset.done $0x0  }
0xa4: {  	s25 =	simm.s32 $0x1B8E;
	s24 =	sld [smem:$0x3FFE];
	[sflag:s23] =	ssyncadd.s32 $0xFFFFFFFF  }
0xa5: {  	s26 =	simm.s32 $execute0_lowered;
	[smem:$0x3FD2] =	sst s25  }
0xa6: {  	s5 =	sshll.u32 s26, $0x1;
	_ =	strace $0x8000004C;
	[dreg:$0x1] =	wrdreg $0xFFFFFFFF  }
0xa7: {  	s28 =	simm.s32 $_size_execute0_lowered;
	s3 =	sadd.s32 s3, s5;
	[dreg:$0x0] =	wrdreg $0x0  }
0xa8: {  	s5 =	sshll.u32 s28, $0x1;
	[dreg:$0x2] =	wrdreg s3  }
0xa9: {  	[dreg:$0x3] =	wrdreg s5  }
0xaa: {  	[dreg:$0x4] =	wrdreg $0xC0  }
0xab: {  	_ =	task [dreg:s7], $0x5FFFF  }
0xac: {  	[dreg:$0x1] =	wrdreg $0xFFFFFFFF  }
0xad: {  	[dreg:$0x0] =	wrdreg $0x60  }
0xae: {  	[dreg:$0x2] =	wrdreg s24  }
0xaf: {  	[dreg:$0x3] =	wrdreg s2  }
0xb0: {  	[dreg:$0x4] =	wrdreg $0x90000  }
0xb1: {  	[dreg:$0x5] =	wrdreg $0x9  }
0xb2: {  	_ =	task.clear_ibuf [dreg:s7], $0x6FFFF;
	_ =	strace $0x9000004C  }
0xb3: {  	s29 =	simm.s32 $0x9;
	_ =	strace $0x8000004E  }
0xb4: {  	_ =	swait.ge [sflag:s29], $0x1  }
0xb5: {  	[sflag:s29] =	ssyncadd.s32 $0xFFFFFFFF  }
0xb6: {  	_ =	strace $0x9000004E  }
0xb7: {  	_ =	sfence  }
0xb8: {  	s30 =	sld [smem:$0x0];
	_ =	sdelay $0x2  }
0xb9: {  	s31 =	sshll.u32 s1, $0xD;
	s1 =	sshrl.u32 s1, $0x2  }
0xba: {  	s3 =	sand.u32 $0x4000, s31;
	s1 =	sadd.s32 s1, s30  }
0xbb: {  	s0 =	sor.u32 s3, s0;
	s1 =	sshll.u32 s1, $0x11  }
0xbc: {  	s0 =	sor.u32 s1, s0  }
0xbd: {  	s0 =	sadd.s32 $0x8F2B, s0  }
0xbe: {  	[sflag:s0] =	ssyncadd.remote.s32 $0x1  }
0xbf: {  	_ =	sfence.sel $0xFFFF  }
0xc0: {  	[dreg:$0x0] =	wrdreg $0xFFFFFFFF;
	(pc) =	sbr.abs _section_cstart, $3  }
0xc1: {  	[dreg:$0x1] =	wrdreg $0xFFFFFFFF  }
0xc2: {  	_ =	task.clear_ibuf [dreg:s7], $0x2FFFF;
	_ =	strace $0x9FFFFFFF  }
0xc3: {  	(tm) =	ssettm $0x7FFFFFFF  }
tec
execute0_lowered:
.L_overlay_start_1:
0x0: {  	(tag) =	ssettag $0x1  }
0x1: {  	s0 =	rddreg [dreg:$0x0]  }
0x2: {  	s14 =	rddreg [dreg:$0x1]  }
0x3: {  	s2 =	rddreg [dreg:$0x2]  }
0x4: {  	s4 =	simm.s32 $0x0;
	s1 =	srdreg.scid;
	s15 =	stileid.u32  }
0x5: {  	s29 =	simm.s32 $0x400;
	s30 =	simm.s32 $0xC00;
	s31 =	simm.s32 $0x5  }
0x6: {  	[smem:$0x7FF] =	sst s4;
	s1 =	sand.u32 $0x1, s1;
	s7 =	smul.u32 $0x50000, s15  }
0x7: {  	s5 =	sadd.s32 $0xCE00, s0;
	s6 =	sadd.s32 $0x2E00, s0;
	s10 =	smul.u32 $0x14000, s15  }
0x8: {  	s0 =	sadd.s32 $0x34E00, s0;
	s21 =	smul.u32 $0x2800, s15;
	_ =	strace $0x8000004D  }
0x9: {  	s3 =	ssub.s32 $0x2, s1;
	s9 =	sshll.u32 s1, $0x4;
	s13 =	smul.u32 $0x140000, s1  }
0xa: {  	s1 =	smul.u32 $0x28000, s1;
	s8 =	sshrl.u32 s3, $0x1;
	s7 =	sshrl.u32 s7, $0x2  }
0xb: {  	s22 =	sor.u32 s15, s9;
	s23 =	sadd.s32 $0x4000, s10;
	s24 =	sadd.s32 $0x8000, s10  }
0xc: {  	s25 =	sadd.s32 $0xC000, s10;
	s12 =	sadd.s32 $0x10000, s10;
	s15 =	simm.s32 $0x3  }
0xd: {  	s3 =	ssub.s32 s3, s8;
	s7 =	sadd.s32 s7, s2;
	s8 =	smul.u32 $0x2800, s22  }
0xe: {  	s19 =	sadd.s32 s23, s2;
	s11 =	sadd.s32 s24, s2;
	s16 =	sadd.s32 s25, s2  }
0xf: {  	s26 =	sadd.s32 s12, s2;
	s10 =	sadd.s32 s10, s13;
	[dreg:$0x4] =	wrdreg s7  }
0x10: {  	s9 =	sadd.s32 s13, s24;
	s24 =	sadd.s32 s13, s12;
	[dreg:$0x6] =	wrdreg s11  }
0x11: {  	s1 =	sadd.s32 s21, s1;
	s12 =	simm.s32 $0x5000;
	[dreg:$0x7] =	wrdreg s16  }
0x12: {  	s21 =	simm.s32 $0x600;
	[dreg:$0x8] =	wrdreg s26;
	s20 =	sshrl.u32 s10, $0x3  }
0x13: {  	s7 =	sadd.s32 s13, s23;
	s9 =	sshrl.u32 s9, $0x3;
	s23 =	sadd.s32 s13, s25  }
0x14: {  	s25 =	sadd.s32 $0xC00, s1;
	s3 =	smax.u32 s3, $0x1;
	s13 =	simm.s32 $0x2  }
0x15: {  	s10 =	simm.s32 $0xF00;
	s11 =	simm.s32 $0x780;
	s16 =	simm.s32 $0x0  }
0x16: {  	[dreg:$0x5] =	wrdreg s19;
	s8 =	sshrl.u32 s8, $0x3;
	s7 =	sshrl.u32 s7, $0x3  }
0x17: {  	s22 =	sadd.s32 s0, s9;
	s26 =	sshrl.u32 s25, $0x3;
	[dreg:$0x12] =	wrdreg s3  }
0x18: {  	s25 =	simm.s32 $0x1000;
	s3 =	simm.s32 $0x1;
	s9 =	simm.s32 $0x700  }
0x19: {  	s28 =	sadd.s32 s14, s8;
	s17 =	sadd.s32 s6, s8;
	[dreg:$0xf] =	wrdreg s22  }
0x1a: {  	s8 =	sor.u32 $0x80, s8;
	s7 =	sadd.s32 s0, s7;
	[dreg:$0x9] =	wrdreg s28  }
0x1b: {  	s22 =	sadd.s32 s26, s6;
	[dreg:$0xa] =	wrdreg s17;
	s18 =	sadd.s32 s14, s8  }
0x1c: {  	s8 =	sadd.s32 s6, s8;
	[dreg:$0xe] =	wrdreg s7;
	s7 =	sshrl.u32 s23, $0x3  }
0x1d: {  	s23 =	sadd.s32 s26, s14;
	s28 =	sadd.s32 $0x800, s1;
	[dreg:$0xb] =	wrdreg s18  }
0x1e: {  	s26 =	simm.s32 $0x6;
	s1 =	simm.s32 $0xF80;
	[dreg:$0xc] =	wrdreg s8  }
.Ltmp0:
0x1f: {  	s8 =	sadd.s32 s0, s20;
	[dreg:$0x13] =	wrdreg s28;
	(pc) =	sbr.rel .LBB2_1-.Ltmp0, $4  }
0x20: {  	s7 =	sadd.s32 s0, s7;
	s18 =	simm.s32 $0x4;
	[dreg:$0xd] =	wrdreg s8  }
0x21: {  	s20 =	simm.s32 $0xD80;
	s8 =	sshrl.u32 s24, $0x3;
	[dreg:$0x10] =	wrdreg s7  }
0x22: {  	s24 =	simm.s32 $0xE00;
	s7 =	simm.s32 $0x680;
	s0 =	sadd.s32 s0, s8  }
0x23: {  	v0 =	vimm.f32 $0.0e+00;
	s8 =	simm.s32 $0xE80;
	[dreg:$0x11] =	wrdreg s0;
	s0 =	simm.s32 $0x80  }
.LBB2_6:
0x24: {  	s14 =	stileid.u32;
	[bflag:$0x0] =	sbarrier.arrive $0xFFFF  }
0x25: {  	s17 =	simm.s32 $0x7;
	s14 =	sshll.u32 s14, $0x6;
	s16 =	rddreg [dreg:$0x4]  }
0x26: {  	s19 =	rddreg [dreg:$0xd];
	s14 =	sor.u32 $0x1C07, s14;
	s16 =	sshrl.u32 s16, $0x3  }
0x27: {  	[hbm:s19], [sflag:s14] =	dma.local [spmem:s16], $0x800  }
0x28: {  	_ =	swait.ge [sflag:s17], $0x800  }
0x29: {  	[sflag:s17] =	ssyncset.done $0x0;
	s19 =	rddreg [dreg:$0x5]  }
0x2a: {  	s28 =	rddreg [dreg:$0xe];
	[sflag:s17] =	ssyncadd.s32 $0xFFFFF800;
	s16 =	sshrl.u32 s19, $0x3  }
0x2b: {  	[hbm:s28], [sflag:s14] =	dma.local [spmem:s16], $0x800  }
0x2c: {  	_ =	swait.ge [sflag:s17], $0x800  }
0x2d: {  	[sflag:s17] =	ssyncset.done $0x0;
	s28 =	rddreg [dreg:$0x6]  }
0x2e: {  	[sflag:s17] =	ssyncadd.s32 $0xFFFFF800;
	s16 =	sshrl.u32 s28, $0x3;
	s28 =	rddreg [dreg:$0xf]  }
0x2f: {  	[hbm:s28], [sflag:s14] =	dma.local [spmem:s16], $0x800  }
0x30: {  	_ =	swait.ge [sflag:s17], $0x800  }
0x31: {  	[sflag:s17] =	ssyncset.done $0x0;
	s28 =	rddreg [dreg:$0x7]  }
0x32: {  	[sflag:s17] =	ssyncadd.s32 $0xFFFFF800;
	s16 =	sshrl.u32 s28, $0x3;
	s28 =	rddreg [dreg:$0x10]  }
0x33: {  	[hbm:s28], [sflag:s14] =	dma.local [spmem:s16], $0x800  }
0x34: {  	_ =	swait.ge [sflag:s17], $0x800  }
0x35: {  	[sflag:s17] =	ssyncset.done $0x0;
	s28 =	rddreg [dreg:$0x8]  }
0x36: {  	[sflag:s17] =	ssyncadd.s32 $0xFFFFF800;
	s16 =	sshrl.u32 s28, $0x3;
	s28 =	rddreg [dreg:$0x11]  }
0x37: {  	[hbm:s28], [sflag:s14] =	dma.local [spmem:s16], $0x800  }
0x38: {  	_ =	swait.ge [sflag:s17], $0x800  }
0x39: {  	s14 =	rddreg [dreg:$0x14]  }
0x3a: {  	s28 =	rddreg [dreg:$0x12];
	s16 =	sadd.s32 $0x1, s14  }
0x3b: {  	p0 =	sne.s32 s16, s28  }
.Ltmp1:
0x3c: {  	_ = 	snop;
	(pc) =	sbr.rel @!p0 .LBB2_7-.Ltmp1, $3  }
0x3d: {  	_ =	sdelay $0x1  }
0x3e: {  	[sflag:s17] =	ssyncset.done $0x0  }
0x3f: {  	[sflag:s17] =	ssyncadd.s32 $0xFFFFF800  }
.LBB2_1:
0x40: {  	[dreg:$0x14] =	wrdreg s16;
	s14 =	simm.s32 $0x0;
	s28 =	simm.s32 $0x200  }
.LBB2_2:
0x41: {  	p0 =	sne.s32 s28, $0xFE00;
	[tilespmem:s14+$0x1070] =	vst v0  }
0x42: {  	[tilespmem:s14+$0x1000] =	vst v0  }
0x43: {  	[tilespmem:s14+$0x1010] =	vst v0  }
.Ltmp2:
0x44: {  	[tilespmem:s14+$0x1020] =	vst v0;
	(pc) =	sbr.rel @p0 .LBB2_2-.Ltmp2, $4  }
0x45: {  	[tilespmem:s14+$0x1030] =	vst v0  }
0x46: {  	[tilespmem:s14+$0x1040] =	vst v0  }
0x47: {  	[tilespmem:s14+$0x1050] =	vst v0  }
0x48: {  	[tilespmem:s14+$0x1060] =	vst v0;
	s14 =	sshra.s32 s28, $0x2;
	s28 =	sadd.s32 $0x200, s28  }
0x49: {  	[tilespmem:s14+$0x1070] =	vst v0  }
0x4a: {  	[tilespmem:s14+$0x1000] =	vst v0  }
0x4b: {  	[tilespmem:s14+$0x1010] =	vst v0  }
0x4c: {  	[tilespmem:s14+$0x1020] =	vst v0  }
0x4d: {  	[tilespmem:s14+$0x1030] =	vst v0  }
0x4e: {  	[tilespmem:s14+$0x1040] =	vst v0  }
0x4f: {  	[tilespmem:s14+$0x1050] =	vst v0  }
0x50: {  	[tilespmem:s14+$0x1060] =	vst v0;
	s17 =	rddreg [dreg:$0x4];
	s16 =	simm.s32 $0x7  }
0x51: {  	[spmem:s17] =	stream.linear.scatter [tilespmem:s25], [sflag:$0x7], $0x4000, $0x38;
	[tilespmem:$0x1D000] =	vst v63  }
0x52: {  	_ =	swait.ge [sflag:s16], $0x4000  }
0x53: {  	[sflag:s16] =	ssyncset.done $0x0  }
0x54: {  	[sflag:s16] =	ssyncadd.s32 $0xFFFFC000  }
0x55: {  	[spmem:s19] =	stream.linear.scatter [tilespmem:s25], [sflag:$0x7], $0x4000, $0x38;
	[tilespmem:$0x1D000] =	vst v63  }
0x56: {  	_ =	swait.ge [sflag:s16], $0x4000  }
0x57: {  	[sflag:s16] =	ssyncset.done $0x0  }
0x58: {  	s19 =	rddreg [dreg:$0x6];
	[sflag:s16] =	ssyncadd.s32 $0xFFFFC000  }
0x59: {  	[spmem:s19] =	stream.linear.scatter [tilespmem:s25], [sflag:$0x7], $0x4000, $0x38;
	[tilespmem:$0x1D000] =	vst v63  }
0x5a: {  	_ =	swait.ge [sflag:s16], $0x4000  }
0x5b: {  	[sflag:s16] =	ssyncset.done $0x0  }
0x5c: {  	s17 =	rddreg [dreg:$0x7];
	[sflag:s16] =	ssyncadd.s32 $0xFFFFC000  }
0x5d: {  	[spmem:s17] =	stream.linear.scatter [tilespmem:s25], [sflag:$0x7], $0x4000, $0x38;
	[tilespmem:$0x1D000] =	vst v63  }
0x5e: {  	_ =	swait.ge [sflag:s16], $0x4000  }
0x5f: {  	[sflag:s16] =	ssyncset.done $0x0  }
0x60: {  	s19 =	rddreg [dreg:$0x8];
	[sflag:s16] =	ssyncadd.s32 $0xFFFFC000  }
0x61: {  	[spmem:s19] =	stream.linear.scatter [tilespmem:s25], [sflag:$0x7], $0x4000, $0x38;
	[tilespmem:$0x1D000] =	vst v63  }
0x62: {  	_ =	swait.ge [sflag:s16], $0x4000  }
0x63: {  	[sflag:s16] =	ssyncset.done $0x0  }
0x64: {  	[sflag:s16] =	ssyncadd.s32 $0xFFFFC000  }
0x65: {  	[bflag:$0x0] =	sbarrier.arrive $0xFFFF  }
0x66: {  	s17 =	rddreg [dreg:$0x9]  }
0x67: {  	s14 =	simm.s32 $0x0;
	s19 =	rddreg [dreg:$0xa]  }
0x68: {  	[tilespmem:s14], [sflag:$0x5] =	stream.linear.gather [hbm4b:s17+s14], $0x400, $0x38;
	[tilespmem:$0x1D000] =	vst v63  }
0x69: {  	s28 =	rddreg [dreg:$0x13];
	s17 =	simm.s32 $0x800  }
0x6a: {  	[tilespmem:s17], [sflag:$0x5] =	stream.linear.gather [hbm4b:s19+s14], $0x400, $0x38;
	[tilespmem:$0x1D000] =	vst v63  }
0x6b: {  	s17 =	rddreg [dreg:$0xb]  }
0x6c: {  	[tilespmem:s29], [sflag:$0x6] =	stream.linear.gather [hbm4b:s17+s14], $0x400, $0x38;
	[tilespmem:$0x1D000] =	vst v63  }
0x6d: {  	s19 =	rddreg [dreg:$0xc]  }
0x6e: {  	[tilespmem:s30], [sflag:$0x6] =	stream.linear.gather [hbm4b:s19+s14], $0x400, $0x38;
	[tilespmem:$0x1D000] =	vst v63  }
.LBB2_4:
0x6f: {  	_ =	swait.ge [sflag:s31], $0x400  }
0x70: {  	[sflag:s31] =	ssyncset.done $0x0  }
0x71: {  	[sflag:s31] =	ssyncadd.s32 $0xFFFFFC00  }
0x72: {  	_ =	swait.ge [sflag:s31], $0x400  }
0x73: {  	[sflag:s31] =	ssyncset.done $0x0  }
0x74: {  	[sflag:s31] =	ssyncadd.s32 $0xFFFFFC00  }
0x75: {  	[tilespmem:s25], [sflag:$0x1] =	stream.indirect.gather [hbm4b:s5+s0], $0x80, s4, s0, $0xb8;
	[tilespmem:$0x1D000] =	vst v63  }
0x76: {  	_ =	swait.ge [sflag:s3], $0x4000  }
0x77: {  	[sflag:s3] =	ssyncset.done $0x0  }
0x78: {  	s16 =	simm.s32 $0x800;
	[sflag:s3] =	ssyncadd.s32 $0xFFFFC000  }
0x79: {  	[spmem:s2] =	stream.indirect.scatter.add.f32 [tilespmem:s25], [sflag:$0x3], $0x80, s16, s0, $0xb8;
	[tilespmem:$0x1D000] =	vst v63  }
0x7a: {  	_ = 	snop  }
0x7b: {  	[tilespmem:s12], [sflag:$0x2] =	stream.indirect.gather [hbm4b:s5+s0], $0x80, s0, s0, $0xb8;
	[tilespmem:$0x1D000] =	vst v63  }
0x7c: {  	_ =	swait.ge [sflag:s13], $0x4000  }
0x7d: {  	[sflag:s13] =	ssyncset.done $0x0  }
0x7e: {  	s17 =	simm.s32 $0x880;
	[sflag:s13] =	ssyncadd.s32 $0xFFFFC000  }
0x7f: {  	[spmem:s2] =	stream.indirect.scatter.add.f32 [tilespmem:s12], [sflag:$0x4], $0x80, s17, s0, $0xb8;
	[tilespmem:$0x1D000] =	vst v63  }
0x80: {  	_ =	swait.ge [sflag:s15], $0x4000  }
0x81: {  	[sflag:s15] =	ssyncset.done $0x0  }
0x82: {  	s19 =	simm.s32 $0x100;
	[sflag:s15] =	ssyncadd.s32 $0xFFFFC000  }
0x83: {  	[tilespmem:s25], [sflag:$0x1] =	stream.indirect.gather [hbm4b:s5+s0], $0x80, s19, s0, $0xb8;
	[tilespmem:$0x1D000] =	vst v63  }
0x84: {  	_ =	swait.ge [sflag:s3], $0x4000  }
0x85: {  	[sflag:s3] =	ssyncset.done $0x0  }
0x86: {  	s17 =	simm.s32 $0x900;
	[sflag:s3] =	ssyncadd.s32 $0xFFFFC000  }
0x87: {  	[spmem:s2] =	stream.indirect.scatter.add.f32 [tilespmem:s25], [sflag:$0x3], $0x80, s17, s0, $0xb8;
	[tilespmem:$0x1D000] =	vst v63  }
0x88: {  	_ =	swait.ge [sflag:s18], $0x4000  }
0x89: {  	[sflag:s18] =	ssyncset.done $0x0  }
0x8a: {  	s19 =	simm.s32 $0x180;
	[sflag:s18] =	ssyncadd.s32 $0xFFFFC000  }
0x8b: {  	[tilespmem:s12], [sflag:$0x2] =	stream.indirect.gather [hbm4b:s5+s0], $0x80, s19, s0, $0xb8;
	[tilespmem:$0x1D000] =	vst v63  }
0x8c: {  	_ =	swait.ge [sflag:s13], $0x4000  }
0x8d: {  	[sflag:s13] =	ssyncset.done $0x0  }
0x8e: {  	s17 =	simm.s32 $0x980;
	[sflag:s13] =	ssyncadd.s32 $0xFFFFC000  }
0x8f: {  	[spmem:s2] =	stream.indirect.scatter.add.f32 [tilespmem:s12], [sflag:$0x4], $0x80, s17, s0, $0xb8;
	[tilespmem:$0x1D000] =	vst v63  }
0x90: {  	_ =	swait.ge [sflag:s15], $0x4000  }
0x91: {  	[sflag:s15] =	ssyncset.done $0x0  }
0x92: {  	s19 =	simm.s32 $0x200;
	[sflag:s15] =	ssyncadd.s32 $0xFFFFC000  }
0x93: {  	[tilespmem:s25], [sflag:$0x1] =	stream.indirect.gather [hbm4b:s5+s0], $0x80, s19, s0, $0xb8;
	[tilespmem:$0x1D000] =	vst v63  }
0x94: {  	_ =	swait.ge [sflag:s3], $0x4000  }
0x95: {  	[sflag:s3] =	ssyncset.done $0x0  }
0x96: {  	s17 =	simm.s32 $0xA00;
	[sflag:s3] =	ssyncadd.s32 $0xFFFFC000  }
0x97: {  	[spmem:s2] =	stream.indirect.scatter.add.f32 [tilespmem:s25], [sflag:$0x3], $0x80, s17, s0, $0xb8;
	[tilespmem:$0x1D000] =	vst v63  }
0x98: {  	_ =	swait.ge [sflag:s18], $0x4000  }
0x99: {  	[sflag:s18] =	ssyncset.done $0x0  }
0x9a: {  	s19 =	simm.s32 $0x280;
	[sflag:s18] =	ssyncadd.s32 $0xFFFFC000  }
0x9b: {  	[tilespmem:s12], [sflag:$0x2] =	stream.indirect.gather [hbm4b:s5+s0], $0x80, s19, s0, $0xb8;
	[tilespmem:$0x1D000] =	vst v63  }
0x9c: {  	_ =	swait.ge [sflag:s13], $0x4000  }
0x9d: {  	[sflag:s13] =	ssyncset.done $0x0  }
0x9e: {  	s17 =	simm.s32 $0xA80;
	[sflag:s13] =	ssyncadd.s32 $0xFFFFC000  }
0x9f: {  	[spmem:s2] =	stream.indirect.scatter.add.f32 [tilespmem:s12], [sflag:$0x4], $0x80, s17, s0, $0xb8;
	[tilespmem:$0x1D000] =	vst v63  }
0xa0: {  	_ =	swait.ge [sflag:s15], $0x4000  }
0xa1: {  	[sflag:s15] =	ssyncset.done $0x0  }
0xa2: {  	s19 =	simm.s32 $0x300;
	[sflag:s15] =	ssyncadd.s32 $0xFFFFC000  }
0xa3: {  	[tilespmem:s25], [sflag:$0x1] =	stream.indirect.gather [hbm4b:s5+s0], $0x80, s19, s0, $0xb8;
	[tilespmem:$0x1D000] =	vst v63  }
0xa4: {  	_ =	swait.ge [sflag:s3], $0x4000  }
0xa5: {  	[sflag:s3] =	ssyncset.done $0x0  }
0xa6: {  	s17 =	simm.s32 $0xB00;
	[sflag:s3] =	ssyncadd.s32 $0xFFFFC000  }
0xa7: {  	[spmem:s2] =	stream.indirect.scatter.add.f32 [tilespmem:s25], [sflag:$0x3], $0x80, s17, s0, $0xb8;
	[tilespmem:$0x1D000] =	vst v63  }
0xa8: {  	_ =	swait.ge [sflag:s18], $0x4000  }
0xa9: {  	[sflag:s18] =	ssyncset.done $0x0  }
0xaa: {  	s19 =	simm.s32 $0x380;
	[sflag:s18] =	ssyncadd.s32 $0xFFFFC000  }
0xab: {  	[tilespmem:s12], [sflag:$0x2] =	stream.indirect.gather [hbm4b:s5+s0], $0x80, s19, s0, $0xb8;
	[tilespmem:$0x1D000] =	vst v63  }
0xac: {  	_ =	swait.ge [sflag:s13], $0x4000  }
0xad: {  	[sflag:s13] =	ssyncset.done $0x0  }
0xae: {  	s17 =	simm.s32 $0xB80;
	[sflag:s13] =	ssyncadd.s32 $0xFFFFC000  }
0xaf: {  	[spmem:s2] =	stream.indirect.scatter.add.f32 [tilespmem:s12], [sflag:$0x4], $0x80, s17, s0, $0xb8;
	[tilespmem:$0x1D000] =	vst v63  }
0xb0: {  	_ =	swait.ge [sflag:s15], $0x4000  }
0xb1: {  	[sflag:s15] =	ssyncset.done $0x0  }
0xb2: {  	[sflag:s15] =	ssyncadd.s32 $0xFFFFC000  }
0xb3: {  	_ =	swait.ge [sflag:s18], $0x4000  }
0xb4: {  	[sflag:s18] =	ssyncset.done $0x0  }
0xb5: {  	p0 =	seq.s32 s14, $0x400;
	[sflag:s18] =	ssyncadd.s32 $0xFFFFC000  }
0xb6: {  	s16 =	sshrl.u32 @!p0 s28, $0x3;
	s17 =	rddreg [dreg:$0x1]  }
0xb7: {  	s19 =	simm.s32 @!p0 $0x0;
	s17 =	sadd.s32 @!p0 s17, s16  }
0xb8: {  	[tilespmem:s19], [sflag:$0x5] =	stream.linear.gather @!p0 [hbm4b:s17+s19], $0x400, $0x38;
	[tilespmem:$0x1D000] =	vst v63  }
0xb9: {  	s16 =	sadd.s32 @!p0 s6, s16;
	s17 =	simm.s32 @!p0 $0x800  }
0xba: {  	[tilespmem:s17], [sflag:$0x5] =	stream.linear.gather @!p0 [hbm4b:s16+s19], $0x400, $0x38;
	[tilespmem:$0x1D000] =	vst v63  }
0xbb: {  	_ =	swait.ge [sflag:s26], $0x400  }
0xbc: {  	[sflag:s26] =	ssyncset.done $0x0  }
0xbd: {  	[sflag:s26] =	ssyncadd.s32 $0xFFFFFC00  }
0xbe: {  	_ =	swait.ge [sflag:s26], $0x400  }
0xbf: {  	[sflag:s26] =	ssyncset.done $0x0  }
0xc0: {  	[sflag:s26] =	ssyncadd.s32 $0xFFFFFC00  }
0xc1: {  	[tilespmem:s25], [sflag:$0x1] =	stream.indirect.gather [hbm4b:s5+s0], $0x80, s29, s0, $0xb8;
	[tilespmem:$0x1D000] =	vst v63  }
0xc2: {  	_ =	swait.ge [sflag:s3], $0x4000  }
0xc3: {  	[sflag:s3] =	ssyncset.done $0x0  }
0xc4: {  	[sflag:s3] =	ssyncadd.s32 $0xFFFFC000  }
0xc5: {  	[spmem:s2] =	stream.indirect.scatter.add.f32 [tilespmem:s25], [sflag:$0x3], $0x80, s30, s0, $0xb8;
	[tilespmem:$0x1D000] =	vst v63  }
0xc6: {  	s19 =	simm.s32 $0x480  }
0xc7: {  	[tilespmem:s12], [sflag:$0x2] =	stream.indirect.gather [hbm4b:s5+s0], $0x80, s19, s0, $0xb8;
	[tilespmem:$0x1D000] =	vst v63  }
0xc8: {  	_ =	swait.ge [sflag:s13], $0x4000  }
0xc9: {  	[sflag:s13] =	ssyncset.done $0x0  }
0xca: {  	s17 =	simm.s32 $0xC80;
	[sflag:s13] =	ssyncadd.s32 $0xFFFFC000  }
0xcb: {  	[spmem:s2] =	stream.indirect.scatter.add.f32 [tilespmem:s12], [sflag:$0x4], $0x80, s17, s0, $0xb8;
	[tilespmem:$0x1D000] =	vst v63  }
0xcc: {  	_ =	swait.ge [sflag:s15], $0x4000  }
0xcd: {  	[sflag:s15] =	ssyncset.done $0x0  }
0xce: {  	s19 =	simm.s32 $0x500;
	[sflag:s15] =	ssyncadd.s32 $0xFFFFC000  }
0xcf: {  	[tilespmem:s25], [sflag:$0x1] =	stream.indirect.gather [hbm4b:s5+s0], $0x80, s19, s0, $0xb8;
	[tilespmem:$0x1D000] =	vst v63  }
0xd0: {  	_ =	swait.ge [sflag:s3], $0x4000  }
0xd1: {  	[sflag:s3] =	ssyncset.done $0x0  }
0xd2: {  	s17 =	simm.s32 $0xD00;
	[sflag:s3] =	ssyncadd.s32 $0xFFFFC000  }
0xd3: {  	[spmem:s2] =	stream.indirect.scatter.add.f32 [tilespmem:s25], [sflag:$0x3], $0x80, s17, s0, $0xb8;
	[tilespmem:$0x1D000] =	vst v63  }
0xd4: {  	_ =	swait.ge [sflag:s18], $0x4000  }
0xd5: {  	[sflag:s18] =	ssyncset.done $0x0  }
0xd6: {  	s19 =	simm.s32 $0x580;
	[sflag:s18] =	ssyncadd.s32 $0xFFFFC000  }
0xd7: {  	[tilespmem:s12], [sflag:$0x2] =	stream.indirect.gather [hbm4b:s5+s0], $0x80, s19, s0, $0xb8;
	[tilespmem:$0x1D000] =	vst v63  }
0xd8: {  	_ =	swait.ge [sflag:s13], $0x4000  }
0xd9: {  	[sflag:s13] =	ssyncset.done $0x0  }
0xda: {  	[sflag:s13] =	ssyncadd.s32 $0xFFFFC000  }
0xdb: {  	[spmem:s2] =	stream.indirect.scatter.add.f32 [tilespmem:s12], [sflag:$0x4], $0x80, s20, s0, $0xb8;
	[tilespmem:$0x1D000] =	vst v63  }
0xdc: {  	_ =	swait.ge [sflag:s15], $0x4000  }
0xdd: {  	[sflag:s15] =	ssyncset.done $0x0  }
0xde: {  	[sflag:s15] =	ssyncadd.s32 $0xFFFFC000  }
0xdf: {  	[tilespmem:s25], [sflag:$0x1] =	stream.indirect.gather [hbm4b:s5+s0], $0x80, s21, s0, $0xb8;
	[tilespmem:$0x1D000] =	vst v63  }
0xe0: {  	_ =	swait.ge [sflag:s3], $0x4000  }
0xe1: {  	[sflag:s3] =	ssyncset.done $0x0  }
0xe2: {  	[sflag:s3] =	ssyncadd.s32 $0xFFFFC000  }
0xe3: {  	[spmem:s2] =	stream.indirect.scatter.add.f32 [tilespmem:s25], [sflag:$0x3], $0x80, s24, s0, $0xb8;
	[tilespmem:$0x1D000] =	vst v63  }
0xe4: {  	_ =	swait.ge [sflag:s18], $0x4000  }
0xe5: {  	[sflag:s18] =	ssyncset.done $0x0  }
0xe6: {  	[sflag:s18] =	ssyncadd.s32 $0xFFFFC000  }
0xe7: {  	[tilespmem:s12], [sflag:$0x2] =	stream.indirect.gather [hbm4b:s5+s0], $0x80, s7, s0, $0xb8;
	[tilespmem:$0x1D000] =	vst v63  }
0xe8: {  	_ =	swait.ge [sflag:s13], $0x4000  }
0xe9: {  	[sflag:s13] =	ssyncset.done $0x0  }
0xea: {  	[sflag:s13] =	ssyncadd.s32 $0xFFFFC000  }
0xeb: {  	[spmem:s2] =	stream.indirect.scatter.add.f32 [tilespmem:s12], [sflag:$0x4], $0x80, s8, s0, $0xb8;
	[tilespmem:$0x1D000] =	vst v63  }
0xec: {  	_ =	swait.ge [sflag:s15], $0x4000  }
0xed: {  	[sflag:s15] =	ssyncset.done $0x0  }
0xee: {  	[sflag:s15] =	ssyncadd.s32 $0xFFFFC000  }
0xef: {  	[tilespmem:s25], [sflag:$0x1] =	stream.indirect.gather [hbm4b:s5+s0], $0x80, s9, s0, $0xb8;
	[tilespmem:$0x1D000] =	vst v63  }
0xf0: {  	_ =	swait.ge [sflag:s3], $0x4000  }
0xf1: {  	[sflag:s3] =	ssyncset.done $0x0  }
0xf2: {  	[sflag:s3] =	ssyncadd.s32 $0xFFFFC000  }
0xf3: {  	[spmem:s2] =	stream.indirect.scatter.add.f32 [tilespmem:s25], [sflag:$0x3], $0x80, s10, s0, $0xb8;
	[tilespmem:$0x1D000] =	vst v63  }
0xf4: {  	_ =	swait.ge [sflag:s18], $0x4000  }
0xf5: {  	[sflag:s18] =	ssyncset.done $0x0  }
0xf6: {  	[sflag:s18] =	ssyncadd.s32 $0xFFFFC000  }
0xf7: {  	[tilespmem:s12], [sflag:$0x2] =	stream.indirect.gather [hbm4b:s5+s0], $0x80, s11, s0, $0xb8;
	[tilespmem:$0x1D000] =	vst v63  }
0xf8: {  	_ =	swait.ge [sflag:s13], $0x4000  }
0xf9: {  	[sflag:s13] =	ssyncset.done $0x0  }
0xfa: {  	[sflag:s13] =	ssyncadd.s32 $0xFFFFC000  }
0xfb: {  	[spmem:s2] =	stream.indirect.scatter.add.f32 [tilespmem:s12], [sflag:$0x4], $0x80, s1, s0, $0xb8;
	[tilespmem:$0x1D000] =	vst v63  }
0xfc: {  	_ =	swait.ge [sflag:s15], $0x4000  }
.Ltmp3:
0xfd: {  	[sflag:s15] =	ssyncset.done $0x0;
	(pc) =	sbr.rel @p0 .LBB2_6-.Ltmp3, $4  }
0xfe: {  	[sflag:s15] =	ssyncadd.s32 $0xFFFFC000  }
0xff: {  	_ =	swait.ge [sflag:s18], $0x4000  }
0x100: {  	[sflag:s18] =	ssyncset.done $0x0  }
0x101: {  	[sflag:s18] =	ssyncadd.s32 $0xFFFFC000  }
.Ltmp4:
0x102: {  	(pc) =	sbr.rel .LBB2_4-.Ltmp4, $4  }
0x103: {  	s16 =	sadd.s32 s14, s23  }
0x104: {  	[tilespmem:s29], [sflag:$0x6] =	stream.linear.gather [hbm4b:s16+s4], $0x400, $0x38;
	[tilespmem:$0x1D000] =	vst v63  }
0x105: {  	s19 =	sadd.s32 s14, s22;
	s14 =	sadd.s32 $0x100, s14;
	s28 =	sadd.s32 $0x800, s28  }
0x106: {  	[tilespmem:s30], [sflag:$0x6] =	stream.linear.gather [hbm4b:s19+s4], $0x400, $0x38;
	[tilespmem:$0x1D000] =	vst v63  }
.LBB2_7:
0x107: {  	_ =	sfence.sel $0x180000  }
0x108: {  	[bflag:$0x0] =	sbarrier.arrive $0xFFFF  }
0x109: {  	_ =	strace $0x9000004D  }
0x10a: {  	s0 =	stileid.u32;
	[bflag:$0x2] =	sbarrier.arrive $0xFFFF  }
0x10b: {  	p0 =	sne.s32 s0, $0x0;
	s0 =	rddreg [dreg:$0x3]  }
0x10c: {  	s0 =	sadd.s32 @!p0 $0x100000, s0  }
0x10d: {  	[sflag:s0] =	ssyncadd.tile.s32 @!p0 $0x1;
	_ =	shalt  }
.Lfunc_end2:
_tile_overlayer_lowered:
.L_overlay_start_2:
0x10e: {  	(tag) =	ssettag $0x2  }
0x10f: {  	s0 =	rddreg [dreg:$0x0];
	s2 =	stileid.u32  }
0x110: {  	s1 =	rddreg [dreg:$0x1];
	p0 =	sne.s32 s2, $0x0  }
0x111: {  	s3 =	rddreg [dreg:$0x2];
	[bflag:$0x3] =	sbarrier.arrive $0xFFFF;
	s2 =	simm.s32 @!p0 $0x1C07  }
0x112: {  	[timem:s3], [sflag:s2] =	dma.local @!p0 [hbm:s0], s1  }
0x113: {  	s0 =	simm.s32 @!p0 $0x7  }
0x114: {  	_ =	swait.ge @!p0 [sflag:s0], s1  }
0x115: {  	s1 =	ssub.s32 @!p0 $0x0, s1;
	[sflag:s0] =	ssyncset.done @!p0 $0x0  }
0x116: {  	[sflag:s0] =	ssyncadd.s32 @!p0 s1  }
0x117: {  	[bflag:$0x3] =	sbarrier.arrive $0xFFFF  }
0x118: {  	_ =	shalt  }

// kernel: kernel.19.cloned.1.call-start
scs
__scs_entry_jumppad:
0x0: {  	(pc) =	sbr.rel $0x88, $3  }
0x1: {  	(tag) =	ssettag $0x0;
	lr =	simm.s32 $0x1  }
0x2: {  	[smem:$0x3F96] =	sst lr;
	_ =	strace $0xD0000000  }
0x3: {  	_ = 	snop  }
0x4: {  	_ = 	snop  }
0x5: {  	_ = 	snop  }
0x6: {  	_ = 	snop  }
0x7: {  	_ = 	snop  }
__scs_overlays_trampoline_lowered:
0x8: {  	[smem:$0x3FA5] =	sst s0  }
0x9: {  	[smem:$0x3FA6] =	sst s1  }
0xa: {  	[smem:$0x3FA7] =	sst s2  }
0xb: {  	[smem:$0x3FA8] =	sst s3  }
0xc: {  	[smem:$0x3FA9] =	sst s4  }
0xd: {  	[smem:$0x3FAA] =	sst s5  }
0xe: {  	[smem:$0x3FAB] =	sst s6  }
0xf: {  	[smem:$0x3FAC] =	sst s7  }
0x10: {  	[smem:$0x3FAD] =	sst s8  }
0x11: {  	[smem:$0x3FAE] =	sst s9;
	s0 =	simm.s32 @!p0 $0x0  }
0x12: {  	s1 =	sld [smem:$0x3F94];
	s0 =	simm.s32 @p0 $0x1  }
0x13: {  	[smem:$0x3FAF] =	sst s0;
	s0 =	simm.s32 @!p1 $0x0  }
0x14: {  	s2 =	sld [smem:$0x3F93];
	s0 =	simm.s32 @p1 $0x1  }
0x15: {  	[smem:$0x3FB0] =	sst s0;
	s0 =	simm.s32 @!p2 $0x0  }
0x16: {  	s3 =	sld [smem:$0x3FDB];
	s0 =	simm.s32 @p2 $0x1  }
0x17: {  	s4 =	simm.s32 $0x1BF5;
	[smem:$0x3FB2] =	sst s0  }
0x18: {  	s0 =	sld [smem:$0x3F95];
	_ =	swait.ge [sflag:s4], $0x0  }
0x19: {  	s7 =	sld [smem:$0x3F96]  }
0x1a: {  	s8 =	sadd.s32 $0xFFFFE003, lr  }
0x1b: {  	s9 =	sadd.s32 $0xFFFFFEF7, lr;
	s5 =	simm.s32 $0xFFFFFFFF;
	p2 =	slt.u32 s8, $0xFFFFF086  }
0x1c: {  	p1 =	slt.u32 s9, $0xF7A;
	s5 =	simm.s32 @!p2 $0x0  }
0x1d: {  	s5 =	simm.s32 @p1 $0x1;
	p0 =	seq.s32 s7, s2  }
0x1e: {  	s7 =	smul.u32 @!p0 $0xF7A, s2;
	p2 =	seq.s32 @!p0 s5, $0x0  }
0x1f: {  	s9 =	smul.u32 $0xF7A, s1;
	s8 =	simm.s32 @!p0 $0x1BF5;
	p2 =	por !p2, p0  }
0x20: {  	[sflag:s8] =	ssyncset.s32 @!p0 $0xFFFFF086;
	s6 =	sadd.s32 @!p0 s3, s7;
	s7 =	simm.s32 @!p0 $0x108  }
0x21: {  	s3 =	sadd.s32 s3, s9;
	s6 =	sadd.s32 @!p0 $0x88, s6;
	s7 =	simm.s32 @p2 $0x1082  }
0x22: {  	[simem:s7], [sflag:s8] =	dma.local @!p0 [hbm:s6], $0xF7A  }
0x23: {  	s9 =	sor.u32 $0xD0000000, s2;
	s6 =	simm.s32 $0x108;
	_ =	swait.ge @!p0 [sflag:s8], $0x0  }
0x24: {  	s3 =	sadd.s32 $0x88, s3;
	s6 =	simm.s32 @!p1 $0x1082;
	[sflag:s4] =	ssyncset.s32 $0xFFFFF086  }
0x25: {  	[simem:s6], [sflag:s4] =	dma.local [hbm:s3], $0xF7A  }
0x26: {  	[smem:$0x3F96] =	sst s1;
	(tag) =	ssettag s2;
	_ =	strace s9  }
0x27: {  	s1 =	sld [smem:$0x3FA6]  }
0x28: {  	s2 =	sld [smem:$0x3FA7]  }
0x29: {  	s4 =	sld [smem:$0x3FA9]  }
0x2a: {  	p0 =	seq.s32 s5, $0x0;
	s5 =	sld [smem:$0x3FAA]  }
0x2b: {  	s6 =	sld [smem:$0x3FAB]  }
0x2c: {  	s7 =	sld [smem:$0x3FAC]  }
0x2d: {  	s3 =	simm.s32 $0x108;
	s8 =	sld [smem:$0x3FAD]  }
0x2e: {  	s3 =	simm.s32 @!p0 $0x1082;
	s9 =	sld [smem:$0x3FAE]  }
0x2f: {  	lr =	sadd.s32 s0, s3;
	s0 =	sld [smem:$0x3FA5]  }
0x30: {  	s3 =	sld [smem:$0x3FA8]  }
0x31: {  	[smem:$0x3FB1] =	sst s10  }
0x32: {  	s10 =	sld [smem:$0x3FAF];
	_ =	sdelay $0x3  }
0x33: {  	p0 =	seq.s32 s10, $0x1;
	s10 =	sld [smem:$0x3FB1];
	_ =	sdelay $0x3  }
0x34: {  	[smem:$0x3FB1] =	sst s10  }
0x35: {  	s10 =	sld [smem:$0x3FB0];
	_ =	sdelay $0x3  }
0x36: {  	p1 =	seq.s32 s10, $0x1;
	s10 =	sld [smem:$0x3FB1];
	_ =	sdelay $0x3  }
0x37: {  	[smem:$0x3FB1] =	sst s10  }
0x38: {  	s10 =	sld [smem:$0x3FB2]  }
0x39: {  	_ = 	snop;
	(pc) =	sbr.ind lr, $3  }
0x3a: {  	_ = 	snop  }
0x3b: {  	_ = 	snop  }
0x3c: {  	p2 =	seq.s32 s10, $0x1;
	s10 =	sld [smem:$0x3FB1]  }
0x3d: {  	_ =	shalt  }
0x3e: {  	_ =	shalt  }
0x3f: {  	_ =	shalt  }
0x40: {  	_ =	shalt  }
0x41: {  	_ =	shalt  }
0x42: {  	_ =	shalt  }
0x43: {  	_ =	shalt  }
0x44: {  	_ =	shalt  }
0x45: {  	_ =	shalt  }
0x46: {  	_ =	shalt  }
0x47: {  	_ =	shalt  }
0x48: {  	_ =	shalt  }
0x49: {  	_ =	shalt  }
0x4a: {  	_ =	shalt  }
0x4b: {  	_ =	shalt  }
0x4c: {  	_ =	shalt  }
0x4d: {  	_ =	shalt  }
0x4e: {  	_ =	shalt  }
0x4f: {  	_ =	shalt  }
0x50: {  	_ =	shalt  }
0x51: {  	_ =	shalt  }
0x52: {  	_ =	shalt  }
0x53: {  	_ =	shalt  }
0x54: {  	_ =	shalt  }
0x55: {  	_ =	shalt  }
0x56: {  	_ =	shalt  }
0x57: {  	_ =	shalt  }
0x58: {  	_ =	shalt  }
0x59: {  	_ =	shalt  }
0x5a: {  	_ =	shalt  }
0x5b: {  	_ =	shalt  }
0x5c: {  	_ =	shalt  }
0x5d: {  	_ =	shalt  }
0x5e: {  	_ =	shalt  }
0x5f: {  	_ =	shalt  }
0x60: {  	_ =	shalt  }
0x61: {  	_ =	shalt  }
0x62: {  	_ =	shalt  }
0x63: {  	_ =	shalt  }
0x64: {  	_ =	shalt  }
0x65: {  	_ =	shalt  }
0x66: {  	_ =	shalt  }
0x67: {  	_ =	shalt  }
0x68: {  	_ =	shalt  }
0x69: {  	_ =	shalt  }
0x6a: {  	_ =	shalt  }
0x6b: {  	_ =	shalt  }
0x6c: {  	_ =	shalt  }
0x6d: {  	_ =	shalt  }
0x6e: {  	_ =	shalt  }
0x6f: {  	_ =	shalt  }
0x70: {  	_ =	shalt  }
0x71: {  	_ =	shalt  }
0x72: {  	_ =	shalt  }
0x73: {  	_ =	shalt  }
0x74: {  	_ =	shalt  }
0x75: {  	_ =	shalt  }
0x76: {  	_ =	shalt  }
0x77: {  	_ =	shalt  }
0x78: {  	_ =	shalt  }
0x79: {  	_ =	shalt  }
0x7a: {  	_ =	shalt  }
0x7b: {  	_ =	shalt  }
0x7c: {  	_ =	shalt  }
0x7d: {  	_ =	shalt  }
0x7e: {  	_ =	shalt  }
0x7f: {  	_ =	shalt  }
0x80: {  	_ =	shalt  }
0x81: {  	_ =	shalt  }
0x82: {  	_ =	shalt  }
0x83: {  	_ =	shalt  }
0x84: {  	_ =	shalt  }
0x85: {  	_ =	shalt  }
0x86: {  	_ =	shalt  }
0x87: {  	_ =	shalt  }
.Lfunc_end0:
.L_simem_size_0:
called_computation.3_lowered:
.L_overlay_start_0:
0x88: {  	s2 =	sld [smem:$0x3FD9]  }
0x89: {  	s3 =	sld [smem:$0x3FFE];
	_ =	sdelay $0x1  }
0x8a: {  	s1 =	srdreg.scid  }
0x8b: {  	s0 =	sand.u32 $0x1, s1  }
0x8c: {  	s17 =	sshll.u32 s0, $0xA;
	s2 =	sadd.s32 s3, s2  }
0x8d: {  	s2 =	sadd.s32 s2, s17  }
0x8e: {  	[smem:$0x3FBD] =	sst s2  }
0x8f: {  	_ = 	snop  }
0x90: {  	s2 =	sld [smem:$0x3FD0];
	(tm) =	ssettm $0x1  }
0x91: {  	s18 =	sld [smem:$0x3FFB];
	_ =	sdelay $0x3  }
0x92: {  	_ =	strace s18  }
0x93: {  	s3 =	sld [smem:$0x3FFC];
	_ =	sdelay $0x3  }
0x94: {  	_ =	strace s3  }
0x95: {  	s3 =	sld [smem:$0x3FFD];
	_ =	sdelay $0x3  }
0x96: {  	_ =	strace s3  }
0x97: {  	_ =	strace $0x8FFFFFFF  }
0x98: {  	s19 =	sld [smem:$0x3FDB];
	_ =	sdelay $0x1  }
0x99: {  	s4 =	simm.s32 $_scs_section_size  }
0x9a: {  	s5 =	simm.s32 $_size__tile_overlayer_lowered;
	s6 =	simm.s32 $_tile_overlayer_lowered  }
0x9b: {  	s22 =	simm.s32 $0x1BFF;
	s21 =	sshll.u32 s6, $0x1;
	s3 =	sadd.s32 s4, s19  }
0x9c: {  	s7 =	simm.s32 $0x0;
	s20 =	sshll.u32 s5, $0x1;
	s5 =	sadd.s32 s21, s3  }
0x9d: {  	[timem:s7], [sflag:s22] =	dma.local [hbm:s5], s20  }
0x9e: {  	_ =	swait.ge [sflag:s22], s20  }
0x9f: {  	s4 =	ssub.s32 $0x0, s20;
	[sflag:s22] =	ssyncset.done $0x0  }
0xa0: {  	[sflag:s22] =	ssyncadd.s32 s4;
	_ =	sdelay $0x1  }
0xa1: {  	s23 =	simm.s32 $0x1B8B  }
0xa2: {  	_ =	swait.ge [sflag:s23], $0x1  }
0xa3: {  	[sflag:s23] =	ssyncset.done $0x0  }
0xa4: {  	s25 =	simm.s32 $0x1B8E;
	s24 =	sld [smem:$0x3FFE];
	[sflag:s23] =	ssyncadd.s32 $0xFFFFFFFF  }
0xa5: {  	s26 =	simm.s32 $execute0_lowered;
	[smem:$0x3FD2] =	sst s25  }
0xa6: {  	s5 =	sshll.u32 s26, $0x1;
	_ =	strace $0x8000004F;
	[dreg:$0x1] =	wrdreg $0xFFFFFFFF  }
0xa7: {  	s28 =	simm.s32 $_size_execute0_lowered;
	s3 =	sadd.s32 s3, s5;
	[dreg:$0x0] =	wrdreg $0x0  }
0xa8: {  	s5 =	sshll.u32 s28, $0x1;
	[dreg:$0x2] =	wrdreg s3  }
0xa9: {  	[dreg:$0x3] =	wrdreg s5  }
0xaa: {  	[dreg:$0x4] =	wrdreg $0xC0  }
0xab: {  	_ =	task [dreg:s7], $0x5FFFF  }
0xac: {  	[dreg:$0x1] =	wrdreg $0xFFFFFFFF  }
0xad: {  	[dreg:$0x0] =	wrdreg $0x60  }
0xae: {  	[dreg:$0x2] =	wrdreg s24  }
0xaf: {  	[dreg:$0x3] =	wrdreg s2  }
0xb0: {  	[dreg:$0x4] =	wrdreg $0x40000  }
0xb1: {  	[dreg:$0x5] =	wrdreg $0x9  }
0xb2: {  	_ =	task.clear_ibuf [dreg:s7], $0x6FFFF;
	_ =	strace $0x9000004F  }
0xb3: {  	s29 =	simm.s32 $0x9;
	_ =	strace $0x80000051  }
0xb4: {  	_ =	swait.ge [sflag:s29], $0x1  }
0xb5: {  	[sflag:s29] =	ssyncadd.s32 $0xFFFFFFFF  }
0xb6: {  	_ =	strace $0x90000051  }
0xb7: {  	_ =	sfence  }
0xb8: {  	s30 =	sld [smem:$0x0];
	_ =	sdelay $0x2  }
0xb9: {  	s31 =	sshll.u32 s1, $0xD;
	s1 =	sshrl.u32 s1, $0x2  }
0xba: {  	s3 =	sand.u32 $0x4000, s31;
	s1 =	sadd.s32 s1, s30  }
0xbb: {  	s0 =	sor.u32 s3, s0;
	s1 =	sshll.u32 s1, $0x11  }
0xbc: {  	s0 =	sor.u32 s1, s0  }
0xbd: {  	s0 =	sadd.s32 $0x8F2B, s0  }
0xbe: {  	[sflag:s0] =	ssyncadd.remote.s32 $0x1  }
0xbf: {  	_ =	sfence.sel $0xFFFF  }
0xc0: {  	[dreg:$0x0] =	wrdreg $0xFFFFFFFF;
	(pc) =	sbr.abs _section_cstart, $3  }
0xc1: {  	[dreg:$0x1] =	wrdreg $0xFFFFFFFF  }
0xc2: {  	_ =	task.clear_ibuf [dreg:s7], $0x2FFFF;
	_ =	strace $0x9FFFFFFF  }
0xc3: {  	(tm) =	ssettm $0x7FFFFFFF  }
tec
execute0_lowered:
.L_overlay_start_1:
0x0: {  	(tag) =	ssettag $0x1  }
0x1: {  	s0 =	rddreg [dreg:$0x0]  }
0x2: {  	s14 =	rddreg [dreg:$0x1]  }
0x3: {  	s2 =	rddreg [dreg:$0x2];
	s3 =	simm.s32 $0x0  }
0x4: {  	s1 =	srdreg.scid;
	s15 =	stileid.u32;
	s29 =	simm.s32 $0x400  }
0x5: {  	s30 =	simm.s32 $0xC00;
	s31 =	simm.s32 $0x5;
	[smem:$0x7FF] =	sst s3  }
0x6: {  	s5 =	sadd.s32 $0xCE00, s0;
	s1 =	sand.u32 $0x1, s1;
	s6 =	sadd.s32 $0x2E00, s0  }
0x7: {  	s7 =	smul.u32 $0x7800, s15;
	s0 =	sadd.s32 $0x1BE00, s0;
	_ =	strace $0x80000050  }
0x8: {  	s4 =	ssub.s32 $0x2, s1;
	s9 =	sshll.u32 s1, $0x4;
	s13 =	smul.u32 $0x78000, s1  }
0x9: {  	s1 =	smul.u32 $0x28000, s1;
	s8 =	sshrl.u32 s4, $0x1;
	s20 =	sor.u32 s15, s9  }
0xa: {  	s21 =	sadd.s32 s7, s2;
	s22 =	sadd.s32 $0x1800, s7;
	s10 =	sadd.s32 $0x3000, s7  }
0xb: {  	s23 =	sadd.s32 $0x4800, s7;
	s12 =	sadd.s32 $0x6000, s7;
	s4 =	ssub.s32 s4, s8  }
0xc: {  	[dreg:$0x4] =	wrdreg s21;
	s8 =	smul.u32 $0x2800, s20;
	s19 =	sadd.s32 s22, s2  }
0xd: {  	s11 =	sadd.s32 s10, s2;
	s16 =	sadd.s32 s23, s2;
	s24 =	sadd.s32 s12, s2  }
0xe: {  	s7 =	sadd.s32 s7, s13;
	s17 =	sadd.s32 s13, s22;
	s18 =	sadd.s32 s13, s10  }
0xf: {  	s20 =	smul.u32 $0x2800, s15;
	s23 =	sadd.s32 s13, s23;
	[dreg:$0x6] =	wrdreg s11  }
0x10: {  	s15 =	simm.s32 $0x3;
	s10 =	simm.s32 $0xF00;
	[dreg:$0x7] =	wrdreg s16  }
0x11: {  	[dreg:$0x8] =	wrdreg s24;
	s7 =	sshrl.u32 s7, $0x3;
	s9 =	sshrl.u32 s18, $0x3  }
0x12: {  	s24 =	sadd.s32 s13, s12;
	s4 =	smax.u32 s4, $0x1;
	s12 =	simm.s32 $0x2800  }
0x13: {  	s13 =	simm.s32 $0x2;
	s18 =	simm.s32 $0x4;
	s11 =	simm.s32 $0x780  }
0x14: {  	s16 =	simm.s32 $0x0;
	[dreg:$0x5] =	wrdreg s19;
	s8 =	sshrl.u32 s8, $0x3  }
0x15: {  	s7 =	sadd.s32 s0, s7;
	s22 =	sadd.s32 s0, s9;
	[dreg:$0x12] =	wrdreg s4  }
0x16: {  	s1 =	sadd.s32 s20, s1;
	s4 =	simm.s32 $0x1;
	[dreg:$0xd] =	wrdreg s7  }
0x17: {  	s20 =	simm.s32 $0xD80;
	s25 =	sadd.s32 s14, s8;
	[dreg:$0xf] =	wrdreg s22  }
0x18: {  	s26 =	sadd.s32 s6, s8;
	s8 =	sor.u32 $0x80, s8;
	[dreg:$0x9] =	wrdreg s25  }
0x19: {  	s9 =	simm.s32 $0x700;
	[dreg:$0xa] =	wrdreg s26;
	s28 =	sadd.s32 s14, s8  }
0x1a: {  	s7 =	sshrl.u32 s23, $0x3;
	s8 =	sadd.s32 s6, s8;
	[dreg:$0xb] =	wrdreg s28  }
0x1b: {  	s25 =	sadd.s32 $0xC00, s1;
	s7 =	sadd.s32 s0, s7;
	[dreg:$0xc] =	wrdreg s8  }
0x1c: {  	s8 =	sshrl.u32 s17, $0x3;
	[dreg:$0x10] =	wrdreg s7;
	s26 =	sshrl.u32 s25, $0x3  }
0x1d: {  	s28 =	sadd.s32 $0x800, s1;
	s25 =	simm.s32 $0x1000;
	s7 =	simm.s32 $0x680  }
.Ltmp0:
0x1e: {  	s1 =	simm.s32 $0xF80;
	s21 =	sadd.s32 s0, s8;
	(pc) =	sbr.rel .LBB2_1-.Ltmp0, $4  }
0x1f: {  	s8 =	sshrl.u32 s24, $0x3;
	s22 =	sadd.s32 s26, s6;
	s23 =	sadd.s32 s26, s14  }
0x20: {  	[dreg:$0x13] =	wrdreg s28;
	s26 =	simm.s32 $0x6;
	s24 =	simm.s32 $0xE00  }
0x21: {  	[dreg:$0xe] =	wrdreg s21;
	s0 =	sadd.s32 s0, s8;
	s21 =	simm.s32 $0x600  }
0x22: {  	v0 =	vimm.f32 $0.0e+00;
	s8 =	simm.s32 $0xE80;
	[dreg:$0x11] =	wrdreg s0;
	s0 =	simm.s32 $0x80  }
.LBB2_6:
0x23: {  	s14 =	stileid.u32;
	[bflag:$0x0] =	sbarrier.arrive $0xFFFF  }
0x24: {  	s17 =	simm.s32 $0x7;
	s14 =	sshll.u32 s14, $0x6;
	s16 =	rddreg [dreg:$0x4]  }
0x25: {  	s19 =	rddreg [dreg:$0xd];
	s14 =	sor.u32 $0x1C07, s14;
	s16 =	sshrl.u32 s16, $0x3  }
0x26: {  	[hbm:s19], [sflag:s14] =	dma.local [spmem:s16], $0x300  }
0x27: {  	_ =	swait.ge [sflag:s17], $0x300  }
0x28: {  	[sflag:s17] =	ssyncset.done $0x0;
	s19 =	rddreg [dreg:$0x5]  }
0x29: {  	s28 =	rddreg [dreg:$0xe];
	[sflag:s17] =	ssyncadd.s32 $0xFFFFFD00;
	s16 =	sshrl.u32 s19, $0x3  }
0x2a: {  	[hbm:s28], [sflag:s14] =	dma.local [spmem:s16], $0x300  }
0x2b: {  	_ =	swait.ge [sflag:s17], $0x300  }
0x2c: {  	[sflag:s17] =	ssyncset.done $0x0;
	s28 =	rddreg [dreg:$0x6]  }
0x2d: {  	[sflag:s17] =	ssyncadd.s32 $0xFFFFFD00;
	s16 =	sshrl.u32 s28, $0x3;
	s28 =	rddreg [dreg:$0xf]  }
0x2e: {  	[hbm:s28], [sflag:s14] =	dma.local [spmem:s16], $0x300  }
0x2f: {  	_ =	swait.ge [sflag:s17], $0x300  }
0x30: {  	[sflag:s17] =	ssyncset.done $0x0;
	s28 =	rddreg [dreg:$0x7]  }
0x31: {  	[sflag:s17] =	ssyncadd.s32 $0xFFFFFD00;
	s16 =	sshrl.u32 s28, $0x3;
	s28 =	rddreg [dreg:$0x10]  }
0x32: {  	[hbm:s28], [sflag:s14] =	dma.local [spmem:s16], $0x300  }
0x33: {  	_ =	swait.ge [sflag:s17], $0x300  }
0x34: {  	[sflag:s17] =	ssyncset.done $0x0;
	s28 =	rddreg [dreg:$0x8]  }
0x35: {  	[sflag:s17] =	ssyncadd.s32 $0xFFFFFD00;
	s16 =	sshrl.u32 s28, $0x3;
	s28 =	rddreg [dreg:$0x11]  }
0x36: {  	[hbm:s28], [sflag:s14] =	dma.local [spmem:s16], $0x300  }
0x37: {  	_ =	swait.ge [sflag:s17], $0x300  }
0x38: {  	s14 =	rddreg [dreg:$0x14]  }
0x39: {  	s28 =	rddreg [dreg:$0x12];
	s16 =	sadd.s32 $0x1, s14  }
0x3a: {  	p0 =	sne.s32 s16, s28  }
.Ltmp1:
0x3b: {  	_ = 	snop;
	(pc) =	sbr.rel @!p0 .LBB2_7-.Ltmp1, $3  }
0x3c: {  	_ =	sdelay $0x1  }
0x3d: {  	[sflag:s17] =	ssyncset.done $0x0  }
0x3e: {  	[sflag:s17] =	ssyncadd.s32 $0xFFFFFD00  }
.LBB2_1:
0x3f: {  	[dreg:$0x14] =	wrdreg s16;
	s14 =	simm.s32 $0xC0;
	s28 =	simm.s32 $0x0  }
.LBB2_2:
0x40: {  	p0 =	sne.s32 s14, $0x5F40;
	[tilespmem:s28+$0x1020] =	vst v0;
	s16 =	smov.u32 s14;
	s14 =	sadd.s32 $0xC0, s14  }
.Ltmp2:
0x41: {  	[tilespmem:s28+$0x1000] =	vst v0;
	(pc) =	sbr.rel @p0 .LBB2_2-.Ltmp2, $2  }
0x42: {  	[tilespmem:s28+$0x1010] =	vst v0;
	_ =	sdelay $0x2  }
0x43: {  	s28 =	sshra.s32 s16, $0x2  }
0x44: {  	[tilespmem:s28+$0x1020] =	vst v0  }
0x45: {  	[tilespmem:s28+$0x1000] =	vst v0  }
0x46: {  	[tilespmem:s28+$0x1010] =	vst v0;
	s14 =	rddreg [dreg:$0x4];
	s16 =	simm.s32 $0x7  }
0x47: {  	[spmem:s14] =	stream.linear.scatter [tilespmem:s25], [sflag:$0x7], $0x1800, $0x38;
	[tilespmem:$0xB800] =	vst v63  }
0x48: {  	_ =	swait.ge [sflag:s16], $0x1800  }
0x49: {  	[sflag:s16] =	ssyncset.done $0x0  }
0x4a: {  	[sflag:s16] =	ssyncadd.s32 $0xFFFFE800  }
0x4b: {  	[spmem:s19] =	stream.linear.scatter [tilespmem:s25], [sflag:$0x7], $0x1800, $0x38;
	[tilespmem:$0xB800] =	vst v63  }
0x4c: {  	_ =	swait.ge [sflag:s16], $0x1800  }
0x4d: {  	[sflag:s16] =	ssyncset.done $0x0  }
0x4e: {  	s19 =	rddreg [dreg:$0x6];
	[sflag:s16] =	ssyncadd.s32 $0xFFFFE800  }
0x4f: {  	[spmem:s19] =	stream.linear.scatter [tilespmem:s25], [sflag:$0x7], $0x1800, $0x38;
	[tilespmem:$0xB800] =	vst v63  }
0x50: {  	_ =	swait.ge [sflag:s16], $0x1800  }
0x51: {  	[sflag:s16] =	ssyncset.done $0x0  }
0x52: {  	s17 =	rddreg [dreg:$0x7];
	[sflag:s16] =	ssyncadd.s32 $0xFFFFE800  }
0x53: {  	[spmem:s17] =	stream.linear.scatter [tilespmem:s25], [sflag:$0x7], $0x1800, $0x38;
	[tilespmem:$0xB800] =	vst v63  }
0x54: {  	_ =	swait.ge [sflag:s16], $0x1800  }
0x55: {  	[sflag:s16] =	ssyncset.done $0x0  }
0x56: {  	s19 =	rddreg [dreg:$0x8];
	[sflag:s16] =	ssyncadd.s32 $0xFFFFE800  }
0x57: {  	[spmem:s19] =	stream.linear.scatter [tilespmem:s25], [sflag:$0x7], $0x1800, $0x38;
	[tilespmem:$0xB800] =	vst v63  }
0x58: {  	_ =	swait.ge [sflag:s16], $0x1800  }
0x59: {  	[sflag:s16] =	ssyncset.done $0x0  }
0x5a: {  	[sflag:s16] =	ssyncadd.s32 $0xFFFFE800  }
0x5b: {  	[bflag:$0x0] =	sbarrier.arrive $0xFFFF  }
0x5c: {  	s17 =	rddreg [dreg:$0x9]  }
0x5d: {  	s14 =	simm.s32 $0x0;
	s19 =	rddreg [dreg:$0xa]  }
0x5e: {  	[tilespmem:s14], [sflag:$0x5] =	stream.linear.gather [hbm4b:s17+s14], $0x400, $0x38;
	[tilespmem:$0xB800] =	vst v63  }
0x5f: {  	s28 =	rddreg [dreg:$0x13];
	s17 =	simm.s32 $0x800  }
0x60: {  	[tilespmem:s17], [sflag:$0x5] =	stream.linear.gather [hbm4b:s19+s14], $0x400, $0x38;
	[tilespmem:$0xB800] =	vst v63  }
0x61: {  	s17 =	rddreg [dreg:$0xb]  }
0x62: {  	[tilespmem:s29], [sflag:$0x6] =	stream.linear.gather [hbm4b:s17+s14], $0x400, $0x38;
	[tilespmem:$0xB800] =	vst v63  }
0x63: {  	s19 =	rddreg [dreg:$0xc]  }
0x64: {  	[tilespmem:s30], [sflag:$0x6] =	stream.linear.gather [hbm4b:s19+s14], $0x400, $0x38;
	[tilespmem:$0xB800] =	vst v63  }
.LBB2_4:
0x65: {  	_ =	swait.ge [sflag:s31], $0x400  }
0x66: {  	[sflag:s31] =	ssyncset.done $0x0  }
0x67: {  	[sflag:s31] =	ssyncadd.s32 $0xFFFFFC00  }
0x68: {  	_ =	swait.ge [sflag:s31], $0x400  }
0x69: {  	[sflag:s31] =	ssyncset.done $0x0  }
0x6a: {  	[sflag:s31] =	ssyncadd.s32 $0xFFFFFC00  }
0x6b: {  	[tilespmem:s25], [sflag:$0x1] =	stream.indirect.gather [hbm4b:s5+s0], $0x30, s3, s0, $0xb8;
	[tilespmem:$0xB800] =	vst v63  }
0x6c: {  	_ =	swait.ge [sflag:s4], $0x1800  }
0x6d: {  	[sflag:s4] =	ssyncset.done $0x0  }
0x6e: {  	s16 =	simm.s32 $0x800;
	[sflag:s4] =	ssyncadd.s32 $0xFFFFE800  }
0x6f: {  	[spmem:s2] =	stream.indirect.scatter.add.f32 [tilespmem:s25], [sflag:$0x3], $0x30, s16, s0, $0xb8;
	[tilespmem:$0xB800] =	vst v63  }
0x70: {  	_ = 	snop  }
0x71: {  	[tilespmem:s12], [sflag:$0x2] =	stream.indirect.gather [hbm4b:s5+s0], $0x30, s0, s0, $0xb8;
	[tilespmem:$0xB800] =	vst v63  }
0x72: {  	_ =	swait.ge [sflag:s13], $0x1800  }
0x73: {  	[sflag:s13] =	ssyncset.done $0x0  }
0x74: {  	s17 =	simm.s32 $0x880;
	[sflag:s13] =	ssyncadd.s32 $0xFFFFE800  }
0x75: {  	[spmem:s2] =	stream.indirect.scatter.add.f32 [tilespmem:s12], [sflag:$0x4], $0x30, s17, s0, $0xb8;
	[tilespmem:$0xB800] =	vst v63  }
0x76: {  	_ =	swait.ge [sflag:s15], $0x1800  }
0x77: {  	[sflag:s15] =	ssyncset.done $0x0  }
0x78: {  	s19 =	simm.s32 $0x100;
	[sflag:s15] =	ssyncadd.s32 $0xFFFFE800  }
0x79: {  	[tilespmem:s25], [sflag:$0x1] =	stream.indirect.gather [hbm4b:s5+s0], $0x30, s19, s0, $0xb8;
	[tilespmem:$0xB800] =	vst v63  }
0x7a: {  	_ =	swait.ge [sflag:s4], $0x1800  }
0x7b: {  	[sflag:s4] =	ssyncset.done $0x0  }
0x7c: {  	s17 =	simm.s32 $0x900;
	[sflag:s4] =	ssyncadd.s32 $0xFFFFE800  }
0x7d: {  	[spmem:s2] =	stream.indirect.scatter.add.f32 [tilespmem:s25], [sflag:$0x3], $0x30, s17, s0, $0xb8;
	[tilespmem:$0xB800] =	vst v63  }
0x7e: {  	_ =	swait.ge [sflag:s18], $0x1800  }
0x7f: {  	[sflag:s18] =	ssyncset.done $0x0  }
0x80: {  	s19 =	simm.s32 $0x180;
	[sflag:s18] =	ssyncadd.s32 $0xFFFFE800  }
0x81: {  	[tilespmem:s12], [sflag:$0x2] =	stream.indirect.gather [hbm4b:s5+s0], $0x30, s19, s0, $0xb8;
	[tilespmem:$0xB800] =	vst v63  }
0x82: {  	_ =	swait.ge [sflag:s13], $0x1800  }
0x83: {  	[sflag:s13] =	ssyncset.done $0x0  }
0x84: {  	s17 =	simm.s32 $0x980;
	[sflag:s13] =	ssyncadd.s32 $0xFFFFE800  }
0x85: {  	[spmem:s2] =	stream.indirect.scatter.add.f32 [tilespmem:s12], [sflag:$0x4], $0x30, s17, s0, $0xb8;
	[tilespmem:$0xB800] =	vst v63  }
0x86: {  	_ =	swait.ge [sflag:s15], $0x1800  }
0x87: {  	[sflag:s15] =	ssyncset.done $0x0  }
0x88: {  	s19 =	simm.s32 $0x200;
	[sflag:s15] =	ssyncadd.s32 $0xFFFFE800  }
0x89: {  	[tilespmem:s25], [sflag:$0x1] =	stream.indirect.gather [hbm4b:s5+s0], $0x30, s19, s0, $0xb8;
	[tilespmem:$0xB800] =	vst v63  }
0x8a: {  	_ =	swait.ge [sflag:s4], $0x1800  }
0x8b: {  	[sflag:s4] =	ssyncset.done $0x0  }
0x8c: {  	s17 =	simm.s32 $0xA00;
	[sflag:s4] =	ssyncadd.s32 $0xFFFFE800  }
0x8d: {  	[spmem:s2] =	stream.indirect.scatter.add.f32 [tilespmem:s25], [sflag:$0x3], $0x30, s17, s0, $0xb8;
	[tilespmem:$0xB800] =	vst v63  }
0x8e: {  	_ =	swait.ge [sflag:s18], $0x1800  }
0x8f: {  	[sflag:s18] =	ssyncset.done $0x0  }
0x90: {  	s19 =	simm.s32 $0x280;
	[sflag:s18] =	ssyncadd.s32 $0xFFFFE800  }
0x91: {  	[tilespmem:s12], [sflag:$0x2] =	stream.indirect.gather [hbm4b:s5+s0], $0x30, s19, s0, $0xb8;
	[tilespmem:$0xB800] =	vst v63  }
0x92: {  	_ =	swait.ge [sflag:s13], $0x1800  }
0x93: {  	[sflag:s13] =	ssyncset.done $0x0  }
0x94: {  	s17 =	simm.s32 $0xA80;
	[sflag:s13] =	ssyncadd.s32 $0xFFFFE800  }
0x95: {  	[spmem:s2] =	stream.indirect.scatter.add.f32 [tilespmem:s12], [sflag:$0x4], $0x30, s17, s0, $0xb8;
	[tilespmem:$0xB800] =	vst v63  }
0x96: {  	_ =	swait.ge [sflag:s15], $0x1800  }
0x97: {  	[sflag:s15] =	ssyncset.done $0x0  }
0x98: {  	s19 =	simm.s32 $0x300;
	[sflag:s15] =	ssyncadd.s32 $0xFFFFE800  }
0x99: {  	[tilespmem:s25], [sflag:$0x1] =	stream.indirect.gather [hbm4b:s5+s0], $0x30, s19, s0, $0xb8;
	[tilespmem:$0xB800] =	vst v63  }
0x9a: {  	_ =	swait.ge [sflag:s4], $0x1800  }
0x9b: {  	[sflag:s4] =	ssyncset.done $0x0  }
0x9c: {  	s17 =	simm.s32 $0xB00;
	[sflag:s4] =	ssyncadd.s32 $0xFFFFE800  }
0x9d: {  	[spmem:s2] =	stream.indirect.scatter.add.f32 [tilespmem:s25], [sflag:$0x3], $0x30, s17, s0, $0xb8;
	[tilespmem:$0xB800] =	vst v63  }
0x9e: {  	_ =	swait.ge [sflag:s18], $0x1800  }
0x9f: {  	[sflag:s18] =	ssyncset.done $0x0  }
0xa0: {  	s19 =	simm.s32 $0x380;
	[sflag:s18] =	ssyncadd.s32 $0xFFFFE800  }
0xa1: {  	[tilespmem:s12], [sflag:$0x2] =	stream.indirect.gather [hbm4b:s5+s0], $0x30, s19, s0, $0xb8;
	[tilespmem:$0xB800] =	vst v63  }
0xa2: {  	_ =	swait.ge [sflag:s13], $0x1800  }
0xa3: {  	[sflag:s13] =	ssyncset.done $0x0  }
0xa4: {  	s17 =	simm.s32 $0xB80;
	[sflag:s13] =	ssyncadd.s32 $0xFFFFE800  }
0xa5: {  	[spmem:s2] =	stream.indirect.scatter.add.f32 [tilespmem:s12], [sflag:$0x4], $0x30, s17, s0, $0xb8;
	[tilespmem:$0xB800] =	vst v63  }
0xa6: {  	_ =	swait.ge [sflag:s15], $0x1800  }
0xa7: {  	[sflag:s15] =	ssyncset.done $0x0  }
0xa8: {  	[sflag:s15] =	ssyncadd.s32 $0xFFFFE800  }
0xa9: {  	_ =	swait.ge [sflag:s18], $0x1800  }
0xaa: {  	[sflag:s18] =	ssyncset.done $0x0  }
0xab: {  	p0 =	seq.s32 s14, $0x400;
	[sflag:s18] =	ssyncadd.s32 $0xFFFFE800  }
0xac: {  	s16 =	sshrl.u32 @!p0 s28, $0x3;
	s17 =	rddreg [dreg:$0x1]  }
0xad: {  	s19 =	simm.s32 @!p0 $0x0;
	s17 =	sadd.s32 @!p0 s17, s16  }
0xae: {  	[tilespmem:s19], [sflag:$0x5] =	stream.linear.gather @!p0 [hbm4b:s17+s19], $0x400, $0x38;
	[tilespmem:$0xB800] =	vst v63  }
0xaf: {  	s16 =	sadd.s32 @!p0 s6, s16;
	s17 =	simm.s32 @!p0 $0x800  }
0xb0: {  	[tilespmem:s17], [sflag:$0x5] =	stream.linear.gather @!p0 [hbm4b:s16+s19], $0x400, $0x38;
	[tilespmem:$0xB800] =	vst v63  }
0xb1: {  	_ =	swait.ge [sflag:s26], $0x400  }
0xb2: {  	[sflag:s26] =	ssyncset.done $0x0  }
0xb3: {  	[sflag:s26] =	ssyncadd.s32 $0xFFFFFC00  }
0xb4: {  	_ =	swait.ge [sflag:s26], $0x400  }
0xb5: {  	[sflag:s26] =	ssyncset.done $0x0  }
0xb6: {  	[sflag:s26] =	ssyncadd.s32 $0xFFFFFC00  }
0xb7: {  	[tilespmem:s25], [sflag:$0x1] =	stream.indirect.gather [hbm4b:s5+s0], $0x30, s29, s0, $0xb8;
	[tilespmem:$0xB800] =	vst v63  }
0xb8: {  	_ =	swait.ge [sflag:s4], $0x1800  }
0xb9: {  	[sflag:s4] =	ssyncset.done $0x0  }
0xba: {  	[sflag:s4] =	ssyncadd.s32 $0xFFFFE800  }
0xbb: {  	[spmem:s2] =	stream.indirect.scatter.add.f32 [tilespmem:s25], [sflag:$0x3], $0x30, s30, s0, $0xb8;
	[tilespmem:$0xB800] =	vst v63  }
0xbc: {  	s19 =	simm.s32 $0x480  }
0xbd: {  	[tilespmem:s12], [sflag:$0x2] =	stream.indirect.gather [hbm4b:s5+s0], $0x30, s19, s0, $0xb8;
	[tilespmem:$0xB800] =	vst v63  }
0xbe: {  	_ =	swait.ge [sflag:s13], $0x1800  }
0xbf: {  	[sflag:s13] =	ssyncset.done $0x0  }
0xc0: {  	s17 =	simm.s32 $0xC80;
	[sflag:s13] =	ssyncadd.s32 $0xFFFFE800  }
0xc1: {  	[spmem:s2] =	stream.indirect.scatter.add.f32 [tilespmem:s12], [sflag:$0x4], $0x30, s17, s0, $0xb8;
	[tilespmem:$0xB800] =	vst v63  }
0xc2: {  	_ =	swait.ge [sflag:s15], $0x1800  }
0xc3: {  	[sflag:s15] =	ssyncset.done $0x0  }
0xc4: {  	s19 =	simm.s32 $0x500;
	[sflag:s15] =	ssyncadd.s32 $0xFFFFE800  }
0xc5: {  	[tilespmem:s25], [sflag:$0x1] =	stream.indirect.gather [hbm4b:s5+s0], $0x30, s19, s0, $0xb8;
	[tilespmem:$0xB800] =	vst v63  }
0xc6: {  	_ =	swait.ge [sflag:s4], $0x1800  }
0xc7: {  	[sflag:s4] =	ssyncset.done $0x0  }
0xc8: {  	s17 =	simm.s32 $0xD00;
	[sflag:s4] =	ssyncadd.s32 $0xFFFFE800  }
0xc9: {  	[spmem:s2] =	stream.indirect.scatter.add.f32 [tilespmem:s25], [sflag:$0x3], $0x30, s17, s0, $0xb8;
	[tilespmem:$0xB800] =	vst v63  }
0xca: {  	_ =	swait.ge [sflag:s18], $0x1800  }
0xcb: {  	[sflag:s18] =	ssyncset.done $0x0  }
0xcc: {  	s19 =	simm.s32 $0x580;
	[sflag:s18] =	ssyncadd.s32 $0xFFFFE800  }
0xcd: {  	[tilespmem:s12], [sflag:$0x2] =	stream.indirect.gather [hbm4b:s5+s0], $0x30, s19, s0, $0xb8;
	[tilespmem:$0xB800] =	vst v63  }
0xce: {  	_ =	swait.ge [sflag:s13], $0x1800  }
0xcf: {  	[sflag:s13] =	ssyncset.done $0x0  }
0xd0: {  	[sflag:s13] =	ssyncadd.s32 $0xFFFFE800  }
0xd1: {  	[spmem:s2] =	stream.indirect.scatter.add.f32 [tilespmem:s12], [sflag:$0x4], $0x30, s20, s0, $0xb8;
	[tilespmem:$0xB800] =	vst v63  }
0xd2: {  	_ =	swait.ge [sflag:s15], $0x1800  }
0xd3: {  	[sflag:s15] =	ssyncset.done $0x0  }
0xd4: {  	[sflag:s15] =	ssyncadd.s32 $0xFFFFE800  }
0xd5: {  	[tilespmem:s25], [sflag:$0x1] =	stream.indirect.gather [hbm4b:s5+s0], $0x30, s21, s0, $0xb8;
	[tilespmem:$0xB800] =	vst v63  }
0xd6: {  	_ =	swait.ge [sflag:s4], $0x1800  }
0xd7: {  	[sflag:s4] =	ssyncset.done $0x0  }
0xd8: {  	[sflag:s4] =	ssyncadd.s32 $0xFFFFE800  }
0xd9: {  	[spmem:s2] =	stream.indirect.scatter.add.f32 [tilespmem:s25], [sflag:$0x3], $0x30, s24, s0, $0xb8;
	[tilespmem:$0xB800] =	vst v63  }
0xda: {  	_ =	swait.ge [sflag:s18], $0x1800  }
0xdb: {  	[sflag:s18] =	ssyncset.done $0x0  }
0xdc: {  	[sflag:s18] =	ssyncadd.s32 $0xFFFFE800  }
0xdd: {  	[tilespmem:s12], [sflag:$0x2] =	stream.indirect.gather [hbm4b:s5+s0], $0x30, s7, s0, $0xb8;
	[tilespmem:$0xB800] =	vst v63  }
0xde: {  	_ =	swait.ge [sflag:s13], $0x1800  }
0xdf: {  	[sflag:s13] =	ssyncset.done $0x0  }
0xe0: {  	[sflag:s13] =	ssyncadd.s32 $0xFFFFE800  }
0xe1: {  	[spmem:s2] =	stream.indirect.scatter.add.f32 [tilespmem:s12], [sflag:$0x4], $0x30, s8, s0, $0xb8;
	[tilespmem:$0xB800] =	vst v63  }
0xe2: {  	_ =	swait.ge [sflag:s15], $0x1800  }
0xe3: {  	[sflag:s15] =	ssyncset.done $0x0  }
0xe4: {  	[sflag:s15] =	ssyncadd.s32 $0xFFFFE800  }
0xe5: {  	[tilespmem:s25], [sflag:$0x1] =	stream.indirect.gather [hbm4b:s5+s0], $0x30, s9, s0, $0xb8;
	[tilespmem:$0xB800] =	vst v63  }
0xe6: {  	_ =	swait.ge [sflag:s4], $0x1800  }
0xe7: {  	[sflag:s4] =	ssyncset.done $0x0  }
0xe8: {  	[sflag:s4] =	ssyncadd.s32 $0xFFFFE800  }
0xe9: {  	[spmem:s2] =	stream.indirect.scatter.add.f32 [tilespmem:s25], [sflag:$0x3], $0x30, s10, s0, $0xb8;
	[tilespmem:$0xB800] =	vst v63  }
0xea: {  	_ =	swait.ge [sflag:s18], $0x1800  }
0xeb: {  	[sflag:s18] =	ssyncset.done $0x0  }
0xec: {  	[sflag:s18] =	ssyncadd.s32 $0xFFFFE800  }
0xed: {  	[tilespmem:s12], [sflag:$0x2] =	stream.indirect.gather [hbm4b:s5+s0], $0x30, s11, s0, $0xb8;
	[tilespmem:$0xB800] =	vst v63  }
0xee: {  	_ =	swait.ge [sflag:s13], $0x1800  }
0xef: {  	[sflag:s13] =	ssyncset.done $0x0  }
0xf0: {  	[sflag:s13] =	ssyncadd.s32 $0xFFFFE800  }
0xf1: {  	[spmem:s2] =	stream.indirect.scatter.add.f32 [tilespmem:s12], [sflag:$0x4], $0x30, s1, s0, $0xb8;
	[tilespmem:$0xB800] =	vst v63  }
0xf2: {  	_ =	swait.ge [sflag:s15], $0x1800  }
.Ltmp3:
0xf3: {  	[sflag:s15] =	ssyncset.done $0x0;
	(pc) =	sbr.rel @p0 .LBB2_6-.Ltmp3, $4  }
0xf4: {  	[sflag:s15] =	ssyncadd.s32 $0xFFFFE800  }
0xf5: {  	_ =	swait.ge [sflag:s18], $0x1800  }
0xf6: {  	[sflag:s18] =	ssyncset.done $0x0  }
0xf7: {  	[sflag:s18] =	ssyncadd.s32 $0xFFFFE800  }
.Ltmp4:
0xf8: {  	(pc) =	sbr.rel .LBB2_4-.Ltmp4, $4  }
0xf9: {  	s16 =	sadd.s32 s14, s23  }
0xfa: {  	[tilespmem:s29], [sflag:$0x6] =	stream.linear.gather [hbm4b:s16+s3], $0x400, $0x38;
	[tilespmem:$0xB800] =	vst v63  }
0xfb: {  	s19 =	sadd.s32 s14, s22;
	s14 =	sadd.s32 $0x100, s14;
	s28 =	sadd.s32 $0x800, s28  }
0xfc: {  	[tilespmem:s30], [sflag:$0x6] =	stream.linear.gather [hbm4b:s19+s3], $0x400, $0x38;
	[tilespmem:$0xB800] =	vst v63  }
.LBB2_7:
0xfd: {  	_ =	sfence.sel $0x180000  }
0xfe: {  	[bflag:$0x0] =	sbarrier.arrive $0xFFFF  }
0xff: {  	_ =	strace $0x90000050  }
0x100: {  	s0 =	stileid.u32;
	[bflag:$0x2] =	sbarrier.arrive $0xFFFF  }
0x101: {  	p0 =	sne.s32 s0, $0x0;
	s0 =	rddreg [dreg:$0x3]  }
0x102: {  	s0 =	sadd.s32 @!p0 $0x100000, s0  }
0x103: {  	[sflag:s0] =	ssyncadd.tile.s32 @!p0 $0x1;
	_ =	shalt  }
.Lfunc_end2:
_tile_overlayer_lowered:
.L_overlay_start_2:
0x104: {  	(tag) =	ssettag $0x2  }
0x105: {  	s0 =	rddreg [dreg:$0x0];
	s2 =	stileid.u32  }
0x106: {  	s1 =	rddreg [dreg:$0x1];
	p0 =	sne.s32 s2, $0x0  }
0x107: {  	s3 =	rddreg [dreg:$0x2];
	[bflag:$0x3] =	sbarrier.arrive $0xFFFF;
	s2 =	simm.s32 @!p0 $0x1C07  }
0x108: {  	[timem:s3], [sflag:s2] =	dma.local @!p0 [hbm:s0], s1  }
0x109: {  	s0 =	simm.s32 @!p0 $0x7  }
0x10a: {  	_ =	swait.ge @!p0 [sflag:s0], s1  }
0x10b: {  	s1 =	ssub.s32 @!p0 $0x0, s1;
	[sflag:s0] =	ssyncset.done @!p0 $0x0  }
0x10c: {  	[sflag:s0] =	ssyncadd.s32 @!p0 s1  }
0x10d: {  	[bflag:$0x3] =	sbarrier.arrive $0xFFFF  }
0x10e: {  	_ =	shalt  }

</sc_bundles>
